<compile_context>
chip_gen: v7x
topology: tpu7x:2x2x1
jax: 0.10.2.dev20260603
libtpu: 0.0.44.dev20260713+nightly
codegen_flags: <defaults>
</compile_context>

<pallas_src>
import functools

import jax
import jax.numpy as jnp
from jax import lax
from jax.experimental import pallas as pl
from jax.experimental.pallas import tpu as pltpu
from jax.experimental.pallas import tpu_sc as plsc

NUM_EMB = 1000000
D = 32
BATCH = 16384
HIST = 200
B = BATCH * HIST

NC = 2
NS = 16
NW = NC * NS

G = 128
NBT = 4
CH = NBT * G
ROWS = B // G
NG = ROWS // NW // NBT
TSZ = NBT * D * G


@functools.partial(
    pl.kernel,
    mesh=plsc.VectorSubcoreMesh(core_axis_name="c", subcore_axis_name="s"),
    compiler_params=pltpu.CompilerParams(use_tc_tiling_on_sc=False,
                                         needs_layout_passes=False),
    out_type=jax.ShapeDtypeStruct((B * D,), jnp.float32),
    scratch_types=[
        pltpu.VMEM((NBT, G), jnp.int32),
        pltpu.VMEM((NBT, G), jnp.int32),
        pltpu.VMEM((CH, D), jnp.float32),
        pltpu.VMEM((CH, D), jnp.float32),
        pltpu.VMEM((TSZ,), jnp.float32),
        pltpu.VMEM((TSZ,), jnp.float32),
        pltpu.SemaphoreType.DMA,
        pltpu.SemaphoreType.DMA,
        pltpu.SemaphoreType.DMA,
        pltpu.SemaphoreType.DMA,
        pltpu.SemaphoreType.DMA,
        pltpu.SemaphoreType.DMA,
    ],
)
def _emb_gather(idx_hbm, table_hbm, out_hbm, idx0, idx1, rows0, rows1,
                t0, t1, isem0, isem1, gsem0, gsem1, ssem0, ssem1):
    wid = lax.axis_index("s") * NC + lax.axis_index("c")
    row0 = wid * (NBT * NG)
    idx_v = (idx0, idx1)
    rows_v = (rows0, rows1)
    t_v = (t0, t1)
    isem = (isem0, isem1)
    gsem = (gsem0, gsem1)
    ssem = (ssem0, ssem1)
    iota16 = lax.broadcasted_iota(jnp.int32, (16,), 0)

    def idx_copy(g, slot):
        return pltpu.make_async_copy(
            idx_hbm.at[pl.ds(row0 + g * NBT, NBT)], idx_v[slot],
            isem[slot])

    def gather_copies(slot):
        return [
            pltpu.make_async_copy(
                table_hbm.at[idx_v[slot].at[u]],
                rows_v[slot].at[pl.ds(u * G, G)],
                gsem[slot])
            for u in range(NBT)
        ]

    def gather_drain(slot):
        return pltpu.make_async_copy(
            table_hbm.at[pl.ds(0, CH)], rows_v[slot], gsem[slot])

    def store_drain(slot):
        return pltpu.make_async_copy(
            t_v[slot], out_hbm.at[pl.ds(0, TSZ)], ssem[slot])

    def store_copies(g, slot):
        r = row0 + g * NBT
        h = r >> 7
        bt0 = r & 127
        return [
            pltpu.make_async_copy(
                t_v[slot].at[pl.ds(dt * (NBT * 8 * G), NBT * 8 * G)],
                out_hbm.at[pl.ds(h * (4 * 8 * G * G) + dt * (8 * G * G)
                                 + bt0 * (8 * G), NBT * 8 * G)],
                ssem[slot])
            for dt in range(4)
        ]

    idx_copy(0, 0).start()
    idx_copy(0, 0).wait()
    for c in gather_copies(0):
        c.start()
    idx_copy(1, 1).start()

    def pair_body(p, _):
        for s in (0, 1):
            g = 2 * p + s
            o = 1 - s
            rows_s = rows_v[s]
            t_s = t_v[s]

            @pl.when(g + 1 < NG)
            def _():
                idx_copy(g + 1, o).wait()
                for c in gather_copies(o):
                    c.start()

            gather_drain(s).wait()

            @pl.when(g + 2 < NG)
            def _():
                idx_copy(g + 2, s).start()

            @pl.when(g >= 2)
            def _():
                store_drain(s).wait()

            def tbody(k, _, rows_s=rows_s, t_s=t_s):
                m = (iota16 + k) & 15
                pv = (m >> 3) * (NBT * 8 * G) + (m & 7) * G + iota16
                for d0 in (0, 16):
                    for u in range(NBT):
                        for bl0 in range(0, G, 16):
                            row_idx = iota16 + (u * G + bl0)
                            col_idx = m + d0
                            v = plsc.load_gather(rows_s, [row_idx, col_idx])
                            pos = pv + ((d0 >> 3) * (NBT * 8 * G)
                                        + u * (8 * G) + bl0)
                            plsc.store_scatter(t_s, [pos], v)
                return _

            lax.fori_loop(0, 16, tbody, None)
            plsc.subcore_barrier()

            for c in store_copies(g, s):
                c.start()
        return _

    lax.fori_loop(0, NG // 2, pair_body, None)
    store_drain(0).wait()
    store_drain(1).wait()


def kernel(x, table):
    idx2d = x.T.astype(jnp.int32).reshape(ROWS, G)
    flat = _emb_gather(idx2d, table)
    return (flat.reshape(HIST, 4, G, 8, G)
            .transpose(2, 4, 0, 1, 3)
            .reshape(BATCH, HIST, D))

# --- scband reference (transcript-rebuilt; emitter-appended) ---
"""Pipeline reference for scband-chromosome-embedding-2190433321686 (READ-ONLY COPY).

The authoritative reference and input builder live on the scoring server;
editing this copy changes nothing except your own understanding.
"""

import jax, jax.numpy as jnp
import numpy as np

NUM_EMBEDDINGS = 1000000
EMBED_DIM = 32
BATCH = 16384
HIST_LEN = 200

def setup_inputs(seed: int = 0) -> dict:
    key = jax.random.key(seed)
    k_idx, k_tab = jax.random.split(key)
    x = jax.random.randint(k_idx, (BATCH, HIST_LEN), 0, NUM_EMBEDDINGS, dtype=jnp.int64 if jax.config.jax_enable_x64 else jnp.int32)
    table = jax.random.normal(k_tab, (NUM_EMBEDDINGS, EMBED_DIM), dtype=jnp.float32)
    return {"x": x, "table": table}

def reference(x, table):
    # nn.Embedding forward: simple row gather from the embedding table
    return jnp.take(table, x, axis=0)

if __name__ == "__main__":
    import jax
    _d = setup_inputs()
    print(jax.jit(kernel)(*tuple(_d.values())))

</pallas_src>

<mosaic_0001>
#map = affine_map<(d0, d1) -> (0, 0)>
#map1 = affine_map<(d0, d1) -> (0)>
module attributes {stable_mosaic.version = 14 : i64} {
  func.func @_emb_gather(%arg0: i32, %arg1: i32, %arg2: memref<25600x128xi32, #tpu.memory_space<hbm>>, %arg3: memref<1000000x32xf32, #tpu.memory_space<hbm>>, %arg4: memref<104857600xf32, #tpu.memory_space<hbm>>, %arg5: memref<4x128xi32, #tpu.memory_space<vmem>>, %arg6: memref<4x128xi32, #tpu.memory_space<vmem>>, %arg7: memref<512x32xf32, #tpu.memory_space<vmem>>, %arg8: memref<512x32xf32, #tpu.memory_space<vmem>>, %arg9: memref<16384xf32, #tpu.memory_space<vmem>>, %arg10: memref<16384xf32, #tpu.memory_space<vmem>>, %arg11: memref<!tpu.dma_semaphore, #tpu.memory_space<semaphore_mem>>, %arg12: memref<!tpu.dma_semaphore, #tpu.memory_space<semaphore_mem>>, %arg13: memref<!tpu.dma_semaphore, #tpu.memory_space<semaphore_mem>>, %arg14: memref<!tpu.dma_semaphore, #tpu.memory_space<semaphore_mem>>, %arg15: memref<!tpu.dma_semaphore, #tpu.memory_space<semaphore_mem>>, %arg16: memref<!tpu.dma_semaphore, #tpu.memory_space<semaphore_mem>>) attributes {dimension_semantics = [#tpu.dimension_semantics<core_parallel>, #tpu.dimension_semantics<subcore_parallel>], iteration_bounds = array<i64: 2, 16>, scalar_prefetch = 0 : i64, scratch_operands = 12 : i64, tpu.core_type = #tpu.core_type<sc_vector_subcore>, window_params = [{transform_indices = #map}, {transform_indices = #map}, {transform_indices = #map1}]} {
    %mul3A = arith.constant 2 : i32
    %mul3A_0 = arith.muli %arg1, %mul3A : i32
    %add3A = arith.addi %mul3A_0, %arg0 : i32
    %mul3A_1 = arith.constant 800 : i32
    %mul3A_2 = arith.muli %add3A, %mul3A_1 : i32
    %iota3A = tpu.iota {dimensions = array<i32: 0>} : vector<16xi32>
    %add3A_3 = arith.constant 0 : i32
    %add3A_4 = arith.addi %mul3A_2, %add3A_3 : i32
    %dma_start3A = arith.constant 0 : i32
    %dma_start3A_5 = tpu.memref_slice %arg2[%add3A_4, %dma_start3A] : memref<25600x128xi32, #tpu.memory_space<hbm>> -> memref<4x128xi32, #tpu.memory_space<hbm>>
    %dma_start3A_6 = arith.constant 0 : i32
    %dma_start3A_7 = tpu.memref_slice %arg2[%add3A_4, %dma_start3A_6] : memref<25600x128xi32, #tpu.memory_space<hbm>> -> memref<4x128xi32, #tpu.memory_space<hbm>>
    tpu.enqueue_dma source(%dma_start3A_7 : memref<4x128xi32, #tpu.memory_space<hbm>>) target(%arg5 : memref<4x128xi32, #tpu.memory_space<vmem>>) target_semaphore(%arg11 : memref<!tpu.dma_semaphore, #tpu.memory_space<semaphore_mem>>)
    %add3A_8 = arith.constant 0 : i32
    %add3A_9 = arith.addi %mul3A_2, %add3A_8 : i32
    %dma_wait3A = arith.constant 0 : i32
    %dma_wait3A_10 = tpu.memref_slice %arg2[%add3A_9, %dma_wait3A] : memref<25600x128xi32, #tpu.memory_space<hbm>> -> memref<4x128xi32, #tpu.memory_space<hbm>>
    %dma_wait3A_11 = arith.constant 0 : i32
    %dma_wait3A_12 = tpu.memref_slice %arg2[%add3A_9, %dma_wait3A_11] : memref<25600x128xi32, #tpu.memory_space<hbm>> -> memref<4x128xi32, #tpu.memory_space<hbm>>
    tpu.wait_dma2 semaphore(%arg11 : memref<!tpu.dma_semaphore, #tpu.memory_space<semaphore_mem>>) src(%dma_wait3A_12 : memref<4x128xi32, #tpu.memory_space<hbm>>) dst(%arg5 : memref<4x128xi32, #tpu.memory_space<vmem>>)
    %dma_start3A_13 = arith.constant 0 : i32
    %dma_start3A_14 = arith.constant 0 : i32
    %dma_start3A_15 = arith.constant 0 : i32
    %dma_start3A_16 = tpu.memref_slice %arg7[%dma_start3A_14, %dma_start3A_15] : memref<512x32xf32, #tpu.memory_space<vmem>> -> memref<128x32xf32, #tpu.memory_space<vmem>>
    %dma_start3A_17 = arith.constant 0 : i32
    %dma_start3A_18 = tpu.memref_slice %arg5[%dma_start3A_13, %dma_start3A_17] : memref<4x128xi32, #tpu.memory_space<vmem>> -> memref<1x128xi32, #tpu.memory_space<vmem>>
    %dma_start3A_19 = tpu.memref_squeeze %dma_start3A_18 : memref<1x128xi32, #tpu.memory_space<vmem>> -> memref<128xi32, #tpu.memory_space<vmem>>
    %dma_start3A_20 = arith.constant 0 : i32
    %dma_start3A_21 = arith.constant 0 : i32
    %dma_start3A_22 = tpu.memref_slice %arg3[%dma_start3A_20, %dma_start3A_21] : memref<1000000x32xf32, #tpu.memory_space<hbm>> -> memref<1000000x32xf32, #tpu.memory_space<hbm>>
    tpu.enqueue_indirect_dma source(%dma_start3A_22 : memref<1000000x32xf32, #tpu.memory_space<hbm>>) target(%dma_start3A_16 : memref<128x32xf32, #tpu.memory_space<vmem>>) offsets(%dma_start3A_19 : memref<128xi32, #tpu.memory_space<vmem>>) semaphore(%arg13 : memref<!tpu.dma_semaphore, #tpu.memory_space<semaphore_mem>>)
    %dma_start3A_23 = arith.constant 1 : i32
    %dma_start3A_24 = arith.constant 128 : i32
    %dma_start3A_25 = arith.constant 0 : i32
    %dma_start3A_26 = tpu.memref_slice %arg7[%dma_start3A_24, %dma_start3A_25] : memref<512x32xf32, #tpu.memory_space<vmem>> -> memref<128x32xf32, #tpu.memory_space<vmem>>
    %dma_start3A_27 = arith.constant 0 : i32
    %dma_start3A_28 = tpu.memref_slice %arg5[%dma_start3A_23, %dma_start3A_27] : memref<4x128xi32, #tpu.memory_space<vmem>> -> memref<1x128xi32, #tpu.memory_space<vmem>>
    %dma_start3A_29 = tpu.memref_squeeze %dma_start3A_28 : memref<1x128xi32, #tpu.memory_space<vmem>> -> memref<128xi32, #tpu.memory_space<vmem>>
    %dma_start3A_30 = arith.constant 0 : i32
    %dma_start3A_31 = arith.constant 0 : i32
    %dma_start3A_32 = tpu.memref_slice %arg3[%dma_start3A_30, %dma_start3A_31] : memref<1000000x32xf32, #tpu.memory_space<hbm>> -> memref<1000000x32xf32, #tpu.memory_space<hbm>>
    tpu.enqueue_indirect_dma source(%dma_start3A_32 : memref<1000000x32xf32, #tpu.memory_space<hbm>>) target(%dma_start3A_26 : memref<128x32xf32, #tpu.memory_space<vmem>>) offsets(%dma_start3A_29 : memref<128xi32, #tpu.memory_space<vmem>>) semaphore(%arg13 : memref<!tpu.dma_semaphore, #tpu.memory_space<semaphore_mem>>)
    %dma_start3A_33 = arith.constant 2 : i32
    %dma_start3A_34 = arith.constant 256 : i32
    %dma_start3A_35 = arith.constant 0 : i32
    %dma_start3A_36 = tpu.memref_slice %arg7[%dma_start3A_34, %dma_start3A_35] : memref<512x32xf32, #tpu.memory_space<vmem>> -> memref<128x32xf32, #tpu.memory_space<vmem>>
    %dma_start3A_37 = arith.constant 0 : i32
    %dma_start3A_38 = tpu.memref_slice %arg5[%dma_start3A_33, %dma_start3A_37] : memref<4x128xi32, #tpu.memory_space<vmem>> -> memref<1x128xi32, #tpu.memory_space<vmem>>
    %dma_start3A_39 = tpu.memref_squeeze %dma_start3A_38 : memref<1x128xi32, #tpu.memory_space<vmem>> -> memref<128xi32, #tpu.memory_space<vmem>>
    %dma_start3A_40 = arith.constant 0 : i32
    %dma_start3A_41 = arith.constant 0 : i32
    %dma_start3A_42 = tpu.memref_slice %arg3[%dma_start3A_40, %dma_start3A_41] : memref<1000000x32xf32, #tpu.memory_space<hbm>> -> memref<1000000x32xf32, #tpu.memory_space<hbm>>
    tpu.enqueue_indirect_dma source(%dma_start3A_42 : memref<1000000x32xf32, #tpu.memory_space<hbm>>) target(%dma_start3A_36 : memref<128x32xf32, #tpu.memory_space<vmem>>) offsets(%dma_start3A_39 : memref<128xi32, #tpu.memory_space<vmem>>) semaphore(%arg13 : memref<!tpu.dma_semaphore, #tpu.memory_space<semaphore_mem>>)
    %dma_start3A_43 = arith.constant 3 : i32
    %dma_start3A_44 = arith.constant 384 : i32
    %dma_start3A_45 = arith.constant 0 : i32
    %dma_start3A_46 = tpu.memref_slice %arg7[%dma_start3A_44, %dma_start3A_45] : memref<512x32xf32, #tpu.memory_space<vmem>> -> memref<128x32xf32, #tpu.memory_space<vmem>>
    %dma_start3A_47 = arith.constant 0 : i32
    %dma_start3A_48 = tpu.memref_slice %arg5[%dma_start3A_43, %dma_start3A_47] : memref<4x128xi32, #tpu.memory_space<vmem>> -> memref<1x128xi32, #tpu.memory_space<vmem>>
    %dma_start3A_49 = tpu.memref_squeeze %dma_start3A_48 : memref<1x128xi32, #tpu.memory_space<vmem>> -> memref<128xi32, #tpu.memory_space<vmem>>
    %dma_start3A_50 = arith.constant 0 : i32
    %dma_start3A_51 = arith.constant 0 : i32
    %dma_start3A_52 = tpu.memref_slice %arg3[%dma_start3A_50, %dma_start3A_51] : memref<1000000x32xf32, #tpu.memory_space<hbm>> -> memref<1000000x32xf32, #tpu.memory_space<hbm>>
    tpu.enqueue_indirect_dma source(%dma_start3A_52 : memref<1000000x32xf32, #tpu.memory_space<hbm>>) target(%dma_start3A_46 : memref<128x32xf32, #tpu.memory_space<vmem>>) offsets(%dma_start3A_49 : memref<128xi32, #tpu.memory_space<vmem>>) semaphore(%arg13 : memref<!tpu.dma_semaphore, #tpu.memory_space<semaphore_mem>>)
    %add3A_53 = arith.constant 4 : i32
    %add3A_54 = arith.addi %mul3A_2, %add3A_53 : i32
    %dma_start3A_55 = arith.constant 0 : i32
    %dma_start3A_56 = tpu.memref_slice %arg2[%add3A_54, %dma_start3A_55] : memref<25600x128xi32, #tpu.memory_space<hbm>> -> memref<4x128xi32, #tpu.memory_space<hbm>>
    %dma_start3A_57 = arith.constant 0 : i32
    %dma_start3A_58 = tpu.memref_slice %arg2[%add3A_54, %dma_start3A_57] : memref<25600x128xi32, #tpu.memory_space<hbm>> -> memref<4x128xi32, #tpu.memory_space<hbm>>
    tpu.enqueue_dma source(%dma_start3A_58 : memref<4x128xi32, #tpu.memory_space<hbm>>) target(%arg6 : memref<4x128xi32, #tpu.memory_space<vmem>>) target_semaphore(%arg12 : memref<!tpu.dma_semaphore, #tpu.memory_space<semaphore_mem>>)
    %scan3A = arith.constant 0 : i32
    %scan3A_59 = arith.constant 100 : i32
    %scan3A_60 = arith.addi %scan3A, %scan3A_59 : i32
    %scan3A_61 = arith.constant 1 : i32
    scf.for %scan3A_71 = %scan3A to %scan3A_60 step %scan3A_61  : i32 {
      %mul3A_72 = arith.constant 2 : i32
      %mul3A_73 = arith.muli %mul3A_72, %scan3A_71 : i32
      %add3A_74 = arith.constant 0 : i32
      %add3A_75 = arith.addi %mul3A_73, %add3A_74 : i32
      %add3A_76 = arith.constant 1 : i32
      %add3A_77 = arith.addi %add3A_75, %add3A_76 : i32
      %lt3A = arith.constant 200 : i32
      %lt3A_78 = arith.cmpi slt, %add3A_77, %lt3A : i32
      %convert_element_type3A = arith.extui %lt3A_78 : i1 to i32
      %cond3A = arith.constant 0 : i32
      %cond3A_79 = arith.cmpi ne, %convert_element_type3A, %cond3A : i32
      scf.if %cond3A_79 {
        %add3A_253 = arith.constant 1 : i32
        %add3A_254 = arith.addi %add3A_75, %add3A_253 : i32
        %mul3A_255 = arith.constant 4 : i32
        %mul3A_256 = arith.muli %add3A_254, %mul3A_255 : i32
        %add3A_257 = arith.addi %mul3A_2, %mul3A_256 : i32
        %dma_wait3A_258 = arith.constant 0 : i32
        %dma_wait3A_259 = tpu.memref_slice %arg2[%add3A_257, %dma_wait3A_258] : memref<25600x128xi32, #tpu.memory_space<hbm>> -> memref<4x128xi32, #tpu.memory_space<hbm>>
        %dma_wait3A_260 = arith.constant 0 : i32
        %dma_wait3A_261 = tpu.memref_slice %arg2[%add3A_257, %dma_wait3A_260] : memref<25600x128xi32, #tpu.memory_space<hbm>> -> memref<4x128xi32, #tpu.memory_space<hbm>>
        tpu.wait_dma2 semaphore(%arg12 : memref<!tpu.dma_semaphore, #tpu.memory_space<semaphore_mem>>) src(%dma_wait3A_261 : memref<4x128xi32, #tpu.memory_space<hbm>>) dst(%arg6 : memref<4x128xi32, #tpu.memory_space<vmem>>)
        %dma_start3A_262 = arith.constant 0 : i32
        %dma_start3A_263 = arith.constant 0 : i32
        %dma_start3A_264 = arith.constant 0 : i32
        %dma_start3A_265 = tpu.memref_slice %arg8[%dma_start3A_263, %dma_start3A_264] : memref<512x32xf32, #tpu.memory_space<vmem>> -> memref<128x32xf32, #tpu.memory_space<vmem>>
        %dma_start3A_266 = arith.constant 0 : i32
        %dma_start3A_267 = tpu.memref_slice %arg6[%dma_start3A_262, %dma_start3A_266] : memref<4x128xi32, #tpu.memory_space<vmem>> -> memref<1x128xi32, #tpu.memory_space<vmem>>
        %dma_start3A_268 = tpu.memref_squeeze %dma_start3A_267 : memref<1x128xi32, #tpu.memory_space<vmem>> -> memref<128xi32, #tpu.memory_space<vmem>>
        %dma_start3A_269 = arith.constant 0 : i32
        %dma_start3A_270 = arith.constant 0 : i32
        %dma_start3A_271 = tpu.memref_slice %arg3[%dma_start3A_269, %dma_start3A_270] : memref<1000000x32xf32, #tpu.memory_space<hbm>> -> memref<1000000x32xf32, #tpu.memory_space<hbm>>
        tpu.enqueue_indirect_dma source(%dma_start3A_271 : memref<1000000x32xf32, #tpu.memory_space<hbm>>) target(%dma_start3A_265 : memref<128x32xf32, #tpu.memory_space<vmem>>) offsets(%dma_start3A_268 : memref<128xi32, #tpu.memory_space<vmem>>) semaphore(%arg14 : memref<!tpu.dma_semaphore, #tpu.memory_space<semaphore_mem>>)
        %dma_start3A_272 = arith.constant 1 : i32
        %dma_start3A_273 = arith.constant 128 : i32
        %dma_start3A_274 = arith.constant 0 : i32
        %dma_start3A_275 = tpu.memref_slice %arg8[%dma_start3A_273, %dma_start3A_274] : memref<512x32xf32, #tpu.memory_space<vmem>> -> memref<128x32xf32, #tpu.memory_space<vmem>>
        %dma_start3A_276 = arith.constant 0 : i32
        %dma_start3A_277 = tpu.memref_slice %arg6[%dma_start3A_272, %dma_start3A_276] : memref<4x128xi32, #tpu.memory_space<vmem>> -> memref<1x128xi32, #tpu.memory_space<vmem>>
        %dma_start3A_278 = tpu.memref_squeeze %dma_start3A_277 : memref<1x128xi32, #tpu.memory_space<vmem>> -> memref<128xi32, #tpu.memory_space<vmem>>
        %dma_start3A_279 = arith.constant 0 : i32
        %dma_start3A_280 = arith.constant 0 : i32
        %dma_start3A_281 = tpu.memref_slice %arg3[%dma_start3A_279, %dma_start3A_280] : memref<1000000x32xf32, #tpu.memory_space<hbm>> -> memref<1000000x32xf32, #tpu.memory_space<hbm>>
        tpu.enqueue_indirect_dma source(%dma_start3A_281 : memref<1000000x32xf32, #tpu.memory_space<hbm>>) target(%dma_start3A_275 : memref<128x32xf32, #tpu.memory_space<vmem>>) offsets(%dma_start3A_278 : memref<128xi32, #tpu.memory_space<vmem>>) semaphore(%arg14 : memref<!tpu.dma_semaphore, #tpu.memory_space<semaphore_mem>>)
        %dma_start3A_282 = arith.constant 2 : i32
        %dma_start3A_283 = arith.constant 256 : i32
        %dma_start3A_284 = arith.constant 0 : i32
        %dma_start3A_285 = tpu.memref_slice %arg8[%dma_start3A_283, %dma_start3A_284] : memref<512x32xf32, #tpu.memory_space<vmem>> -> memref<128x32xf32, #tpu.memory_space<vmem>>
        %dma_start3A_286 = arith.constant 0 : i32
        %dma_start3A_287 = tpu.memref_slice %arg6[%dma_start3A_282, %dma_start3A_286] : memref<4x128xi32, #tpu.memory_space<vmem>> -> memref<1x128xi32, #tpu.memory_space<vmem>>
        %dma_start3A_288 = tpu.memref_squeeze %dma_start3A_287 : memref<1x128xi32, #tpu.memory_space<vmem>> -> memref<128xi32, #tpu.memory_space<vmem>>
        %dma_start3A_289 = arith.constant 0 : i32
        %dma_start3A_290 = arith.constant 0 : i32
        %dma_start3A_291 = tpu.memref_slice %arg3[%dma_start3A_289, %dma_start3A_290] : memref<1000000x32xf32, #tpu.memory_space<hbm>> -> memref<1000000x32xf32, #tpu.memory_space<hbm>>
        tpu.enqueue_indirect_dma source(%dma_start3A_291 : memref<1000000x32xf32, #tpu.memory_space<hbm>>) target(%dma_start3A_285 : memref<128x32xf32, #tpu.memory_space<vmem>>) offsets(%dma_start3A_288 : memref<128xi32, #tpu.memory_space<vmem>>) semaphore(%arg14 : memref<!tpu.dma_semaphore, #tpu.memory_space<semaphore_mem>>)
        %dma_start3A_292 = arith.constant 3 : i32
        %dma_start3A_293 = arith.constant 384 : i32
        %dma_start3A_294 = arith.constant 0 : i32
        %dma_start3A_295 = tpu.memref_slice %arg8[%dma_start3A_293, %dma_start3A_294] : memref<512x32xf32, #tpu.memory_space<vmem>> -> memref<128x32xf32, #tpu.memory_space<vmem>>
        %dma_start3A_296 = arith.constant 0 : i32
        %dma_start3A_297 = tpu.memref_slice %arg6[%dma_start3A_292, %dma_start3A_296] : memref<4x128xi32, #tpu.memory_space<vmem>> -> memref<1x128xi32, #tpu.memory_space<vmem>>
        %dma_start3A_298 = tpu.memref_squeeze %dma_start3A_297 : memref<1x128xi32, #tpu.memory_space<vmem>> -> memref<128xi32, #tpu.memory_space<vmem>>
        %dma_start3A_299 = arith.constant 0 : i32
        %dma_start3A_300 = arith.constant 0 : i32
        %dma_start3A_301 = tpu.memref_slice %arg3[%dma_start3A_299, %dma_start3A_300] : memref<1000000x32xf32, #tpu.memory_space<hbm>> -> memref<1000000x32xf32, #tpu.memory_space<hbm>>
        tpu.enqueue_indirect_dma source(%dma_start3A_301 : memref<1000000x32xf32, #tpu.memory_space<hbm>>) target(%dma_start3A_295 : memref<128x32xf32, #tpu.memory_space<vmem>>) offsets(%dma_start3A_298 : memref<128xi32, #tpu.memory_space<vmem>>) semaphore(%arg14 : memref<!tpu.dma_semaphore, #tpu.memory_space<semaphore_mem>>)
      } else {
      }
      %dma_wait3A_80 = arith.constant 0 : i32
      %dma_wait3A_81 = arith.constant 0 : i32
      %dma_wait3A_82 = tpu.memref_slice %arg3[%dma_wait3A_80, %dma_wait3A_81] : memref<1000000x32xf32, #tpu.memory_space<hbm>> -> memref<512x32xf32, #tpu.memory_space<hbm>>
      %dma_wait3A_83 = arith.constant 0 : i32
      %dma_wait3A_84 = arith.constant 0 : i32
      %dma_wait3A_85 = tpu.memref_slice %arg3[%dma_wait3A_83, %dma_wait3A_84] : memref<1000000x32xf32, #tpu.memory_space<hbm>> -> memref<512x32xf32, #tpu.memory_space<hbm>>
      tpu.wait_dma2 semaphore(%arg13 : memref<!tpu.dma_semaphore, #tpu.memory_space<semaphore_mem>>) src(%dma_wait3A_85 : memref<512x32xf32, #tpu.memory_space<hbm>>) dst(%arg7 : memref<512x32xf32, #tpu.memory_space<vmem>>)
      %add3A_86 = arith.constant 2 : i32
      %add3A_87 = arith.addi %add3A_75, %add3A_86 : i32
      %lt3A_88 = arith.constant 200 : i32
      %lt3A_89 = arith.cmpi slt, %add3A_87, %lt3A_88 : i32
      %convert_element_type3A_90 = arith.extui %lt3A_89 : i1 to i32
      %cond3A_91 = arith.constant 0 : i32
      %cond3A_92 = arith.cmpi ne, %convert_element_type3A_90, %cond3A_91 : i32
      scf.if %cond3A_92 {
        %add3A_253 = arith.constant 2 : i32
        %add3A_254 = arith.addi %add3A_75, %add3A_253 : i32
        %mul3A_255 = arith.constant 4 : i32
        %mul3A_256 = arith.muli %add3A_254, %mul3A_255 : i32
        %add3A_257 = arith.addi %mul3A_2, %mul3A_256 : i32
        %dma_start3A_258 = arith.constant 0 : i32
        %dma_start3A_259 = tpu.memref_slice %arg2[%add3A_257, %dma_start3A_258] : memref<25600x128xi32, #tpu.memory_space<hbm>> -> memref<4x128xi32, #tpu.memory_space<hbm>>
        %dma_start3A_260 = arith.constant 0 : i32
        %dma_start3A_261 = tpu.memref_slice %arg2[%add3A_257, %dma_start3A_260] : memref<25600x128xi32, #tpu.memory_space<hbm>> -> memref<4x128xi32, #tpu.memory_space<hbm>>
        tpu.enqueue_dma source(%dma_start3A_261 : memref<4x128xi32, #tpu.memory_space<hbm>>) target(%arg5 : memref<4x128xi32, #tpu.memory_space<vmem>>) target_semaphore(%arg11 : memref<!tpu.dma_semaphore, #tpu.memory_space<semaphore_mem>>)
      } else {
      }
      %ge3A = arith.constant 2 : i32
      %ge3A_93 = arith.cmpi sge, %add3A_75, %ge3A : i32
      %convert_element_type3A_94 = arith.extui %ge3A_93 : i1 to i32
      %cond3A_95 = arith.constant 0 : i32
      %cond3A_96 = arith.cmpi ne, %convert_element_type3A_94, %cond3A_95 : i32
      scf.if %cond3A_96 {
        %dma_wait3A_253 = arith.constant 0 : i32
        %dma_wait3A_254 = tpu.memref_slice %arg4[%dma_wait3A_253] : memref<104857600xf32, #tpu.memory_space<hbm>> -> memref<16384xf32, #tpu.memory_space<hbm>>
        %dma_wait3A_255 = arith.constant 0 : i32
        %dma_wait3A_256 = tpu.memref_slice %arg4[%dma_wait3A_255] : memref<104857600xf32, #tpu.memory_space<hbm>> -> memref<16384xf32, #tpu.memory_space<hbm>>
        tpu.wait_dma2 semaphore(%arg15 : memref<!tpu.dma_semaphore, #tpu.memory_space<semaphore_mem>>) src(%arg9 : memref<16384xf32, #tpu.memory_space<vmem>>) dst(%dma_wait3A_256 : memref<16384xf32, #tpu.memory_space<hbm>>)
      } else {
      }
      %scan3A_97 = arith.constant 0 : i32
      %scan3A_98 = arith.constant 16 : i32
      %scan3A_99 = arith.addi %scan3A_97, %scan3A_98 : i32
      %scan3A_100 = arith.constant 1 : i32
      scf.for %scan3A_253 = %scan3A_97 to %scan3A_99 step %scan3A_100  : i32 {
        %add3A_254 = vector.broadcast %scan3A_253 : i32 to vector<16xi32>
        %add3A_255 = arith.addi %iota3A, %add3A_254 : vector<16xi32>
        %and3A_256 = arith.constant 15 : i32
        %and3A_257 = vector.broadcast %and3A_256 : i32 to vector<16xi32>
        %and3A_258 = arith.andi %add3A_255, %and3A_257 : vector<16xi32>
        %shift_right_arithmetic3A_259 = arith.constant 3 : i32
        %shift_right_arithmetic3A_260 = vector.broadcast %shift_right_arithmetic3A_259 : i32 to vector<16xi32>
        %shift_right_arithmetic3A_261 = arith.shrsi %and3A_258, %shift_right_arithmetic3A_260 : vector<16xi32>
        %mul3A_262 = arith.constant 4096 : i32
        %mul3A_263 = vector.broadcast %mul3A_262 : i32 to vector<16xi32>
        %mul3A_264 = arith.muli %shift_right_arithmetic3A_261, %mul3A_263 : vector<16xi32>
        %and3A_265 = arith.constant 7 : i32
        %and3A_266 = vector.broadcast %and3A_265 : i32 to vector<16xi32>
        %and3A_267 = arith.andi %and3A_258, %and3A_266 : vector<16xi32>
        %mul3A_268 = arith.constant 128 : i32
        %mul3A_269 = vector.broadcast %mul3A_268 : i32 to vector<16xi32>
        %mul3A_270 = arith.muli %and3A_267, %mul3A_269 : vector<16xi32>
        %add3A_271 = arith.addi %mul3A_264, %mul3A_270 : vector<16xi32>
        %add3A_272 = arith.addi %add3A_271, %iota3A : vector<16xi32>
        %add3A_273 = arith.constant 0 : i32
        %add3A_274 = vector.broadcast %add3A_273 : i32 to vector<16xi32>
        %add3A_275 = arith.addi %iota3A, %add3A_274 : vector<16xi32>
        %add3A_276 = arith.constant 0 : i32
        %add3A_277 = vector.broadcast %add3A_276 : i32 to vector<16xi32>
        %add3A_278 = arith.addi %and3A_258, %add3A_277 : vector<16xi32>
        %gather3A = tpu.vector_load_idx %arg7[%add3A_275, %add3A_278] : memref<512x32xf32, #tpu.memory_space<vmem>>[vector<16xi32>, vector<16xi32>], vector<16xf32>,
        %add3A_279 = arith.constant 0 : i32
        %add3A_280 = vector.broadcast %add3A_279 : i32 to vector<16xi32>
        %add3A_281 = arith.addi %add3A_272, %add3A_280 : vector<16xi32>
        tpu.vector_store_idx %arg9[%add3A_281], %gather3A : memref<16384xf32, #tpu.memory_space<vmem>>[vector<16xi32>], vector<16xf32>,
        %add3A_282 = arith.constant 16 : i32
        %add3A_283 = vector.broadcast %add3A_282 : i32 to vector<16xi32>
        %add3A_284 = arith.addi %iota3A, %add3A_283 : vector<16xi32>
        %add3A_285 = arith.constant 0 : i32
        %add3A_286 = vector.broadcast %add3A_285 : i32 to vector<16xi32>
        %add3A_287 = arith.addi %and3A_258, %add3A_286 : vector<16xi32>
        %gather3A_288 = tpu.vector_load_idx %arg7[%add3A_284, %add3A_287] : memref<512x32xf32, #tpu.memory_space<vmem>>[vector<16xi32>, vector<16xi32>], vector<16xf32>,
        %add3A_289 = arith.constant 16 : i32
        %add3A_290 = vector.broadcast %add3A_289 : i32 to vector<16xi32>
        %add3A_291 = arith.addi %add3A_272, %add3A_290 : vector<16xi32>
        tpu.vector_store_idx %arg9[%add3A_291], %gather3A_288 : memref<16384xf32, #tpu.memory_space<vmem>>[vector<16xi32>], vector<16xf32>,
        %add3A_292 = arith.constant 32 : i32
        %add3A_293 = vector.broadcast %add3A_292 : i32 to vector<16xi32>
        %add3A_294 = arith.addi %iota3A, %add3A_293 : vector<16xi32>
        %add3A_295 = arith.constant 0 : i32
        %add3A_296 = vector.broadcast %add3A_295 : i32 to vector<16xi32>
        %add3A_297 = arith.addi %and3A_258, %add3A_296 : vector<16xi32>
        %gather3A_298 = tpu.vector_load_idx %arg7[%add3A_294, %add3A_297] : memref<512x32xf32, #tpu.memory_space<vmem>>[vector<16xi32>, vector<16xi32>], vector<16xf32>,
        %add3A_299 = arith.constant 32 : i32
        %add3A_300 = vector.broadcast %add3A_299 : i32 to vector<16xi32>
        %add3A_301 = arith.addi %add3A_272, %add3A_300 : vector<16xi32>
        tpu.vector_store_idx %arg9[%add3A_301], %gather3A_298 : memref<16384xf32, #tpu.memory_space<vmem>>[vector<16xi32>], vector<16xf32>,
        %add3A_302 = arith.constant 48 : i32
        %add3A_303 = vector.broadcast %add3A_302 : i32 to vector<16xi32>
        %add3A_304 = arith.addi %iota3A, %add3A_303 : vector<16xi32>
        %add3A_305 = arith.constant 0 : i32
        %add3A_306 = vector.broadcast %add3A_305 : i32 to vector<16xi32>
        %add3A_307 = arith.addi %and3A_258, %add3A_306 : vector<16xi32>
        %gather3A_308 = tpu.vector_load_idx %arg7[%add3A_304, %add3A_307] : memref<512x32xf32, #tpu.memory_space<vmem>>[vector<16xi32>, vector<16xi32>], vector<16xf32>,
        %add3A_309 = arith.constant 48 : i32
        %add3A_310 = vector.broadcast %add3A_309 : i32 to vector<16xi32>
        %add3A_311 = arith.addi %add3A_272, %add3A_310 : vector<16xi32>
        tpu.vector_store_idx %arg9[%add3A_311], %gather3A_308 : memref<16384xf32, #tpu.memory_space<vmem>>[vector<16xi32>], vector<16xf32>,
        %add3A_312 = arith.constant 64 : i32
        %add3A_313 = vector.broadcast %add3A_312 : i32 to vector<16xi32>
        %add3A_314 = arith.addi %iota3A, %add3A_313 : vector<16xi32>
        %add3A_315 = arith.constant 0 : i32
        %add3A_316 = vector.broadcast %add3A_315 : i32 to vector<16xi32>
        %add3A_317 = arith.addi %and3A_258, %add3A_316 : vector<16xi32>
        %gather3A_318 = tpu.vector_load_idx %arg7[%add3A_314, %add3A_317] : memref<512x32xf32, #tpu.memory_space<vmem>>[vector<16xi32>, vector<16xi32>], vector<16xf32>,
        %add3A_319 = arith.constant 64 : i32
        %add3A_320 = vector.broadcast %add3A_319 : i32 to vector<16xi32>
        %add3A_321 = arith.addi %add3A_272, %add3A_320 : vector<16xi32>
        tpu.vector_store_idx %arg9[%add3A_321], %gather3A_318 : memref<16384xf32, #tpu.memory_space<vmem>>[vector<16xi32>], vector<16xf32>,
        %add3A_322 = arith.constant 80 : i32
        %add3A_323 = vector.broadcast %add3A_322 : i32 to vector<16xi32>
        %add3A_324 = arith.addi %iota3A, %add3A_323 : vector<16xi32>
        %add3A_325 = arith.constant 0 : i32
        %add3A_326 = vector.broadcast %add3A_325 : i32 to vector<16xi32>
        %add3A_327 = arith.addi %and3A_258, %add3A_326 : vector<16xi32>
        %gather3A_328 = tpu.vector_load_idx %arg7[%add3A_324, %add3A_327] : memref<512x32xf32, #tpu.memory_space<vmem>>[vector<16xi32>, vector<16xi32>], vector<16xf32>,
        %add3A_329 = arith.constant 80 : i32
        %add3A_330 = vector.broadcast %add3A_329 : i32 to vector<16xi32>
        %add3A_331 = arith.addi %add3A_272, %add3A_330 : vector<16xi32>
        tpu.vector_store_idx %arg9[%add3A_331], %gather3A_328 : memref<16384xf32, #tpu.memory_space<vmem>>[vector<16xi32>], vector<16xf32>,
        %add3A_332 = arith.constant 96 : i32
        %add3A_333 = vector.broadcast %add3A_332 : i32 to vector<16xi32>
        %add3A_334 = arith.addi %iota3A, %add3A_333 : vector<16xi32>
        %add3A_335 = arith.constant 0 : i32
        %add3A_336 = vector.broadcast %add3A_335 : i32 to vector<16xi32>
        %add3A_337 = arith.addi %and3A_258, %add3A_336 : vector<16xi32>
        %gather3A_338 = tpu.vector_load_idx %arg7[%add3A_334, %add3A_337] : memref<512x32xf32, #tpu.memory_space<vmem>>[vector<16xi32>, vector<16xi32>], vector<16xf32>,
        %add3A_339 = arith.constant 96 : i32
        %add3A_340 = vector.broadcast %add3A_339 : i32 to vector<16xi32>
        %add3A_341 = arith.addi %add3A_272, %add3A_340 : vector<16xi32>
        tpu.vector_store_idx %arg9[%add3A_341], %gather3A_338 : memref<16384xf32, #tpu.memory_space<vmem>>[vector<16xi32>], vector<16xf32>,
        %add3A_342 = arith.constant 112 : i32
        %add3A_343 = vector.broadcast %add3A_342 : i32 to vector<16xi32>
        %add3A_344 = arith.addi %iota3A, %add3A_343 : vector<16xi32>
        %add3A_345 = arith.constant 0 : i32
        %add3A_346 = vector.broadcast %add3A_345 : i32 to vector<16xi32>
        %add3A_347 = arith.addi %and3A_258, %add3A_346 : vector<16xi32>
        %gather3A_348 = tpu.vector_load_idx %arg7[%add3A_344, %add3A_347] : memref<512x32xf32, #tpu.memory_space<vmem>>[vector<16xi32>, vector<16xi32>], vector<16xf32>,
        %add3A_349 = arith.constant 112 : i32
        %add3A_350 = vector.broadcast %add3A_349 : i32 to vector<16xi32>
        %add3A_351 = arith.addi %add3A_272, %add3A_350 : vector<16xi32>
        tpu.vector_store_idx %arg9[%add3A_351], %gather3A_348 : memref<16384xf32, #tpu.memory_space<vmem>>[vector<16xi32>], vector<16xf32>,
        %add3A_352 = arith.constant 128 : i32
        %add3A_353 = vector.broadcast %add3A_352 : i32 to vector<16xi32>
        %add3A_354 = arith.addi %iota3A, %add3A_353 : vector<16xi32>
        %add3A_355 = arith.constant 0 : i32
        %add3A_356 = vector.broadcast %add3A_355 : i32 to vector<16xi32>
        %add3A_357 = arith.addi %and3A_258, %add3A_356 : vector<16xi32>
        %gather3A_358 = tpu.vector_load_idx %arg7[%add3A_354, %add3A_357] : memref<512x32xf32, #tpu.memory_space<vmem>>[vector<16xi32>, vector<16xi32>], vector<16xf32>,
        %add3A_359 = arith.constant 1024 : i32
        %add3A_360 = vector.broadcast %add3A_359 : i32 to vector<16xi32>
        %add3A_361 = arith.addi %add3A_272, %add3A_360 : vector<16xi32>
        tpu.vector_store_idx %arg9[%add3A_361], %gather3A_358 : memref<16384xf32, #tpu.memory_space<vmem>>[vector<16xi32>], vector<16xf32>,
        %add3A_362 = arith.constant 144 : i32
        %add3A_363 = vector.broadcast %add3A_362 : i32 to vector<16xi32>
        %add3A_364 = arith.addi %iota3A, %add3A_363 : vector<16xi32>
        %add3A_365 = arith.constant 0 : i32
        %add3A_366 = vector.broadcast %add3A_365 : i32 to vector<16xi32>
        %add3A_367 = arith.addi %and3A_258, %add3A_366 : vector<16xi32>
        %gather3A_368 = tpu.vector_load_idx %arg7[%add3A_364, %add3A_367] : memref<512x32xf32, #tpu.memory_space<vmem>>[vector<16xi32>, vector<16xi32>], vector<16xf32>,
        %add3A_369 = arith.constant 1040 : i32
        %add3A_370 = vector.broadcast %add3A_369 : i32 to vector<16xi32>
        %add3A_371 = arith.addi %add3A_272, %add3A_370 : vector<16xi32>
        tpu.vector_store_idx %arg9[%add3A_371], %gather3A_368 : memref<16384xf32, #tpu.memory_space<vmem>>[vector<16xi32>], vector<16xf32>,
        %add3A_372 = arith.constant 160 : i32
        %add3A_373 = vector.broadcast %add3A_372 : i32 to vector<16xi32>
        %add3A_374 = arith.addi %iota3A, %add3A_373 : vector<16xi32>
        %add3A_375 = arith.constant 0 : i32
        %add3A_376 = vector.broadcast %add3A_375 : i32 to vector<16xi32>
        %add3A_377 = arith.addi %and3A_258, %add3A_376 : vector<16xi32>
        %gather3A_378 = tpu.vector_load_idx %arg7[%add3A_374, %add3A_377] : memref<512x32xf32, #tpu.memory_space<vmem>>[vector<16xi32>, vector<16xi32>], vector<16xf32>,
        %add3A_379 = arith.constant 1056 : i32
        %add3A_380 = vector.broadcast %add3A_379 : i32 to vector<16xi32>
        %add3A_381 = arith.addi %add3A_272, %add3A_380 : vector<16xi32>
        tpu.vector_store_idx %arg9[%add3A_381], %gather3A_378 : memref<16384xf32, #tpu.memory_space<vmem>>[vector<16xi32>], vector<16xf32>,
        %add3A_382 = arith.constant 176 : i32
        %add3A_383 = vector.broadcast %add3A_382 : i32 to vector<16xi32>
        %add3A_384 = arith.addi %iota3A, %add3A_383 : vector<16xi32>
        %add3A_385 = arith.constant 0 : i32
        %add3A_386 = vector.broadcast %add3A_385 : i32 to vector<16xi32>
        %add3A_387 = arith.addi %and3A_258, %add3A_386 : vector<16xi32>
        %gather3A_388 = tpu.vector_load_idx %arg7[%add3A_384, %add3A_387] : memref<512x32xf32, #tpu.memory_space<vmem>>[vector<16xi32>, vector<16xi32>], vector<16xf32>,
        %add3A_389 = arith.constant 1072 : i32
        %add3A_390 = vector.broadcast %add3A_389 : i32 to vector<16xi32>
        %add3A_391 = arith.addi %add3A_272, %add3A_390 : vector<16xi32>
        tpu.vector_store_idx %arg9[%add3A_391], %gather3A_388 : memref<16384xf32, #tpu.memory_space<vmem>>[vector<16xi32>], vector<16xf32>,
        %add3A_392 = arith.constant 192 : i32
        %add3A_393 = vector.broadcast %add3A_392 : i32 to vector<16xi32>
        %add3A_394 = arith.addi %iota3A, %add3A_393 : vector<16xi32>
        %add3A_395 = arith.constant 0 : i32
        %add3A_396 = vector.broadcast %add3A_395 : i32 to vector<16xi32>
        %add3A_397 = arith.addi %and3A_258, %add3A_396 : vector<16xi32>
        %gather3A_398 = tpu.vector_load_idx %arg7[%add3A_394, %add3A_397] : memref<512x32xf32, #tpu.memory_space<vmem>>[vector<16xi32>, vector<16xi32>], vector<16xf32>,
        %add3A_399 = arith.constant 1088 : i32
        %add3A_400 = vector.broadcast %add3A_399 : i32 to vector<16xi32>
        %add3A_401 = arith.addi %add3A_272, %add3A_400 : vector<16xi32>
        tpu.vector_store_idx %arg9[%add3A_401], %gather3A_398 : memref<16384xf32, #tpu.memory_space<vmem>>[vector<16xi32>], vector<16xf32>,
        %add3A_402 = arith.constant 208 : i32
        %add3A_403 = vector.broadcast %add3A_402 : i32 to vector<16xi32>
        %add3A_404 = arith.addi %iota3A, %add3A_403 : vector<16xi32>
        %add3A_405 = arith.constant 0 : i32
        %add3A_406 = vector.broadcast %add3A_405 : i32 to vector<16xi32>
        %add3A_407 = arith.addi %and3A_258, %add3A_406 : vector<16xi32>
        %gather3A_408 = tpu.vector_load_idx %arg7[%add3A_404, %add3A_407] : memref<512x32xf32, #tpu.memory_space<vmem>>[vector<16xi32>, vector<16xi32>], vector<16xf32>,
        %add3A_409 = arith.constant 1104 : i32
        %add3A_410 = vector.broadcast %add3A_409 : i32 to vector<16xi32>
        %add3A_411 = arith.addi %add3A_272, %add3A_410 : vector<16xi32>
        tpu.vector_store_idx %arg9[%add3A_411], %gather3A_408 : memref<16384xf32, #tpu.memory_space<vmem>>[vector<16xi32>], vector<16xf32>,
        %add3A_412 = arith.constant 224 : i32
        %add3A_413 = vector.broadcast %add3A_412 : i32 to vector<16xi32>
        %add3A_414 = arith.addi %iota3A, %add3A_413 : vector<16xi32>
        %add3A_415 = arith.constant 0 : i32
        %add3A_416 = vector.broadcast %add3A_415 : i32 to vector<16xi32>
        %add3A_417 = arith.addi %and3A_258, %add3A_416 : vector<16xi32>
        %gather3A_418 = tpu.vector_load_idx %arg7[%add3A_414, %add3A_417] : memref<512x32xf32, #tpu.memory_space<vmem>>[vector<16xi32>, vector<16xi32>], vector<16xf32>,
        %add3A_419 = arith.constant 1120 : i32
        %add3A_420 = vector.broadcast %add3A_419 : i32 to vector<16xi32>
        %add3A_421 = arith.addi %add3A_272, %add3A_420 : vector<16xi32>
        tpu.vector_store_idx %arg9[%add3A_421], %gather3A_418 : memref<16384xf32, #tpu.memory_space<vmem>>[vector<16xi32>], vector<16xf32>,
        %add3A_422 = arith.constant 240 : i32
        %add3A_423 = vector.broadcast %add3A_422 : i32 to vector<16xi32>
        %add3A_424 = arith.addi %iota3A, %add3A_423 : vector<16xi32>
        %add3A_425 = arith.constant 0 : i32
        %add3A_426 = vector.broadcast %add3A_425 : i32 to vector<16xi32>
        %add3A_427 = arith.addi %and3A_258, %add3A_426 : vector<16xi32>
        %gather3A_428 = tpu.vector_load_idx %arg7[%add3A_424, %add3A_427] : memref<512x32xf32, #tpu.memory_space<vmem>>[vector<16xi32>, vector<16xi32>], vector<16xf32>,
        %add3A_429 = arith.constant 1136 : i32
        %add3A_430 = vector.broadcast %add3A_429 : i32 to vector<16xi32>
        %add3A_431 = arith.addi %add3A_272, %add3A_430 : vector<16xi32>
        tpu.vector_store_idx %arg9[%add3A_431], %gather3A_428 : memref<16384xf32, #tpu.memory_space<vmem>>[vector<16xi32>], vector<16xf32>,
        %add3A_432 = arith.constant 256 : i32
        %add3A_433 = vector.broadcast %add3A_432 : i32 to vector<16xi32>
        %add3A_434 = arith.addi %iota3A, %add3A_433 : vector<16xi32>
        %add3A_435 = arith.constant 0 : i32
        %add3A_436 = vector.broadcast %add3A_435 : i32 to vector<16xi32>
        %add3A_437 = arith.addi %and3A_258, %add3A_436 : vector<16xi32>
        %gather3A_438 = tpu.vector_load_idx %arg7[%add3A_434, %add3A_437] : memref<512x32xf32, #tpu.memory_space<vmem>>[vector<16xi32>, vector<16xi32>], vector<16xf32>,
        %add3A_439 = arith.constant 2048 : i32
        %add3A_440 = vector.broadcast %add3A_439 : i32 to vector<16xi32>
        %add3A_441 = arith.addi %add3A_272, %add3A_440 : vector<16xi32>
        tpu.vector_store_idx %arg9[%add3A_441], %gather3A_438 : memref<16384xf32, #tpu.memory_space<vmem>>[vector<16xi32>], vector<16xf32>,
        %add3A_442 = arith.constant 272 : i32
        %add3A_443 = vector.broadcast %add3A_442 : i32 to vector<16xi32>
        %add3A_444 = arith.addi %iota3A, %add3A_443 : vector<16xi32>
        %add3A_445 = arith.constant 0 : i32
        %add3A_446 = vector.broadcast %add3A_445 : i32 to vector<16xi32>
        %add3A_447 = arith.addi %and3A_258, %add3A_446 : vector<16xi32>
        %gather3A_448 = tpu.vector_load_idx %arg7[%add3A_444, %add3A_447] : memref<512x32xf32, #tpu.memory_space<vmem>>[vector<16xi32>, vector<16xi32>], vector<16xf32>,
        %add3A_449 = arith.constant 2064 : i32
        %add3A_450 = vector.broadcast %add3A_449 : i32 to vector<16xi32>
        %add3A_451 = arith.addi %add3A_272, %add3A_450 : vector<16xi32>
        tpu.vector_store_idx %arg9[%add3A_451], %gather3A_448 : memref<16384xf32, #tpu.memory_space<vmem>>[vector<16xi32>], vector<16xf32>,
        %add3A_452 = arith.constant 288 : i32
        %add3A_453 = vector.broadcast %add3A_452 : i32 to vector<16xi32>
        %add3A_454 = arith.addi %iota3A, %add3A_453 : vector<16xi32>
        %add3A_455 = arith.constant 0 : i32
        %add3A_456 = vector.broadcast %add3A_455 : i32 to vector<16xi32>
        %add3A_457 = arith.addi %and3A_258, %add3A_456 : vector<16xi32>
        %gather3A_458 = tpu.vector_load_idx %arg7[%add3A_454, %add3A_457] : memref<512x32xf32, #tpu.memory_space<vmem>>[vector<16xi32>, vector<16xi32>], vector<16xf32>,
        %add3A_459 = arith.constant 2080 : i32
        %add3A_460 = vector.broadcast %add3A_459 : i32 to vector<16xi32>
        %add3A_461 = arith.addi %add3A_272, %add3A_460 : vector<16xi32>
        tpu.vector_store_idx %arg9[%add3A_461], %gather3A_458 : memref<16384xf32, #tpu.memory_space<vmem>>[vector<16xi32>], vector<16xf32>,
        %add3A_462 = arith.constant 304 : i32
        %add3A_463 = vector.broadcast %add3A_462 : i32 to vector<16xi32>
        %add3A_464 = arith.addi %iota3A, %add3A_463 : vector<16xi32>
        %add3A_465 = arith.constant 0 : i32
        %add3A_466 = vector.broadcast %add3A_465 : i32 to vector<16xi32>
        %add3A_467 = arith.addi %and3A_258, %add3A_466 : vector<16xi32>
        %gather3A_468 = tpu.vector_load_idx %arg7[%add3A_464, %add3A_467] : memref<512x32xf32, #tpu.memory_space<vmem>>[vector<16xi32>, vector<16xi32>], vector<16xf32>,
        %add3A_469 = arith.constant 2096 : i32
        %add3A_470 = vector.broadcast %add3A_469 : i32 to vector<16xi32>
        %add3A_471 = arith.addi %add3A_272, %add3A_470 : vector<16xi32>
        tpu.vector_store_idx %arg9[%add3A_471], %gather3A_468 : memref<16384xf32, #tpu.memory_space<vmem>>[vector<16xi32>], vector<16xf32>,
        %add3A_472 = arith.constant 320 : i32
        %add3A_473 = vector.broadcast %add3A_472 : i32 to vector<16xi32>
        %add3A_474 = arith.addi %iota3A, %add3A_473 : vector<16xi32>
        %add3A_475 = arith.constant 0 : i32
        %add3A_476 = vector.broadcast %add3A_475 : i32 to vector<16xi32>
        %add3A_477 = arith.addi %and3A_258, %add3A_476 : vector<16xi32>
        %gather3A_478 = tpu.vector_load_idx %arg7[%add3A_474, %add3A_477] : memref<512x32xf32, #tpu.memory_space<vmem>>[vector<16xi32>, vector<16xi32>], vector<16xf32>,
        %add3A_479 = arith.constant 2112 : i32
        %add3A_480 = vector.broadcast %add3A_479 : i32 to vector<16xi32>
        %add3A_481 = arith.addi %add3A_272, %add3A_480 : vector<16xi32>
        tpu.vector_store_idx %arg9[%add3A_481], %gather3A_478 : memref<16384xf32, #tpu.memory_space<vmem>>[vector<16xi32>], vector<16xf32>,
        %add3A_482 = arith.constant 336 : i32
        %add3A_483 = vector.broadcast %add3A_482 : i32 to vector<16xi32>
        %add3A_484 = arith.addi %iota3A, %add3A_483 : vector<16xi32>
        %add3A_485 = arith.constant 0 : i32
        %add3A_486 = vector.broadcast %add3A_485 : i32 to vector<16xi32>
        %add3A_487 = arith.addi %and3A_258, %add3A_486 : vector<16xi32>
        %gather3A_488 = tpu.vector_load_idx %arg7[%add3A_484, %add3A_487] : memref<512x32xf32, #tpu.memory_space<vmem>>[vector<16xi32>, vector<16xi32>], vector<16xf32>,
        %add3A_489 = arith.constant 2128 : i32
        %add3A_490 = vector.broadcast %add3A_489 : i32 to vector<16xi32>
        %add3A_491 = arith.addi %add3A_272, %add3A_490 : vector<16xi32>
        tpu.vector_store_idx %arg9[%add3A_491], %gather3A_488 : memref<16384xf32, #tpu.memory_space<vmem>>[vector<16xi32>], vector<16xf32>,
        %add3A_492 = arith.constant 352 : i32
        %add3A_493 = vector.broadcast %add3A_492 : i32 to vector<16xi32>
        %add3A_494 = arith.addi %iota3A, %add3A_493 : vector<16xi32>
        %add3A_495 = arith.constant 0 : i32
        %add3A_496 = vector.broadcast %add3A_495 : i32 to vector<16xi32>
        %add3A_497 = arith.addi %and3A_258, %add3A_496 : vector<16xi32>
        %gather3A_498 = tpu.vector_load_idx %arg7[%add3A_494, %add3A_497] : memref<512x32xf32, #tpu.memory_space<vmem>>[vector<16xi32>, vector<16xi32>], vector<16xf32>,
        %add3A_499 = arith.constant 2144 : i32
        %add3A_500 = vector.broadcast %add3A_499 : i32 to vector<16xi32>
        %add3A_501 = arith.addi %add3A_272, %add3A_500 : vector<16xi32>
        tpu.vector_store_idx %arg9[%add3A_501], %gather3A_498 : memref<16384xf32, #tpu.memory_space<vmem>>[vector<16xi32>], vector<16xf32>,
        %add3A_502 = arith.constant 368 : i32
        %add3A_503 = vector.broadcast %add3A_502 : i32 to vector<16xi32>
        %add3A_504 = arith.addi %iota3A, %add3A_503 : vector<16xi32>
        %add3A_505 = arith.constant 0 : i32
        %add3A_506 = vector.broadcast %add3A_505 : i32 to vector<16xi32>
        %add3A_507 = arith.addi %and3A_258, %add3A_506 : vector<16xi32>
        %gather3A_508 = tpu.vector_load_idx %arg7[%add3A_504, %add3A_507] : memref<512x32xf32, #tpu.memory_space<vmem>>[vector<16xi32>, vector<16xi32>], vector<16xf32>,
        %add3A_509 = arith.constant 2160 : i32
        %add3A_510 = vector.broadcast %add3A_509 : i32 to vector<16xi32>
        %add3A_511 = arith.addi %add3A_272, %add3A_510 : vector<16xi32>
        tpu.vector_store_idx %arg9[%add3A_511], %gather3A_508 : memref<16384xf32, #tpu.memory_space<vmem>>[vector<16xi32>], vector<16xf32>,
        %add3A_512 = arith.constant 384 : i32
        %add3A_513 = vector.broadcast %add3A_512 : i32 to vector<16xi32>
        %add3A_514 = arith.addi %iota3A, %add3A_513 : vector<16xi32>
        %add3A_515 = arith.constant 0 : i32
        %add3A_516 = vector.broadcast %add3A_515 : i32 to vector<16xi32>
        %add3A_517 = arith.addi %and3A_258, %add3A_516 : vector<16xi32>
        %gather3A_518 = tpu.vector_load_idx %arg7[%add3A_514, %add3A_517] : memref<512x32xf32, #tpu.memory_space<vmem>>[vector<16xi32>, vector<16xi32>], vector<16xf32>,
        %add3A_519 = arith.constant 3072 : i32
        %add3A_520 = vector.broadcast %add3A_519 : i32 to vector<16xi32>
        %add3A_521 = arith.addi %add3A_272, %add3A_520 : vector<16xi32>
        tpu.vector_store_idx %arg9[%add3A_521], %gather3A_518 : memref<16384xf32, #tpu.memory_space<vmem>>[vector<16xi32>], vector<16xf32>,
        %add3A_522 = arith.constant 400 : i32
        %add3A_523 = vector.broadcast %add3A_522 : i32 to vector<16xi32>
        %add3A_524 = arith.addi %iota3A, %add3A_523 : vector<16xi32>
        %add3A_525 = arith.constant 0 : i32
        %add3A_526 = vector.broadcast %add3A_525 : i32 to vector<16xi32>
        %add3A_527 = arith.addi %and3A_258, %add3A_526 : vector<16xi32>
        %gather3A_528 = tpu.vector_load_idx %arg7[%add3A_524, %add3A_527] : memref<512x32xf32, #tpu.memory_space<vmem>>[vector<16xi32>, vector<16xi32>], vector<16xf32>,
        %add3A_529 = arith.constant 3088 : i32
        %add3A_530 = vector.broadcast %add3A_529 : i32 to vector<16xi32>
        %add3A_531 = arith.addi %add3A_272, %add3A_530 : vector<16xi32>
        tpu.vector_store_idx %arg9[%add3A_531], %gather3A_528 : memref<16384xf32, #tpu.memory_space<vmem>>[vector<16xi32>], vector<16xf32>,
        %add3A_532 = arith.constant 416 : i32
        %add3A_533 = vector.broadcast %add3A_532 : i32 to vector<16xi32>
        %add3A_534 = arith.addi %iota3A, %add3A_533 : vector<16xi32>
        %add3A_535 = arith.constant 0 : i32
        %add3A_536 = vector.broadcast %add3A_535 : i32 to vector<16xi32>
        %add3A_537 = arith.addi %and3A_258, %add3A_536 : vector<16xi32>
        %gather3A_538 = tpu.vector_load_idx %arg7[%add3A_534, %add3A_537] : memref<512x32xf32, #tpu.memory_space<vmem>>[vector<16xi32>, vector<16xi32>], vector<16xf32>,
        %add3A_539 = arith.constant 3104 : i32
        %add3A_540 = vector.broadcast %add3A_539 : i32 to vector<16xi32>
        %add3A_541 = arith.addi %add3A_272, %add3A_540 : vector<16xi32>
        tpu.vector_store_idx %arg9[%add3A_541], %gather3A_538 : memref<16384xf32, #tpu.memory_space<vmem>>[vector<16xi32>], vector<16xf32>,
        %add3A_542 = arith.constant 432 : i32
        %add3A_543 = vector.broadcast %add3A_542 : i32 to vector<16xi32>
        %add3A_544 = arith.addi %iota3A, %add3A_543 : vector<16xi32>
        %add3A_545 = arith.constant 0 : i32
        %add3A_546 = vector.broadcast %add3A_545 : i32 to vector<16xi32>
        %add3A_547 = arith.addi %and3A_258, %add3A_546 : vector<16xi32>
        %gather3A_548 = tpu.vector_load_idx %arg7[%add3A_544, %add3A_547] : memref<512x32xf32, #tpu.memory_space<vmem>>[vector<16xi32>, vector<16xi32>], vector<16xf32>,
        %add3A_549 = arith.constant 3120 : i32
        %add3A_550 = vector.broadcast %add3A_549 : i32 to vector<16xi32>
        %add3A_551 = arith.addi %add3A_272, %add3A_550 : vector<16xi32>
        tpu.vector_store_idx %arg9[%add3A_551], %gather3A_548 : memref<16384xf32, #tpu.memory_space<vmem>>[vector<16xi32>], vector<16xf32>,
        %add3A_552 = arith.constant 448 : i32
        %add3A_553 = vector.broadcast %add3A_552 : i32 to vector<16xi32>
        %add3A_554 = arith.addi %iota3A, %add3A_553 : vector<16xi32>
        %add3A_555 = arith.constant 0 : i32
        %add3A_556 = vector.broadcast %add3A_555 : i32 to vector<16xi32>
        %add3A_557 = arith.addi %and3A_258, %add3A_556 : vector<16xi32>
        %gather3A_558 = tpu.vector_load_idx %arg7[%add3A_554, %add3A_557] : memref<512x32xf32, #tpu.memory_space<vmem>>[vector<16xi32>, vector<16xi32>], vector<16xf32>,
        %add3A_559 = arith.constant 3136 : i32
        %add3A_560 = vector.broadcast %add3A_559 : i32 to vector<16xi32>
        %add3A_561 = arith.addi %add3A_272, %add3A_560 : vector<16xi32>
        tpu.vector_store_idx %arg9[%add3A_561], %gather3A_558 : memref<16384xf32, #tpu.memory_space<vmem>>[vector<16xi32>], vector<16xf32>,
        %add3A_562 = arith.constant 464 : i32
        %add3A_563 = vector.broadcast %add3A_562 : i32 to vector<16xi32>
        %add3A_564 = arith.addi %iota3A, %add3A_563 : vector<16xi32>
        %add3A_565 = arith.constant 0 : i32
        %add3A_566 = vector.broadcast %add3A_565 : i32 to vector<16xi32>
        %add3A_567 = arith.addi %and3A_258, %add3A_566 : vector<16xi32>
        %gather3A_568 = tpu.vector_load_idx %arg7[%add3A_564, %add3A_567] : memref<512x32xf32, #tpu.memory_space<vmem>>[vector<16xi32>, vector<16xi32>], vector<16xf32>,
        %add3A_569 = arith.constant 3152 : i32
        %add3A_570 = vector.broadcast %add3A_569 : i32 to vector<16xi32>
        %add3A_571 = arith.addi %add3A_272, %add3A_570 : vector<16xi32>
        tpu.vector_store_idx %arg9[%add3A_571], %gather3A_568 : memref<16384xf32, #tpu.memory_space<vmem>>[vector<16xi32>], vector<16xf32>,
        %add3A_572 = arith.constant 480 : i32
        %add3A_573 = vector.broadcast %add3A_572 : i32 to vector<16xi32>
        %add3A_574 = arith.addi %iota3A, %add3A_573 : vector<16xi32>
        %add3A_575 = arith.constant 0 : i32
        %add3A_576 = vector.broadcast %add3A_575 : i32 to vector<16xi32>
        %add3A_577 = arith.addi %and3A_258, %add3A_576 : vector<16xi32>
        %gather3A_578 = tpu.vector_load_idx %arg7[%add3A_574, %add3A_577] : memref<512x32xf32, #tpu.memory_space<vmem>>[vector<16xi32>, vector<16xi32>], vector<16xf32>,
        %add3A_579 = arith.constant 3168 : i32
        %add3A_580 = vector.broadcast %add3A_579 : i32 to vector<16xi32>
        %add3A_581 = arith.addi %add3A_272, %add3A_580 : vector<16xi32>
        tpu.vector_store_idx %arg9[%add3A_581], %gather3A_578 : memref<16384xf32, #tpu.memory_space<vmem>>[vector<16xi32>], vector<16xf32>,
        %add3A_582 = arith.constant 496 : i32
        %add3A_583 = vector.broadcast %add3A_582 : i32 to vector<16xi32>
        %add3A_584 = arith.addi %iota3A, %add3A_583 : vector<16xi32>
        %add3A_585 = arith.constant 0 : i32
        %add3A_586 = vector.broadcast %add3A_585 : i32 to vector<16xi32>
        %add3A_587 = arith.addi %and3A_258, %add3A_586 : vector<16xi32>
        %gather3A_588 = tpu.vector_load_idx %arg7[%add3A_584, %add3A_587] : memref<512x32xf32, #tpu.memory_space<vmem>>[vector<16xi32>, vector<16xi32>], vector<16xf32>,
        %add3A_589 = arith.constant 3184 : i32
        %add3A_590 = vector.broadcast %add3A_589 : i32 to vector<16xi32>
        %add3A_591 = arith.addi %add3A_272, %add3A_590 : vector<16xi32>
        tpu.vector_store_idx %arg9[%add3A_591], %gather3A_588 : memref<16384xf32, #tpu.memory_space<vmem>>[vector<16xi32>], vector<16xf32>,
        %add3A_592 = arith.constant 0 : i32
        %add3A_593 = vector.broadcast %add3A_592 : i32 to vector<16xi32>
        %add3A_594 = arith.addi %iota3A, %add3A_593 : vector<16xi32>
        %add3A_595 = arith.constant 16 : i32
        %add3A_596 = vector.broadcast %add3A_595 : i32 to vector<16xi32>
        %add3A_597 = arith.addi %and3A_258, %add3A_596 : vector<16xi32>
        %gather3A_598 = tpu.vector_load_idx %arg7[%add3A_594, %add3A_597] : memref<512x32xf32, #tpu.memory_space<vmem>>[vector<16xi32>, vector<16xi32>], vector<16xf32>,
        %add3A_599 = arith.constant 8192 : i32
        %add3A_600 = vector.broadcast %add3A_599 : i32 to vector<16xi32>
        %add3A_601 = arith.addi %add3A_272, %add3A_600 : vector<16xi32>
        tpu.vector_store_idx %arg9[%add3A_601], %gather3A_598 : memref<16384xf32, #tpu.memory_space<vmem>>[vector<16xi32>], vector<16xf32>,
        %add3A_602 = arith.constant 16 : i32
        %add3A_603 = vector.broadcast %add3A_602 : i32 to vector<16xi32>
        %add3A_604 = arith.addi %iota3A, %add3A_603 : vector<16xi32>
        %add3A_605 = arith.constant 16 : i32
        %add3A_606 = vector.broadcast %add3A_605 : i32 to vector<16xi32>
        %add3A_607 = arith.addi %and3A_258, %add3A_606 : vector<16xi32>
        %gather3A_608 = tpu.vector_load_idx %arg7[%add3A_604, %add3A_607] : memref<512x32xf32, #tpu.memory_space<vmem>>[vector<16xi32>, vector<16xi32>], vector<16xf32>,
        %add3A_609 = arith.constant 8208 : i32
        %add3A_610 = vector.broadcast %add3A_609 : i32 to vector<16xi32>
        %add3A_611 = arith.addi %add3A_272, %add3A_610 : vector<16xi32>
        tpu.vector_store_idx %arg9[%add3A_611], %gather3A_608 : memref<16384xf32, #tpu.memory_space<vmem>>[vector<16xi32>], vector<16xf32>,
        %add3A_612 = arith.constant 32 : i32
        %add3A_613 = vector.broadcast %add3A_612 : i32 to vector<16xi32>
        %add3A_614 = arith.addi %iota3A, %add3A_613 : vector<16xi32>
        %add3A_615 = arith.constant 16 : i32
        %add3A_616 = vector.broadcast %add3A_615 : i32 to vector<16xi32>
        %add3A_617 = arith.addi %and3A_258, %add3A_616 : vector<16xi32>
        %gather3A_618 = tpu.vector_load_idx %arg7[%add3A_614, %add3A_617] : memref<512x32xf32, #tpu.memory_space<vmem>>[vector<16xi32>, vector<16xi32>], vector<16xf32>,
        %add3A_619 = arith.constant 8224 : i32
        %add3A_620 = vector.broadcast %add3A_619 : i32 to vector<16xi32>
        %add3A_621 = arith.addi %add3A_272, %add3A_620 : vector<16xi32>
        tpu.vector_store_idx %arg9[%add3A_621], %gather3A_618 : memref<16384xf32, #tpu.memory_space<vmem>>[vector<16xi32>], vector<16xf32>,
        %add3A_622 = arith.constant 48 : i32
        %add3A_623 = vector.broadcast %add3A_622 : i32 to vector<16xi32>
        %add3A_624 = arith.addi %iota3A, %add3A_623 : vector<16xi32>
        %add3A_625 = arith.constant 16 : i32
        %add3A_626 = vector.broadcast %add3A_625 : i32 to vector<16xi32>
        %add3A_627 = arith.addi %and3A_258, %add3A_626 : vector<16xi32>
        %gather3A_628 = tpu.vector_load_idx %arg7[%add3A_624, %add3A_627] : memref<512x32xf32, #tpu.memory_space<vmem>>[vector<16xi32>, vector<16xi32>], vector<16xf32>,
        %add3A_629 = arith.constant 8240 : i32
        %add3A_630 = vector.broadcast %add3A_629 : i32 to vector<16xi32>
        %add3A_631 = arith.addi %add3A_272, %add3A_630 : vector<16xi32>
        tpu.vector_store_idx %arg9[%add3A_631], %gather3A_628 : memref<16384xf32, #tpu.memory_space<vmem>>[vector<16xi32>], vector<16xf32>,
        %add3A_632 = arith.constant 64 : i32
        %add3A_633 = vector.broadcast %add3A_632 : i32 to vector<16xi32>
        %add3A_634 = arith.addi %iota3A, %add3A_633 : vector<16xi32>
        %add3A_635 = arith.constant 16 : i32
        %add3A_636 = vector.broadcast %add3A_635 : i32 to vector<16xi32>
        %add3A_637 = arith.addi %and3A_258, %add3A_636 : vector<16xi32>
        %gather3A_638 = tpu.vector_load_idx %arg7[%add3A_634, %add3A_637] : memref<512x32xf32, #tpu.memory_space<vmem>>[vector<16xi32>, vector<16xi32>], vector<16xf32>,
        %add3A_639 = arith.constant 8256 : i32
        %add3A_640 = vector.broadcast %add3A_639 : i32 to vector<16xi32>
        %add3A_641 = arith.addi %add3A_272, %add3A_640 : vector<16xi32>
        tpu.vector_store_idx %arg9[%add3A_641], %gather3A_638 : memref<16384xf32, #tpu.memory_space<vmem>>[vector<16xi32>], vector<16xf32>,
        %add3A_642 = arith.constant 80 : i32
        %add3A_643 = vector.broadcast %add3A_642 : i32 to vector<16xi32>
        %add3A_644 = arith.addi %iota3A, %add3A_643 : vector<16xi32>
        %add3A_645 = arith.constant 16 : i32
        %add3A_646 = vector.broadcast %add3A_645 : i32 to vector<16xi32>
        %add3A_647 = arith.addi %and3A_258, %add3A_646 : vector<16xi32>
        %gather3A_648 = tpu.vector_load_idx %arg7[%add3A_644, %add3A_647] : memref<512x32xf32, #tpu.memory_space<vmem>>[vector<16xi32>, vector<16xi32>], vector<16xf32>,
        %add3A_649 = arith.constant 8272 : i32
        %add3A_650 = vector.broadcast %add3A_649 : i32 to vector<16xi32>
        %add3A_651 = arith.addi %add3A_272, %add3A_650 : vector<16xi32>
        tpu.vector_store_idx %arg9[%add3A_651], %gather3A_648 : memref<16384xf32, #tpu.memory_space<vmem>>[vector<16xi32>], vector<16xf32>,
        %add3A_652 = arith.constant 96 : i32
        %add3A_653 = vector.broadcast %add3A_652 : i32 to vector<16xi32>
        %add3A_654 = arith.addi %iota3A, %add3A_653 : vector<16xi32>
        %add3A_655 = arith.constant 16 : i32
        %add3A_656 = vector.broadcast %add3A_655 : i32 to vector<16xi32>
        %add3A_657 = arith.addi %and3A_258, %add3A_656 : vector<16xi32>
        %gather3A_658 = tpu.vector_load_idx %arg7[%add3A_654, %add3A_657] : memref<512x32xf32, #tpu.memory_space<vmem>>[vector<16xi32>, vector<16xi32>], vector<16xf32>,
        %add3A_659 = arith.constant 8288 : i32
        %add3A_660 = vector.broadcast %add3A_659 : i32 to vector<16xi32>
        %add3A_661 = arith.addi %add3A_272, %add3A_660 : vector<16xi32>
        tpu.vector_store_idx %arg9[%add3A_661], %gather3A_658 : memref<16384xf32, #tpu.memory_space<vmem>>[vector<16xi32>], vector<16xf32>,
        %add3A_662 = arith.constant 112 : i32
        %add3A_663 = vector.broadcast %add3A_662 : i32 to vector<16xi32>
        %add3A_664 = arith.addi %iota3A, %add3A_663 : vector<16xi32>
        %add3A_665 = arith.constant 16 : i32
        %add3A_666 = vector.broadcast %add3A_665 : i32 to vector<16xi32>
        %add3A_667 = arith.addi %and3A_258, %add3A_666 : vector<16xi32>
        %gather3A_668 = tpu.vector_load_idx %arg7[%add3A_664, %add3A_667] : memref<512x32xf32, #tpu.memory_space<vmem>>[vector<16xi32>, vector<16xi32>], vector<16xf32>,
        %add3A_669 = arith.constant 8304 : i32
        %add3A_670 = vector.broadcast %add3A_669 : i32 to vector<16xi32>
        %add3A_671 = arith.addi %add3A_272, %add3A_670 : vector<16xi32>
        tpu.vector_store_idx %arg9[%add3A_671], %gather3A_668 : memref<16384xf32, #tpu.memory_space<vmem>>[vector<16xi32>], vector<16xf32>,
        %add3A_672 = arith.constant 128 : i32
        %add3A_673 = vector.broadcast %add3A_672 : i32 to vector<16xi32>
        %add3A_674 = arith.addi %iota3A, %add3A_673 : vector<16xi32>
        %add3A_675 = arith.constant 16 : i32
        %add3A_676 = vector.broadcast %add3A_675 : i32 to vector<16xi32>
        %add3A_677 = arith.addi %and3A_258, %add3A_676 : vector<16xi32>
        %gather3A_678 = tpu.vector_load_idx %arg7[%add3A_674, %add3A_677] : memref<512x32xf32, #tpu.memory_space<vmem>>[vector<16xi32>, vector<16xi32>], vector<16xf32>,
        %add3A_679 = arith.constant 9216 : i32
        %add3A_680 = vector.broadcast %add3A_679 : i32 to vector<16xi32>
        %add3A_681 = arith.addi %add3A_272, %add3A_680 : vector<16xi32>
        tpu.vector_store_idx %arg9[%add3A_681], %gather3A_678 : memref<16384xf32, #tpu.memory_space<vmem>>[vector<16xi32>], vector<16xf32>,
        %add3A_682 = arith.constant 144 : i32
        %add3A_683 = vector.broadcast %add3A_682 : i32 to vector<16xi32>
        %add3A_684 = arith.addi %iota3A, %add3A_683 : vector<16xi32>
        %add3A_685 = arith.constant 16 : i32
        %add3A_686 = vector.broadcast %add3A_685 : i32 to vector<16xi32>
        %add3A_687 = arith.addi %and3A_258, %add3A_686 : vector<16xi32>
        %gather3A_688 = tpu.vector_load_idx %arg7[%add3A_684, %add3A_687] : memref<512x32xf32, #tpu.memory_space<vmem>>[vector<16xi32>, vector<16xi32>], vector<16xf32>,
        %add3A_689 = arith.constant 9232 : i32
        %add3A_690 = vector.broadcast %add3A_689 : i32 to vector<16xi32>
        %add3A_691 = arith.addi %add3A_272, %add3A_690 : vector<16xi32>
        tpu.vector_store_idx %arg9[%add3A_691], %gather3A_688 : memref<16384xf32, #tpu.memory_space<vmem>>[vector<16xi32>], vector<16xf32>,
        %add3A_692 = arith.constant 160 : i32
        %add3A_693 = vector.broadcast %add3A_692 : i32 to vector<16xi32>
        %add3A_694 = arith.addi %iota3A, %add3A_693 : vector<16xi32>
        %add3A_695 = arith.constant 16 : i32
        %add3A_696 = vector.broadcast %add3A_695 : i32 to vector<16xi32>
        %add3A_697 = arith.addi %and3A_258, %add3A_696 : vector<16xi32>
        %gather3A_698 = tpu.vector_load_idx %arg7[%add3A_694, %add3A_697] : memref<512x32xf32, #tpu.memory_space<vmem>>[vector<16xi32>, vector<16xi32>], vector<16xf32>,
        %add3A_699 = arith.constant 9248 : i32
        %add3A_700 = vector.broadcast %add3A_699 : i32 to vector<16xi32>
        %add3A_701 = arith.addi %add3A_272, %add3A_700 : vector<16xi32>
        tpu.vector_store_idx %arg9[%add3A_701], %gather3A_698 : memref<16384xf32, #tpu.memory_space<vmem>>[vector<16xi32>], vector<16xf32>,
        %add3A_702 = arith.constant 176 : i32
        %add3A_703 = vector.broadcast %add3A_702 : i32 to vector<16xi32>
        %add3A_704 = arith.addi %iota3A, %add3A_703 : vector<16xi32>
        %add3A_705 = arith.constant 16 : i32
        %add3A_706 = vector.broadcast %add3A_705 : i32 to vector<16xi32>
        %add3A_707 = arith.addi %and3A_258, %add3A_706 : vector<16xi32>
        %gather3A_708 = tpu.vector_load_idx %arg7[%add3A_704, %add3A_707] : memref<512x32xf32, #tpu.memory_space<vmem>>[vector<16xi32>, vector<16xi32>], vector<16xf32>,
        %add3A_709 = arith.constant 9264 : i32
        %add3A_710 = vector.broadcast %add3A_709 : i32 to vector<16xi32>
        %add3A_711 = arith.addi %add3A_272, %add3A_710 : vector<16xi32>
        tpu.vector_store_idx %arg9[%add3A_711], %gather3A_708 : memref<16384xf32, #tpu.memory_space<vmem>>[vector<16xi32>], vector<16xf32>,
        %add3A_712 = arith.constant 192 : i32
        %add3A_713 = vector.broadcast %add3A_712 : i32 to vector<16xi32>
        %add3A_714 = arith.addi %iota3A, %add3A_713 : vector<16xi32>
        %add3A_715 = arith.constant 16 : i32
        %add3A_716 = vector.broadcast %add3A_715 : i32 to vector<16xi32>
        %add3A_717 = arith.addi %and3A_258, %add3A_716 : vector<16xi32>
        %gather3A_718 = tpu.vector_load_idx %arg7[%add3A_714, %add3A_717] : memref<512x32xf32, #tpu.memory_space<vmem>>[vector<16xi32>, vector<16xi32>], vector<16xf32>,
        %add3A_719 = arith.constant 9280 : i32
        %add3A_720 = vector.broadcast %add3A_719 : i32 to vector<16xi32>
        %add3A_721 = arith.addi %add3A_272, %add3A_720 : vector<16xi32>
        tpu.vector_store_idx %arg9[%add3A_721], %gather3A_718 : memref<16384xf32, #tpu.memory_space<vmem>>[vector<16xi32>], vector<16xf32>,
        %add3A_722 = arith.constant 208 : i32
        %add3A_723 = vector.broadcast %add3A_722 : i32 to vector<16xi32>
        %add3A_724 = arith.addi %iota3A, %add3A_723 : vector<16xi32>
        %add3A_725 = arith.constant 16 : i32
        %add3A_726 = vector.broadcast %add3A_725 : i32 to vector<16xi32>
        %add3A_727 = arith.addi %and3A_258, %add3A_726 : vector<16xi32>
        %gather3A_728 = tpu.vector_load_idx %arg7[%add3A_724, %add3A_727] : memref<512x32xf32, #tpu.memory_space<vmem>>[vector<16xi32>, vector<16xi32>], vector<16xf32>,
        %add3A_729 = arith.constant 9296 : i32
        %add3A_730 = vector.broadcast %add3A_729 : i32 to vector<16xi32>
        %add3A_731 = arith.addi %add3A_272, %add3A_730 : vector<16xi32>
        tpu.vector_store_idx %arg9[%add3A_731], %gather3A_728 : memref<16384xf32, #tpu.memory_space<vmem>>[vector<16xi32>], vector<16xf32>,
        %add3A_732 = arith.constant 224 : i32
        %add3A_733 = vector.broadcast %add3A_732 : i32 to vector<16xi32>
        %add3A_734 = arith.addi %iota3A, %add3A_733 : vector<16xi32>
        %add3A_735 = arith.constant 16 : i32
        %add3A_736 = vector.broadcast %add3A_735 : i32 to vector<16xi32>
        %add3A_737 = arith.addi %and3A_258, %add3A_736 : vector<16xi32>
        %gather3A_738 = tpu.vector_load_idx %arg7[%add3A_734, %add3A_737] : memref<512x32xf32, #tpu.memory_space<vmem>>[vector<16xi32>, vector<16xi32>], vector<16xf32>,
        %add3A_739 = arith.constant 9312 : i32
        %add3A_740 = vector.broadcast %add3A_739 : i32 to vector<16xi32>
        %add3A_741 = arith.addi %add3A_272, %add3A_740 : vector<16xi32>
        tpu.vector_store_idx %arg9[%add3A_741], %gather3A_738 : memref<16384xf32, #tpu.memory_space<vmem>>[vector<16xi32>], vector<16xf32>,
        %add3A_742 = arith.constant 240 : i32
        %add3A_743 = vector.broadcast %add3A_742 : i32 to vector<16xi32>
        %add3A_744 = arith.addi %iota3A, %add3A_743 : vector<16xi32>
        %add3A_745 = arith.constant 16 : i32
        %add3A_746 = vector.broadcast %add3A_745 : i32 to vector<16xi32>
        %add3A_747 = arith.addi %and3A_258, %add3A_746 : vector<16xi32>
        %gather3A_748 = tpu.vector_load_idx %arg7[%add3A_744, %add3A_747] : memref<512x32xf32, #tpu.memory_space<vmem>>[vector<16xi32>, vector<16xi32>], vector<16xf32>,
        %add3A_749 = arith.constant 9328 : i32
        %add3A_750 = vector.broadcast %add3A_749 : i32 to vector<16xi32>
        %add3A_751 = arith.addi %add3A_272, %add3A_750 : vector<16xi32>
        tpu.vector_store_idx %arg9[%add3A_751], %gather3A_748 : memref<16384xf32, #tpu.memory_space<vmem>>[vector<16xi32>], vector<16xf32>,
        %add3A_752 = arith.constant 256 : i32
        %add3A_753 = vector.broadcast %add3A_752 : i32 to vector<16xi32>
        %add3A_754 = arith.addi %iota3A, %add3A_753 : vector<16xi32>
        %add3A_755 = arith.constant 16 : i32
        %add3A_756 = vector.broadcast %add3A_755 : i32 to vector<16xi32>
        %add3A_757 = arith.addi %and3A_258, %add3A_756 : vector<16xi32>
        %gather3A_758 = tpu.vector_load_idx %arg7[%add3A_754, %add3A_757] : memref<512x32xf32, #tpu.memory_space<vmem>>[vector<16xi32>, vector<16xi32>], vector<16xf32>,
        %add3A_759 = arith.constant 10240 : i32
        %add3A_760 = vector.broadcast %add3A_759 : i32 to vector<16xi32>
        %add3A_761 = arith.addi %add3A_272, %add3A_760 : vector<16xi32>
        tpu.vector_store_idx %arg9[%add3A_761], %gather3A_758 : memref<16384xf32, #tpu.memory_space<vmem>>[vector<16xi32>], vector<16xf32>,
        %add3A_762 = arith.constant 272 : i32
        %add3A_763 = vector.broadcast %add3A_762 : i32 to vector<16xi32>
        %add3A_764 = arith.addi %iota3A, %add3A_763 : vector<16xi32>
        %add3A_765 = arith.constant 16 : i32
        %add3A_766 = vector.broadcast %add3A_765 : i32 to vector<16xi32>
        %add3A_767 = arith.addi %and3A_258, %add3A_766 : vector<16xi32>
        %gather3A_768 = tpu.vector_load_idx %arg7[%add3A_764, %add3A_767] : memref<512x32xf32, #tpu.memory_space<vmem>>[vector<16xi32>, vector<16xi32>], vector<16xf32>,
        %add3A_769 = arith.constant 10256 : i32
        %add3A_770 = vector.broadcast %add3A_769 : i32 to vector<16xi32>
        %add3A_771 = arith.addi %add3A_272, %add3A_770 : vector<16xi32>
        tpu.vector_store_idx %arg9[%add3A_771], %gather3A_768 : memref<16384xf32, #tpu.memory_space<vmem>>[vector<16xi32>], vector<16xf32>,
        %add3A_772 = arith.constant 288 : i32
        %add3A_773 = vector.broadcast %add3A_772 : i32 to vector<16xi32>
        %add3A_774 = arith.addi %iota3A, %add3A_773 : vector<16xi32>
        %add3A_775 = arith.constant 16 : i32
        %add3A_776 = vector.broadcast %add3A_775 : i32 to vector<16xi32>
        %add3A_777 = arith.addi %and3A_258, %add3A_776 : vector<16xi32>
        %gather3A_778 = tpu.vector_load_idx %arg7[%add3A_774, %add3A_777] : memref<512x32xf32, #tpu.memory_space<vmem>>[vector<16xi32>, vector<16xi32>], vector<16xf32>,
        %add3A_779 = arith.constant 10272 : i32
        %add3A_780 = vector.broadcast %add3A_779 : i32 to vector<16xi32>
        %add3A_781 = arith.addi %add3A_272, %add3A_780 : vector<16xi32>
        tpu.vector_store_idx %arg9[%add3A_781], %gather3A_778 : memref<16384xf32, #tpu.memory_space<vmem>>[vector<16xi32>], vector<16xf32>,
        %add3A_782 = arith.constant 304 : i32
        %add3A_783 = vector.broadcast %add3A_782 : i32 to vector<16xi32>
        %add3A_784 = arith.addi %iota3A, %add3A_783 : vector<16xi32>
        %add3A_785 = arith.constant 16 : i32
        %add3A_786 = vector.broadcast %add3A_785 : i32 to vector<16xi32>
        %add3A_787 = arith.addi %and3A_258, %add3A_786 : vector<16xi32>
        %gather3A_788 = tpu.vector_load_idx %arg7[%add3A_784, %add3A_787] : memref<512x32xf32, #tpu.memory_space<vmem>>[vector<16xi32>, vector<16xi32>], vector<16xf32>,
        %add3A_789 = arith.constant 10288 : i32
        %add3A_790 = vector.broadcast %add3A_789 : i32 to vector<16xi32>
        %add3A_791 = arith.addi %add3A_272, %add3A_790 : vector<16xi32>
        tpu.vector_store_idx %arg9[%add3A_791], %gather3A_788 : memref<16384xf32, #tpu.memory_space<vmem>>[vector<16xi32>], vector<16xf32>,
        %add3A_792 = arith.constant 320 : i32
        %add3A_793 = vector.broadcast %add3A_792 : i32 to vector<16xi32>
        %add3A_794 = arith.addi %iota3A, %add3A_793 : vector<16xi32>
        %add3A_795 = arith.constant 16 : i32
        %add3A_796 = vector.broadcast %add3A_795 : i32 to vector<16xi32>
        %add3A_797 = arith.addi %and3A_258, %add3A_796 : vector<16xi32>
        %gather3A_798 = tpu.vector_load_idx %arg7[%add3A_794, %add3A_797] : memref<512x32xf32, #tpu.memory_space<vmem>>[vector<16xi32>, vector<16xi32>], vector<16xf32>,
        %add3A_799 = arith.constant 10304 : i32
        %add3A_800 = vector.broadcast %add3A_799 : i32 to vector<16xi32>
        %add3A_801 = arith.addi %add3A_272, %add3A_800 : vector<16xi32>
        tpu.vector_store_idx %arg9[%add3A_801], %gather3A_798 : memref<16384xf32, #tpu.memory_space<vmem>>[vector<16xi32>], vector<16xf32>,
        %add3A_802 = arith.constant 336 : i32
        %add3A_803 = vector.broadcast %add3A_802 : i32 to vector<16xi32>
        %add3A_804 = arith.addi %iota3A, %add3A_803 : vector<16xi32>
        %add3A_805 = arith.constant 16 : i32
        %add3A_806 = vector.broadcast %add3A_805 : i32 to vector<16xi32>
        %add3A_807 = arith.addi %and3A_258, %add3A_806 : vector<16xi32>
        %gather3A_808 = tpu.vector_load_idx %arg7[%add3A_804, %add3A_807] : memref<512x32xf32, #tpu.memory_space<vmem>>[vector<16xi32>, vector<16xi32>], vector<16xf32>,
        %add3A_809 = arith.constant 10320 : i32
        %add3A_810 = vector.broadcast %add3A_809 : i32 to vector<16xi32>
        %add3A_811 = arith.addi %add3A_272, %add3A_810 : vector<16xi32>
        tpu.vector_store_idx %arg9[%add3A_811], %gather3A_808 : memref<16384xf32, #tpu.memory_space<vmem>>[vector<16xi32>], vector<16xf32>,
        %add3A_812 = arith.constant 352 : i32
        %add3A_813 = vector.broadcast %add3A_812 : i32 to vector<16xi32>
        %add3A_814 = arith.addi %iota3A, %add3A_813 : vector<16xi32>
        %add3A_815 = arith.constant 16 : i32
        %add3A_816 = vector.broadcast %add3A_815 : i32 to vector<16xi32>
        %add3A_817 = arith.addi %and3A_258, %add3A_816 : vector<16xi32>
        %gather3A_818 = tpu.vector_load_idx %arg7[%add3A_814, %add3A_817] : memref<512x32xf32, #tpu.memory_space<vmem>>[vector<16xi32>, vector<16xi32>], vector<16xf32>,
        %add3A_819 = arith.constant 10336 : i32
        %add3A_820 = vector.broadcast %add3A_819 : i32 to vector<16xi32>
        %add3A_821 = arith.addi %add3A_272, %add3A_820 : vector<16xi32>
        tpu.vector_store_idx %arg9[%add3A_821], %gather3A_818 : memref<16384xf32, #tpu.memory_space<vmem>>[vector<16xi32>], vector<16xf32>,
        %add3A_822 = arith.constant 368 : i32
        %add3A_823 = vector.broadcast %add3A_822 : i32 to vector<16xi32>
        %add3A_824 = arith.addi %iota3A, %add3A_823 : vector<16xi32>
        %add3A_825 = arith.constant 16 : i32
        %add3A_826 = vector.broadcast %add3A_825 : i32 to vector<16xi32>
        %add3A_827 = arith.addi %and3A_258, %add3A_826 : vector<16xi32>
        %gather3A_828 = tpu.vector_load_idx %arg7[%add3A_824, %add3A_827] : memref<512x32xf32, #tpu.memory_space<vmem>>[vector<16xi32>, vector<16xi32>], vector<16xf32>,
        %add3A_829 = arith.constant 10352 : i32
        %add3A_830 = vector.broadcast %add3A_829 : i32 to vector<16xi32>
        %add3A_831 = arith.addi %add3A_272, %add3A_830 : vector<16xi32>
        tpu.vector_store_idx %arg9[%add3A_831], %gather3A_828 : memref<16384xf32, #tpu.memory_space<vmem>>[vector<16xi32>], vector<16xf32>,
        %add3A_832 = arith.constant 384 : i32
        %add3A_833 = vector.broadcast %add3A_832 : i32 to vector<16xi32>
        %add3A_834 = arith.addi %iota3A, %add3A_833 : vector<16xi32>
        %add3A_835 = arith.constant 16 : i32
        %add3A_836 = vector.broadcast %add3A_835 : i32 to vector<16xi32>
        %add3A_837 = arith.addi %and3A_258, %add3A_836 : vector<16xi32>
        %gather3A_838 = tpu.vector_load_idx %arg7[%add3A_834, %add3A_837] : memref<512x32xf32, #tpu.memory_space<vmem>>[vector<16xi32>, vector<16xi32>], vector<16xf32>,
        %add3A_839 = arith.constant 11264 : i32
        %add3A_840 = vector.broadcast %add3A_839 : i32 to vector<16xi32>
        %add3A_841 = arith.addi %add3A_272, %add3A_840 : vector<16xi32>
        tpu.vector_store_idx %arg9[%add3A_841], %gather3A_838 : memref<16384xf32, #tpu.memory_space<vmem>>[vector<16xi32>], vector<16xf32>,
        %add3A_842 = arith.constant 400 : i32
        %add3A_843 = vector.broadcast %add3A_842 : i32 to vector<16xi32>
        %add3A_844 = arith.addi %iota3A, %add3A_843 : vector<16xi32>
        %add3A_845 = arith.constant 16 : i32
        %add3A_846 = vector.broadcast %add3A_845 : i32 to vector<16xi32>
        %add3A_847 = arith.addi %and3A_258, %add3A_846 : vector<16xi32>
        %gather3A_848 = tpu.vector_load_idx %arg7[%add3A_844, %add3A_847] : memref<512x32xf32, #tpu.memory_space<vmem>>[vector<16xi32>, vector<16xi32>], vector<16xf32>,
        %add3A_849 = arith.constant 11280 : i32
        %add3A_850 = vector.broadcast %add3A_849 : i32 to vector<16xi32>
        %add3A_851 = arith.addi %add3A_272, %add3A_850 : vector<16xi32>
        tpu.vector_store_idx %arg9[%add3A_851], %gather3A_848 : memref<16384xf32, #tpu.memory_space<vmem>>[vector<16xi32>], vector<16xf32>,
        %add3A_852 = arith.constant 416 : i32
        %add3A_853 = vector.broadcast %add3A_852 : i32 to vector<16xi32>
        %add3A_854 = arith.addi %iota3A, %add3A_853 : vector<16xi32>
        %add3A_855 = arith.constant 16 : i32
        %add3A_856 = vector.broadcast %add3A_855 : i32 to vector<16xi32>
        %add3A_857 = arith.addi %and3A_258, %add3A_856 : vector<16xi32>
        %gather3A_858 = tpu.vector_load_idx %arg7[%add3A_854, %add3A_857] : memref<512x32xf32, #tpu.memory_space<vmem>>[vector<16xi32>, vector<16xi32>], vector<16xf32>,
        %add3A_859 = arith.constant 11296 : i32
        %add3A_860 = vector.broadcast %add3A_859 : i32 to vector<16xi32>
        %add3A_861 = arith.addi %add3A_272, %add3A_860 : vector<16xi32>
        tpu.vector_store_idx %arg9[%add3A_861], %gather3A_858 : memref<16384xf32, #tpu.memory_space<vmem>>[vector<16xi32>], vector<16xf32>,
        %add3A_862 = arith.constant 432 : i32
        %add3A_863 = vector.broadcast %add3A_862 : i32 to vector<16xi32>
        %add3A_864 = arith.addi %iota3A, %add3A_863 : vector<16xi32>
        %add3A_865 = arith.constant 16 : i32
        %add3A_866 = vector.broadcast %add3A_865 : i32 to vector<16xi32>
        %add3A_867 = arith.addi %and3A_258, %add3A_866 : vector<16xi32>
        %gather3A_868 = tpu.vector_load_idx %arg7[%add3A_864, %add3A_867] : memref<512x32xf32, #tpu.memory_space<vmem>>[vector<16xi32>, vector<16xi32>], vector<16xf32>,
        %add3A_869 = arith.constant 11312 : i32
        %add3A_870 = vector.broadcast %add3A_869 : i32 to vector<16xi32>
        %add3A_871 = arith.addi %add3A_272, %add3A_870 : vector<16xi32>
        tpu.vector_store_idx %arg9[%add3A_871], %gather3A_868 : memref<16384xf32, #tpu.memory_space<vmem>>[vector<16xi32>], vector<16xf32>,
        %add3A_872 = arith.constant 448 : i32
        %add3A_873 = vector.broadcast %add3A_872 : i32 to vector<16xi32>
        %add3A_874 = arith.addi %iota3A, %add3A_873 : vector<16xi32>
        %add3A_875 = arith.constant 16 : i32
        %add3A_876 = vector.broadcast %add3A_875 : i32 to vector<16xi32>
        %add3A_877 = arith.addi %and3A_258, %add3A_876 : vector<16xi32>
        %gather3A_878 = tpu.vector_load_idx %arg7[%add3A_874, %add3A_877] : memref<512x32xf32, #tpu.memory_space<vmem>>[vector<16xi32>, vector<16xi32>], vector<16xf32>,
        %add3A_879 = arith.constant 11328 : i32
        %add3A_880 = vector.broadcast %add3A_879 : i32 to vector<16xi32>
        %add3A_881 = arith.addi %add3A_272, %add3A_880 : vector<16xi32>
        tpu.vector_store_idx %arg9[%add3A_881], %gather3A_878 : memref<16384xf32, #tpu.memory_space<vmem>>[vector<16xi32>], vector<16xf32>,
        %add3A_882 = arith.constant 464 : i32
        %add3A_883 = vector.broadcast %add3A_882 : i32 to vector<16xi32>
        %add3A_884 = arith.addi %iota3A, %add3A_883 : vector<16xi32>
        %add3A_885 = arith.constant 16 : i32
        %add3A_886 = vector.broadcast %add3A_885 : i32 to vector<16xi32>
        %add3A_887 = arith.addi %and3A_258, %add3A_886 : vector<16xi32>
        %gather3A_888 = tpu.vector_load_idx %arg7[%add3A_884, %add3A_887] : memref<512x32xf32, #tpu.memory_space<vmem>>[vector<16xi32>, vector<16xi32>], vector<16xf32>,
        %add3A_889 = arith.constant 11344 : i32
        %add3A_890 = vector.broadcast %add3A_889 : i32 to vector<16xi32>
        %add3A_891 = arith.addi %add3A_272, %add3A_890 : vector<16xi32>
        tpu.vector_store_idx %arg9[%add3A_891], %gather3A_888 : memref<16384xf32, #tpu.memory_space<vmem>>[vector<16xi32>], vector<16xf32>,
        %add3A_892 = arith.constant 480 : i32
        %add3A_893 = vector.broadcast %add3A_892 : i32 to vector<16xi32>
        %add3A_894 = arith.addi %iota3A, %add3A_893 : vector<16xi32>
        %add3A_895 = arith.constant 16 : i32
        %add3A_896 = vector.broadcast %add3A_895 : i32 to vector<16xi32>
        %add3A_897 = arith.addi %and3A_258, %add3A_896 : vector<16xi32>
        %gather3A_898 = tpu.vector_load_idx %arg7[%add3A_894, %add3A_897] : memref<512x32xf32, #tpu.memory_space<vmem>>[vector<16xi32>, vector<16xi32>], vector<16xf32>,
        %add3A_899 = arith.constant 11360 : i32
        %add3A_900 = vector.broadcast %add3A_899 : i32 to vector<16xi32>
        %add3A_901 = arith.addi %add3A_272, %add3A_900 : vector<16xi32>
        tpu.vector_store_idx %arg9[%add3A_901], %gather3A_898 : memref<16384xf32, #tpu.memory_space<vmem>>[vector<16xi32>], vector<16xf32>,
        %add3A_902 = arith.constant 496 : i32
        %add3A_903 = vector.broadcast %add3A_902 : i32 to vector<16xi32>
        %add3A_904 = arith.addi %iota3A, %add3A_903 : vector<16xi32>
        %add3A_905 = arith.constant 16 : i32
        %add3A_906 = vector.broadcast %add3A_905 : i32 to vector<16xi32>
        %add3A_907 = arith.addi %and3A_258, %add3A_906 : vector<16xi32>
        %gather3A_908 = tpu.vector_load_idx %arg7[%add3A_904, %add3A_907] : memref<512x32xf32, #tpu.memory_space<vmem>>[vector<16xi32>, vector<16xi32>], vector<16xf32>,
        %add3A_909 = arith.constant 11376 : i32
        %add3A_910 = vector.broadcast %add3A_909 : i32 to vector<16xi32>
        %add3A_911 = arith.addi %add3A_272, %add3A_910 : vector<16xi32>
        tpu.vector_store_idx %arg9[%add3A_911], %gather3A_908 : memref<16384xf32, #tpu.memory_space<vmem>>[vector<16xi32>], vector<16xf32>,
      }
      %scan3A_101 = arith.constant 16 : i32
      %barrier3A = arith.constant 0 : index
      tpu.barrier barrier_id(%barrier3A)
      %mul3A_102 = arith.constant 4 : i32
      %mul3A_103 = arith.muli %add3A_75, %mul3A_102 : i32
      %add3A_104 = arith.addi %mul3A_2, %mul3A_103 : i32
      %shift_right_arithmetic3A = arith.constant 7 : i32
      %shift_right_arithmetic3A_105 = arith.shrsi %add3A_104, %shift_right_arithmetic3A : i32
      %and3A = arith.constant 127 : i32
      %and3A_106 = arith.andi %add3A_104, %and3A : i32
      %mul3A_107 = arith.constant 524288 : i32
      %mul3A_108 = arith.muli %shift_right_arithmetic3A_105, %mul3A_107 : i32
      %add3A_109 = arith.constant 0 : i32
      %add3A_110 = arith.addi %mul3A_108, %add3A_109 : i32
      %mul3A_111 = arith.constant 1024 : i32
      %mul3A_112 = arith.muli %and3A_106, %mul3A_111 : i32
      %add3A_113 = arith.addi %add3A_110, %mul3A_112 : i32
      %mul3A_114 = arith.constant 524288 : i32
      %mul3A_115 = arith.muli %shift_right_arithmetic3A_105, %mul3A_114 : i32
      %add3A_116 = arith.constant 131072 : i32
      %add3A_117 = arith.addi %mul3A_115, %add3A_116 : i32
      %mul3A_118 = arith.constant 1024 : i32
      %mul3A_119 = arith.muli %and3A_106, %mul3A_118 : i32
      %add3A_120 = arith.addi %add3A_117, %mul3A_119 : i32
      %mul3A_121 = arith.constant 524288 : i32
      %mul3A_122 = arith.muli %shift_right_arithmetic3A_105, %mul3A_121 : i32
      %add3A_123 = arith.constant 262144 : i32
      %add3A_124 = arith.addi %mul3A_122, %add3A_123 : i32
      %mul3A_125 = arith.constant 1024 : i32
      %mul3A_126 = arith.muli %and3A_106, %mul3A_125 : i32
      %add3A_127 = arith.addi %add3A_124, %mul3A_126 : i32
      %mul3A_128 = arith.constant 524288 : i32
      %mul3A_129 = arith.muli %shift_right_arithmetic3A_105, %mul3A_128 : i32
      %add3A_130 = arith.constant 393216 : i32
      %add3A_131 = arith.addi %mul3A_129, %add3A_130 : i32
      %mul3A_132 = arith.constant 1024 : i32
      %mul3A_133 = arith.muli %and3A_106, %mul3A_132 : i32
      %add3A_134 = arith.addi %add3A_131, %mul3A_133 : i32
      %dma_start3A_135 = arith.constant 0 : i32
      %dma_start3A_136 = tpu.memref_slice %arg9[%dma_start3A_135] : memref<16384xf32, #tpu.memory_space<vmem>> -> memref<4096xf32, #tpu.memory_space<vmem>>
      %dma_start3A_137 = tpu.memref_slice %arg4[%add3A_113] : memref<104857600xf32, #tpu.memory_space<hbm>> -> memref<4096xf32, #tpu.memory_space<hbm>>
      %dma_start3A_138 = tpu.memref_slice %arg4[%add3A_113] : memref<104857600xf32, #tpu.memory_space<hbm>> -> memref<4096xf32, #tpu.memory_space<hbm>>
      %dma_start3A_139 = arith.constant 0 : i32
      %dma_start3A_140 = tpu.memref_slice %arg9[%dma_start3A_139] : memref<16384xf32, #tpu.memory_space<vmem>> -> memref<4096xf32, #tpu.memory_space<vmem>>
      tpu.enqueue_dma source(%dma_start3A_140 : memref<4096xf32, #tpu.memory_space<vmem>>) target(%dma_start3A_138 : memref<4096xf32, #tpu.memory_space<hbm>>) target_semaphore(%arg15 : memref<!tpu.dma_semaphore, #tpu.memory_space<semaphore_mem>>)
      %dma_start3A_141 = arith.constant 4096 : i32
      %dma_start3A_142 = tpu.memref_slice %arg9[%dma_start3A_141] : memref<16384xf32, #tpu.memory_space<vmem>> -> memref<4096xf32, #tpu.memory_space<vmem>>
      %dma_start3A_143 = tpu.memref_slice %arg4[%add3A_120] : memref<104857600xf32, #tpu.memory_space<hbm>> -> memref<4096xf32, #tpu.memory_space<hbm>>
      %dma_start3A_144 = tpu.memref_slice %arg4[%add3A_120] : memref<104857600xf32, #tpu.memory_space<hbm>> -> memref<4096xf32, #tpu.memory_space<hbm>>
      %dma_start3A_145 = arith.constant 4096 : i32
      %dma_start3A_146 = tpu.memref_slice %arg9[%dma_start3A_145] : memref<16384xf32, #tpu.memory_space<vmem>> -> memref<4096xf32, #tpu.memory_space<vmem>>
      tpu.enqueue_dma source(%dma_start3A_146 : memref<4096xf32, #tpu.memory_space<vmem>>) target(%dma_start3A_144 : memref<4096xf32, #tpu.memory_space<hbm>>) target_semaphore(%arg15 : memref<!tpu.dma_semaphore, #tpu.memory_space<semaphore_mem>>)
      %dma_start3A_147 = arith.constant 8192 : i32
      %dma_start3A_148 = tpu.memref_slice %arg9[%dma_start3A_147] : memref<16384xf32, #tpu.memory_space<vmem>> -> memref<4096xf32, #tpu.memory_space<vmem>>
      %dma_start3A_149 = tpu.memref_slice %arg4[%add3A_127] : memref<104857600xf32, #tpu.memory_space<hbm>> -> memref<4096xf32, #tpu.memory_space<hbm>>
      %dma_start3A_150 = tpu.memref_slice %arg4[%add3A_127] : memref<104857600xf32, #tpu.memory_space<hbm>> -> memref<4096xf32, #tpu.memory_space<hbm>>
      %dma_start3A_151 = arith.constant 8192 : i32
      %dma_start3A_152 = tpu.memref_slice %arg9[%dma_start3A_151] : memref<16384xf32, #tpu.memory_space<vmem>> -> memref<4096xf32, #tpu.memory_space<vmem>>
      tpu.enqueue_dma source(%dma_start3A_152 : memref<4096xf32, #tpu.memory_space<vmem>>) target(%dma_start3A_150 : memref<4096xf32, #tpu.memory_space<hbm>>) target_semaphore(%arg15 : memref<!tpu.dma_semaphore, #tpu.memory_space<semaphore_mem>>)
      %dma_start3A_153 = arith.constant 12288 : i32
      %dma_start3A_154 = tpu.memref_slice %arg9[%dma_start3A_153] : memref<16384xf32, #tpu.memory_space<vmem>> -> memref<4096xf32, #tpu.memory_space<vmem>>
      %dma_start3A_155 = tpu.memref_slice %arg4[%add3A_134] : memref<104857600xf32, #tpu.memory_space<hbm>> -> memref<4096xf32, #tpu.memory_space<hbm>>
      %dma_start3A_156 = tpu.memref_slice %arg4[%add3A_134] : memref<104857600xf32, #tpu.memory_space<hbm>> -> memref<4096xf32, #tpu.memory_space<hbm>>
      %dma_start3A_157 = arith.constant 12288 : i32
      %dma_start3A_158 = tpu.memref_slice %arg9[%dma_start3A_157] : memref<16384xf32, #tpu.memory_space<vmem>> -> memref<4096xf32, #tpu.memory_space<vmem>>
      tpu.enqueue_dma source(%dma_start3A_158 : memref<4096xf32, #tpu.memory_space<vmem>>) target(%dma_start3A_156 : memref<4096xf32, #tpu.memory_space<hbm>>) target_semaphore(%arg15 : memref<!tpu.dma_semaphore, #tpu.memory_space<semaphore_mem>>)
      %mul3A_159 = arith.constant 2 : i32
      %mul3A_160 = arith.muli %mul3A_159, %scan3A_71 : i32
      %add3A_161 = arith.constant 1 : i32
      %add3A_162 = arith.addi %mul3A_160, %add3A_161 : i32
      %add3A_163 = arith.constant 1 : i32
      %add3A_164 = arith.addi %add3A_162, %add3A_163 : i32
      %lt3A_165 = arith.constant 200 : i32
      %lt3A_166 = arith.cmpi slt, %add3A_164, %lt3A_165 : i32
      %convert_element_type3A_167 = arith.extui %lt3A_166 : i1 to i32
      %cond3A_168 = arith.constant 0 : i32
      %cond3A_169 = arith.cmpi ne, %convert_element_type3A_167, %cond3A_168 : i32
      scf.if %cond3A_169 {
        %add3A_253 = arith.constant 1 : i32
        %add3A_254 = arith.addi %add3A_162, %add3A_253 : i32
        %mul3A_255 = arith.constant 4 : i32
        %mul3A_256 = arith.muli %add3A_254, %mul3A_255 : i32
        %add3A_257 = arith.addi %mul3A_2, %mul3A_256 : i32
        %dma_wait3A_258 = arith.constant 0 : i32
        %dma_wait3A_259 = tpu.memref_slice %arg2[%add3A_257, %dma_wait3A_258] : memref<25600x128xi32, #tpu.memory_space<hbm>> -> memref<4x128xi32, #tpu.memory_space<hbm>>
        %dma_wait3A_260 = arith.constant 0 : i32
        %dma_wait3A_261 = tpu.memref_slice %arg2[%add3A_257, %dma_wait3A_260] : memref<25600x128xi32, #tpu.memory_space<hbm>> -> memref<4x128xi32, #tpu.memory_space<hbm>>
        tpu.wait_dma2 semaphore(%arg11 : memref<!tpu.dma_semaphore, #tpu.memory_space<semaphore_mem>>) src(%dma_wait3A_261 : memref<4x128xi32, #tpu.memory_space<hbm>>) dst(%arg5 : memref<4x128xi32, #tpu.memory_space<vmem>>)
        %dma_start3A_262 = arith.constant 0 : i32
        %dma_start3A_263 = arith.constant 0 : i32
        %dma_start3A_264 = arith.constant 0 : i32
        %dma_start3A_265 = tpu.memref_slice %arg7[%dma_start3A_263, %dma_start3A_264] : memref<512x32xf32, #tpu.memory_space<vmem>> -> memref<128x32xf32, #tpu.memory_space<vmem>>
        %dma_start3A_266 = arith.constant 0 : i32
        %dma_start3A_267 = tpu.memref_slice %arg5[%dma_start3A_262, %dma_start3A_266] : memref<4x128xi32, #tpu.memory_space<vmem>> -> memref<1x128xi32, #tpu.memory_space<vmem>>
        %dma_start3A_268 = tpu.memref_squeeze %dma_start3A_267 : memref<1x128xi32, #tpu.memory_space<vmem>> -> memref<128xi32, #tpu.memory_space<vmem>>
        %dma_start3A_269 = arith.constant 0 : i32
        %dma_start3A_270 = arith.constant 0 : i32
        %dma_start3A_271 = tpu.memref_slice %arg3[%dma_start3A_269, %dma_start3A_270] : memref<1000000x32xf32, #tpu.memory_space<hbm>> -> memref<1000000x32xf32, #tpu.memory_space<hbm>>
        tpu.enqueue_indirect_dma source(%dma_start3A_271 : memref<1000000x32xf32, #tpu.memory_space<hbm>>) target(%dma_start3A_265 : memref<128x32xf32, #tpu.memory_space<vmem>>) offsets(%dma_start3A_268 : memref<128xi32, #tpu.memory_space<vmem>>) semaphore(%arg13 : memref<!tpu.dma_semaphore, #tpu.memory_space<semaphore_mem>>)
        %dma_start3A_272 = arith.constant 1 : i32
        %dma_start3A_273 = arith.constant 128 : i32
        %dma_start3A_274 = arith.constant 0 : i32
        %dma_start3A_275 = tpu.memref_slice %arg7[%dma_start3A_273, %dma_start3A_274] : memref<512x32xf32, #tpu.memory_space<vmem>> -> memref<128x32xf32, #tpu.memory_space<vmem>>
        %dma_start3A_276 = arith.constant 0 : i32
        %dma_start3A_277 = tpu.memref_slice %arg5[%dma_start3A_272, %dma_start3A_276] : memref<4x128xi32, #tpu.memory_space<vmem>> -> memref<1x128xi32, #tpu.memory_space<vmem>>
        %dma_start3A_278 = tpu.memref_squeeze %dma_start3A_277 : memref<1x128xi32, #tpu.memory_space<vmem>> -> memref<128xi32, #tpu.memory_space<vmem>>
        %dma_start3A_279 = arith.constant 0 : i32
        %dma_start3A_280 = arith.constant 0 : i32
        %dma_start3A_281 = tpu.memref_slice %arg3[%dma_start3A_279, %dma_start3A_280] : memref<1000000x32xf32, #tpu.memory_space<hbm>> -> memref<1000000x32xf32, #tpu.memory_space<hbm>>
        tpu.enqueue_indirect_dma source(%dma_start3A_281 : memref<1000000x32xf32, #tpu.memory_space<hbm>>) target(%dma_start3A_275 : memref<128x32xf32, #tpu.memory_space<vmem>>) offsets(%dma_start3A_278 : memref<128xi32, #tpu.memory_space<vmem>>) semaphore(%arg13 : memref<!tpu.dma_semaphore, #tpu.memory_space<semaphore_mem>>)
        %dma_start3A_282 = arith.constant 2 : i32
        %dma_start3A_283 = arith.constant 256 : i32
        %dma_start3A_284 = arith.constant 0 : i32
        %dma_start3A_285 = tpu.memref_slice %arg7[%dma_start3A_283, %dma_start3A_284] : memref<512x32xf32, #tpu.memory_space<vmem>> -> memref<128x32xf32, #tpu.memory_space<vmem>>
        %dma_start3A_286 = arith.constant 0 : i32
        %dma_start3A_287 = tpu.memref_slice %arg5[%dma_start3A_282, %dma_start3A_286] : memref<4x128xi32, #tpu.memory_space<vmem>> -> memref<1x128xi32, #tpu.memory_space<vmem>>
        %dma_start3A_288 = tpu.memref_squeeze %dma_start3A_287 : memref<1x128xi32, #tpu.memory_space<vmem>> -> memref<128xi32, #tpu.memory_space<vmem>>
        %dma_start3A_289 = arith.constant 0 : i32
        %dma_start3A_290 = arith.constant 0 : i32
        %dma_start3A_291 = tpu.memref_slice %arg3[%dma_start3A_289, %dma_start3A_290] : memref<1000000x32xf32, #tpu.memory_space<hbm>> -> memref<1000000x32xf32, #tpu.memory_space<hbm>>
        tpu.enqueue_indirect_dma source(%dma_start3A_291 : memref<1000000x32xf32, #tpu.memory_space<hbm>>) target(%dma_start3A_285 : memref<128x32xf32, #tpu.memory_space<vmem>>) offsets(%dma_start3A_288 : memref<128xi32, #tpu.memory_space<vmem>>) semaphore(%arg13 : memref<!tpu.dma_semaphore, #tpu.memory_space<semaphore_mem>>)
        %dma_start3A_292 = arith.constant 3 : i32
        %dma_start3A_293 = arith.constant 384 : i32
        %dma_start3A_294 = arith.constant 0 : i32
        %dma_start3A_295 = tpu.memref_slice %arg7[%dma_start3A_293, %dma_start3A_294] : memref<512x32xf32, #tpu.memory_space<vmem>> -> memref<128x32xf32, #tpu.memory_space<vmem>>
        %dma_start3A_296 = arith.constant 0 : i32
        %dma_start3A_297 = tpu.memref_slice %arg5[%dma_start3A_292, %dma_start3A_296] : memref<4x128xi32, #tpu.memory_space<vmem>> -> memref<1x128xi32, #tpu.memory_space<vmem>>
        %dma_start3A_298 = tpu.memref_squeeze %dma_start3A_297 : memref<1x128xi32, #tpu.memory_space<vmem>> -> memref<128xi32, #tpu.memory_space<vmem>>
        %dma_start3A_299 = arith.constant 0 : i32
        %dma_start3A_300 = arith.constant 0 : i32
        %dma_start3A_301 = tpu.memref_slice %arg3[%dma_start3A_299, %dma_start3A_300] : memref<1000000x32xf32, #tpu.memory_space<hbm>> -> memref<1000000x32xf32, #tpu.memory_space<hbm>>
        tpu.enqueue_indirect_dma source(%dma_start3A_301 : memref<1000000x32xf32, #tpu.memory_space<hbm>>) target(%dma_start3A_295 : memref<128x32xf32, #tpu.memory_space<vmem>>) offsets(%dma_start3A_298 : memref<128xi32, #tpu.memory_space<vmem>>) semaphore(%arg13 : memref<!tpu.dma_semaphore, #tpu.memory_space<semaphore_mem>>)
      } else {
      }
      %dma_wait3A_170 = arith.constant 0 : i32
      %dma_wait3A_171 = arith.constant 0 : i32
      %dma_wait3A_172 = tpu.memref_slice %arg3[%dma_wait3A_170, %dma_wait3A_171] : memref<1000000x32xf32, #tpu.memory_space<hbm>> -> memref<512x32xf32, #tpu.memory_space<hbm>>
      %dma_wait3A_173 = arith.constant 0 : i32
      %dma_wait3A_174 = arith.constant 0 : i32
      %dma_wait3A_175 = tpu.memref_slice %arg3[%dma_wait3A_173, %dma_wait3A_174] : memref<1000000x32xf32, #tpu.memory_space<hbm>> -> memref<512x32xf32, #tpu.memory_space<hbm>>
      tpu.wait_dma2 semaphore(%arg14 : memref<!tpu.dma_semaphore, #tpu.memory_space<semaphore_mem>>) src(%dma_wait3A_175 : memref<512x32xf32, #tpu.memory_space<hbm>>) dst(%arg8 : memref<512x32xf32, #tpu.memory_space<vmem>>)
      %add3A_176 = arith.constant 2 : i32
      %add3A_177 = arith.addi %add3A_162, %add3A_176 : i32
      %lt3A_178 = arith.constant 200 : i32
      %lt3A_179 = arith.cmpi slt, %add3A_177, %lt3A_178 : i32
      %convert_element_type3A_180 = arith.extui %lt3A_179 : i1 to i32
      %cond3A_181 = arith.constant 0 : i32
      %cond3A_182 = arith.cmpi ne, %convert_element_type3A_180, %cond3A_181 : i32
      scf.if %cond3A_182 {
        %add3A_253 = arith.constant 2 : i32
        %add3A_254 = arith.addi %add3A_162, %add3A_253 : i32
        %mul3A_255 = arith.constant 4 : i32
        %mul3A_256 = arith.muli %add3A_254, %mul3A_255 : i32
        %add3A_257 = arith.addi %mul3A_2, %mul3A_256 : i32
        %dma_start3A_258 = arith.constant 0 : i32
        %dma_start3A_259 = tpu.memref_slice %arg2[%add3A_257, %dma_start3A_258] : memref<25600x128xi32, #tpu.memory_space<hbm>> -> memref<4x128xi32, #tpu.memory_space<hbm>>
        %dma_start3A_260 = arith.constant 0 : i32
        %dma_start3A_261 = tpu.memref_slice %arg2[%add3A_257, %dma_start3A_260] : memref<25600x128xi32, #tpu.memory_space<hbm>> -> memref<4x128xi32, #tpu.memory_space<hbm>>
        tpu.enqueue_dma source(%dma_start3A_261 : memref<4x128xi32, #tpu.memory_space<hbm>>) target(%arg6 : memref<4x128xi32, #tpu.memory_space<vmem>>) target_semaphore(%arg12 : memref<!tpu.dma_semaphore, #tpu.memory_space<semaphore_mem>>)
      } else {
      }
      %ge3A_183 = arith.constant 2 : i32
      %ge3A_184 = arith.cmpi sge, %add3A_162, %ge3A_183 : i32
      %convert_element_type3A_185 = arith.extui %ge3A_184 : i1 to i32
      %cond3A_186 = arith.constant 0 : i32
      %cond3A_187 = arith.cmpi ne, %convert_element_type3A_185, %cond3A_186 : i32
      scf.if %cond3A_187 {
        %dma_wait3A_253 = arith.constant 0 : i32
        %dma_wait3A_254 = tpu.memref_slice %arg4[%dma_wait3A_253] : memref<104857600xf32, #tpu.memory_space<hbm>> -> memref<16384xf32, #tpu.memory_space<hbm>>
        %dma_wait3A_255 = arith.constant 0 : i32
        %dma_wait3A_256 = tpu.memref_slice %arg4[%dma_wait3A_255] : memref<104857600xf32, #tpu.memory_space<hbm>> -> memref<16384xf32, #tpu.memory_space<hbm>>
        tpu.wait_dma2 semaphore(%arg16 : memref<!tpu.dma_semaphore, #tpu.memory_space<semaphore_mem>>) src(%arg10 : memref<16384xf32, #tpu.memory_space<vmem>>) dst(%dma_wait3A_256 : memref<16384xf32, #tpu.memory_space<hbm>>)
      } else {
      }
      %scan3A_188 = arith.constant 0 : i32
      %scan3A_189 = arith.constant 16 : i32
      %scan3A_190 = arith.addi %scan3A_188, %scan3A_189 : i32
      %scan3A_191 = arith.constant 1 : i32
      scf.for %scan3A_253 = %scan3A_188 to %scan3A_190 step %scan3A_191  : i32 {
        %add3A_254 = vector.broadcast %scan3A_253 : i32 to vector<16xi32>
        %add3A_255 = arith.addi %iota3A, %add3A_254 : vector<16xi32>
        %and3A_256 = arith.constant 15 : i32
        %and3A_257 = vector.broadcast %and3A_256 : i32 to vector<16xi32>
        %and3A_258 = arith.andi %add3A_255, %and3A_257 : vector<16xi32>
        %shift_right_arithmetic3A_259 = arith.constant 3 : i32
        %shift_right_arithmetic3A_260 = vector.broadcast %shift_right_arithmetic3A_259 : i32 to vector<16xi32>
        %shift_right_arithmetic3A_261 = arith.shrsi %and3A_258, %shift_right_arithmetic3A_260 : vector<16xi32>
        %mul3A_262 = arith.constant 4096 : i32
        %mul3A_263 = vector.broadcast %mul3A_262 : i32 to vector<16xi32>
        %mul3A_264 = arith.muli %shift_right_arithmetic3A_261, %mul3A_263 : vector<16xi32>
        %and3A_265 = arith.constant 7 : i32
        %and3A_266 = vector.broadcast %and3A_265 : i32 to vector<16xi32>
        %and3A_267 = arith.andi %and3A_258, %and3A_266 : vector<16xi32>
        %mul3A_268 = arith.constant 128 : i32
        %mul3A_269 = vector.broadcast %mul3A_268 : i32 to vector<16xi32>
        %mul3A_270 = arith.muli %and3A_267, %mul3A_269 : vector<16xi32>
        %add3A_271 = arith.addi %mul3A_264, %mul3A_270 : vector<16xi32>
        %add3A_272 = arith.addi %add3A_271, %iota3A : vector<16xi32>
        %add3A_273 = arith.constant 0 : i32
        %add3A_274 = vector.broadcast %add3A_273 : i32 to vector<16xi32>
        %add3A_275 = arith.addi %iota3A, %add3A_274 : vector<16xi32>
        %add3A_276 = arith.constant 0 : i32
        %add3A_277 = vector.broadcast %add3A_276 : i32 to vector<16xi32>
        %add3A_278 = arith.addi %and3A_258, %add3A_277 : vector<16xi32>
        %gather3A = tpu.vector_load_idx %arg8[%add3A_275, %add3A_278] : memref<512x32xf32, #tpu.memory_space<vmem>>[vector<16xi32>, vector<16xi32>], vector<16xf32>,
        %add3A_279 = arith.constant 0 : i32
        %add3A_280 = vector.broadcast %add3A_279 : i32 to vector<16xi32>
        %add3A_281 = arith.addi %add3A_272, %add3A_280 : vector<16xi32>
        tpu.vector_store_idx %arg10[%add3A_281], %gather3A : memref<16384xf32, #tpu.memory_space<vmem>>[vector<16xi32>], vector<16xf32>,
        %add3A_282 = arith.constant 16 : i32
        %add3A_283 = vector.broadcast %add3A_282 : i32 to vector<16xi32>
        %add3A_284 = arith.addi %iota3A, %add3A_283 : vector<16xi32>
        %add3A_285 = arith.constant 0 : i32
        %add3A_286 = vector.broadcast %add3A_285 : i32 to vector<16xi32>
        %add3A_287 = arith.addi %and3A_258, %add3A_286 : vector<16xi32>
        %gather3A_288 = tpu.vector_load_idx %arg8[%add3A_284, %add3A_287] : memref<512x32xf32, #tpu.memory_space<vmem>>[vector<16xi32>, vector<16xi32>], vector<16xf32>,
        %add3A_289 = arith.constant 16 : i32
        %add3A_290 = vector.broadcast %add3A_289 : i32 to vector<16xi32>
        %add3A_291 = arith.addi %add3A_272, %add3A_290 : vector<16xi32>
        tpu.vector_store_idx %arg10[%add3A_291], %gather3A_288 : memref<16384xf32, #tpu.memory_space<vmem>>[vector<16xi32>], vector<16xf32>,
        %add3A_292 = arith.constant 32 : i32
        %add3A_293 = vector.broadcast %add3A_292 : i32 to vector<16xi32>
        %add3A_294 = arith.addi %iota3A, %add3A_293 : vector<16xi32>
        %add3A_295 = arith.constant 0 : i32
        %add3A_296 = vector.broadcast %add3A_295 : i32 to vector<16xi32>
        %add3A_297 = arith.addi %and3A_258, %add3A_296 : vector<16xi32>
        %gather3A_298 = tpu.vector_load_idx %arg8[%add3A_294, %add3A_297] : memref<512x32xf32, #tpu.memory_space<vmem>>[vector<16xi32>, vector<16xi32>], vector<16xf32>,
        %add3A_299 = arith.constant 32 : i32
        %add3A_300 = vector.broadcast %add3A_299 : i32 to vector<16xi32>
        %add3A_301 = arith.addi %add3A_272, %add3A_300 : vector<16xi32>
        tpu.vector_store_idx %arg10[%add3A_301], %gather3A_298 : memref<16384xf32, #tpu.memory_space<vmem>>[vector<16xi32>], vector<16xf32>,
        %add3A_302 = arith.constant 48 : i32
        %add3A_303 = vector.broadcast %add3A_302 : i32 to vector<16xi32>
        %add3A_304 = arith.addi %iota3A, %add3A_303 : vector<16xi32>
        %add3A_305 = arith.constant 0 : i32
        %add3A_306 = vector.broadcast %add3A_305 : i32 to vector<16xi32>
        %add3A_307 = arith.addi %and3A_258, %add3A_306 : vector<16xi32>
        %gather3A_308 = tpu.vector_load_idx %arg8[%add3A_304, %add3A_307] : memref<512x32xf32, #tpu.memory_space<vmem>>[vector<16xi32>, vector<16xi32>], vector<16xf32>,
        %add3A_309 = arith.constant 48 : i32
        %add3A_310 = vector.broadcast %add3A_309 : i32 to vector<16xi32>
        %add3A_311 = arith.addi %add3A_272, %add3A_310 : vector<16xi32>
        tpu.vector_store_idx %arg10[%add3A_311], %gather3A_308 : memref<16384xf32, #tpu.memory_space<vmem>>[vector<16xi32>], vector<16xf32>,
        %add3A_312 = arith.constant 64 : i32
        %add3A_313 = vector.broadcast %add3A_312 : i32 to vector<16xi32>
        %add3A_314 = arith.addi %iota3A, %add3A_313 : vector<16xi32>
        %add3A_315 = arith.constant 0 : i32
        %add3A_316 = vector.broadcast %add3A_315 : i32 to vector<16xi32>
        %add3A_317 = arith.addi %and3A_258, %add3A_316 : vector<16xi32>
        %gather3A_318 = tpu.vector_load_idx %arg8[%add3A_314, %add3A_317] : memref<512x32xf32, #tpu.memory_space<vmem>>[vector<16xi32>, vector<16xi32>], vector<16xf32>,
        %add3A_319 = arith.constant 64 : i32
        %add3A_320 = vector.broadcast %add3A_319 : i32 to vector<16xi32>
        %add3A_321 = arith.addi %add3A_272, %add3A_320 : vector<16xi32>
        tpu.vector_store_idx %arg10[%add3A_321], %gather3A_318 : memref<16384xf32, #tpu.memory_space<vmem>>[vector<16xi32>], vector<16xf32>,
        %add3A_322 = arith.constant 80 : i32
        %add3A_323 = vector.broadcast %add3A_322 : i32 to vector<16xi32>
        %add3A_324 = arith.addi %iota3A, %add3A_323 : vector<16xi32>
        %add3A_325 = arith.constant 0 : i32
        %add3A_326 = vector.broadcast %add3A_325 : i32 to vector<16xi32>
        %add3A_327 = arith.addi %and3A_258, %add3A_326 : vector<16xi32>
        %gather3A_328 = tpu.vector_load_idx %arg8[%add3A_324, %add3A_327] : memref<512x32xf32, #tpu.memory_space<vmem>>[vector<16xi32>, vector<16xi32>], vector<16xf32>,
        %add3A_329 = arith.constant 80 : i32
        %add3A_330 = vector.broadcast %add3A_329 : i32 to vector<16xi32>
        %add3A_331 = arith.addi %add3A_272, %add3A_330 : vector<16xi32>
        tpu.vector_store_idx %arg10[%add3A_331], %gather3A_328 : memref<16384xf32, #tpu.memory_space<vmem>>[vector<16xi32>], vector<16xf32>,
        %add3A_332 = arith.constant 96 : i32
        %add3A_333 = vector.broadcast %add3A_332 : i32 to vector<16xi32>
        %add3A_334 = arith.addi %iota3A, %add3A_333 : vector<16xi32>
        %add3A_335 = arith.constant 0 : i32
        %add3A_336 = vector.broadcast %add3A_335 : i32 to vector<16xi32>
        %add3A_337 = arith.addi %and3A_258, %add3A_336 : vector<16xi32>
        %gather3A_338 = tpu.vector_load_idx %arg8[%add3A_334, %add3A_337] : memref<512x32xf32, #tpu.memory_space<vmem>>[vector<16xi32>, vector<16xi32>], vector<16xf32>,
        %add3A_339 = arith.constant 96 : i32
        %add3A_340 = vector.broadcast %add3A_339 : i32 to vector<16xi32>
        %add3A_341 = arith.addi %add3A_272, %add3A_340 : vector<16xi32>
        tpu.vector_store_idx %arg10[%add3A_341], %gather3A_338 : memref<16384xf32, #tpu.memory_space<vmem>>[vector<16xi32>], vector<16xf32>,
        %add3A_342 = arith.constant 112 : i32
        %add3A_343 = vector.broadcast %add3A_342 : i32 to vector<16xi32>
        %add3A_344 = arith.addi %iota3A, %add3A_343 : vector<16xi32>
        %add3A_345 = arith.constant 0 : i32
        %add3A_346 = vector.broadcast %add3A_345 : i32 to vector<16xi32>
        %add3A_347 = arith.addi %and3A_258, %add3A_346 : vector<16xi32>
        %gather3A_348 = tpu.vector_load_idx %arg8[%add3A_344, %add3A_347] : memref<512x32xf32, #tpu.memory_space<vmem>>[vector<16xi32>, vector<16xi32>], vector<16xf32>,
        %add3A_349 = arith.constant 112 : i32
        %add3A_350 = vector.broadcast %add3A_349 : i32 to vector<16xi32>
        %add3A_351 = arith.addi %add3A_272, %add3A_350 : vector<16xi32>
        tpu.vector_store_idx %arg10[%add3A_351], %gather3A_348 : memref<16384xf32, #tpu.memory_space<vmem>>[vector<16xi32>], vector<16xf32>,
        %add3A_352 = arith.constant 128 : i32
        %add3A_353 = vector.broadcast %add3A_352 : i32 to vector<16xi32>
        %add3A_354 = arith.addi %iota3A, %add3A_353 : vector<16xi32>
        %add3A_355 = arith.constant 0 : i32
        %add3A_356 = vector.broadcast %add3A_355 : i32 to vector<16xi32>
        %add3A_357 = arith.addi %and3A_258, %add3A_356 : vector<16xi32>
        %gather3A_358 = tpu.vector_load_idx %arg8[%add3A_354, %add3A_357] : memref<512x32xf32, #tpu.memory_space<vmem>>[vector<16xi32>, vector<16xi32>], vector<16xf32>,
        %add3A_359 = arith.constant 1024 : i32
        %add3A_360 = vector.broadcast %add3A_359 : i32 to vector<16xi32>
        %add3A_361 = arith.addi %add3A_272, %add3A_360 : vector<16xi32>
        tpu.vector_store_idx %arg10[%add3A_361], %gather3A_358 : memref<16384xf32, #tpu.memory_space<vmem>>[vector<16xi32>], vector<16xf32>,
        %add3A_362 = arith.constant 144 : i32
        %add3A_363 = vector.broadcast %add3A_362 : i32 to vector<16xi32>
        %add3A_364 = arith.addi %iota3A, %add3A_363 : vector<16xi32>
        %add3A_365 = arith.constant 0 : i32
        %add3A_366 = vector.broadcast %add3A_365 : i32 to vector<16xi32>
        %add3A_367 = arith.addi %and3A_258, %add3A_366 : vector<16xi32>
        %gather3A_368 = tpu.vector_load_idx %arg8[%add3A_364, %add3A_367] : memref<512x32xf32, #tpu.memory_space<vmem>>[vector<16xi32>, vector<16xi32>], vector<16xf32>,
        %add3A_369 = arith.constant 1040 : i32
        %add3A_370 = vector.broadcast %add3A_369 : i32 to vector<16xi32>
        %add3A_371 = arith.addi %add3A_272, %add3A_370 : vector<16xi32>
        tpu.vector_store_idx %arg10[%add3A_371], %gather3A_368 : memref<16384xf32, #tpu.memory_space<vmem>>[vector<16xi32>], vector<16xf32>,
        %add3A_372 = arith.constant 160 : i32
        %add3A_373 = vector.broadcast %add3A_372 : i32 to vector<16xi32>
        %add3A_374 = arith.addi %iota3A, %add3A_373 : vector<16xi32>
        %add3A_375 = arith.constant 0 : i32
        %add3A_376 = vector.broadcast %add3A_375 : i32 to vector<16xi32>
        %add3A_377 = arith.addi %and3A_258, %add3A_376 : vector<16xi32>
        %gather3A_378 = tpu.vector_load_idx %arg8[%add3A_374, %add3A_377] : memref<512x32xf32, #tpu.memory_space<vmem>>[vector<16xi32>, vector<16xi32>], vector<16xf32>,
        %add3A_379 = arith.constant 1056 : i32
        %add3A_380 = vector.broadcast %add3A_379 : i32 to vector<16xi32>
        %add3A_381 = arith.addi %add3A_272, %add3A_380 : vector<16xi32>
        tpu.vector_store_idx %arg10[%add3A_381], %gather3A_378 : memref<16384xf32, #tpu.memory_space<vmem>>[vector<16xi32>], vector<16xf32>,
        %add3A_382 = arith.constant 176 : i32
        %add3A_383 = vector.broadcast %add3A_382 : i32 to vector<16xi32>
        %add3A_384 = arith.addi %iota3A, %add3A_383 : vector<16xi32>
        %add3A_385 = arith.constant 0 : i32
        %add3A_386 = vector.broadcast %add3A_385 : i32 to vector<16xi32>
        %add3A_387 = arith.addi %and3A_258, %add3A_386 : vector<16xi32>
        %gather3A_388 = tpu.vector_load_idx %arg8[%add3A_384, %add3A_387] : memref<512x32xf32, #tpu.memory_space<vmem>>[vector<16xi32>, vector<16xi32>], vector<16xf32>,
        %add3A_389 = arith.constant 1072 : i32
        %add3A_390 = vector.broadcast %add3A_389 : i32 to vector<16xi32>
        %add3A_391 = arith.addi %add3A_272, %add3A_390 : vector<16xi32>
        tpu.vector_store_idx %arg10[%add3A_391], %gather3A_388 : memref<16384xf32, #tpu.memory_space<vmem>>[vector<16xi32>], vector<16xf32>,
        %add3A_392 = arith.constant 192 : i32
        %add3A_393 = vector.broadcast %add3A_392 : i32 to vector<16xi32>
        %add3A_394 = arith.addi %iota3A, %add3A_393 : vector<16xi32>
        %add3A_395 = arith.constant 0 : i32
        %add3A_396 = vector.broadcast %add3A_395 : i32 to vector<16xi32>
        %add3A_397 = arith.addi %and3A_258, %add3A_396 : vector<16xi32>
        %gather3A_398 = tpu.vector_load_idx %arg8[%add3A_394, %add3A_397] : memref<512x32xf32, #tpu.memory_space<vmem>>[vector<16xi32>, vector<16xi32>], vector<16xf32>,
        %add3A_399 = arith.constant 1088 : i32
        %add3A_400 = vector.broadcast %add3A_399 : i32 to vector<16xi32>
        %add3A_401 = arith.addi %add3A_272, %add3A_400 : vector<16xi32>
        tpu.vector_store_idx %arg10[%add3A_401], %gather3A_398 : memref<16384xf32, #tpu.memory_space<vmem>>[vector<16xi32>], vector<16xf32>,
        %add3A_402 = arith.constant 208 : i32
        %add3A_403 = vector.broadcast %add3A_402 : i32 to vector<16xi32>
        %add3A_404 = arith.addi %iota3A, %add3A_403 : vector<16xi32>
        %add3A_405 = arith.constant 0 : i32
        %add3A_406 = vector.broadcast %add3A_405 : i32 to vector<16xi32>
        %add3A_407 = arith.addi %and3A_258, %add3A_406 : vector<16xi32>
        %gather3A_408 = tpu.vector_load_idx %arg8[%add3A_404, %add3A_407] : memref<512x32xf32, #tpu.memory_space<vmem>>[vector<16xi32>, vector<16xi32>], vector<16xf32>,
        %add3A_409 = arith.constant 1104 : i32
        %add3A_410 = vector.broadcast %add3A_409 : i32 to vector<16xi32>
        %add3A_411 = arith.addi %add3A_272, %add3A_410 : vector<16xi32>
        tpu.vector_store_idx %arg10[%add3A_411], %gather3A_408 : memref<16384xf32, #tpu.memory_space<vmem>>[vector<16xi32>], vector<16xf32>,
        %add3A_412 = arith.constant 224 : i32
        %add3A_413 = vector.broadcast %add3A_412 : i32 to vector<16xi32>
        %add3A_414 = arith.addi %iota3A, %add3A_413 : vector<16xi32>
        %add3A_415 = arith.constant 0 : i32
        %add3A_416 = vector.broadcast %add3A_415 : i32 to vector<16xi32>
        %add3A_417 = arith.addi %and3A_258, %add3A_416 : vector<16xi32>
        %gather3A_418 = tpu.vector_load_idx %arg8[%add3A_414, %add3A_417] : memref<512x32xf32, #tpu.memory_space<vmem>>[vector<16xi32>, vector<16xi32>], vector<16xf32>,
        %add3A_419 = arith.constant 1120 : i32
        %add3A_420 = vector.broadcast %add3A_419 : i32 to vector<16xi32>
        %add3A_421 = arith.addi %add3A_272, %add3A_420 : vector<16xi32>
        tpu.vector_store_idx %arg10[%add3A_421], %gather3A_418 : memref<16384xf32, #tpu.memory_space<vmem>>[vector<16xi32>], vector<16xf32>,
        %add3A_422 = arith.constant 240 : i32
        %add3A_423 = vector.broadcast %add3A_422 : i32 to vector<16xi32>
        %add3A_424 = arith.addi %iota3A, %add3A_423 : vector<16xi32>
        %add3A_425 = arith.constant 0 : i32
        %add3A_426 = vector.broadcast %add3A_425 : i32 to vector<16xi32>
        %add3A_427 = arith.addi %and3A_258, %add3A_426 : vector<16xi32>
        %gather3A_428 = tpu.vector_load_idx %arg8[%add3A_424, %add3A_427] : memref<512x32xf32, #tpu.memory_space<vmem>>[vector<16xi32>, vector<16xi32>], vector<16xf32>,
        %add3A_429 = arith.constant 1136 : i32
        %add3A_430 = vector.broadcast %add3A_429 : i32 to vector<16xi32>
        %add3A_431 = arith.addi %add3A_272, %add3A_430 : vector<16xi32>
        tpu.vector_store_idx %arg10[%add3A_431], %gather3A_428 : memref<16384xf32, #tpu.memory_space<vmem>>[vector<16xi32>], vector<16xf32>,
        %add3A_432 = arith.constant 256 : i32
        %add3A_433 = vector.broadcast %add3A_432 : i32 to vector<16xi32>
        %add3A_434 = arith.addi %iota3A, %add3A_433 : vector<16xi32>
        %add3A_435 = arith.constant 0 : i32
        %add3A_436 = vector.broadcast %add3A_435 : i32 to vector<16xi32>
        %add3A_437 = arith.addi %and3A_258, %add3A_436 : vector<16xi32>
        %gather3A_438 = tpu.vector_load_idx %arg8[%add3A_434, %add3A_437] : memref<512x32xf32, #tpu.memory_space<vmem>>[vector<16xi32>, vector<16xi32>], vector<16xf32>,
        %add3A_439 = arith.constant 2048 : i32
        %add3A_440 = vector.broadcast %add3A_439 : i32 to vector<16xi32>
        %add3A_441 = arith.addi %add3A_272, %add3A_440 : vector<16xi32>
        tpu.vector_store_idx %arg10[%add3A_441], %gather3A_438 : memref<16384xf32, #tpu.memory_space<vmem>>[vector<16xi32>], vector<16xf32>,
        %add3A_442 = arith.constant 272 : i32
        %add3A_443 = vector.broadcast %add3A_442 : i32 to vector<16xi32>
        %add3A_444 = arith.addi %iota3A, %add3A_443 : vector<16xi32>
        %add3A_445 = arith.constant 0 : i32
        %add3A_446 = vector.broadcast %add3A_445 : i32 to vector<16xi32>
        %add3A_447 = arith.addi %and3A_258, %add3A_446 : vector<16xi32>
        %gather3A_448 = tpu.vector_load_idx %arg8[%add3A_444, %add3A_447] : memref<512x32xf32, #tpu.memory_space<vmem>>[vector<16xi32>, vector<16xi32>], vector<16xf32>,
        %add3A_449 = arith.constant 2064 : i32
        %add3A_450 = vector.broadcast %add3A_449 : i32 to vector<16xi32>
        %add3A_451 = arith.addi %add3A_272, %add3A_450 : vector<16xi32>
        tpu.vector_store_idx %arg10[%add3A_451], %gather3A_448 : memref<16384xf32, #tpu.memory_space<vmem>>[vector<16xi32>], vector<16xf32>,
        %add3A_452 = arith.constant 288 : i32
        %add3A_453 = vector.broadcast %add3A_452 : i32 to vector<16xi32>
        %add3A_454 = arith.addi %iota3A, %add3A_453 : vector<16xi32>
        %add3A_455 = arith.constant 0 : i32
        %add3A_456 = vector.broadcast %add3A_455 : i32 to vector<16xi32>
        %add3A_457 = arith.addi %and3A_258, %add3A_456 : vector<16xi32>
        %gather3A_458 = tpu.vector_load_idx %arg8[%add3A_454, %add3A_457] : memref<512x32xf32, #tpu.memory_space<vmem>>[vector<16xi32>, vector<16xi32>], vector<16xf32>,
        %add3A_459 = arith.constant 2080 : i32
        %add3A_460 = vector.broadcast %add3A_459 : i32 to vector<16xi32>
        %add3A_461 = arith.addi %add3A_272, %add3A_460 : vector<16xi32>
        tpu.vector_store_idx %arg10[%add3A_461], %gather3A_458 : memref<16384xf32, #tpu.memory_space<vmem>>[vector<16xi32>], vector<16xf32>,
        %add3A_462 = arith.constant 304 : i32
        %add3A_463 = vector.broadcast %add3A_462 : i32 to vector<16xi32>
        %add3A_464 = arith.addi %iota3A, %add3A_463 : vector<16xi32>
        %add3A_465 = arith.constant 0 : i32
        %add3A_466 = vector.broadcast %add3A_465 : i32 to vector<16xi32>
        %add3A_467 = arith.addi %and3A_258, %add3A_466 : vector<16xi32>
        %gather3A_468 = tpu.vector_load_idx %arg8[%add3A_464, %add3A_467] : memref<512x32xf32, #tpu.memory_space<vmem>>[vector<16xi32>, vector<16xi32>], vector<16xf32>,
        %add3A_469 = arith.constant 2096 : i32
        %add3A_470 = vector.broadcast %add3A_469 : i32 to vector<16xi32>
        %add3A_471 = arith.addi %add3A_272, %add3A_470 : vector<16xi32>
        tpu.vector_store_idx %arg10[%add3A_471], %gather3A_468 : memref<16384xf32, #tpu.memory_space<vmem>>[vector<16xi32>], vector<16xf32>,
        %add3A_472 = arith.constant 320 : i32
        %add3A_473 = vector.broadcast %add3A_472 : i32 to vector<16xi32>
        %add3A_474 = arith.addi %iota3A, %add3A_473 : vector<16xi32>
        %add3A_475 = arith.constant 0 : i32
        %add3A_476 = vector.broadcast %add3A_475 : i32 to vector<16xi32>
        %add3A_477 = arith.addi %and3A_258, %add3A_476 : vector<16xi32>
        %gather3A_478 = tpu.vector_load_idx %arg8[%add3A_474, %add3A_477] : memref<512x32xf32, #tpu.memory_space<vmem>>[vector<16xi32>, vector<16xi32>], vector<16xf32>,
        %add3A_479 = arith.constant 2112 : i32
        %add3A_480 = vector.broadcast %add3A_479 : i32 to vector<16xi32>
        %add3A_481 = arith.addi %add3A_272, %add3A_480 : vector<16xi32>
        tpu.vector_store_idx %arg10[%add3A_481], %gather3A_478 : memref<16384xf32, #tpu.memory_space<vmem>>[vector<16xi32>], vector<16xf32>,
        %add3A_482 = arith.constant 336 : i32
        %add3A_483 = vector.broadcast %add3A_482 : i32 to vector<16xi32>
        %add3A_484 = arith.addi %iota3A, %add3A_483 : vector<16xi32>
        %add3A_485 = arith.constant 0 : i32
        %add3A_486 = vector.broadcast %add3A_485 : i32 to vector<16xi32>
        %add3A_487 = arith.addi %and3A_258, %add3A_486 : vector<16xi32>
        %gather3A_488 = tpu.vector_load_idx %arg8[%add3A_484, %add3A_487] : memref<512x32xf32, #tpu.memory_space<vmem>>[vector<16xi32>, vector<16xi32>], vector<16xf32>,
        %add3A_489 = arith.constant 2128 : i32
        %add3A_490 = vector.broadcast %add3A_489 : i32 to vector<16xi32>
        %add3A_491 = arith.addi %add3A_272, %add3A_490 : vector<16xi32>
        tpu.vector_store_idx %arg10[%add3A_491], %gather3A_488 : memref<16384xf32, #tpu.memory_space<vmem>>[vector<16xi32>], vector<16xf32>,
        %add3A_492 = arith.constant 352 : i32
        %add3A_493 = vector.broadcast %add3A_492 : i32 to vector<16xi32>
        %add3A_494 = arith.addi %iota3A, %add3A_493 : vector<16xi32>
        %add3A_495 = arith.constant 0 : i32
        %add3A_496 = vector.broadcast %add3A_495 : i32 to vector<16xi32>
        %add3A_497 = arith.addi %and3A_258, %add3A_496 : vector<16xi32>
        %gather3A_498 = tpu.vector_load_idx %arg8[%add3A_494, %add3A_497] : memref<512x32xf32, #tpu.memory_space<vmem>>[vector<16xi32>, vector<16xi32>], vector<16xf32>,
        %add3A_499 = arith.constant 2144 : i32
        %add3A_500 = vector.broadcast %add3A_499 : i32 to vector<16xi32>
        %add3A_501 = arith.addi %add3A_272, %add3A_500 : vector<16xi32>
        tpu.vector_store_idx %arg10[%add3A_501], %gather3A_498 : memref<16384xf32, #tpu.memory_space<vmem>>[vector<16xi32>], vector<16xf32>,
        %add3A_502 = arith.constant 368 : i32
        %add3A_503 = vector.broadcast %add3A_502 : i32 to vector<16xi32>
        %add3A_504 = arith.addi %iota3A, %add3A_503 : vector<16xi32>
        %add3A_505 = arith.constant 0 : i32
        %add3A_506 = vector.broadcast %add3A_505 : i32 to vector<16xi32>
        %add3A_507 = arith.addi %and3A_258, %add3A_506 : vector<16xi32>
        %gather3A_508 = tpu.vector_load_idx %arg8[%add3A_504, %add3A_507] : memref<512x32xf32, #tpu.memory_space<vmem>>[vector<16xi32>, vector<16xi32>], vector<16xf32>,
        %add3A_509 = arith.constant 2160 : i32
        %add3A_510 = vector.broadcast %add3A_509 : i32 to vector<16xi32>
        %add3A_511 = arith.addi %add3A_272, %add3A_510 : vector<16xi32>
        tpu.vector_store_idx %arg10[%add3A_511], %gather3A_508 : memref<16384xf32, #tpu.memory_space<vmem>>[vector<16xi32>], vector<16xf32>,
        %add3A_512 = arith.constant 384 : i32
        %add3A_513 = vector.broadcast %add3A_512 : i32 to vector<16xi32>
        %add3A_514 = arith.addi %iota3A, %add3A_513 : vector<16xi32>
        %add3A_515 = arith.constant 0 : i32
        %add3A_516 = vector.broadcast %add3A_515 : i32 to vector<16xi32>
        %add3A_517 = arith.addi %and3A_258, %add3A_516 : vector<16xi32>
        %gather3A_518 = tpu.vector_load_idx %arg8[%add3A_514, %add3A_517] : memref<512x32xf32, #tpu.memory_space<vmem>>[vector<16xi32>, vector<16xi32>], vector<16xf32>,
        %add3A_519 = arith.constant 3072 : i32
        %add3A_520 = vector.broadcast %add3A_519 : i32 to vector<16xi32>
        %add3A_521 = arith.addi %add3A_272, %add3A_520 : vector<16xi32>
        tpu.vector_store_idx %arg10[%add3A_521], %gather3A_518 : memref<16384xf32, #tpu.memory_space<vmem>>[vector<16xi32>], vector<16xf32>,
        %add3A_522 = arith.constant 400 : i32
        %add3A_523 = vector.broadcast %add3A_522 : i32 to vector<16xi32>
        %add3A_524 = arith.addi %iota3A, %add3A_523 : vector<16xi32>
        %add3A_525 = arith.constant 0 : i32
        %add3A_526 = vector.broadcast %add3A_525 : i32 to vector<16xi32>
        %add3A_527 = arith.addi %and3A_258, %add3A_526 : vector<16xi32>
        %gather3A_528 = tpu.vector_load_idx %arg8[%add3A_524, %add3A_527] : memref<512x32xf32, #tpu.memory_space<vmem>>[vector<16xi32>, vector<16xi32>], vector<16xf32>,
        %add3A_529 = arith.constant 3088 : i32
        %add3A_530 = vector.broadcast %add3A_529 : i32 to vector<16xi32>
        %add3A_531 = arith.addi %add3A_272, %add3A_530 : vector<16xi32>
        tpu.vector_store_idx %arg10[%add3A_531], %gather3A_528 : memref<16384xf32, #tpu.memory_space<vmem>>[vector<16xi32>], vector<16xf32>,
        %add3A_532 = arith.constant 416 : i32
        %add3A_533 = vector.broadcast %add3A_532 : i32 to vector<16xi32>
        %add3A_534 = arith.addi %iota3A, %add3A_533 : vector<16xi32>
        %add3A_535 = arith.constant 0 : i32
        %add3A_536 = vector.broadcast %add3A_535 : i32 to vector<16xi32>
        %add3A_537 = arith.addi %and3A_258, %add3A_536 : vector<16xi32>
        %gather3A_538 = tpu.vector_load_idx %arg8[%add3A_534, %add3A_537] : memref<512x32xf32, #tpu.memory_space<vmem>>[vector<16xi32>, vector<16xi32>], vector<16xf32>,
        %add3A_539 = arith.constant 3104 : i32
        %add3A_540 = vector.broadcast %add3A_539 : i32 to vector<16xi32>
        %add3A_541 = arith.addi %add3A_272, %add3A_540 : vector<16xi32>
        tpu.vector_store_idx %arg10[%add3A_541], %gather3A_538 : memref<16384xf32, #tpu.memory_space<vmem>>[vector<16xi32>], vector<16xf32>,
        %add3A_542 = arith.constant 432 : i32
        %add3A_543 = vector.broadcast %add3A_542 : i32 to vector<16xi32>
        %add3A_544 = arith.addi %iota3A, %add3A_543 : vector<16xi32>
        %add3A_545 = arith.constant 0 : i32
        %add3A_546 = vector.broadcast %add3A_545 : i32 to vector<16xi32>
        %add3A_547 = arith.addi %and3A_258, %add3A_546 : vector<16xi32>
        %gather3A_548 = tpu.vector_load_idx %arg8[%add3A_544, %add3A_547] : memref<512x32xf32, #tpu.memory_space<vmem>>[vector<16xi32>, vector<16xi32>], vector<16xf32>,
        %add3A_549 = arith.constant 3120 : i32
        %add3A_550 = vector.broadcast %add3A_549 : i32 to vector<16xi32>
        %add3A_551 = arith.addi %add3A_272, %add3A_550 : vector<16xi32>
        tpu.vector_store_idx %arg10[%add3A_551], %gather3A_548 : memref<16384xf32, #tpu.memory_space<vmem>>[vector<16xi32>], vector<16xf32>,
        %add3A_552 = arith.constant 448 : i32
        %add3A_553 = vector.broadcast %add3A_552 : i32 to vector<16xi32>
        %add3A_554 = arith.addi %iota3A, %add3A_553 : vector<16xi32>
        %add3A_555 = arith.constant 0 : i32
        %add3A_556 = vector.broadcast %add3A_555 : i32 to vector<16xi32>
        %add3A_557 = arith.addi %and3A_258, %add3A_556 : vector<16xi32>
        %gather3A_558 = tpu.vector_load_idx %arg8[%add3A_554, %add3A_557] : memref<512x32xf32, #tpu.memory_space<vmem>>[vector<16xi32>, vector<16xi32>], vector<16xf32>,
        %add3A_559 = arith.constant 3136 : i32
        %add3A_560 = vector.broadcast %add3A_559 : i32 to vector<16xi32>
        %add3A_561 = arith.addi %add3A_272, %add3A_560 : vector<16xi32>
        tpu.vector_store_idx %arg10[%add3A_561], %gather3A_558 : memref<16384xf32, #tpu.memory_space<vmem>>[vector<16xi32>], vector<16xf32>,
        %add3A_562 = arith.constant 464 : i32
        %add3A_563 = vector.broadcast %add3A_562 : i32 to vector<16xi32>
        %add3A_564 = arith.addi %iota3A, %add3A_563 : vector<16xi32>
        %add3A_565 = arith.constant 0 : i32
        %add3A_566 = vector.broadcast %add3A_565 : i32 to vector<16xi32>
        %add3A_567 = arith.addi %and3A_258, %add3A_566 : vector<16xi32>
        %gather3A_568 = tpu.vector_load_idx %arg8[%add3A_564, %add3A_567] : memref<512x32xf32, #tpu.memory_space<vmem>>[vector<16xi32>, vector<16xi32>], vector<16xf32>,
        %add3A_569 = arith.constant 3152 : i32
        %add3A_570 = vector.broadcast %add3A_569 : i32 to vector<16xi32>
        %add3A_571 = arith.addi %add3A_272, %add3A_570 : vector<16xi32>
        tpu.vector_store_idx %arg10[%add3A_571], %gather3A_568 : memref<16384xf32, #tpu.memory_space<vmem>>[vector<16xi32>], vector<16xf32>,
        %add3A_572 = arith.constant 480 : i32
        %add3A_573 = vector.broadcast %add3A_572 : i32 to vector<16xi32>
        %add3A_574 = arith.addi %iota3A, %add3A_573 : vector<16xi32>
        %add3A_575 = arith.constant 0 : i32
        %add3A_576 = vector.broadcast %add3A_575 : i32 to vector<16xi32>
        %add3A_577 = arith.addi %and3A_258, %add3A_576 : vector<16xi32>
        %gather3A_578 = tpu.vector_load_idx %arg8[%add3A_574, %add3A_577] : memref<512x32xf32, #tpu.memory_space<vmem>>[vector<16xi32>, vector<16xi32>], vector<16xf32>,
        %add3A_579 = arith.constant 3168 : i32
        %add3A_580 = vector.broadcast %add3A_579 : i32 to vector<16xi32>
        %add3A_581 = arith.addi %add3A_272, %add3A_580 : vector<16xi32>
        tpu.vector_store_idx %arg10[%add3A_581], %gather3A_578 : memref<16384xf32, #tpu.memory_space<vmem>>[vector<16xi32>], vector<16xf32>,
        %add3A_582 = arith.constant 496 : i32
        %add3A_583 = vector.broadcast %add3A_582 : i32 to vector<16xi32>
        %add3A_584 = arith.addi %iota3A, %add3A_583 : vector<16xi32>
        %add3A_585 = arith.constant 0 : i32
        %add3A_586 = vector.broadcast %add3A_585 : i32 to vector<16xi32>
        %add3A_587 = arith.addi %and3A_258, %add3A_586 : vector<16xi32>
        %gather3A_588 = tpu.vector_load_idx %arg8[%add3A_584, %add3A_587] : memref<512x32xf32, #tpu.memory_space<vmem>>[vector<16xi32>, vector<16xi32>], vector<16xf32>,
        %add3A_589 = arith.constant 3184 : i32
        %add3A_590 = vector.broadcast %add3A_589 : i32 to vector<16xi32>
        %add3A_591 = arith.addi %add3A_272, %add3A_590 : vector<16xi32>
        tpu.vector_store_idx %arg10[%add3A_591], %gather3A_588 : memref<16384xf32, #tpu.memory_space<vmem>>[vector<16xi32>], vector<16xf32>,
        %add3A_592 = arith.constant 0 : i32
        %add3A_593 = vector.broadcast %add3A_592 : i32 to vector<16xi32>
        %add3A_594 = arith.addi %iota3A, %add3A_593 : vector<16xi32>
        %add3A_595 = arith.constant 16 : i32
        %add3A_596 = vector.broadcast %add3A_595 : i32 to vector<16xi32>
        %add3A_597 = arith.addi %and3A_258, %add3A_596 : vector<16xi32>
        %gather3A_598 = tpu.vector_load_idx %arg8[%add3A_594, %add3A_597] : memref<512x32xf32, #tpu.memory_space<vmem>>[vector<16xi32>, vector<16xi32>], vector<16xf32>,
        %add3A_599 = arith.constant 8192 : i32
        %add3A_600 = vector.broadcast %add3A_599 : i32 to vector<16xi32>
        %add3A_601 = arith.addi %add3A_272, %add3A_600 : vector<16xi32>
        tpu.vector_store_idx %arg10[%add3A_601], %gather3A_598 : memref<16384xf32, #tpu.memory_space<vmem>>[vector<16xi32>], vector<16xf32>,
        %add3A_602 = arith.constant 16 : i32
        %add3A_603 = vector.broadcast %add3A_602 : i32 to vector<16xi32>
        %add3A_604 = arith.addi %iota3A, %add3A_603 : vector<16xi32>
        %add3A_605 = arith.constant 16 : i32
        %add3A_606 = vector.broadcast %add3A_605 : i32 to vector<16xi32>
        %add3A_607 = arith.addi %and3A_258, %add3A_606 : vector<16xi32>
        %gather3A_608 = tpu.vector_load_idx %arg8[%add3A_604, %add3A_607] : memref<512x32xf32, #tpu.memory_space<vmem>>[vector<16xi32>, vector<16xi32>], vector<16xf32>,
        %add3A_609 = arith.constant 8208 : i32
        %add3A_610 = vector.broadcast %add3A_609 : i32 to vector<16xi32>
        %add3A_611 = arith.addi %add3A_272, %add3A_610 : vector<16xi32>
        tpu.vector_store_idx %arg10[%add3A_611], %gather3A_608 : memref<16384xf32, #tpu.memory_space<vmem>>[vector<16xi32>], vector<16xf32>,
        %add3A_612 = arith.constant 32 : i32
        %add3A_613 = vector.broadcast %add3A_612 : i32 to vector<16xi32>
        %add3A_614 = arith.addi %iota3A, %add3A_613 : vector<16xi32>
        %add3A_615 = arith.constant 16 : i32
        %add3A_616 = vector.broadcast %add3A_615 : i32 to vector<16xi32>
        %add3A_617 = arith.addi %and3A_258, %add3A_616 : vector<16xi32>
        %gather3A_618 = tpu.vector_load_idx %arg8[%add3A_614, %add3A_617] : memref<512x32xf32, #tpu.memory_space<vmem>>[vector<16xi32>, vector<16xi32>], vector<16xf32>,
        %add3A_619 = arith.constant 8224 : i32
        %add3A_620 = vector.broadcast %add3A_619 : i32 to vector<16xi32>
        %add3A_621 = arith.addi %add3A_272, %add3A_620 : vector<16xi32>
        tpu.vector_store_idx %arg10[%add3A_621], %gather3A_618 : memref<16384xf32, #tpu.memory_space<vmem>>[vector<16xi32>], vector<16xf32>,
        %add3A_622 = arith.constant 48 : i32
        %add3A_623 = vector.broadcast %add3A_622 : i32 to vector<16xi32>
        %add3A_624 = arith.addi %iota3A, %add3A_623 : vector<16xi32>
        %add3A_625 = arith.constant 16 : i32
        %add3A_626 = vector.broadcast %add3A_625 : i32 to vector<16xi32>
        %add3A_627 = arith.addi %and3A_258, %add3A_626 : vector<16xi32>
        %gather3A_628 = tpu.vector_load_idx %arg8[%add3A_624, %add3A_627] : memref<512x32xf32, #tpu.memory_space<vmem>>[vector<16xi32>, vector<16xi32>], vector<16xf32>,
        %add3A_629 = arith.constant 8240 : i32
        %add3A_630 = vector.broadcast %add3A_629 : i32 to vector<16xi32>
        %add3A_631 = arith.addi %add3A_272, %add3A_630 : vector<16xi32>
        tpu.vector_store_idx %arg10[%add3A_631], %gather3A_628 : memref<16384xf32, #tpu.memory_space<vmem>>[vector<16xi32>], vector<16xf32>,
        %add3A_632 = arith.constant 64 : i32
        %add3A_633 = vector.broadcast %add3A_632 : i32 to vector<16xi32>
        %add3A_634 = arith.addi %iota3A, %add3A_633 : vector<16xi32>
        %add3A_635 = arith.constant 16 : i32
        %add3A_636 = vector.broadcast %add3A_635 : i32 to vector<16xi32>
        %add3A_637 = arith.addi %and3A_258, %add3A_636 : vector<16xi32>
        %gather3A_638 = tpu.vector_load_idx %arg8[%add3A_634, %add3A_637] : memref<512x32xf32, #tpu.memory_space<vmem>>[vector<16xi32>, vector<16xi32>], vector<16xf32>,
        %add3A_639 = arith.constant 8256 : i32
        %add3A_640 = vector.broadcast %add3A_639 : i32 to vector<16xi32>
        %add3A_641 = arith.addi %add3A_272, %add3A_640 : vector<16xi32>
        tpu.vector_store_idx %arg10[%add3A_641], %gather3A_638 : memref<16384xf32, #tpu.memory_space<vmem>>[vector<16xi32>], vector<16xf32>,
        %add3A_642 = arith.constant 80 : i32
        %add3A_643 = vector.broadcast %add3A_642 : i32 to vector<16xi32>
        %add3A_644 = arith.addi %iota3A, %add3A_643 : vector<16xi32>
        %add3A_645 = arith.constant 16 : i32
        %add3A_646 = vector.broadcast %add3A_645 : i32 to vector<16xi32>
        %add3A_647 = arith.addi %and3A_258, %add3A_646 : vector<16xi32>
        %gather3A_648 = tpu.vector_load_idx %arg8[%add3A_644, %add3A_647] : memref<512x32xf32, #tpu.memory_space<vmem>>[vector<16xi32>, vector<16xi32>], vector<16xf32>,
        %add3A_649 = arith.constant 8272 : i32
        %add3A_650 = vector.broadcast %add3A_649 : i32 to vector<16xi32>
        %add3A_651 = arith.addi %add3A_272, %add3A_650 : vector<16xi32>
        tpu.vector_store_idx %arg10[%add3A_651], %gather3A_648 : memref<16384xf32, #tpu.memory_space<vmem>>[vector<16xi32>], vector<16xf32>,
        %add3A_652 = arith.constant 96 : i32
        %add3A_653 = vector.broadcast %add3A_652 : i32 to vector<16xi32>
        %add3A_654 = arith.addi %iota3A, %add3A_653 : vector<16xi32>
        %add3A_655 = arith.constant 16 : i32
        %add3A_656 = vector.broadcast %add3A_655 : i32 to vector<16xi32>
        %add3A_657 = arith.addi %and3A_258, %add3A_656 : vector<16xi32>
        %gather3A_658 = tpu.vector_load_idx %arg8[%add3A_654, %add3A_657] : memref<512x32xf32, #tpu.memory_space<vmem>>[vector<16xi32>, vector<16xi32>], vector<16xf32>,
        %add3A_659 = arith.constant 8288 : i32
        %add3A_660 = vector.broadcast %add3A_659 : i32 to vector<16xi32>
        %add3A_661 = arith.addi %add3A_272, %add3A_660 : vector<16xi32>
        tpu.vector_store_idx %arg10[%add3A_661], %gather3A_658 : memref<16384xf32, #tpu.memory_space<vmem>>[vector<16xi32>], vector<16xf32>,
        %add3A_662 = arith.constant 112 : i32
        %add3A_663 = vector.broadcast %add3A_662 : i32 to vector<16xi32>
        %add3A_664 = arith.addi %iota3A, %add3A_663 : vector<16xi32>
        %add3A_665 = arith.constant 16 : i32
        %add3A_666 = vector.broadcast %add3A_665 : i32 to vector<16xi32>
        %add3A_667 = arith.addi %and3A_258, %add3A_666 : vector<16xi32>
        %gather3A_668 = tpu.vector_load_idx %arg8[%add3A_664, %add3A_667] : memref<512x32xf32, #tpu.memory_space<vmem>>[vector<16xi32>, vector<16xi32>], vector<16xf32>,
        %add3A_669 = arith.constant 8304 : i32
        %add3A_670 = vector.broadcast %add3A_669 : i32 to vector<16xi32>
        %add3A_671 = arith.addi %add3A_272, %add3A_670 : vector<16xi32>
        tpu.vector_store_idx %arg10[%add3A_671], %gather3A_668 : memref<16384xf32, #tpu.memory_space<vmem>>[vector<16xi32>], vector<16xf32>,
        %add3A_672 = arith.constant 128 : i32
        %add3A_673 = vector.broadcast %add3A_672 : i32 to vector<16xi32>
        %add3A_674 = arith.addi %iota3A, %add3A_673 : vector<16xi32>
        %add3A_675 = arith.constant 16 : i32
        %add3A_676 = vector.broadcast %add3A_675 : i32 to vector<16xi32>
        %add3A_677 = arith.addi %and3A_258, %add3A_676 : vector<16xi32>
        %gather3A_678 = tpu.vector_load_idx %arg8[%add3A_674, %add3A_677] : memref<512x32xf32, #tpu.memory_space<vmem>>[vector<16xi32>, vector<16xi32>], vector<16xf32>,
        %add3A_679 = arith.constant 9216 : i32
        %add3A_680 = vector.broadcast %add3A_679 : i32 to vector<16xi32>
        %add3A_681 = arith.addi %add3A_272, %add3A_680 : vector<16xi32>
        tpu.vector_store_idx %arg10[%add3A_681], %gather3A_678 : memref<16384xf32, #tpu.memory_space<vmem>>[vector<16xi32>], vector<16xf32>,
        %add3A_682 = arith.constant 144 : i32
        %add3A_683 = vector.broadcast %add3A_682 : i32 to vector<16xi32>
        %add3A_684 = arith.addi %iota3A, %add3A_683 : vector<16xi32>
        %add3A_685 = arith.constant 16 : i32
        %add3A_686 = vector.broadcast %add3A_685 : i32 to vector<16xi32>
        %add3A_687 = arith.addi %and3A_258, %add3A_686 : vector<16xi32>
        %gather3A_688 = tpu.vector_load_idx %arg8[%add3A_684, %add3A_687] : memref<512x32xf32, #tpu.memory_space<vmem>>[vector<16xi32>, vector<16xi32>], vector<16xf32>,
        %add3A_689 = arith.constant 9232 : i32
        %add3A_690 = vector.broadcast %add3A_689 : i32 to vector<16xi32>
        %add3A_691 = arith.addi %add3A_272, %add3A_690 : vector<16xi32>
        tpu.vector_store_idx %arg10[%add3A_691], %gather3A_688 : memref<16384xf32, #tpu.memory_space<vmem>>[vector<16xi32>], vector<16xf32>,
        %add3A_692 = arith.constant 160 : i32
        %add3A_693 = vector.broadcast %add3A_692 : i32 to vector<16xi32>
        %add3A_694 = arith.addi %iota3A, %add3A_693 : vector<16xi32>
        %add3A_695 = arith.constant 16 : i32
        %add3A_696 = vector.broadcast %add3A_695 : i32 to vector<16xi32>
        %add3A_697 = arith.addi %and3A_258, %add3A_696 : vector<16xi32>
        %gather3A_698 = tpu.vector_load_idx %arg8[%add3A_694, %add3A_697] : memref<512x32xf32, #tpu.memory_space<vmem>>[vector<16xi32>, vector<16xi32>], vector<16xf32>,
        %add3A_699 = arith.constant 9248 : i32
        %add3A_700 = vector.broadcast %add3A_699 : i32 to vector<16xi32>
        %add3A_701 = arith.addi %add3A_272, %add3A_700 : vector<16xi32>
        tpu.vector_store_idx %arg10[%add3A_701], %gather3A_698 : memref<16384xf32, #tpu.memory_space<vmem>>[vector<16xi32>], vector<16xf32>,
        %add3A_702 = arith.constant 176 : i32
        %add3A_703 = vector.broadcast %add3A_702 : i32 to vector<16xi32>
        %add3A_704 = arith.addi %iota3A, %add3A_703 : vector<16xi32>
        %add3A_705 = arith.constant 16 : i32
        %add3A_706 = vector.broadcast %add3A_705 : i32 to vector<16xi32>
        %add3A_707 = arith.addi %and3A_258, %add3A_706 : vector<16xi32>
        %gather3A_708 = tpu.vector_load_idx %arg8[%add3A_704, %add3A_707] : memref<512x32xf32, #tpu.memory_space<vmem>>[vector<16xi32>, vector<16xi32>], vector<16xf32>,
        %add3A_709 = arith.constant 9264 : i32
        %add3A_710 = vector.broadcast %add3A_709 : i32 to vector<16xi32>
        %add3A_711 = arith.addi %add3A_272, %add3A_710 : vector<16xi32>
        tpu.vector_store_idx %arg10[%add3A_711], %gather3A_708 : memref<16384xf32, #tpu.memory_space<vmem>>[vector<16xi32>], vector<16xf32>,
        %add3A_712 = arith.constant 192 : i32
        %add3A_713 = vector.broadcast %add3A_712 : i32 to vector<16xi32>
        %add3A_714 = arith.addi %iota3A, %add3A_713 : vector<16xi32>
        %add3A_715 = arith.constant 16 : i32
        %add3A_716 = vector.broadcast %add3A_715 : i32 to vector<16xi32>
        %add3A_717 = arith.addi %and3A_258, %add3A_716 : vector<16xi32>
        %gather3A_718 = tpu.vector_load_idx %arg8[%add3A_714, %add3A_717] : memref<512x32xf32, #tpu.memory_space<vmem>>[vector<16xi32>, vector<16xi32>], vector<16xf32>,
        %add3A_719 = arith.constant 9280 : i32
        %add3A_720 = vector.broadcast %add3A_719 : i32 to vector<16xi32>
        %add3A_721 = arith.addi %add3A_272, %add3A_720 : vector<16xi32>
        tpu.vector_store_idx %arg10[%add3A_721], %gather3A_718 : memref<16384xf32, #tpu.memory_space<vmem>>[vector<16xi32>], vector<16xf32>,
        %add3A_722 = arith.constant 208 : i32
        %add3A_723 = vector.broadcast %add3A_722 : i32 to vector<16xi32>
        %add3A_724 = arith.addi %iota3A, %add3A_723 : vector<16xi32>
        %add3A_725 = arith.constant 16 : i32
        %add3A_726 = vector.broadcast %add3A_725 : i32 to vector<16xi32>
        %add3A_727 = arith.addi %and3A_258, %add3A_726 : vector<16xi32>
        %gather3A_728 = tpu.vector_load_idx %arg8[%add3A_724, %add3A_727] : memref<512x32xf32, #tpu.memory_space<vmem>>[vector<16xi32>, vector<16xi32>], vector<16xf32>,
        %add3A_729 = arith.constant 9296 : i32
        %add3A_730 = vector.broadcast %add3A_729 : i32 to vector<16xi32>
        %add3A_731 = arith.addi %add3A_272, %add3A_730 : vector<16xi32>
        tpu.vector_store_idx %arg10[%add3A_731], %gather3A_728 : memref<16384xf32, #tpu.memory_space<vmem>>[vector<16xi32>], vector<16xf32>,
        %add3A_732 = arith.constant 224 : i32
        %add3A_733 = vector.broadcast %add3A_732 : i32 to vector<16xi32>
        %add3A_734 = arith.addi %iota3A, %add3A_733 : vector<16xi32>
        %add3A_735 = arith.constant 16 : i32
        %add3A_736 = vector.broadcast %add3A_735 : i32 to vector<16xi32>
        %add3A_737 = arith.addi %and3A_258, %add3A_736 : vector<16xi32>
        %gather3A_738 = tpu.vector_load_idx %arg8[%add3A_734, %add3A_737] : memref<512x32xf32, #tpu.memory_space<vmem>>[vector<16xi32>, vector<16xi32>], vector<16xf32>,
        %add3A_739 = arith.constant 9312 : i32
        %add3A_740 = vector.broadcast %add3A_739 : i32 to vector<16xi32>
        %add3A_741 = arith.addi %add3A_272, %add3A_740 : vector<16xi32>
        tpu.vector_store_idx %arg10[%add3A_741], %gather3A_738 : memref<16384xf32, #tpu.memory_space<vmem>>[vector<16xi32>], vector<16xf32>,
        %add3A_742 = arith.constant 240 : i32
        %add3A_743 = vector.broadcast %add3A_742 : i32 to vector<16xi32>
        %add3A_744 = arith.addi %iota3A, %add3A_743 : vector<16xi32>
        %add3A_745 = arith.constant 16 : i32
        %add3A_746 = vector.broadcast %add3A_745 : i32 to vector<16xi32>
        %add3A_747 = arith.addi %and3A_258, %add3A_746 : vector<16xi32>
        %gather3A_748 = tpu.vector_load_idx %arg8[%add3A_744, %add3A_747] : memref<512x32xf32, #tpu.memory_space<vmem>>[vector<16xi32>, vector<16xi32>], vector<16xf32>,
        %add3A_749 = arith.constant 9328 : i32
        %add3A_750 = vector.broadcast %add3A_749 : i32 to vector<16xi32>
        %add3A_751 = arith.addi %add3A_272, %add3A_750 : vector<16xi32>
        tpu.vector_store_idx %arg10[%add3A_751], %gather3A_748 : memref<16384xf32, #tpu.memory_space<vmem>>[vector<16xi32>], vector<16xf32>,
        %add3A_752 = arith.constant 256 : i32
        %add3A_753 = vector.broadcast %add3A_752 : i32 to vector<16xi32>
        %add3A_754 = arith.addi %iota3A, %add3A_753 : vector<16xi32>
        %add3A_755 = arith.constant 16 : i32
        %add3A_756 = vector.broadcast %add3A_755 : i32 to vector<16xi32>
        %add3A_757 = arith.addi %and3A_258, %add3A_756 : vector<16xi32>
        %gather3A_758 = tpu.vector_load_idx %arg8[%add3A_754, %add3A_757] : memref<512x32xf32, #tpu.memory_space<vmem>>[vector<16xi32>, vector<16xi32>], vector<16xf32>,
        %add3A_759 = arith.constant 10240 : i32
        %add3A_760 = vector.broadcast %add3A_759 : i32 to vector<16xi32>
        %add3A_761 = arith.addi %add3A_272, %add3A_760 : vector<16xi32>
        tpu.vector_store_idx %arg10[%add3A_761], %gather3A_758 : memref<16384xf32, #tpu.memory_space<vmem>>[vector<16xi32>], vector<16xf32>,
        %add3A_762 = arith.constant 272 : i32
        %add3A_763 = vector.broadcast %add3A_762 : i32 to vector<16xi32>
        %add3A_764 = arith.addi %iota3A, %add3A_763 : vector<16xi32>
        %add3A_765 = arith.constant 16 : i32
        %add3A_766 = vector.broadcast %add3A_765 : i32 to vector<16xi32>
        %add3A_767 = arith.addi %and3A_258, %add3A_766 : vector<16xi32>
        %gather3A_768 = tpu.vector_load_idx %arg8[%add3A_764, %add3A_767] : memref<512x32xf32, #tpu.memory_space<vmem>>[vector<16xi32>, vector<16xi32>], vector<16xf32>,
        %add3A_769 = arith.constant 10256 : i32
        %add3A_770 = vector.broadcast %add3A_769 : i32 to vector<16xi32>
        %add3A_771 = arith.addi %add3A_272, %add3A_770 : vector<16xi32>
        tpu.vector_store_idx %arg10[%add3A_771], %gather3A_768 : memref<16384xf32, #tpu.memory_space<vmem>>[vector<16xi32>], vector<16xf32>,
        %add3A_772 = arith.constant 288 : i32
        %add3A_773 = vector.broadcast %add3A_772 : i32 to vector<16xi32>
        %add3A_774 = arith.addi %iota3A, %add3A_773 : vector<16xi32>
        %add3A_775 = arith.constant 16 : i32
        %add3A_776 = vector.broadcast %add3A_775 : i32 to vector<16xi32>
        %add3A_777 = arith.addi %and3A_258, %add3A_776 : vector<16xi32>
        %gather3A_778 = tpu.vector_load_idx %arg8[%add3A_774, %add3A_777] : memref<512x32xf32, #tpu.memory_space<vmem>>[vector<16xi32>, vector<16xi32>], vector<16xf32>,
        %add3A_779 = arith.constant 10272 : i32
        %add3A_780 = vector.broadcast %add3A_779 : i32 to vector<16xi32>
        %add3A_781 = arith.addi %add3A_272, %add3A_780 : vector<16xi32>
        tpu.vector_store_idx %arg10[%add3A_781], %gather3A_778 : memref<16384xf32, #tpu.memory_space<vmem>>[vector<16xi32>], vector<16xf32>,
        %add3A_782 = arith.constant 304 : i32
        %add3A_783 = vector.broadcast %add3A_782 : i32 to vector<16xi32>
        %add3A_784 = arith.addi %iota3A, %add3A_783 : vector<16xi32>
        %add3A_785 = arith.constant 16 : i32
        %add3A_786 = vector.broadcast %add3A_785 : i32 to vector<16xi32>
        %add3A_787 = arith.addi %and3A_258, %add3A_786 : vector<16xi32>
        %gather3A_788 = tpu.vector_load_idx %arg8[%add3A_784, %add3A_787] : memref<512x32xf32, #tpu.memory_space<vmem>>[vector<16xi32>, vector<16xi32>], vector<16xf32>,
        %add3A_789 = arith.constant 10288 : i32
        %add3A_790 = vector.broadcast %add3A_789 : i32 to vector<16xi32>
        %add3A_791 = arith.addi %add3A_272, %add3A_790 : vector<16xi32>
        tpu.vector_store_idx %arg10[%add3A_791], %gather3A_788 : memref<16384xf32, #tpu.memory_space<vmem>>[vector<16xi32>], vector<16xf32>,
        %add3A_792 = arith.constant 320 : i32
        %add3A_793 = vector.broadcast %add3A_792 : i32 to vector<16xi32>
        %add3A_794 = arith.addi %iota3A, %add3A_793 : vector<16xi32>
        %add3A_795 = arith.constant 16 : i32
        %add3A_796 = vector.broadcast %add3A_795 : i32 to vector<16xi32>
        %add3A_797 = arith.addi %and3A_258, %add3A_796 : vector<16xi32>
        %gather3A_798 = tpu.vector_load_idx %arg8[%add3A_794, %add3A_797] : memref<512x32xf32, #tpu.memory_space<vmem>>[vector<16xi32>, vector<16xi32>], vector<16xf32>,
        %add3A_799 = arith.constant 10304 : i32
        %add3A_800 = vector.broadcast %add3A_799 : i32 to vector<16xi32>
        %add3A_801 = arith.addi %add3A_272, %add3A_800 : vector<16xi32>
        tpu.vector_store_idx %arg10[%add3A_801], %gather3A_798 : memref<16384xf32, #tpu.memory_space<vmem>>[vector<16xi32>], vector<16xf32>,
        %add3A_802 = arith.constant 336 : i32
        %add3A_803 = vector.broadcast %add3A_802 : i32 to vector<16xi32>
        %add3A_804 = arith.addi %iota3A, %add3A_803 : vector<16xi32>
        %add3A_805 = arith.constant 16 : i32
        %add3A_806 = vector.broadcast %add3A_805 : i32 to vector<16xi32>
        %add3A_807 = arith.addi %and3A_258, %add3A_806 : vector<16xi32>
        %gather3A_808 = tpu.vector_load_idx %arg8[%add3A_804, %add3A_807] : memref<512x32xf32, #tpu.memory_space<vmem>>[vector<16xi32>, vector<16xi32>], vector<16xf32>,
        %add3A_809 = arith.constant 10320 : i32
        %add3A_810 = vector.broadcast %add3A_809 : i32 to vector<16xi32>
        %add3A_811 = arith.addi %add3A_272, %add3A_810 : vector<16xi32>
        tpu.vector_store_idx %arg10[%add3A_811], %gather3A_808 : memref<16384xf32, #tpu.memory_space<vmem>>[vector<16xi32>], vector<16xf32>,
        %add3A_812 = arith.constant 352 : i32
        %add3A_813 = vector.broadcast %add3A_812 : i32 to vector<16xi32>
        %add3A_814 = arith.addi %iota3A, %add3A_813 : vector<16xi32>
        %add3A_815 = arith.constant 16 : i32
        %add3A_816 = vector.broadcast %add3A_815 : i32 to vector<16xi32>
        %add3A_817 = arith.addi %and3A_258, %add3A_816 : vector<16xi32>
        %gather3A_818 = tpu.vector_load_idx %arg8[%add3A_814, %add3A_817] : memref<512x32xf32, #tpu.memory_space<vmem>>[vector<16xi32>, vector<16xi32>], vector<16xf32>,
        %add3A_819 = arith.constant 10336 : i32
        %add3A_820 = vector.broadcast %add3A_819 : i32 to vector<16xi32>
        %add3A_821 = arith.addi %add3A_272, %add3A_820 : vector<16xi32>
        tpu.vector_store_idx %arg10[%add3A_821], %gather3A_818 : memref<16384xf32, #tpu.memory_space<vmem>>[vector<16xi32>], vector<16xf32>,
        %add3A_822 = arith.constant 368 : i32
        %add3A_823 = vector.broadcast %add3A_822 : i32 to vector<16xi32>
        %add3A_824 = arith.addi %iota3A, %add3A_823 : vector<16xi32>
        %add3A_825 = arith.constant 16 : i32
        %add3A_826 = vector.broadcast %add3A_825 : i32 to vector<16xi32>
        %add3A_827 = arith.addi %and3A_258, %add3A_826 : vector<16xi32>
        %gather3A_828 = tpu.vector_load_idx %arg8[%add3A_824, %add3A_827] : memref<512x32xf32, #tpu.memory_space<vmem>>[vector<16xi32>, vector<16xi32>], vector<16xf32>,
        %add3A_829 = arith.constant 10352 : i32
        %add3A_830 = vector.broadcast %add3A_829 : i32 to vector<16xi32>
        %add3A_831 = arith.addi %add3A_272, %add3A_830 : vector<16xi32>
        tpu.vector_store_idx %arg10[%add3A_831], %gather3A_828 : memref<16384xf32, #tpu.memory_space<vmem>>[vector<16xi32>], vector<16xf32>,
        %add3A_832 = arith.constant 384 : i32
        %add3A_833 = vector.broadcast %add3A_832 : i32 to vector<16xi32>
        %add3A_834 = arith.addi %iota3A, %add3A_833 : vector<16xi32>
        %add3A_835 = arith.constant 16 : i32
        %add3A_836 = vector.broadcast %add3A_835 : i32 to vector<16xi32>
        %add3A_837 = arith.addi %and3A_258, %add3A_836 : vector<16xi32>
        %gather3A_838 = tpu.vector_load_idx %arg8[%add3A_834, %add3A_837] : memref<512x32xf32, #tpu.memory_space<vmem>>[vector<16xi32>, vector<16xi32>], vector<16xf32>,
        %add3A_839 = arith.constant 11264 : i32
        %add3A_840 = vector.broadcast %add3A_839 : i32 to vector<16xi32>
        %add3A_841 = arith.addi %add3A_272, %add3A_840 : vector<16xi32>
        tpu.vector_store_idx %arg10[%add3A_841], %gather3A_838 : memref<16384xf32, #tpu.memory_space<vmem>>[vector<16xi32>], vector<16xf32>,
        %add3A_842 = arith.constant 400 : i32
        %add3A_843 = vector.broadcast %add3A_842 : i32 to vector<16xi32>
        %add3A_844 = arith.addi %iota3A, %add3A_843 : vector<16xi32>
        %add3A_845 = arith.constant 16 : i32
        %add3A_846 = vector.broadcast %add3A_845 : i32 to vector<16xi32>
        %add3A_847 = arith.addi %and3A_258, %add3A_846 : vector<16xi32>
        %gather3A_848 = tpu.vector_load_idx %arg8[%add3A_844, %add3A_847] : memref<512x32xf32, #tpu.memory_space<vmem>>[vector<16xi32>, vector<16xi32>], vector<16xf32>,
        %add3A_849 = arith.constant 11280 : i32
        %add3A_850 = vector.broadcast %add3A_849 : i32 to vector<16xi32>
        %add3A_851 = arith.addi %add3A_272, %add3A_850 : vector<16xi32>
        tpu.vector_store_idx %arg10[%add3A_851], %gather3A_848 : memref<16384xf32, #tpu.memory_space<vmem>>[vector<16xi32>], vector<16xf32>,
        %add3A_852 = arith.constant 416 : i32
        %add3A_853 = vector.broadcast %add3A_852 : i32 to vector<16xi32>
        %add3A_854 = arith.addi %iota3A, %add3A_853 : vector<16xi32>
        %add3A_855 = arith.constant 16 : i32
        %add3A_856 = vector.broadcast %add3A_855 : i32 to vector<16xi32>
        %add3A_857 = arith.addi %and3A_258, %add3A_856 : vector<16xi32>
        %gather3A_858 = tpu.vector_load_idx %arg8[%add3A_854, %add3A_857] : memref<512x32xf32, #tpu.memory_space<vmem>>[vector<16xi32>, vector<16xi32>], vector<16xf32>,
        %add3A_859 = arith.constant 11296 : i32
        %add3A_860 = vector.broadcast %add3A_859 : i32 to vector<16xi32>
        %add3A_861 = arith.addi %add3A_272, %add3A_860 : vector<16xi32>
        tpu.vector_store_idx %arg10[%add3A_861], %gather3A_858 : memref<16384xf32, #tpu.memory_space<vmem>>[vector<16xi32>], vector<16xf32>,
        %add3A_862 = arith.constant 432 : i32
        %add3A_863 = vector.broadcast %add3A_862 : i32 to vector<16xi32>
        %add3A_864 = arith.addi %iota3A, %add3A_863 : vector<16xi32>
        %add3A_865 = arith.constant 16 : i32
        %add3A_866 = vector.broadcast %add3A_865 : i32 to vector<16xi32>
        %add3A_867 = arith.addi %and3A_258, %add3A_866 : vector<16xi32>
        %gather3A_868 = tpu.vector_load_idx %arg8[%add3A_864, %add3A_867] : memref<512x32xf32, #tpu.memory_space<vmem>>[vector<16xi32>, vector<16xi32>], vector<16xf32>,
        %add3A_869 = arith.constant 11312 : i32
        %add3A_870 = vector.broadcast %add3A_869 : i32 to vector<16xi32>
        %add3A_871 = arith.addi %add3A_272, %add3A_870 : vector<16xi32>
        tpu.vector_store_idx %arg10[%add3A_871], %gather3A_868 : memref<16384xf32, #tpu.memory_space<vmem>>[vector<16xi32>], vector<16xf32>,
        %add3A_872 = arith.constant 448 : i32
        %add3A_873 = vector.broadcast %add3A_872 : i32 to vector<16xi32>
        %add3A_874 = arith.addi %iota3A, %add3A_873 : vector<16xi32>
        %add3A_875 = arith.constant 16 : i32
        %add3A_876 = vector.broadcast %add3A_875 : i32 to vector<16xi32>
        %add3A_877 = arith.addi %and3A_258, %add3A_876 : vector<16xi32>
        %gather3A_878 = tpu.vector_load_idx %arg8[%add3A_874, %add3A_877] : memref<512x32xf32, #tpu.memory_space<vmem>>[vector<16xi32>, vector<16xi32>], vector<16xf32>,
        %add3A_879 = arith.constant 11328 : i32
        %add3A_880 = vector.broadcast %add3A_879 : i32 to vector<16xi32>
        %add3A_881 = arith.addi %add3A_272, %add3A_880 : vector<16xi32>
        tpu.vector_store_idx %arg10[%add3A_881], %gather3A_878 : memref<16384xf32, #tpu.memory_space<vmem>>[vector<16xi32>], vector<16xf32>,
        %add3A_882 = arith.constant 464 : i32
        %add3A_883 = vector.broadcast %add3A_882 : i32 to vector<16xi32>
        %add3A_884 = arith.addi %iota3A, %add3A_883 : vector<16xi32>
        %add3A_885 = arith.constant 16 : i32
        %add3A_886 = vector.broadcast %add3A_885 : i32 to vector<16xi32>
        %add3A_887 = arith.addi %and3A_258, %add3A_886 : vector<16xi32>
        %gather3A_888 = tpu.vector_load_idx %arg8[%add3A_884, %add3A_887] : memref<512x32xf32, #tpu.memory_space<vmem>>[vector<16xi32>, vector<16xi32>], vector<16xf32>,
        %add3A_889 = arith.constant 11344 : i32
        %add3A_890 = vector.broadcast %add3A_889 : i32 to vector<16xi32>
        %add3A_891 = arith.addi %add3A_272, %add3A_890 : vector<16xi32>
        tpu.vector_store_idx %arg10[%add3A_891], %gather3A_888 : memref<16384xf32, #tpu.memory_space<vmem>>[vector<16xi32>], vector<16xf32>,
        %add3A_892 = arith.constant 480 : i32
        %add3A_893 = vector.broadcast %add3A_892 : i32 to vector<16xi32>
        %add3A_894 = arith.addi %iota3A, %add3A_893 : vector<16xi32>
        %add3A_895 = arith.constant 16 : i32
        %add3A_896 = vector.broadcast %add3A_895 : i32 to vector<16xi32>
        %add3A_897 = arith.addi %and3A_258, %add3A_896 : vector<16xi32>
        %gather3A_898 = tpu.vector_load_idx %arg8[%add3A_894, %add3A_897] : memref<512x32xf32, #tpu.memory_space<vmem>>[vector<16xi32>, vector<16xi32>], vector<16xf32>,
        %add3A_899 = arith.constant 11360 : i32
        %add3A_900 = vector.broadcast %add3A_899 : i32 to vector<16xi32>
        %add3A_901 = arith.addi %add3A_272, %add3A_900 : vector<16xi32>
        tpu.vector_store_idx %arg10[%add3A_901], %gather3A_898 : memref<16384xf32, #tpu.memory_space<vmem>>[vector<16xi32>], vector<16xf32>,
        %add3A_902 = arith.constant 496 : i32
        %add3A_903 = vector.broadcast %add3A_902 : i32 to vector<16xi32>
        %add3A_904 = arith.addi %iota3A, %add3A_903 : vector<16xi32>
        %add3A_905 = arith.constant 16 : i32
        %add3A_906 = vector.broadcast %add3A_905 : i32 to vector<16xi32>
        %add3A_907 = arith.addi %and3A_258, %add3A_906 : vector<16xi32>
        %gather3A_908 = tpu.vector_load_idx %arg8[%add3A_904, %add3A_907] : memref<512x32xf32, #tpu.memory_space<vmem>>[vector<16xi32>, vector<16xi32>], vector<16xf32>,
        %add3A_909 = arith.constant 11376 : i32
        %add3A_910 = vector.broadcast %add3A_909 : i32 to vector<16xi32>
        %add3A_911 = arith.addi %add3A_272, %add3A_910 : vector<16xi32>
        tpu.vector_store_idx %arg10[%add3A_911], %gather3A_908 : memref<16384xf32, #tpu.memory_space<vmem>>[vector<16xi32>], vector<16xf32>,
      }
      %scan3A_192 = arith.constant 16 : i32
      %barrier3A_193 = arith.constant 0 : index
      tpu.barrier barrier_id(%barrier3A_193)
      %mul3A_194 = arith.constant 4 : i32
      %mul3A_195 = arith.muli %add3A_162, %mul3A_194 : i32
      %add3A_196 = arith.addi %mul3A_2, %mul3A_195 : i32
      %shift_right_arithmetic3A_197 = arith.constant 7 : i32
      %shift_right_arithmetic3A_198 = arith.shrsi %add3A_196, %shift_right_arithmetic3A_197 : i32
      %and3A_199 = arith.constant 127 : i32
      %and3A_200 = arith.andi %add3A_196, %and3A_199 : i32
      %mul3A_201 = arith.constant 524288 : i32
      %mul3A_202 = arith.muli %shift_right_arithmetic3A_198, %mul3A_201 : i32
      %add3A_203 = arith.constant 0 : i32
      %add3A_204 = arith.addi %mul3A_202, %add3A_203 : i32
      %mul3A_205 = arith.constant 1024 : i32
      %mul3A_206 = arith.muli %and3A_200, %mul3A_205 : i32
      %add3A_207 = arith.addi %add3A_204, %mul3A_206 : i32
      %mul3A_208 = arith.constant 524288 : i32
      %mul3A_209 = arith.muli %shift_right_arithmetic3A_198, %mul3A_208 : i32
      %add3A_210 = arith.constant 131072 : i32
      %add3A_211 = arith.addi %mul3A_209, %add3A_210 : i32
      %mul3A_212 = arith.constant 1024 : i32
      %mul3A_213 = arith.muli %and3A_200, %mul3A_212 : i32
      %add3A_214 = arith.addi %add3A_211, %mul3A_213 : i32
      %mul3A_215 = arith.constant 524288 : i32
      %mul3A_216 = arith.muli %shift_right_arithmetic3A_198, %mul3A_215 : i32
      %add3A_217 = arith.constant 262144 : i32
      %add3A_218 = arith.addi %mul3A_216, %add3A_217 : i32
      %mul3A_219 = arith.constant 1024 : i32
      %mul3A_220 = arith.muli %and3A_200, %mul3A_219 : i32
      %add3A_221 = arith.addi %add3A_218, %mul3A_220 : i32
      %mul3A_222 = arith.constant 524288 : i32
      %mul3A_223 = arith.muli %shift_right_arithmetic3A_198, %mul3A_222 : i32
      %add3A_224 = arith.constant 393216 : i32
      %add3A_225 = arith.addi %mul3A_223, %add3A_224 : i32
      %mul3A_226 = arith.constant 1024 : i32
      %mul3A_227 = arith.muli %and3A_200, %mul3A_226 : i32
      %add3A_228 = arith.addi %add3A_225, %mul3A_227 : i32
      %dma_start3A_229 = arith.constant 0 : i32
      %dma_start3A_230 = tpu.memref_slice %arg10[%dma_start3A_229] : memref<16384xf32, #tpu.memory_space<vmem>> -> memref<4096xf32, #tpu.memory_space<vmem>>
      %dma_start3A_231 = tpu.memref_slice %arg4[%add3A_207] : memref<104857600xf32, #tpu.memory_space<hbm>> -> memref<4096xf32, #tpu.memory_space<hbm>>
      %dma_start3A_232 = tpu.memref_slice %arg4[%add3A_207] : memref<104857600xf32, #tpu.memory_space<hbm>> -> memref<4096xf32, #tpu.memory_space<hbm>>
      %dma_start3A_233 = arith.constant 0 : i32
      %dma_start3A_234 = tpu.memref_slice %arg10[%dma_start3A_233] : memref<16384xf32, #tpu.memory_space<vmem>> -> memref<4096xf32, #tpu.memory_space<vmem>>
      tpu.enqueue_dma source(%dma_start3A_234 : memref<4096xf32, #tpu.memory_space<vmem>>) target(%dma_start3A_232 : memref<4096xf32, #tpu.memory_space<hbm>>) target_semaphore(%arg16 : memref<!tpu.dma_semaphore, #tpu.memory_space<semaphore_mem>>)
      %dma_start3A_235 = arith.constant 4096 : i32
      %dma_start3A_236 = tpu.memref_slice %arg10[%dma_start3A_235] : memref<16384xf32, #tpu.memory_space<vmem>> -> memref<4096xf32, #tpu.memory_space<vmem>>
      %dma_start3A_237 = tpu.memref_slice %arg4[%add3A_214] : memref<104857600xf32, #tpu.memory_space<hbm>> -> memref<4096xf32, #tpu.memory_space<hbm>>
      %dma_start3A_238 = tpu.memref_slice %arg4[%add3A_214] : memref<104857600xf32, #tpu.memory_space<hbm>> -> memref<4096xf32, #tpu.memory_space<hbm>>
      %dma_start3A_239 = arith.constant 4096 : i32
      %dma_start3A_240 = tpu.memref_slice %arg10[%dma_start3A_239] : memref<16384xf32, #tpu.memory_space<vmem>> -> memref<4096xf32, #tpu.memory_space<vmem>>
      tpu.enqueue_dma source(%dma_start3A_240 : memref<4096xf32, #tpu.memory_space<vmem>>) target(%dma_start3A_238 : memref<4096xf32, #tpu.memory_space<hbm>>) target_semaphore(%arg16 : memref<!tpu.dma_semaphore, #tpu.memory_space<semaphore_mem>>)
      %dma_start3A_241 = arith.constant 8192 : i32
      %dma_start3A_242 = tpu.memref_slice %arg10[%dma_start3A_241] : memref<16384xf32, #tpu.memory_space<vmem>> -> memref<4096xf32, #tpu.memory_space<vmem>>
      %dma_start3A_243 = tpu.memref_slice %arg4[%add3A_221] : memref<104857600xf32, #tpu.memory_space<hbm>> -> memref<4096xf32, #tpu.memory_space<hbm>>
      %dma_start3A_244 = tpu.memref_slice %arg4[%add3A_221] : memref<104857600xf32, #tpu.memory_space<hbm>> -> memref<4096xf32, #tpu.memory_space<hbm>>
      %dma_start3A_245 = arith.constant 8192 : i32
      %dma_start3A_246 = tpu.memref_slice %arg10[%dma_start3A_245] : memref<16384xf32, #tpu.memory_space<vmem>> -> memref<4096xf32, #tpu.memory_space<vmem>>
      tpu.enqueue_dma source(%dma_start3A_246 : memref<4096xf32, #tpu.memory_space<vmem>>) target(%dma_start3A_244 : memref<4096xf32, #tpu.memory_space<hbm>>) target_semaphore(%arg16 : memref<!tpu.dma_semaphore, #tpu.memory_space<semaphore_mem>>)
      %dma_start3A_247 = arith.constant 12288 : i32
      %dma_start3A_248 = tpu.memref_slice %arg10[%dma_start3A_247] : memref<16384xf32, #tpu.memory_space<vmem>> -> memref<4096xf32, #tpu.memory_space<vmem>>
      %dma_start3A_249 = tpu.memref_slice %arg4[%add3A_228] : memref<104857600xf32, #tpu.memory_space<hbm>> -> memref<4096xf32, #tpu.memory_space<hbm>>
      %dma_start3A_250 = tpu.memref_slice %arg4[%add3A_228] : memref<104857600xf32, #tpu.memory_space<hbm>> -> memref<4096xf32, #tpu.memory_space<hbm>>
      %dma_start3A_251 = arith.constant 12288 : i32
      %dma_start3A_252 = tpu.memref_slice %arg10[%dma_start3A_251] : memref<16384xf32, #tpu.memory_space<vmem>> -> memref<4096xf32, #tpu.memory_space<vmem>>
      tpu.enqueue_dma source(%dma_start3A_252 : memref<4096xf32, #tpu.memory_space<vmem>>) target(%dma_start3A_250 : memref<4096xf32, #tpu.memory_space<hbm>>) target_semaphore(%arg16 : memref<!tpu.dma_semaphore, #tpu.memory_space<semaphore_mem>>)
    }
    %scan3A_62 = arith.constant 100 : i32
    %dma_wait3A_63 = arith.constant 0 : i32
    %dma_wait3A_64 = tpu.memref_slice %arg4[%dma_wait3A_63] : memref<104857600xf32, #tpu.memory_space<hbm>> -> memref<16384xf32, #tpu.memory_space<hbm>>
    %dma_wait3A_65 = arith.constant 0 : i32
    %dma_wait3A_66 = tpu.memref_slice %arg4[%dma_wait3A_65] : memref<104857600xf32, #tpu.memory_space<hbm>> -> memref<16384xf32, #tpu.memory_space<hbm>>
    tpu.wait_dma2 semaphore(%arg15 : memref<!tpu.dma_semaphore, #tpu.memory_space<semaphore_mem>>) src(%arg9 : memref<16384xf32, #tpu.memory_space<vmem>>) dst(%dma_wait3A_66 : memref<16384xf32, #tpu.memory_space<hbm>>)
    %dma_wait3A_67 = arith.constant 0 : i32
    %dma_wait3A_68 = tpu.memref_slice %arg4[%dma_wait3A_67] : memref<104857600xf32, #tpu.memory_space<hbm>> -> memref<16384xf32, #tpu.memory_space<hbm>>
    %dma_wait3A_69 = arith.constant 0 : i32
    %dma_wait3A_70 = tpu.memref_slice %arg4[%dma_wait3A_69] : memref<104857600xf32, #tpu.memory_space<hbm>> -> memref<16384xf32, #tpu.memory_space<hbm>>
    tpu.wait_dma2 semaphore(%arg16 : memref<!tpu.dma_semaphore, #tpu.memory_space<semaphore_mem>>) src(%arg10 : memref<16384xf32, #tpu.memory_space<vmem>>) dst(%dma_wait3A_70 : memref<16384xf32, #tpu.memory_space<hbm>>)
    return
  }
}

</mosaic_0001>

<sc_bundles>
// kernel: kernel.3.cloned.1.call-start
scs
__scs_entry_jumppad:
0x0: {  	(pc) =	sbr.rel $0x88, $3  }
0x1: {  	(tag) =	ssettag $0x0;
	lr =	simm.s32 $0x1  }
0x2: {  	[smem:$0x3F9F] =	sst lr;
	_ =	strace $0xD0000000  }
0x3: {  	_ = 	snop  }
0x4: {  	_ = 	snop  }
0x5: {  	_ = 	snop  }
0x6: {  	_ = 	snop  }
0x7: {  	_ = 	snop  }
__scs_overlays_trampoline_lowered:
0x8: {  	[smem:$0x3FAE] =	sst s0  }
0x9: {  	[smem:$0x3FAF] =	sst s1  }
0xa: {  	[smem:$0x3FB0] =	sst s2  }
0xb: {  	[smem:$0x3FB1] =	sst s3  }
0xc: {  	[smem:$0x3FB2] =	sst s4  }
0xd: {  	[smem:$0x3FB3] =	sst s5  }
0xe: {  	[smem:$0x3FB4] =	sst s6  }
0xf: {  	[smem:$0x3FB5] =	sst s7  }
0x10: {  	[smem:$0x3FB6] =	sst s8  }
0x11: {  	[smem:$0x3FB7] =	sst s9;
	s0 =	simm.s32 @!p0 $0x0  }
0x12: {  	s1 =	sld [smem:$0x3F9D];
	s0 =	simm.s32 @p0 $0x1  }
0x13: {  	[smem:$0x3FB8] =	sst s0;
	s0 =	simm.s32 @!p1 $0x0  }
0x14: {  	s2 =	sld [smem:$0x3F9C];
	s0 =	simm.s32 @p1 $0x1  }
0x15: {  	[smem:$0x3FB9] =	sst s0;
	s0 =	simm.s32 @!p2 $0x0  }
0x16: {  	s3 =	sld [smem:$0x3FDB];
	s0 =	simm.s32 @p2 $0x1  }
0x17: {  	s4 =	simm.s32 $0x1BF5;
	[smem:$0x3FBB] =	sst s0  }
0x18: {  	s0 =	sld [smem:$0x3F9E];
	_ =	swait.ge [sflag:s4], $0x0  }
0x19: {  	s7 =	sld [smem:$0x3F9F]  }
0x1a: {  	s8 =	sadd.s32 $0xFFFFE003, lr  }
0x1b: {  	s9 =	sadd.s32 $0xFFFFFEF7, lr;
	s5 =	simm.s32 $0xFFFFFFFF;
	p2 =	slt.u32 s8, $0xFFFFF086  }
0x1c: {  	p1 =	slt.u32 s9, $0xF7A;
	s5 =	simm.s32 @!p2 $0x0  }
0x1d: {  	s5 =	simm.s32 @p1 $0x1;
	p0 =	seq.s32 s7, s2  }
0x1e: {  	s7 =	smul.u32 @!p0 $0xF7A, s2;
	p2 =	seq.s32 @!p0 s5, $0x0  }
0x1f: {  	s9 =	smul.u32 $0xF7A, s1;
	s8 =	simm.s32 @!p0 $0x1BF5;
	p2 =	por !p2, p0  }
0x20: {  	[sflag:s8] =	ssyncset.s32 @!p0 $0xFFFFF086;
	s6 =	sadd.s32 @!p0 s3, s7;
	s7 =	simm.s32 @!p0 $0x108  }
0x21: {  	s3 =	sadd.s32 s3, s9;
	s6 =	sadd.s32 @!p0 $0x88, s6;
	s7 =	simm.s32 @p2 $0x1082  }
0x22: {  	[simem:s7], [sflag:s8] =	dma.local @!p0 [hbm:s6], $0xF7A  }
0x23: {  	s9 =	sor.u32 $0xD0000000, s2;
	s6 =	simm.s32 $0x108;
	_ =	swait.ge @!p0 [sflag:s8], $0x0  }
0x24: {  	s3 =	sadd.s32 $0x88, s3;
	s6 =	simm.s32 @!p1 $0x1082;
	[sflag:s4] =	ssyncset.s32 $0xFFFFF086  }
0x25: {  	[simem:s6], [sflag:s4] =	dma.local [hbm:s3], $0xF7A  }
0x26: {  	[smem:$0x3F9F] =	sst s1;
	(tag) =	ssettag s2;
	_ =	strace s9  }
0x27: {  	s1 =	sld [smem:$0x3FAF]  }
0x28: {  	s2 =	sld [smem:$0x3FB0]  }
0x29: {  	s4 =	sld [smem:$0x3FB2]  }
0x2a: {  	p0 =	seq.s32 s5, $0x0;
	s5 =	sld [smem:$0x3FB3]  }
0x2b: {  	s6 =	sld [smem:$0x3FB4]  }
0x2c: {  	s7 =	sld [smem:$0x3FB5]  }
0x2d: {  	s3 =	simm.s32 $0x108;
	s8 =	sld [smem:$0x3FB6]  }
0x2e: {  	s3 =	simm.s32 @!p0 $0x1082;
	s9 =	sld [smem:$0x3FB7]  }
0x2f: {  	lr =	sadd.s32 s0, s3;
	s0 =	sld [smem:$0x3FAE]  }
0x30: {  	s3 =	sld [smem:$0x3FB1]  }
0x31: {  	[smem:$0x3FBA] =	sst s10  }
0x32: {  	s10 =	sld [smem:$0x3FB8];
	_ =	sdelay $0x3  }
0x33: {  	p0 =	seq.s32 s10, $0x1;
	s10 =	sld [smem:$0x3FBA];
	_ =	sdelay $0x3  }
0x34: {  	[smem:$0x3FBA] =	sst s10  }
0x35: {  	s10 =	sld [smem:$0x3FB9];
	_ =	sdelay $0x3  }
0x36: {  	p1 =	seq.s32 s10, $0x1;
	s10 =	sld [smem:$0x3FBA];
	_ =	sdelay $0x3  }
0x37: {  	[smem:$0x3FBA] =	sst s10  }
0x38: {  	s10 =	sld [smem:$0x3FBB]  }
0x39: {  	_ = 	snop;
	(pc) =	sbr.ind lr, $3  }
0x3a: {  	_ = 	snop  }
0x3b: {  	_ = 	snop  }
0x3c: {  	p2 =	seq.s32 s10, $0x1;
	s10 =	sld [smem:$0x3FBA]  }
0x3d: {  	_ =	shalt  }
0x3e: {  	_ =	shalt  }
0x3f: {  	_ =	shalt  }
0x40: {  	_ =	shalt  }
0x41: {  	_ =	shalt  }
0x42: {  	_ =	shalt  }
0x43: {  	_ =	shalt  }
0x44: {  	_ =	shalt  }
0x45: {  	_ =	shalt  }
0x46: {  	_ =	shalt  }
0x47: {  	_ =	shalt  }
0x48: {  	_ =	shalt  }
0x49: {  	_ =	shalt  }
0x4a: {  	_ =	shalt  }
0x4b: {  	_ =	shalt  }
0x4c: {  	_ =	shalt  }
0x4d: {  	_ =	shalt  }
0x4e: {  	_ =	shalt  }
0x4f: {  	_ =	shalt  }
0x50: {  	_ =	shalt  }
0x51: {  	_ =	shalt  }
0x52: {  	_ =	shalt  }
0x53: {  	_ =	shalt  }
0x54: {  	_ =	shalt  }
0x55: {  	_ =	shalt  }
0x56: {  	_ =	shalt  }
0x57: {  	_ =	shalt  }
0x58: {  	_ =	shalt  }
0x59: {  	_ =	shalt  }
0x5a: {  	_ =	shalt  }
0x5b: {  	_ =	shalt  }
0x5c: {  	_ =	shalt  }
0x5d: {  	_ =	shalt  }
0x5e: {  	_ =	shalt  }
0x5f: {  	_ =	shalt  }
0x60: {  	_ =	shalt  }
0x61: {  	_ =	shalt  }
0x62: {  	_ =	shalt  }
0x63: {  	_ =	shalt  }
0x64: {  	_ =	shalt  }
0x65: {  	_ =	shalt  }
0x66: {  	_ =	shalt  }
0x67: {  	_ =	shalt  }
0x68: {  	_ =	shalt  }
0x69: {  	_ =	shalt  }
0x6a: {  	_ =	shalt  }
0x6b: {  	_ =	shalt  }
0x6c: {  	_ =	shalt  }
0x6d: {  	_ =	shalt  }
0x6e: {  	_ =	shalt  }
0x6f: {  	_ =	shalt  }
0x70: {  	_ =	shalt  }
0x71: {  	_ =	shalt  }
0x72: {  	_ =	shalt  }
0x73: {  	_ =	shalt  }
0x74: {  	_ =	shalt  }
0x75: {  	_ =	shalt  }
0x76: {  	_ =	shalt  }
0x77: {  	_ =	shalt  }
0x78: {  	_ =	shalt  }
0x79: {  	_ =	shalt  }
0x7a: {  	_ =	shalt  }
0x7b: {  	_ =	shalt  }
0x7c: {  	_ =	shalt  }
0x7d: {  	_ =	shalt  }
0x7e: {  	_ =	shalt  }
0x7f: {  	_ =	shalt  }
0x80: {  	_ =	shalt  }
0x81: {  	_ =	shalt  }
0x82: {  	_ =	shalt  }
0x83: {  	_ =	shalt  }
0x84: {  	_ =	shalt  }
0x85: {  	_ =	shalt  }
0x86: {  	_ =	shalt  }
0x87: {  	_ =	shalt  }
.Lfunc_end0:
.L_simem_size_0:
called_computation_lowered:
.L_overlay_start_0:
0x88: {  	s2 =	sld [smem:$0x3FD9]  }
0x89: {  	s3 =	sld [smem:$0x3FFE];
	_ =	sdelay $0x1  }
0x8a: {  	s1 =	srdreg.scid  }
0x8b: {  	s0 =	sand.u32 $0x1, s1  }
0x8c: {  	s17 =	sshll.u32 s0, $0xA;
	s2 =	sadd.s32 s3, s2  }
0x8d: {  	s2 =	sadd.s32 s2, s17  }
0x8e: {  	[smem:$0x3FC6] =	sst s2  }
0x8f: {  	_ = 	snop  }
0x90: {  	s2 =	sld [smem:$0x3FD0];
	(tm) =	ssettm $0x1  }
0x91: {  	s18 =	sld [smem:$0x3FFB];
	_ =	sdelay $0x3  }
0x92: {  	_ =	strace s18  }
0x93: {  	s3 =	sld [smem:$0x3FFC];
	_ =	sdelay $0x3  }
0x94: {  	_ =	strace s3  }
0x95: {  	s3 =	sld [smem:$0x3FFD];
	_ =	sdelay $0x3  }
0x96: {  	_ =	strace s3  }
0x97: {  	_ =	strace $0x8FFFFFFF  }
0x98: {  	s19 =	sld [smem:$0x3FDB];
	_ =	sdelay $0x1  }
0x99: {  	s4 =	simm.s32 $_scs_section_size  }
0x9a: {  	s5 =	simm.s32 $_size__tile_overlayer_lowered;
	s6 =	simm.s32 $_tile_overlayer_lowered  }
0x9b: {  	s22 =	simm.s32 $0x1BFF;
	s21 =	sshll.u32 s6, $0x1;
	s3 =	sadd.s32 s4, s19  }
0x9c: {  	s7 =	simm.s32 $0x0;
	s20 =	sshll.u32 s5, $0x1;
	s5 =	sadd.s32 s21, s3  }
0x9d: {  	[timem:s7], [sflag:s22] =	dma.local [hbm:s5], s20  }
0x9e: {  	_ =	swait.ge [sflag:s22], s20  }
0x9f: {  	s4 =	ssub.s32 $0x0, s20;
	[sflag:s22] =	ssyncset.done $0x0  }
0xa0: {  	[sflag:s22] =	ssyncadd.s32 s4;
	_ =	sdelay $0x1  }
0xa1: {  	s23 =	simm.s32 $0x1B8B  }
0xa2: {  	_ =	swait.ge [sflag:s23], $0x1  }
0xa3: {  	[sflag:s23] =	ssyncset.done $0x0  }
0xa4: {  	s25 =	simm.s32 $0x1B8E;
	s24 =	sld [smem:$0x3FFE];
	[sflag:s23] =	ssyncadd.s32 $0xFFFFFFFF  }
0xa5: {  	s26 =	simm.s32 $execute0_lowered;
	[smem:$0x3FD2] =	sst s25  }
0xa6: {  	s5 =	sshll.u32 s26, $0x1;
	_ =	strace $0x80000046;
	[dreg:$0x1] =	wrdreg $0xFFFFFFFF  }
0xa7: {  	s28 =	simm.s32 $_size_execute0_lowered;
	s3 =	sadd.s32 s3, s5;
	[dreg:$0x0] =	wrdreg $0x0  }
0xa8: {  	s5 =	sshll.u32 s28, $0x1;
	[dreg:$0x2] =	wrdreg s3  }
0xa9: {  	[dreg:$0x3] =	wrdreg s5  }
0xaa: {  	[dreg:$0x4] =	wrdreg $0xC0  }
0xab: {  	_ =	task [dreg:s7], $0x5FFFF  }
0xac: {  	[dreg:$0x1] =	wrdreg $0xFFFFFFFF  }
0xad: {  	[dreg:$0x0] =	wrdreg $0x60  }
0xae: {  	[dreg:$0x2] =	wrdreg s24  }
0xaf: {  	[dreg:$0x3] =	wrdreg s2  }
0xb0: {  	[dreg:$0x4] =	wrdreg $0x9  }
0xb1: {  	_ =	task.clear_ibuf [dreg:s7], $0x5FFFF;
	_ =	strace $0x90000046  }
0xb2: {  	s29 =	simm.s32 $0x9;
	_ =	strace $0x80000048  }
0xb3: {  	_ =	swait.ge [sflag:s29], $0x1  }
0xb4: {  	[sflag:s29] =	ssyncadd.s32 $0xFFFFFFFF  }
0xb5: {  	_ =	strace $0x90000048  }
0xb6: {  	_ =	sfence  }
0xb7: {  	s30 =	sld [smem:$0x0];
	_ =	sdelay $0x2  }
0xb8: {  	s31 =	sshll.u32 s1, $0xD;
	s1 =	sshrl.u32 s1, $0x2  }
0xb9: {  	s3 =	sand.u32 $0x4000, s31;
	s1 =	sadd.s32 s1, s30  }
0xba: {  	s0 =	sor.u32 s3, s0;
	s1 =	sshll.u32 s1, $0x11  }
0xbb: {  	s0 =	sor.u32 s1, s0  }
0xbc: {  	s0 =	sadd.s32 $0x8F2B, s0  }
0xbd: {  	[sflag:s0] =	ssyncadd.remote.s32 $0x1  }
0xbe: {  	_ =	sfence.sel $0xFFFF  }
0xbf: {  	[dreg:$0x0] =	wrdreg $0xFFFFFFFF;
	(pc) =	sbr.abs _section_cstart, $3  }
0xc0: {  	[dreg:$0x1] =	wrdreg $0xFFFFFFFF  }
0xc1: {  	_ =	task.clear_ibuf [dreg:s7], $0x2FFFF;
	_ =	strace $0x9FFFFFFF  }
0xc2: {  	(tm) =	ssettm $0x7FFFFFFF  }
0xc3: {  	_ =	shalt  }
tec
execute0_lowered:
.L_overlay_start_1:
0x0: {  	(tag) =	ssettag $0x1  }
0x1: {  	v6 =	vlaneseq.u32;
	s0 =	rddreg [dreg:$0x0];
	s3 =	simm.s32 $0x0  }
0x2: {  	[smem:$0x7FF] =	sst s3;
	v56 =	vor.u32 $0x420, v6  }
0x3: {  	s1 =	rddreg [dreg:$0x1];
	v58 =	vor.u32 $0x430, v6;
	_ =	strace $0x80000047;
	[tilespmem:$0x1FC20] =	vst v56  }
0x4: {  	v60 =	vor.u32 $0x440, v6;
	[tilespmem:$0x1FC40] =	vst v58  }
0x5: {  	v62 =	vor.u32 $0x450, v6;
	[tilespmem:$0x1FC60] =	vst v60  }
0x6: {  	v32 =	vor.u32 $0x460, v6;
	[tilespmem:$0x1FC80] =	vst v62  }
0x7: {  	v34 =	vor.u32 $0x470, v6;
	[tilespmem:$0x1FCA0] =	vst v32  }
0x8: {  	v36 =	vor.u32 $0x800, v6;
	[tilespmem:$0x1FCC0] =	vst v34  }
0x9: {  	v38 =	vor.u32 $0x810, v6;
	[tilespmem:$0x1FCE0] =	vst v36  }
0xa: {  	v40 =	vor.u32 $0x820, v6;
	[tilespmem:$0x1FD00] =	vst v38  }
0xb: {  	v42 =	vor.u32 $0x830, v6;
	[tilespmem:$0x1FD20] =	vst v40  }
0xc: {  	v44 =	vor.u32 $0x840, v6;
	[tilespmem:$0x1FD40] =	vst v42  }
0xd: {  	v46 =	vor.u32 $0x850, v6;
	[tilespmem:$0x1FD60] =	vst v44  }
0xe: {  	v48 =	vor.u32 $0x860, v6;
	[tilespmem:$0x1FD80] =	vst v46  }
0xf: {  	v50 =	vor.u32 $0x870, v6;
	[tilespmem:$0x1FDA0] =	vst v48  }
0x10: {  	v52 =	vor.u32 $0xC00, v6;
	[tilespmem:$0x1FDC0] =	vst v50  }
0x11: {  	v54 =	vor.u32 $0xC10, v6;
	[tilespmem:$0x1FDE0] =	vst v52  }
0x12: {  	v2 =	vor.u32 $0xC60, v6;
	[tilespmem:$0x1FE00] =	vst v54  }
0x13: {  	v20 =	vor.u32 $0xC70, v6;
	[tilespmem:$0x1FEC0] =	vst v2  }
0x14: {  	v29 =	vor.u32 $0x410, v6;
	[tilespmem:$0x1FEE0] =	vst v20  }
0x15: {  	v10 =	vor.u32 $0x10, v6;
	[tilespmem:$0x1FEF0] =	vst v29  }
0x16: {  	v12 =	vor.u32 $0x20, v6;
	[tilespmem:$0x1FF00] =	vst v10  }
0x17: {  	v16 =	vor.u32 $0x30, v6;
	[tilespmem:$0x1FF20] =	vst v12  }
0x18: {  	v13 =	vor.u32 $0x40, v6;
	[tilespmem:$0x1FF40] =	vst v16  }
0x19: {  	v17 =	vor.u32 $0x50, v6;
	[tilespmem:$0x1FF60] =	vst v13  }
0x1a: {  	v22 =	vor.u32 $0x60, v6;
	[tilespmem:$0x1FF80] =	vst v17  }
0x1b: {  	v18 =	vor.u32 $0x70, v6;
	[tilespmem:$0x1FFA0] =	vst v22  }
0x1c: {  	v24 =	vor.u32 $0x400, v6;
	[tilespmem:$0x1FFC0] =	vst v18  }
0x1d: {  	v56 =	vor.u32 $0xC20, v6;
	[tilespmem:$0x1FFE0] =	vst v24  }
0x1e: {  	v58 =	vor.u32 $0xC30, v6;
	[tilespmem:$0x1FE20] =	vst v56  }
0x1f: {  	v60 =	vor.u32 $0xC40, v6;
	[tilespmem:$0x1FE40] =	vst v58  }
0x20: {  	v0 =	vmul.u32 $0x20, v6;
	v62 =	vor.u32 $0xC50, v6;
	[tilespmem:$0x1FE60] =	vst v60  }
0x21: {  	[tilespmem:$0x1FE80] =	vst v62  }
0x22: {  	v1 =	vor.u32 $0x1400, v0;
	[tilespmem:$0x1FE90] =	vst v0  }
0x23: {  	v57 =	vor.u32 $0x1600, v0;
	[tilespmem:$0x1FC10] =	vst v1  }
0x24: {  	v59 =	vor.u32 $0x1800, v0;
	[tilespmem:$0x1FC30] =	vst v57  }
0x25: {  	v61 =	vor.u32 $0x1A00, v0;
	[tilespmem:$0x1FC50] =	vst v59  }
0x26: {  	v63 =	vor.u32 $0x1C00, v0;
	[tilespmem:$0x1FC70] =	vst v61  }
0x27: {  	v33 =	vor.u32 $0x1E00, v0;
	[tilespmem:$0x1FC90] =	vst v63  }
0x28: {  	v35 =	vor.u32 $0x2000, v0;
	[tilespmem:$0x1FCB0] =	vst v33  }
0x29: {  	v37 =	vor.u32 $0x2200, v0;
	[tilespmem:$0x1FCD0] =	vst v35  }
0x2a: {  	v39 =	vor.u32 $0x2400, v0;
	[tilespmem:$0x1FCF0] =	vst v37  }
0x2b: {  	v41 =	vor.u32 $0x2600, v0;
	[tilespmem:$0x1FD10] =	vst v39  }
0x2c: {  	v43 =	vor.u32 $0x2800, v0;
	[tilespmem:$0x1FD30] =	vst v41  }
0x2d: {  	v45 =	vor.u32 $0x2A00, v0;
	[tilespmem:$0x1FD50] =	vst v43  }
0x2e: {  	v47 =	vor.u32 $0x2C00, v0;
	[tilespmem:$0x1FD70] =	vst v45  }
0x2f: {  	v49 =	vor.u32 $0x2E00, v0;
	[tilespmem:$0x1FD90] =	vst v47  }
0x30: {  	v51 =	vor.u32 $0x3000, v0;
	[tilespmem:$0x1FDB0] =	vst v49  }
0x31: {  	v53 =	vor.u32 $0x3200, v0;
	[tilespmem:$0x1FDD0] =	vst v51  }
0x32: {  	v55 =	vor.u32 $0x3400, v0;
	[tilespmem:$0x1FDF0] =	vst v53  }
0x33: {  	s2 =	srdreg.scid;
	v4 =	vor.u32 $0x200, v0;
	[tilespmem:$0x1FE10] =	vst v55  }
0x34: {  	s4 =	stileid.u32;
	s15 =	simm.s32 $0x1;
	s16 =	simm.s32 $0x80;
	v19 =	vor.u32 $0x3E00, v0;
	[tilespmem:$0x1FEA0] =	vst v4  }
0x35: {  	s17 =	simm.s32 $0x400;
	s23 =	simm.s32 $0x200;
	s24 =	simm.s32 $0x2;
	v11 =	vor.u32 $0x400, v0;
	[tilespmem:$0x1FED0] =	vst v19  }
0x36: {  	s25 =	simm.s32 $0x4400;
	s18 =	simm.s32 $0xB400;
	s19 =	simm.s32 $0x4;
	v15 =	vor.u32 $0x600, v0;
	[tilespmem:$0x1FF10] =	vst v11  }
0x37: {  	s20 =	simm.s32 $0x6;
	s21 =	simm.s32 $0xC400;
	s22 =	simm.s32 $0xD400;
	v5 =	vor.u32 $0x800, v0;
	[tilespmem:$0x1FF30] =	vst v15  }
0x38: {  	s13 =	simm.s32 $0xE400;
	s26 =	simm.s32 $0xF400;
	s28 =	simm.s32 $0x5;
	v9 =	vor.u32 $0xA00, v0;
	[tilespmem:$0x1FF50] =	vst v5  }
0x39: {  	s14 =	simm.s32 $0x0;
	s2 =	sand.u32 $0x1, s2;
	s4 =	sshll.u32 s4, $0x1;
	v21 =	vor.u32 $0xC00, v0;
	[tilespmem:$0x1FF70] =	vst v9  }
0x3a: {  	s5 =	sadd.s32 $0xF42A00, s0;
	s10 =	sadd.s32 $0x4000, s1;
	s6 =	sor.u32 s2, s4;
	v14 =	vor.u32 $0xE00, v0;
	[tilespmem:$0x1FF90] =	vst v21  }
0x3b: {  	s11 =	sadd.s32 $0x8000, s1;
	s29 =	ssub.s32 $0x2, s2;
	s7 =	smul.u32 $0x3200, s6;
	v23 =	vor.u32 $0x1000, v0;
	[tilespmem:$0x1FFB0] =	vst v14  }
0x3c: {  	s4 =	sadd.s32 $0x600, s0;
	v25 =	vor.u32 $0x1200, v0;
	s2 =	sshrl.u32 s29, $0x1;
	s8 =	smul.u32 $0x19000, s6;
	[tilespmem:$0x1FFD0] =	vst v23  }
0x3d: {  	s12 =	sadd.s32 $0xC000, s1;
	s0 =	ssub.s32 s29, s2;
	v57 =	vor.u32 $0x3600, v0;
	[tilespmem:$0x1FFF0] =	vst v25;
	s9 =	sadd.s32 s4, s7  }
0x3e: {  	s2 =	simm.s32 $0x3;
	v59 =	vor.u32 $0x3800, v0;
	s31 =	sor.u32 $0x600, s8;
	[tilespmem:$0x1FE30] =	vst v57;
	[dreg:$0x3] =	wrdreg s9  }
0x3f: {  	v61 =	vor.u32 $0x3A00, v0;
	s7 =	smul.u32 $0x320, s6;
	s0 =	smax.u32 s0, $0x1;
	[tilespmem:$0x1FE50] =	vst v59;
	[dreg:$0x5] =	wrdreg s31  }
0x40: {  	v63 =	vor.u32 $0x3C00, v0;
	s6 =	simm.s32 $0xA400;
	[tilespmem:$0x1FE70] =	vst v61;
	s30 =	sadd.s32 $0x40, s9;
	[dreg:$0x6] =	wrdreg s0  }
0x41: {  	[tilespmem:$0x1FEB0] =	vst v63;
	s9 =	sor.u32 $0x400, s8;
	s8 =	simm.s32 $0x8400;
	[dreg:$0x4] =	wrdreg s30  }
.LBB2_1:
0x42: {  	[dreg:$0x7] =	wrdreg s14  }
0x43: {  	s0 =	rddreg [dreg:$0x3]  }
0x44: {  	[tilespmem:s3], [sflag:$0x1] =	stream.linear.gather [hbm4b:s0+s3], $0x200, $0x38;
	[tilespmem:$0x10400] =	vst v63  }
0x45: {  	_ =	swait.ge [sflag:s15], $0x200  }
0x46: {  	[sflag:s15] =	ssyncset.done $0x0  }
0x47: {  	[sflag:s15] =	ssyncadd.s32 $0xFFFFFE00  }
0x48: {  	[tilespmem:s17], [sflag:$0x3] =	stream.indirect.gather [hbm4b:s5+s16], $0x20, s3, s16, $0xb8;
	[tilespmem:$0x10400] =	vst v63  }
0x49: {  	s14 =	simm.s32 $0x1400  }
0x4a: {  	[tilespmem:s14], [sflag:$0x3] =	stream.indirect.gather [hbm4b:s5+s16], $0x20, s16, s16, $0xb8;
	[tilespmem:$0x10400] =	vst v63  }
0x4b: {  	s30 =	simm.s32 $0x100;
	s31 =	simm.s32 $0x2400  }
0x4c: {  	[tilespmem:s31], [sflag:$0x3] =	stream.indirect.gather [hbm4b:s5+s16], $0x20, s30, s16, $0xb8;
	[tilespmem:$0x10400] =	vst v63  }
0x4d: {  	s14 =	simm.s32 $0x180;
	s30 =	simm.s32 $0x3400  }
0x4e: {  	[tilespmem:s30], [sflag:$0x3] =	stream.indirect.gather [hbm4b:s5+s16], $0x20, s14, s16, $0xb8;
	[tilespmem:$0x10400] =	vst v63  }
0x4f: {  	s29 =	simm.s32 $0x0;
	s31 =	rddreg [dreg:$0x4]  }
0x50: {  	[tilespmem:s23], [sflag:$0x2] =	stream.linear.gather [hbm4b:s31+s3], $0x200, $0x38;
	[tilespmem:$0x10400] =	vst v63  }
.LBB2_2:
0x51: {  	_ =	swait.ge [sflag:s24], $0x200  }
0x52: {  	[sflag:s24] =	ssyncset.done $0x0  }
0x53: {  	[sflag:s24] =	ssyncadd.s32 $0xFFFFFE00  }
0x54: {  	[tilespmem:s25], [sflag:$0x4] =	stream.indirect.gather [hbm4b:s5+s16], $0x20, s23, s16, $0xb8;
	[tilespmem:$0x10400] =	vst v63  }
0x55: {  	s0 =	simm.s32 $0x280;
	s14 =	simm.s32 $0x5400;
	p0 =	seq.s32 s29, $0x63  }
0x56: {  	[tilespmem:s14], [sflag:$0x4] =	stream.indirect.gather [hbm4b:s5+s16], $0x20, s0, s16, $0xb8;
	[tilespmem:$0x10400] =	vst v63  }
0x57: {  	s30 =	simm.s32 $0x300;
	s31 =	simm.s32 $0x6400;
	p1 =	seq.s32 @!p0 s29, $0x0  }
0x58: {  	[tilespmem:s31], [sflag:$0x4] =	stream.indirect.gather [hbm4b:s5+s16], $0x20, s30, s16, $0xb8;
	[tilespmem:$0x10400] =	vst v63  }
0x59: {  	p1 =	por p0, !p1;
	s30 =	simm.s32 $0x380;
	s31 =	simm.s32 $0x7400  }
0x5a: {  	[tilespmem:s31], [sflag:$0x4] =	stream.indirect.gather [hbm4b:s5+s16], $0x20, s30, s16, $0xb8;
	[tilespmem:$0x10400] =	vst v63  }
.Ltmp0:
0x5b: {  	s0 =	sshll.u32 @!p0 s29, $0xA;
	(pc) =	sbr.rel @!p1 .LBB2_3-.Ltmp0, $4  }
0x5c: {  	s0 =	sadd.s32 @!p0 s0, s9;
	_ =	swait.ge [sflag:s2], $0x4000  }
0x5d: {  	s0 =	sshrl.u32 @!p0 s0, $0x3;
	[sflag:s2] =	ssyncset.done $0x0  }
0x5e: {  	s0 =	sadd.s32 @!p0 s4, s0;
	s30 =	simm.s32 @!p0 $0x0;
	[sflag:s2] =	ssyncadd.s32 $0xFFFFC000  }
0x5f: {  	[tilespmem:s30], [sflag:$0x1] =	stream.linear.gather @!p0 [hbm4b:s0+s30], $0x200, $0x38;
	[tilespmem:$0x10400] =	vst v63  }
.Ltmp1:
0x60: {  	(pc) =	sbr.rel .LBB2_5-.Ltmp1, $4  }
0x61: {  	_ = 	snop  }
0x62: {  	_ =	swait.ge [sflag:s28], $0x4000  }
0x63: {  	[sflag:s28] =	ssyncset.done $0x0;
	v7 =	vld [tilespmem:$0x1FE90]  }
0x64: {  	p0 =	por $0x0, $0x0;
	[sflag:s28] =	ssyncadd.s32 $0xFFFFC000  }
.LBB2_3:
0x65: {  	v7 =	vld [tilespmem:$0x1FE90]  }
0x66: {  	p0 =	por @!p0 $0x1, $0x1  }
.LBB2_5:
0x67: {  	s0 =	simm.s32 $0x0  }
0x68: {  	v0 =	vadd.s32 s0, v6  }
0x69: {  	v3 =	vand.u32 $0xF, v0  }
0x6a: {  	v1 =	vor.u32 v7, v3;
	_ =	sdelay $0x1  }
0x6b: {  	v2 =	vshll.u32 v0, $0x9;
	v0 =	vshll.u32 v0, $0x7  }
0x6c: {  	v2 =	vand.u32 $0x1000, v2;
	v0 =	vand.u32 $0x380, v0  }
0x6d: {  	v2 =	vor.u32 v0, v2  }
0x6e: {  	v0 =	vld.idx.msk [tilespmem:v1+s17+$0x0], $0xffff;
	v1 =	vor.u32 v6, v2  }
0x6f: {  	v4 =	vor.u32 v4, v3;
	_ =	sdelay $0x3  }
0x70: {  	[tilespmem:v1+s8+$0x0] =	vst.idx.msk $0xffff, v0  }
0x71: {  	v1 =	vor.u32 v10, v2;
	v0 =	vld.idx.msk [tilespmem:v4+s17+$0x0], $0xffff  }
0x72: {  	v4 =	vor.u32 v11, v3;
	_ =	sdelay $0x3  }
0x73: {  	[tilespmem:v1+s8+$0x0] =	vst.idx.msk $0xffff, v0  }
0x74: {  	v1 =	vor.u32 v12, v2;
	v0 =	vld.idx.msk [tilespmem:v4+s17+$0x0], $0xffff  }
0x75: {  	v4 =	vor.u32 v15, v3;
	_ =	sdelay $0x3  }
0x76: {  	[tilespmem:v1+s8+$0x0] =	vst.idx.msk $0xffff, v0  }
0x77: {  	v1 =	vor.u32 v16, v2;
	v0 =	vld.idx.msk [tilespmem:v4+s17+$0x0], $0xffff  }
0x78: {  	v4 =	vor.u32 v5, v3;
	_ =	sdelay $0x3  }
0x79: {  	[tilespmem:v1+s8+$0x0] =	vst.idx.msk $0xffff, v0  }
0x7a: {  	v1 =	vor.u32 v13, v2;
	v0 =	vld.idx.msk [tilespmem:v4+s17+$0x0], $0xffff  }
0x7b: {  	v4 =	vor.u32 v9, v3;
	_ =	sdelay $0x3  }
0x7c: {  	[tilespmem:v1+s8+$0x0] =	vst.idx.msk $0xffff, v0  }
0x7d: {  	v1 =	vor.u32 v17, v2;
	v0 =	vld.idx.msk [tilespmem:v4+s17+$0x0], $0xffff  }
0x7e: {  	v4 =	vor.u32 v21, v3;
	_ =	sdelay $0x3  }
0x7f: {  	[tilespmem:v1+s8+$0x0] =	vst.idx.msk $0xffff, v0  }
0x80: {  	v1 =	vor.u32 v22, v2;
	v0 =	vld.idx.msk [tilespmem:v4+s17+$0x0], $0xffff  }
0x81: {  	v4 =	vor.u32 v14, v3;
	_ =	sdelay $0x3  }
0x82: {  	[tilespmem:v1+s8+$0x0] =	vst.idx.msk $0xffff, v0  }
0x83: {  	v1 =	vor.u32 v18, v2;
	v0 =	vld.idx.msk [tilespmem:v4+s17+$0x0], $0xffff  }
0x84: {  	v4 =	vor.u32 v23, v3;
	_ =	sdelay $0x3  }
0x85: {  	[tilespmem:v1+s8+$0x0] =	vst.idx.msk $0xffff, v0  }
0x86: {  	v1 =	vor.u32 v24, v2;
	v0 =	vld.idx.msk [tilespmem:v4+s17+$0x0], $0xffff  }
0x87: {  	v4 =	vor.u32 v25, v3;
	_ =	sdelay $0x3  }
0x88: {  	[tilespmem:v1+s8+$0x0] =	vst.idx.msk $0xffff, v0  }
0x89: {  	v0 =	vld.idx.msk [tilespmem:v4+s17+$0x0], $0xffff  }
0x8a: {  	v4 =	vld [tilespmem:$0x1FC10];
	_ =	sdelay $0x3  }
0x8b: {  	v1 =	vor.u32 v29, v2  }
0x8c: {  	v26 =	vld [tilespmem:$0x1FC20];
	v4 =	vor.u32 v4, v3  }
0x8d: {  	v27 =	vld [tilespmem:$0x1FC30];
	_ =	sdelay $0x2  }
0x8e: {  	[tilespmem:v1+s8+$0x0] =	vst.idx.msk $0xffff, v0  }
0x8f: {  	v1 =	vor.u32 v26, v2;
	v0 =	vld.idx.msk [tilespmem:v4+s17+$0x0], $0xffff  }
0x90: {  	v28 =	vld [tilespmem:$0x1FC40];
	v4 =	vor.u32 v27, v3  }
0x91: {  	v29 =	vld [tilespmem:$0x1FC50];
	_ =	sdelay $0x2  }
0x92: {  	[tilespmem:v1+s8+$0x0] =	vst.idx.msk $0xffff, v0  }
0x93: {  	v1 =	vor.u32 v28, v2;
	v0 =	vld.idx.msk [tilespmem:v4+s17+$0x0], $0xffff  }
0x94: {  	v30 =	vld [tilespmem:$0x1FC60];
	v4 =	vor.u32 v29, v3  }
0x95: {  	v31 =	vld [tilespmem:$0x1FC70];
	_ =	sdelay $0x2  }
0x96: {  	[tilespmem:v1+s8+$0x0] =	vst.idx.msk $0xffff, v0  }
0x97: {  	v1 =	vor.u32 v30, v2;
	v0 =	vld.idx.msk [tilespmem:v4+s17+$0x0], $0xffff  }
0x98: {  	v32 =	vld [tilespmem:$0x1FC80];
	v4 =	vor.u32 v31, v3  }
0x99: {  	v33 =	vld [tilespmem:$0x1FC90];
	_ =	sdelay $0x2  }
0x9a: {  	[tilespmem:v1+s8+$0x0] =	vst.idx.msk $0xffff, v0  }
0x9b: {  	v1 =	vor.u32 v32, v2;
	v0 =	vld.idx.msk [tilespmem:v4+s17+$0x0], $0xffff  }
0x9c: {  	v34 =	vld [tilespmem:$0x1FCA0];
	v4 =	vor.u32 v33, v3  }
0x9d: {  	v35 =	vld [tilespmem:$0x1FCB0];
	_ =	sdelay $0x2  }
0x9e: {  	[tilespmem:v1+s8+$0x0] =	vst.idx.msk $0xffff, v0  }
0x9f: {  	v1 =	vor.u32 v34, v2;
	v0 =	vld.idx.msk [tilespmem:v4+s17+$0x0], $0xffff  }
0xa0: {  	v36 =	vld [tilespmem:$0x1FCC0];
	v4 =	vor.u32 v35, v3  }
0xa1: {  	v37 =	vld [tilespmem:$0x1FCD0];
	_ =	sdelay $0x2  }
0xa2: {  	[tilespmem:v1+s8+$0x0] =	vst.idx.msk $0xffff, v0  }
0xa3: {  	v1 =	vor.u32 v36, v2;
	v0 =	vld.idx.msk [tilespmem:v4+s17+$0x0], $0xffff  }
0xa4: {  	v38 =	vld [tilespmem:$0x1FCE0];
	v4 =	vor.u32 v37, v3  }
0xa5: {  	v39 =	vld [tilespmem:$0x1FCF0];
	_ =	sdelay $0x2  }
0xa6: {  	[tilespmem:v1+s8+$0x0] =	vst.idx.msk $0xffff, v0  }
0xa7: {  	v1 =	vor.u32 v38, v2;
	v0 =	vld.idx.msk [tilespmem:v4+s17+$0x0], $0xffff  }
0xa8: {  	v40 =	vld [tilespmem:$0x1FD00];
	v4 =	vor.u32 v39, v3  }
0xa9: {  	v41 =	vld [tilespmem:$0x1FD10];
	_ =	sdelay $0x2  }
0xaa: {  	[tilespmem:v1+s8+$0x0] =	vst.idx.msk $0xffff, v0  }
0xab: {  	v1 =	vor.u32 v40, v2;
	v0 =	vld.idx.msk [tilespmem:v4+s17+$0x0], $0xffff  }
0xac: {  	v42 =	vld [tilespmem:$0x1FD20];
	v4 =	vor.u32 v41, v3  }
0xad: {  	v43 =	vld [tilespmem:$0x1FD30];
	_ =	sdelay $0x2  }
0xae: {  	[tilespmem:v1+s8+$0x0] =	vst.idx.msk $0xffff, v0  }
0xaf: {  	v1 =	vor.u32 v42, v2;
	v0 =	vld.idx.msk [tilespmem:v4+s17+$0x0], $0xffff  }
0xb0: {  	v44 =	vld [tilespmem:$0x1FD40];
	v4 =	vor.u32 v43, v3  }
0xb1: {  	v45 =	vld [tilespmem:$0x1FD50];
	_ =	sdelay $0x2  }
0xb2: {  	[tilespmem:v1+s8+$0x0] =	vst.idx.msk $0xffff, v0  }
0xb3: {  	v1 =	vor.u32 v44, v2;
	v0 =	vld.idx.msk [tilespmem:v4+s17+$0x0], $0xffff  }
0xb4: {  	v46 =	vld [tilespmem:$0x1FD60];
	v4 =	vor.u32 v45, v3  }
0xb5: {  	v47 =	vld [tilespmem:$0x1FD70];
	_ =	sdelay $0x2  }
0xb6: {  	[tilespmem:v1+s8+$0x0] =	vst.idx.msk $0xffff, v0  }
0xb7: {  	v1 =	vor.u32 v46, v2;
	v0 =	vld.idx.msk [tilespmem:v4+s17+$0x0], $0xffff  }
0xb8: {  	v48 =	vld [tilespmem:$0x1FD80];
	v4 =	vor.u32 v47, v3  }
0xb9: {  	v49 =	vld [tilespmem:$0x1FD90];
	_ =	sdelay $0x2  }
0xba: {  	[tilespmem:v1+s8+$0x0] =	vst.idx.msk $0xffff, v0  }
0xbb: {  	v1 =	vor.u32 v48, v2;
	v0 =	vld.idx.msk [tilespmem:v4+s17+$0x0], $0xffff  }
0xbc: {  	v50 =	vld [tilespmem:$0x1FDA0];
	v4 =	vor.u32 v49, v3  }
0xbd: {  	v51 =	vld [tilespmem:$0x1FDB0];
	_ =	sdelay $0x2  }
0xbe: {  	[tilespmem:v1+s8+$0x0] =	vst.idx.msk $0xffff, v0  }
0xbf: {  	v1 =	vor.u32 v50, v2;
	v0 =	vld.idx.msk [tilespmem:v4+s17+$0x0], $0xffff  }
0xc0: {  	v52 =	vld [tilespmem:$0x1FDC0];
	v4 =	vor.u32 v51, v3  }
0xc1: {  	v53 =	vld [tilespmem:$0x1FDD0];
	_ =	sdelay $0x2  }
0xc2: {  	[tilespmem:v1+s8+$0x0] =	vst.idx.msk $0xffff, v0  }
0xc3: {  	v1 =	vor.u32 v52, v2;
	v0 =	vld.idx.msk [tilespmem:v4+s17+$0x0], $0xffff  }
0xc4: {  	v54 =	vld [tilespmem:$0x1FDE0];
	v4 =	vor.u32 v53, v3  }
0xc5: {  	v55 =	vld [tilespmem:$0x1FDF0];
	_ =	sdelay $0x2  }
0xc6: {  	[tilespmem:v1+s8+$0x0] =	vst.idx.msk $0xffff, v0  }
0xc7: {  	v1 =	vor.u32 v54, v2;
	v0 =	vld.idx.msk [tilespmem:v4+s17+$0x0], $0xffff  }
0xc8: {  	v56 =	vld [tilespmem:$0x1FE00];
	v4 =	vor.u32 v55, v3  }
0xc9: {  	v57 =	vld [tilespmem:$0x1FE10];
	_ =	sdelay $0x2  }
0xca: {  	[tilespmem:v1+s8+$0x0] =	vst.idx.msk $0xffff, v0  }
0xcb: {  	v1 =	vor.u32 v56, v2;
	v0 =	vld.idx.msk [tilespmem:v4+s17+$0x0], $0xffff  }
0xcc: {  	v58 =	vld [tilespmem:$0x1FE20];
	v4 =	vor.u32 v57, v3  }
0xcd: {  	v59 =	vld [tilespmem:$0x1FE30];
	_ =	sdelay $0x2  }
0xce: {  	[tilespmem:v1+s8+$0x0] =	vst.idx.msk $0xffff, v0  }
0xcf: {  	v1 =	vor.u32 v58, v2;
	v0 =	vld.idx.msk [tilespmem:v4+s17+$0x0], $0xffff  }
0xd0: {  	v60 =	vld [tilespmem:$0x1FE40];
	v4 =	vor.u32 v59, v3  }
0xd1: {  	v61 =	vld [tilespmem:$0x1FE50];
	_ =	sdelay $0x2  }
0xd2: {  	[tilespmem:v1+s8+$0x0] =	vst.idx.msk $0xffff, v0  }
0xd3: {  	v1 =	vor.u32 v60, v2;
	v0 =	vld.idx.msk [tilespmem:v4+s17+$0x0], $0xffff  }
0xd4: {  	v62 =	vld [tilespmem:$0x1FE60];
	v4 =	vor.u32 v61, v3  }
0xd5: {  	v8 =	vld [tilespmem:$0x1FE70];
	_ =	sdelay $0x2  }
0xd6: {  	[tilespmem:v1+s8+$0x0] =	vst.idx.msk $0xffff, v0  }
0xd7: {  	v1 =	vor.u32 v62, v2;
	v0 =	vld.idx.msk [tilespmem:v4+s17+$0x0], $0xffff  }
0xd8: {  	v4 =	vor.u32 v8, v3;
	_ =	sdelay $0x1  }
0xd9: {  	v63 =	vld [tilespmem:$0x1FE80];
	_ =	sdelay $0x1  }
0xda: {  	[tilespmem:v1+s8+$0x0] =	vst.idx.msk $0xffff, v0  }
0xdb: {  	v0 =	vld.idx.msk [tilespmem:v4+s17+$0x0], $0xffff  }
0xdc: {  	v4 =	vld [tilespmem:$0x1FEB0]  }
0xdd: {  	v1 =	vor.u32 v63, v2;
	_ =	sdelay $0x3  }
0xde: {  	v4 =	vor.u32 v4, v3  }
0xdf: {  	[tilespmem:v1+s8+$0x0] =	vst.idx.msk $0xffff, v0;
	v1 =	vld [tilespmem:$0x1FEC0];
	_ =	sdelay $0x3  }
0xe0: {  	v0 =	vld.idx.msk [tilespmem:v4+s17+$0x0], $0xffff  }
0xe1: {  	v1 =	vor.u32 v1, v2;
	v4 =	vld [tilespmem:$0x1FED0];
	_ =	sdelay $0x4  }
0xe2: {  	v4 =	vor.u32 v4, v3;
	[tilespmem:v1+s8+$0x0] =	vst.idx.msk $0xffff, v0;
	v1 =	vld [tilespmem:$0x1FEE0];
	_ =	sdelay $0x4  }
0xe3: {  	v0 =	vld.idx.msk [tilespmem:v4+s17+$0x0], $0xffff;
	v1 =	vor.u32 v1, v2;
	v4 =	vor.u32 $0x10, v7  }
0xe4: {  	[tilespmem:$0x1F820] =	vst v4;
	v4 =	vor.u32 v4, v3;
	_ =	sdelay $0x3  }
0xe5: {  	[tilespmem:v1+s8+$0x0] =	vst.idx.msk $0xffff, v0;
	v1 =	vor.u32 $0x2000, v6  }
0xe6: {  	v0 =	vld.idx.msk [tilespmem:v4+s17+$0x0], $0xffff;
	[tilespmem:$0x1F830] =	vst v1;
	v1 =	vor.u32 v1, v2;
	v4 =	vor.u32 $0x210, v7  }
0xe7: {  	[tilespmem:$0x1F840] =	vst v4;
	v4 =	vor.u32 v4, v3;
	_ =	sdelay $0x3  }
0xe8: {  	[tilespmem:v1+s8+$0x0] =	vst.idx.msk $0xffff, v0;
	v1 =	vor.u32 $0x2010, v6  }
0xe9: {  	v0 =	vld.idx.msk [tilespmem:v4+s17+$0x0], $0xffff;
	[tilespmem:$0x1F850] =	vst v1;
	v1 =	vor.u32 v1, v2;
	v4 =	vor.u32 $0x410, v7  }
0xea: {  	[tilespmem:$0x1F860] =	vst v4;
	v4 =	vor.u32 v4, v3;
	_ =	sdelay $0x3  }
0xeb: {  	[tilespmem:v1+s8+$0x0] =	vst.idx.msk $0xffff, v0;
	v1 =	vor.u32 $0x2020, v6  }
0xec: {  	v0 =	vld.idx.msk [tilespmem:v4+s17+$0x0], $0xffff;
	[tilespmem:$0x1F870] =	vst v1;
	v1 =	vor.u32 v1, v2;
	v4 =	vor.u32 $0x610, v7  }
0xed: {  	[tilespmem:$0x1F880] =	vst v4;
	v4 =	vor.u32 v4, v3;
	_ =	sdelay $0x3  }
0xee: {  	[tilespmem:v1+s8+$0x0] =	vst.idx.msk $0xffff, v0;
	v1 =	vor.u32 $0x2030, v6  }
0xef: {  	v0 =	vld.idx.msk [tilespmem:v4+s17+$0x0], $0xffff;
	[tilespmem:$0x1F890] =	vst v1;
	v1 =	vor.u32 v1, v2;
	v4 =	vor.u32 $0x810, v7  }
0xf0: {  	[tilespmem:$0x1F8A0] =	vst v4;
	v4 =	vor.u32 v4, v3;
	_ =	sdelay $0x3  }
0xf1: {  	[tilespmem:v1+s8+$0x0] =	vst.idx.msk $0xffff, v0;
	v1 =	vor.u32 $0x2040, v6  }
0xf2: {  	v0 =	vld.idx.msk [tilespmem:v4+s17+$0x0], $0xffff;
	[tilespmem:$0x1F8B0] =	vst v1;
	v1 =	vor.u32 v1, v2;
	v4 =	vor.u32 $0xA10, v7  }
0xf3: {  	[tilespmem:$0x1F8C0] =	vst v4;
	v4 =	vor.u32 v4, v3;
	_ =	sdelay $0x3  }
0xf4: {  	[tilespmem:v1+s8+$0x0] =	vst.idx.msk $0xffff, v0;
	v0 =	vor.u32 $0x2050, v6  }
0xf5: {  	v1 =	vld.idx.msk [tilespmem:v4+s17+$0x0], $0xffff;
	[tilespmem:$0x1F8D0] =	vst v0;
	v4 =	vor.u32 v0, v2;
	v0 =	vor.u32 $0xC10, v7  }
0xf6: {  	v20 =	vmovc v15;
	v15 =	vmov v25;
	v25 =	vmov v5;
	v5 =	vor.u32 v0, v3;
	_ =	sdelay $0x2  }
0xf7: {  	[tilespmem:$0x1F8E0] =	vst v0  }
0xf8: {  	v0 =	vor.u32 $0x2060, v6;
	[tilespmem:v4+s8+$0x0] =	vst.idx.msk $0xffff, v1  }
0xf9: {  	[tilespmem:$0x1F8F0] =	vst v0;
	v4 =	vor.u32 v0, v2;
	v0 =	vor.u32 $0xE10, v7;
	v1 =	vld.idx.msk [tilespmem:v5+s17+$0x0], $0xffff  }
0xfa: {  	v5 =	vor.u32 v0, v3;
	_ =	sdelay $0x2  }
0xfb: {  	[tilespmem:$0x1F900] =	vst v0  }
0xfc: {  	v0 =	vor.u32 $0x2070, v6;
	[tilespmem:v4+s8+$0x0] =	vst.idx.msk $0xffff, v1  }
0xfd: {  	[tilespmem:$0x1F910] =	vst v0;
	v4 =	vor.u32 v0, v2;
	v0 =	vor.u32 $0x1010, v7;
	v1 =	vld.idx.msk [tilespmem:v5+s17+$0x0], $0xffff  }
0xfe: {  	v5 =	vor.u32 v0, v3;
	_ =	sdelay $0x2  }
0xff: {  	[tilespmem:$0x1F920] =	vst v0  }
0x100: {  	v0 =	vor.u32 $0x2400, v6;
	[tilespmem:v4+s8+$0x0] =	vst.idx.msk $0xffff, v1  }
0x101: {  	[tilespmem:$0x1F930] =	vst v0;
	v4 =	vor.u32 v0, v2;
	v0 =	vor.u32 $0x1210, v7;
	v1 =	vld.idx.msk [tilespmem:v5+s17+$0x0], $0xffff  }
0x102: {  	v5 =	vor.u32 v0, v3;
	_ =	sdelay $0x2  }
0x103: {  	[tilespmem:$0x1F940] =	vst v0  }
0x104: {  	v0 =	vor.u32 $0x2410, v6;
	[tilespmem:v4+s8+$0x0] =	vst.idx.msk $0xffff, v1  }
0x105: {  	[tilespmem:$0x1F950] =	vst v0;
	v4 =	vor.u32 v0, v2;
	v0 =	vor.u32 $0x1410, v7;
	v1 =	vld.idx.msk [tilespmem:v5+s17+$0x0], $0xffff  }
0x106: {  	v5 =	vor.u32 v0, v3;
	_ =	sdelay $0x2  }
0x107: {  	[tilespmem:$0x1F960] =	vst v0  }
0x108: {  	v0 =	vor.u32 $0x2420, v6;
	[tilespmem:v4+s8+$0x0] =	vst.idx.msk $0xffff, v1  }
0x109: {  	[tilespmem:$0x1F970] =	vst v0;
	v4 =	vor.u32 v0, v2;
	v0 =	vor.u32 $0x1610, v7;
	v1 =	vld.idx.msk [tilespmem:v5+s17+$0x0], $0xffff  }
0x10a: {  	v5 =	vor.u32 v0, v3;
	_ =	sdelay $0x3  }
0x10b: {  	v19 =	vmov v9;
	v9 =	vor.u32 $0x2430, v6;
	[tilespmem:v4+s8+$0x0] =	vst.idx.msk $0xffff, v1  }
0x10c: {  	[tilespmem:$0x1F990] =	vst v9;
	v4 =	vld.idx.msk [tilespmem:v5+s17+$0x0], $0xffff;
	v5 =	vor.u32 v9, v2;
	v9 =	vor.u32 $0x1810, v7  }
0x10d: {  	[tilespmem:$0x1F980] =	vst v0;
	v0 =	vmov v26;
	v26 =	vor.u32 v9, v3;
	_ =	sdelay $0x2  }
0x10e: {  	[tilespmem:$0x1F9A0] =	vst v9  }
0x10f: {  	[tilespmem:v5+s8+$0x0] =	vst.idx.msk $0xffff, v4;
	v5 =	vor.u32 $0x2440, v6  }
0x110: {  	v9 =	vor.u32 $0x1A10, v7;
	v4 =	vld.idx.msk [tilespmem:v26+s17+$0x0], $0xffff;
	[tilespmem:$0x1F9B0] =	vst v5;
	v5 =	vor.u32 v5, v2  }
0x111: {  	v1 =	vmov v27;
	v27 =	vmov v28;
	v28 =	vor.u32 v9, v3;
	_ =	sdelay $0x2  }
0x112: {  	[tilespmem:$0x1F9C0] =	vst v9  }
0x113: {  	[tilespmem:v5+s8+$0x0] =	vst.idx.msk $0xffff, v4;
	v5 =	vor.u32 $0x2450, v6  }
0x114: {  	v9 =	vor.u32 $0x1C10, v7;
	v4 =	vld.idx.msk [tilespmem:v28+s17+$0x0], $0xffff;
	[tilespmem:$0x1F9D0] =	vst v5;
	v5 =	vor.u32 v5, v2  }
0x115: {  	v28 =	vmov v29;
	v29 =	vmov v30;
	v30 =	vor.u32 v9, v3;
	_ =	sdelay $0x2  }
0x116: {  	[tilespmem:$0x1F9E0] =	vst v9  }
0x117: {  	[tilespmem:v5+s8+$0x0] =	vst.idx.msk $0xffff, v4;
	v5 =	vor.u32 $0x2460, v6  }
0x118: {  	v9 =	vor.u32 $0x1E10, v7;
	v4 =	vld.idx.msk [tilespmem:v30+s17+$0x0], $0xffff;
	[tilespmem:$0x1F9F0] =	vst v5;
	v5 =	vor.u32 v5, v2  }
0x119: {  	v30 =	vmov v31;
	v31 =	vmov v32;
	v32 =	vor.u32 v9, v3;
	_ =	sdelay $0x2  }
0x11a: {  	[tilespmem:$0x1FA00] =	vst v9  }
0x11b: {  	[tilespmem:v5+s8+$0x0] =	vst.idx.msk $0xffff, v4;
	v5 =	vor.u32 $0x2470, v6  }
0x11c: {  	v9 =	vor.u32 $0x2010, v7;
	v4 =	vld.idx.msk [tilespmem:v32+s17+$0x0], $0xffff;
	[tilespmem:$0x1FA10] =	vst v5;
	v5 =	vor.u32 v5, v2  }
0x11d: {  	v32 =	vmov v33;
	v33 =	vmov v34;
	v34 =	vor.u32 v9, v3;
	_ =	sdelay $0x2  }
0x11e: {  	[tilespmem:$0x1FA20] =	vst v9  }
0x11f: {  	[tilespmem:v5+s8+$0x0] =	vst.idx.msk $0xffff, v4;
	v5 =	vor.u32 $0x2800, v6  }
0x120: {  	v9 =	vor.u32 $0x2210, v7;
	v4 =	vld.idx.msk [tilespmem:v34+s17+$0x0], $0xffff;
	[tilespmem:$0x1FA30] =	vst v5;
	v5 =	vor.u32 v5, v2  }
0x121: {  	v34 =	vmov v35;
	v35 =	vmov v36;
	v36 =	vor.u32 v9, v3;
	_ =	sdelay $0x2  }
0x122: {  	[tilespmem:$0x1FA40] =	vst v9  }
0x123: {  	[tilespmem:v5+s8+$0x0] =	vst.idx.msk $0xffff, v4;
	v5 =	vor.u32 $0x2810, v6  }
0x124: {  	v9 =	vor.u32 $0x2410, v7;
	v4 =	vld.idx.msk [tilespmem:v36+s17+$0x0], $0xffff;
	[tilespmem:$0x1FA50] =	vst v5;
	v5 =	vor.u32 v5, v2  }
0x125: {  	v36 =	vmov v37;
	v37 =	vmov v38;
	v38 =	vor.u32 v9, v3;
	_ =	sdelay $0x2  }
0x126: {  	[tilespmem:$0x1FA60] =	vst v9  }
0x127: {  	[tilespmem:v5+s8+$0x0] =	vst.idx.msk $0xffff, v4;
	v5 =	vor.u32 $0x2820, v6  }
0x128: {  	v9 =	vor.u32 $0x2610, v7;
	v4 =	vld.idx.msk [tilespmem:v38+s17+$0x0], $0xffff;
	[tilespmem:$0x1FA70] =	vst v5;
	v5 =	vor.u32 v5, v2  }
0x129: {  	v38 =	vmov v39;
	v39 =	vmov v40;
	v40 =	vor.u32 v9, v3;
	_ =	sdelay $0x2  }
0x12a: {  	[tilespmem:$0x1FA80] =	vst v9  }
0x12b: {  	[tilespmem:v5+s8+$0x0] =	vst.idx.msk $0xffff, v4;
	v5 =	vor.u32 $0x2830, v6  }
0x12c: {  	v9 =	vor.u32 $0x2810, v7;
	v4 =	vld.idx.msk [tilespmem:v40+s17+$0x0], $0xffff;
	[tilespmem:$0x1FA90] =	vst v5;
	v5 =	vor.u32 v5, v2  }
0x12d: {  	v40 =	vmov v41;
	v41 =	vmov v42;
	v42 =	vor.u32 v9, v3;
	_ =	sdelay $0x2  }
0x12e: {  	[tilespmem:$0x1FAA0] =	vst v9  }
0x12f: {  	[tilespmem:v5+s8+$0x0] =	vst.idx.msk $0xffff, v4;
	v5 =	vor.u32 $0x2840, v6  }
0x130: {  	v9 =	vor.u32 $0x2A10, v7;
	v4 =	vld.idx.msk [tilespmem:v42+s17+$0x0], $0xffff;
	[tilespmem:$0x1FAB0] =	vst v5;
	v5 =	vor.u32 v5, v2  }
0x131: {  	v42 =	vmov v43;
	v43 =	vmov v44;
	v44 =	vor.u32 v9, v3;
	_ =	sdelay $0x2  }
0x132: {  	[tilespmem:$0x1FAC0] =	vst v9  }
0x133: {  	[tilespmem:v5+s8+$0x0] =	vst.idx.msk $0xffff, v4;
	v5 =	vor.u32 $0x2850, v6  }
0x134: {  	v9 =	vor.u32 $0x2C10, v7;
	v4 =	vld.idx.msk [tilespmem:v44+s17+$0x0], $0xffff;
	[tilespmem:$0x1FAD0] =	vst v5;
	v5 =	vor.u32 v5, v2  }
0x135: {  	v44 =	vmov v45;
	v45 =	vmov v46;
	v46 =	vor.u32 v9, v3;
	_ =	sdelay $0x2  }
0x136: {  	[tilespmem:$0x1FAE0] =	vst v9  }
0x137: {  	[tilespmem:v5+s8+$0x0] =	vst.idx.msk $0xffff, v4;
	v5 =	vor.u32 $0x2860, v6  }
0x138: {  	v9 =	vor.u32 $0x2E10, v7;
	v4 =	vld.idx.msk [tilespmem:v46+s17+$0x0], $0xffff;
	[tilespmem:$0x1FAF0] =	vst v5;
	v5 =	vor.u32 v5, v2  }
0x139: {  	v46 =	vmov v47;
	v47 =	vmov v48;
	v48 =	vor.u32 v9, v3;
	_ =	sdelay $0x2  }
0x13a: {  	[tilespmem:$0x1FB00] =	vst v9  }
0x13b: {  	[tilespmem:v5+s8+$0x0] =	vst.idx.msk $0xffff, v4;
	v5 =	vor.u32 $0x2870, v6  }
0x13c: {  	v9 =	vor.u32 $0x3010, v7;
	v4 =	vld.idx.msk [tilespmem:v48+s17+$0x0], $0xffff;
	[tilespmem:$0x1FB10] =	vst v5;
	v5 =	vor.u32 v5, v2  }
0x13d: {  	v48 =	vmov v49;
	v49 =	vmov v50;
	v50 =	vor.u32 v9, v3;
	_ =	sdelay $0x2  }
0x13e: {  	[tilespmem:$0x1FB20] =	vst v9  }
0x13f: {  	[tilespmem:v5+s8+$0x0] =	vst.idx.msk $0xffff, v4;
	v5 =	vor.u32 $0x2C00, v6  }
0x140: {  	v9 =	vor.u32 $0x3210, v7;
	v4 =	vld.idx.msk [tilespmem:v50+s17+$0x0], $0xffff;
	[tilespmem:$0x1FB30] =	vst v5;
	v5 =	vor.u32 v5, v2  }
0x141: {  	v50 =	vmov v51;
	v51 =	vmov v52;
	v52 =	vor.u32 v9, v3;
	_ =	sdelay $0x2  }
0x142: {  	[tilespmem:$0x1FB40] =	vst v9  }
0x143: {  	[tilespmem:v5+s8+$0x0] =	vst.idx.msk $0xffff, v4;
	v5 =	vor.u32 $0x2C10, v6  }
0x144: {  	v9 =	vor.u32 $0x3410, v7;
	v4 =	vld.idx.msk [tilespmem:v52+s17+$0x0], $0xffff;
	[tilespmem:$0x1FB50] =	vst v5;
	v5 =	vor.u32 v5, v2  }
0x145: {  	v52 =	vmov v53;
	v53 =	vmov v54;
	v54 =	vor.u32 v9, v3;
	_ =	sdelay $0x2  }
0x146: {  	[tilespmem:$0x1FB60] =	vst v9  }
0x147: {  	[tilespmem:v5+s8+$0x0] =	vst.idx.msk $0xffff, v4;
	v5 =	vor.u32 $0x2C20, v6  }
0x148: {  	v9 =	vor.u32 $0x3610, v7;
	v4 =	vld.idx.msk [tilespmem:v54+s17+$0x0], $0xffff;
	[tilespmem:$0x1FB70] =	vst v5;
	v5 =	vor.u32 v5, v2  }
0x149: {  	v54 =	vmov v55;
	v55 =	vmov v56;
	v56 =	vor.u32 v9, v3;
	_ =	sdelay $0x2  }
0x14a: {  	[tilespmem:$0x1FB80] =	vst v9  }
0x14b: {  	[tilespmem:v5+s8+$0x0] =	vst.idx.msk $0xffff, v4;
	v5 =	vor.u32 $0x2C30, v6  }
0x14c: {  	v9 =	vor.u32 $0x3810, v7;
	v4 =	vld.idx.msk [tilespmem:v56+s17+$0x0], $0xffff;
	[tilespmem:$0x1FB90] =	vst v5;
	v5 =	vor.u32 v5, v2  }
0x14d: {  	v56 =	vmov v57;
	v57 =	vmov v58;
	v58 =	vor.u32 v9, v3;
	_ =	sdelay $0x2  }
0x14e: {  	[tilespmem:$0x1FBA0] =	vst v9  }
0x14f: {  	[tilespmem:v5+s8+$0x0] =	vst.idx.msk $0xffff, v4;
	v5 =	vor.u32 $0x2C40, v6  }
0x150: {  	v9 =	vor.u32 $0x3A10, v7;
	v4 =	vld.idx.msk [tilespmem:v58+s17+$0x0], $0xffff;
	[tilespmem:$0x1FBB0] =	vst v5;
	v5 =	vor.u32 v5, v2  }
0x151: {  	v58 =	vmov v59;
	v59 =	vmov v60;
	v60 =	vor.u32 v9, v3;
	_ =	sdelay $0x2  }
0x152: {  	[tilespmem:$0x1FBC0] =	vst v9  }
0x153: {  	[tilespmem:v5+s8+$0x0] =	vst.idx.msk $0xffff, v4;
	v5 =	vor.u32 $0x2C50, v6  }
0x154: {  	v9 =	vor.u32 $0x3C10, v7;
	v4 =	vld.idx.msk [tilespmem:v60+s17+$0x0], $0xffff;
	[tilespmem:$0x1FBD0] =	vst v5;
	v5 =	vor.u32 v5, v2  }
0x155: {  	v60 =	vmov v61;
	v61 =	vmov v62;
	v62 =	vor.u32 v9, v3;
	_ =	sdelay $0x3  }
0x156: {  	[tilespmem:v5+s8+$0x0] =	vst.idx.msk $0xffff, v4;
	v5 =	vor.u32 $0x2C60, v6  }
0x157: {  	v4 =	vld.idx.msk [tilespmem:v62+s17+$0x0], $0xffff;
	v62 =	vmov v8;
	[tilespmem:$0x1FBF0] =	vst v5;
	v5 =	vor.u32 v5, v2;
	v8 =	vor.u32 $0x3E10, v7  }
0x158: {  	v3 =	vor.u32 v8, v3;
	_ =	sdelay $0x1  }
0x159: {  	[tilespmem:$0x1FBE0] =	vst v9  }
0x15a: {  	v26 =	vmovc v14;
	v14 =	vmovc v21;
	v21 =	vmov v11;
	v11 =	vmov v24;
	v9 =	vmov v23;
	[tilespmem:$0x1FC00] =	vst v8  }
0x15b: {  	s14 =	simm.s32 $0x1;
	v24 =	vmovc v16;
	v23 =	vmovc v20;
	v20 =	vmov v13;
	v16 =	vmov v9;
	v8 =	vmov v18;
	[tilespmem:v5+s8+$0x0] =	vst.idx.msk $0xffff, v4  }
0x15c: {  	s31 =	sshll.u32 s29, $0x3;
	v18 =	vmovc v10;
	v5 =	vadd.s32 s14, v6;
	v4 =	vld.idx.msk [tilespmem:v3+s17+$0x0], $0xffff;
	v3 =	vmovc v17;
	v17 =	vor.u32 $0x2C70, v6;
	v6 =	vmov v22  }
0x15d: {  	s30 =	sor.u32 $0x4, s31;
	s0 =	simm.s32 $0x2;
	v9 =	vld [tilespmem:$0x1FEF0];
	v10 =	vmovc v8;
	v8 =	vlaneseq.u32;
	v22 =	vmovc v12;
	v13 =	vmov v3;
	v12 =	vmov v6  }
.LBB2_6:
0x15e: {  	_ =	sdelay $0x1  }
0x15f: {  	v3 =	vand.u32 $0xF, v5;
	v2 =	vor.u32 v17, v2  }
0x160: {  	v6 =	vor.u32 v7, v3;
	_ =	sdelay $0x3  }
0x161: {  	[tilespmem:v2+s8+$0x0] =	vst.idx.msk $0xffff, v4  }
0x162: {  	v4 =	vld.idx.msk [tilespmem:v6+s17+$0x0], $0xffff  }
0x163: {  	v6 =	vld [tilespmem:$0x1FEA0]  }
0x164: {  	v7 =	vshll.u32 v5, $0x9;
	v5 =	vshll.u32 v5, $0x7  }
0x165: {  	v7 =	vand.u32 $0x1000, v7;
	v5 =	vand.u32 $0x380, v5  }
0x166: {  	v2 =	vor.u32 v5, v7  }
0x167: {  	v5 =	vor.u32 v8, v2  }
0x168: {  	v6 =	vor.u32 v6, v3;
	_ =	sdelay $0x3  }
0x169: {  	[tilespmem:v5+s8+$0x0] =	vst.idx.msk $0xffff, v4  }
0x16a: {  	v5 =	vor.u32 v18, v2;
	v4 =	vld.idx.msk [tilespmem:v6+s17+$0x0], $0xffff  }
0x16b: {  	v6 =	vor.u32 v21, v3;
	_ =	sdelay $0x3  }
0x16c: {  	[tilespmem:v5+s8+$0x0] =	vst.idx.msk $0xffff, v4  }
0x16d: {  	v5 =	vor.u32 v22, v2;
	v4 =	vld.idx.msk [tilespmem:v6+s17+$0x0], $0xffff  }
0x16e: {  	v6 =	vor.u32 v23, v3;
	_ =	sdelay $0x3  }
0x16f: {  	[tilespmem:v5+s8+$0x0] =	vst.idx.msk $0xffff, v4  }
0x170: {  	v5 =	vor.u32 v24, v2;
	v4 =	vld.idx.msk [tilespmem:v6+s17+$0x0], $0xffff  }
0x171: {  	v6 =	vor.u32 v25, v3;
	_ =	sdelay $0x3  }
0x172: {  	[tilespmem:v5+s8+$0x0] =	vst.idx.msk $0xffff, v4  }
0x173: {  	v5 =	vor.u32 v20, v2;
	v4 =	vld.idx.msk [tilespmem:v6+s17+$0x0], $0xffff  }
0x174: {  	v6 =	vor.u32 v19, v3;
	_ =	sdelay $0x3  }
0x175: {  	[tilespmem:v5+s8+$0x0] =	vst.idx.msk $0xffff, v4  }
0x176: {  	v5 =	vor.u32 v13, v2;
	v4 =	vld.idx.msk [tilespmem:v6+s17+$0x0], $0xffff  }
0x177: {  	v6 =	vor.u32 v14, v3;
	_ =	sdelay $0x3  }
0x178: {  	[tilespmem:v5+s8+$0x0] =	vst.idx.msk $0xffff, v4  }
0x179: {  	v5 =	vor.u32 v12, v2;
	v4 =	vld.idx.msk [tilespmem:v6+s17+$0x0], $0xffff  }
0x17a: {  	v6 =	vor.u32 v26, v3;
	_ =	sdelay $0x3  }
0x17b: {  	[tilespmem:v5+s8+$0x0] =	vst.idx.msk $0xffff, v4  }
0x17c: {  	v5 =	vor.u32 v10, v2;
	v4 =	vld.idx.msk [tilespmem:v6+s17+$0x0], $0xffff  }
0x17d: {  	v6 =	vor.u32 v16, v3;
	_ =	sdelay $0x3  }
0x17e: {  	[tilespmem:v5+s8+$0x0] =	vst.idx.msk $0xffff, v4  }
0x17f: {  	v5 =	vor.u32 v11, v2;
	v4 =	vld.idx.msk [tilespmem:v6+s17+$0x0], $0xffff  }
0x180: {  	v6 =	vor.u32 v15, v3;
	_ =	sdelay $0x3  }
0x181: {  	[tilespmem:v5+s8+$0x0] =	vst.idx.msk $0xffff, v4  }
0x182: {  	v4 =	vld.idx.msk [tilespmem:v6+s17+$0x0], $0xffff  }
0x183: {  	v6 =	vld [tilespmem:$0x1FC10];
	_ =	sdelay $0x3  }
0x184: {  	v5 =	vor.u32 v9, v2  }
0x185: {  	v6 =	vor.u32 v6, v3;
	_ =	sdelay $0x3  }
0x186: {  	[tilespmem:v5+s8+$0x0] =	vst.idx.msk $0xffff, v4  }
0x187: {  	v5 =	vor.u32 v0, v2;
	v4 =	vld.idx.msk [tilespmem:v6+s17+$0x0], $0xffff  }
0x188: {  	v6 =	vor.u32 v1, v3;
	_ =	sdelay $0x3  }
0x189: {  	[tilespmem:v5+s8+$0x0] =	vst.idx.msk $0xffff, v4  }
0x18a: {  	v5 =	vor.u32 v27, v2;
	v4 =	vld.idx.msk [tilespmem:v6+s17+$0x0], $0xffff  }
0x18b: {  	v6 =	vor.u32 v28, v3;
	_ =	sdelay $0x3  }
0x18c: {  	[tilespmem:v5+s8+$0x0] =	vst.idx.msk $0xffff, v4  }
0x18d: {  	v5 =	vor.u32 v29, v2;
	v4 =	vld.idx.msk [tilespmem:v6+s17+$0x0], $0xffff  }
0x18e: {  	v6 =	vor.u32 v30, v3;
	_ =	sdelay $0x3  }
0x18f: {  	[tilespmem:v5+s8+$0x0] =	vst.idx.msk $0xffff, v4  }
0x190: {  	v5 =	vor.u32 v31, v2;
	v4 =	vld.idx.msk [tilespmem:v6+s17+$0x0], $0xffff  }
0x191: {  	v6 =	vor.u32 v32, v3;
	_ =	sdelay $0x3  }
0x192: {  	[tilespmem:v5+s8+$0x0] =	vst.idx.msk $0xffff, v4  }
0x193: {  	v5 =	vor.u32 v33, v2;
	v4 =	vld.idx.msk [tilespmem:v6+s17+$0x0], $0xffff  }
0x194: {  	v6 =	vor.u32 v34, v3;
	_ =	sdelay $0x3  }
0x195: {  	[tilespmem:v5+s8+$0x0] =	vst.idx.msk $0xffff, v4  }
0x196: {  	v5 =	vor.u32 v35, v2;
	v4 =	vld.idx.msk [tilespmem:v6+s17+$0x0], $0xffff  }
0x197: {  	v6 =	vor.u32 v36, v3;
	_ =	sdelay $0x3  }
0x198: {  	[tilespmem:v5+s8+$0x0] =	vst.idx.msk $0xffff, v4  }
0x199: {  	v5 =	vor.u32 v37, v2;
	v4 =	vld.idx.msk [tilespmem:v6+s17+$0x0], $0xffff  }
0x19a: {  	v6 =	vor.u32 v38, v3;
	_ =	sdelay $0x3  }
0x19b: {  	[tilespmem:v5+s8+$0x0] =	vst.idx.msk $0xffff, v4  }
0x19c: {  	v5 =	vor.u32 v39, v2;
	v4 =	vld.idx.msk [tilespmem:v6+s17+$0x0], $0xffff  }
0x19d: {  	v6 =	vor.u32 v40, v3;
	_ =	sdelay $0x3  }
0x19e: {  	[tilespmem:v5+s8+$0x0] =	vst.idx.msk $0xffff, v4  }
0x19f: {  	v5 =	vor.u32 v41, v2;
	v4 =	vld.idx.msk [tilespmem:v6+s17+$0x0], $0xffff  }
0x1a0: {  	v6 =	vor.u32 v42, v3;
	_ =	sdelay $0x3  }
0x1a1: {  	[tilespmem:v5+s8+$0x0] =	vst.idx.msk $0xffff, v4  }
0x1a2: {  	v5 =	vor.u32 v43, v2;
	v4 =	vld.idx.msk [tilespmem:v6+s17+$0x0], $0xffff  }
0x1a3: {  	v6 =	vor.u32 v44, v3;
	_ =	sdelay $0x3  }
0x1a4: {  	[tilespmem:v5+s8+$0x0] =	vst.idx.msk $0xffff, v4  }
0x1a5: {  	v5 =	vor.u32 v45, v2;
	v4 =	vld.idx.msk [tilespmem:v6+s17+$0x0], $0xffff  }
0x1a6: {  	v6 =	vor.u32 v46, v3;
	_ =	sdelay $0x3  }
0x1a7: {  	[tilespmem:v5+s8+$0x0] =	vst.idx.msk $0xffff, v4  }
0x1a8: {  	v5 =	vor.u32 v47, v2;
	v4 =	vld.idx.msk [tilespmem:v6+s17+$0x0], $0xffff  }
0x1a9: {  	v6 =	vor.u32 v48, v3;
	_ =	sdelay $0x3  }
0x1aa: {  	[tilespmem:v5+s8+$0x0] =	vst.idx.msk $0xffff, v4  }
0x1ab: {  	v5 =	vor.u32 v49, v2;
	v4 =	vld.idx.msk [tilespmem:v6+s17+$0x0], $0xffff  }
0x1ac: {  	v6 =	vor.u32 v50, v3;
	_ =	sdelay $0x3  }
0x1ad: {  	[tilespmem:v5+s8+$0x0] =	vst.idx.msk $0xffff, v4  }
0x1ae: {  	v5 =	vor.u32 v51, v2;
	v4 =	vld.idx.msk [tilespmem:v6+s17+$0x0], $0xffff  }
0x1af: {  	v6 =	vor.u32 v52, v3;
	_ =	sdelay $0x3  }
0x1b0: {  	[tilespmem:v5+s8+$0x0] =	vst.idx.msk $0xffff, v4  }
0x1b1: {  	v5 =	vor.u32 v53, v2;
	v4 =	vld.idx.msk [tilespmem:v6+s17+$0x0], $0xffff  }
0x1b2: {  	v6 =	vor.u32 v54, v3;
	_ =	sdelay $0x3  }
0x1b3: {  	[tilespmem:v5+s8+$0x0] =	vst.idx.msk $0xffff, v4  }
0x1b4: {  	v5 =	vor.u32 v55, v2;
	v4 =	vld.idx.msk [tilespmem:v6+s17+$0x0], $0xffff  }
0x1b5: {  	v6 =	vor.u32 v56, v3;
	_ =	sdelay $0x3  }
0x1b6: {  	[tilespmem:v5+s8+$0x0] =	vst.idx.msk $0xffff, v4  }
0x1b7: {  	v5 =	vor.u32 v57, v2;
	v4 =	vld.idx.msk [tilespmem:v6+s17+$0x0], $0xffff  }
0x1b8: {  	v6 =	vor.u32 v58, v3;
	_ =	sdelay $0x3  }
0x1b9: {  	[tilespmem:v5+s8+$0x0] =	vst.idx.msk $0xffff, v4  }
0x1ba: {  	v5 =	vor.u32 v59, v2;
	v4 =	vld.idx.msk [tilespmem:v6+s17+$0x0], $0xffff  }
0x1bb: {  	v6 =	vor.u32 v60, v3;
	_ =	sdelay $0x3  }
0x1bc: {  	[tilespmem:v5+s8+$0x0] =	vst.idx.msk $0xffff, v4  }
0x1bd: {  	v5 =	vor.u32 v61, v2;
	v4 =	vld.idx.msk [tilespmem:v6+s17+$0x0], $0xffff  }
0x1be: {  	v6 =	vor.u32 v62, v3;
	_ =	sdelay $0x3  }
0x1bf: {  	[tilespmem:v5+s8+$0x0] =	vst.idx.msk $0xffff, v4  }
0x1c0: {  	v4 =	vld.idx.msk [tilespmem:v6+s17+$0x0], $0xffff  }
0x1c1: {  	v6 =	vld [tilespmem:$0x1FEB0];
	_ =	sdelay $0x3  }
0x1c2: {  	v5 =	vor.u32 v63, v2  }
0x1c3: {  	v6 =	vor.u32 v6, v3;
	_ =	sdelay $0x3  }
0x1c4: {  	[tilespmem:v5+s8+$0x0] =	vst.idx.msk $0xffff, v4;
	v5 =	vld [tilespmem:$0x1FEC0]  }
0x1c5: {  	v4 =	vld.idx.msk [tilespmem:v6+s17+$0x0], $0xffff  }
0x1c6: {  	v6 =	vld [tilespmem:$0x1FED0];
	_ =	sdelay $0x3  }
0x1c7: {  	v5 =	vor.u32 v5, v2  }
0x1c8: {  	v6 =	vor.u32 v6, v3;
	_ =	sdelay $0x3  }
0x1c9: {  	[tilespmem:v5+s8+$0x0] =	vst.idx.msk $0xffff, v4;
	v5 =	vld [tilespmem:$0x1FEE0]  }
0x1ca: {  	v4 =	vld.idx.msk [tilespmem:v6+s17+$0x0], $0xffff  }
0x1cb: {  	v6 =	vld [tilespmem:$0x1F820];
	_ =	sdelay $0x3  }
0x1cc: {  	v5 =	vor.u32 v5, v2  }
0x1cd: {  	v6 =	vor.u32 v6, v3;
	_ =	sdelay $0x3  }
0x1ce: {  	[tilespmem:v5+s8+$0x0] =	vst.idx.msk $0xffff, v4;
	v5 =	vld [tilespmem:$0x1F830]  }
0x1cf: {  	v4 =	vld.idx.msk [tilespmem:v6+s17+$0x0], $0xffff  }
0x1d0: {  	v6 =	vld [tilespmem:$0x1F840];
	_ =	sdelay $0x3  }
0x1d1: {  	v5 =	vor.u32 v5, v2  }
0x1d2: {  	v6 =	vor.u32 v6, v3;
	_ =	sdelay $0x3  }
0x1d3: {  	[tilespmem:v5+s8+$0x0] =	vst.idx.msk $0xffff, v4;
	v5 =	vld [tilespmem:$0x1F850]  }
0x1d4: {  	v4 =	vld.idx.msk [tilespmem:v6+s17+$0x0], $0xffff  }
0x1d5: {  	v6 =	vld [tilespmem:$0x1F860];
	_ =	sdelay $0x3  }
0x1d6: {  	v5 =	vor.u32 v5, v2  }
0x1d7: {  	v6 =	vor.u32 v6, v3;
	_ =	sdelay $0x3  }
0x1d8: {  	[tilespmem:v5+s8+$0x0] =	vst.idx.msk $0xffff, v4;
	v5 =	vld [tilespmem:$0x1F870]  }
0x1d9: {  	v4 =	vld.idx.msk [tilespmem:v6+s17+$0x0], $0xffff  }
0x1da: {  	v6 =	vld [tilespmem:$0x1F880];
	_ =	sdelay $0x3  }
0x1db: {  	v5 =	vor.u32 v5, v2  }
0x1dc: {  	v6 =	vor.u32 v6, v3;
	_ =	sdelay $0x3  }
0x1dd: {  	[tilespmem:v5+s8+$0x0] =	vst.idx.msk $0xffff, v4;
	v5 =	vld [tilespmem:$0x1F890]  }
0x1de: {  	v4 =	vld.idx.msk [tilespmem:v6+s17+$0x0], $0xffff  }
0x1df: {  	v6 =	vld [tilespmem:$0x1F8A0];
	_ =	sdelay $0x3  }
0x1e0: {  	v5 =	vor.u32 v5, v2  }
0x1e1: {  	v6 =	vor.u32 v6, v3;
	_ =	sdelay $0x3  }
0x1e2: {  	[tilespmem:v5+s8+$0x0] =	vst.idx.msk $0xffff, v4;
	v5 =	vld [tilespmem:$0x1F8B0]  }
0x1e3: {  	v4 =	vld.idx.msk [tilespmem:v6+s17+$0x0], $0xffff  }
0x1e4: {  	v6 =	vld [tilespmem:$0x1F8C0];
	_ =	sdelay $0x3  }
0x1e5: {  	v5 =	vor.u32 v5, v2  }
0x1e6: {  	v6 =	vor.u32 v6, v3;
	_ =	sdelay $0x3  }
0x1e7: {  	[tilespmem:v5+s8+$0x0] =	vst.idx.msk $0xffff, v4;
	v5 =	vld [tilespmem:$0x1F8D0]  }
0x1e8: {  	v4 =	vld.idx.msk [tilespmem:v6+s17+$0x0], $0xffff  }
0x1e9: {  	v6 =	vld [tilespmem:$0x1F8E0];
	_ =	sdelay $0x3  }
0x1ea: {  	v5 =	vor.u32 v5, v2  }
0x1eb: {  	v6 =	vor.u32 v6, v3;
	_ =	sdelay $0x3  }
0x1ec: {  	[tilespmem:v5+s8+$0x0] =	vst.idx.msk $0xffff, v4;
	v5 =	vld [tilespmem:$0x1F8F0]  }
0x1ed: {  	v4 =	vld.idx.msk [tilespmem:v6+s17+$0x0], $0xffff  }
0x1ee: {  	v6 =	vld [tilespmem:$0x1F900];
	_ =	sdelay $0x3  }
0x1ef: {  	v5 =	vor.u32 v5, v2  }
0x1f0: {  	v6 =	vor.u32 v6, v3;
	_ =	sdelay $0x3  }
0x1f1: {  	[tilespmem:v5+s8+$0x0] =	vst.idx.msk $0xffff, v4;
	v5 =	vld [tilespmem:$0x1F910]  }
0x1f2: {  	v4 =	vld.idx.msk [tilespmem:v6+s17+$0x0], $0xffff  }
0x1f3: {  	v6 =	vld [tilespmem:$0x1F920];
	_ =	sdelay $0x3  }
0x1f4: {  	v5 =	vor.u32 v5, v2  }
0x1f5: {  	v6 =	vor.u32 v6, v3;
	_ =	sdelay $0x3  }
0x1f6: {  	[tilespmem:v5+s8+$0x0] =	vst.idx.msk $0xffff, v4;
	v5 =	vld [tilespmem:$0x1F930]  }
0x1f7: {  	v4 =	vld.idx.msk [tilespmem:v6+s17+$0x0], $0xffff  }
0x1f8: {  	v6 =	vld [tilespmem:$0x1F940];
	_ =	sdelay $0x3  }
0x1f9: {  	v5 =	vor.u32 v5, v2  }
0x1fa: {  	v6 =	vor.u32 v6, v3;
	_ =	sdelay $0x3  }
0x1fb: {  	[tilespmem:v5+s8+$0x0] =	vst.idx.msk $0xffff, v4;
	v5 =	vld [tilespmem:$0x1F950]  }
0x1fc: {  	v4 =	vld.idx.msk [tilespmem:v6+s17+$0x0], $0xffff  }
0x1fd: {  	v6 =	vld [tilespmem:$0x1F960];
	_ =	sdelay $0x3  }
0x1fe: {  	v5 =	vor.u32 v5, v2  }
0x1ff: {  	v6 =	vor.u32 v6, v3;
	_ =	sdelay $0x3  }
0x200: {  	[tilespmem:v5+s8+$0x0] =	vst.idx.msk $0xffff, v4;
	v5 =	vld [tilespmem:$0x1F970]  }
0x201: {  	v4 =	vld.idx.msk [tilespmem:v6+s17+$0x0], $0xffff  }
0x202: {  	v6 =	vld [tilespmem:$0x1F980];
	_ =	sdelay $0x3  }
0x203: {  	v5 =	vor.u32 v5, v2  }
0x204: {  	v6 =	vor.u32 v6, v3;
	_ =	sdelay $0x3  }
0x205: {  	[tilespmem:v5+s8+$0x0] =	vst.idx.msk $0xffff, v4;
	v5 =	vld [tilespmem:$0x1F990]  }
0x206: {  	v4 =	vld.idx.msk [tilespmem:v6+s17+$0x0], $0xffff  }
0x207: {  	v6 =	vld [tilespmem:$0x1F9A0];
	_ =	sdelay $0x3  }
0x208: {  	v5 =	vor.u32 v5, v2  }
0x209: {  	v6 =	vor.u32 v6, v3;
	_ =	sdelay $0x3  }
0x20a: {  	[tilespmem:v5+s8+$0x0] =	vst.idx.msk $0xffff, v4;
	v5 =	vld [tilespmem:$0x1F9B0]  }
0x20b: {  	v4 =	vld.idx.msk [tilespmem:v6+s17+$0x0], $0xffff  }
0x20c: {  	v6 =	vld [tilespmem:$0x1F9C0];
	_ =	sdelay $0x3  }
0x20d: {  	v5 =	vor.u32 v5, v2  }
0x20e: {  	v6 =	vor.u32 v6, v3;
	_ =	sdelay $0x3  }
0x20f: {  	[tilespmem:v5+s8+$0x0] =	vst.idx.msk $0xffff, v4;
	v5 =	vld [tilespmem:$0x1F9D0]  }
0x210: {  	v4 =	vld.idx.msk [tilespmem:v6+s17+$0x0], $0xffff  }
0x211: {  	v6 =	vld [tilespmem:$0x1F9E0];
	_ =	sdelay $0x3  }
0x212: {  	v5 =	vor.u32 v5, v2  }
0x213: {  	v6 =	vor.u32 v6, v3;
	_ =	sdelay $0x3  }
0x214: {  	[tilespmem:v5+s8+$0x0] =	vst.idx.msk $0xffff, v4;
	v5 =	vld [tilespmem:$0x1F9F0]  }
0x215: {  	v4 =	vld.idx.msk [tilespmem:v6+s17+$0x0], $0xffff  }
0x216: {  	v6 =	vld [tilespmem:$0x1FA00];
	_ =	sdelay $0x3  }
0x217: {  	v5 =	vor.u32 v5, v2  }
0x218: {  	v6 =	vor.u32 v6, v3;
	_ =	sdelay $0x3  }
0x219: {  	[tilespmem:v5+s8+$0x0] =	vst.idx.msk $0xffff, v4;
	v5 =	vld [tilespmem:$0x1FA10]  }
0x21a: {  	v4 =	vld.idx.msk [tilespmem:v6+s17+$0x0], $0xffff  }
0x21b: {  	v6 =	vld [tilespmem:$0x1FA20];
	_ =	sdelay $0x3  }
0x21c: {  	v5 =	vor.u32 v5, v2  }
0x21d: {  	v6 =	vor.u32 v6, v3;
	_ =	sdelay $0x3  }
0x21e: {  	[tilespmem:v5+s8+$0x0] =	vst.idx.msk $0xffff, v4;
	v5 =	vld [tilespmem:$0x1FA30]  }
0x21f: {  	v4 =	vld.idx.msk [tilespmem:v6+s17+$0x0], $0xffff  }
0x220: {  	v6 =	vld [tilespmem:$0x1FA40];
	_ =	sdelay $0x3  }
0x221: {  	v5 =	vor.u32 v5, v2  }
0x222: {  	v6 =	vor.u32 v6, v3;
	_ =	sdelay $0x3  }
0x223: {  	[tilespmem:v5+s8+$0x0] =	vst.idx.msk $0xffff, v4;
	v5 =	vld [tilespmem:$0x1FA50]  }
0x224: {  	v4 =	vld.idx.msk [tilespmem:v6+s17+$0x0], $0xffff  }
0x225: {  	v6 =	vld [tilespmem:$0x1FA60];
	_ =	sdelay $0x3  }
0x226: {  	v5 =	vor.u32 v5, v2  }
0x227: {  	v6 =	vor.u32 v6, v3;
	_ =	sdelay $0x3  }
0x228: {  	[tilespmem:v5+s8+$0x0] =	vst.idx.msk $0xffff, v4;
	v5 =	vld [tilespmem:$0x1FA70]  }
0x229: {  	v4 =	vld.idx.msk [tilespmem:v6+s17+$0x0], $0xffff  }
0x22a: {  	v6 =	vld [tilespmem:$0x1FA80];
	_ =	sdelay $0x3  }
0x22b: {  	v5 =	vor.u32 v5, v2  }
0x22c: {  	v6 =	vor.u32 v6, v3;
	_ =	sdelay $0x3  }
0x22d: {  	[tilespmem:v5+s8+$0x0] =	vst.idx.msk $0xffff, v4;
	v5 =	vld [tilespmem:$0x1FA90]  }
0x22e: {  	v4 =	vld.idx.msk [tilespmem:v6+s17+$0x0], $0xffff  }
0x22f: {  	v6 =	vld [tilespmem:$0x1FAA0];
	_ =	sdelay $0x3  }
0x230: {  	v5 =	vor.u32 v5, v2  }
0x231: {  	v6 =	vor.u32 v6, v3;
	_ =	sdelay $0x3  }
0x232: {  	[tilespmem:v5+s8+$0x0] =	vst.idx.msk $0xffff, v4;
	v5 =	vld [tilespmem:$0x1FAB0]  }
0x233: {  	v4 =	vld.idx.msk [tilespmem:v6+s17+$0x0], $0xffff  }
0x234: {  	v6 =	vld [tilespmem:$0x1FAC0];
	_ =	sdelay $0x3  }
0x235: {  	v5 =	vor.u32 v5, v2  }
0x236: {  	v6 =	vor.u32 v6, v3;
	_ =	sdelay $0x3  }
0x237: {  	[tilespmem:v5+s8+$0x0] =	vst.idx.msk $0xffff, v4;
	v5 =	vld [tilespmem:$0x1FAD0]  }
0x238: {  	v4 =	vld.idx.msk [tilespmem:v6+s17+$0x0], $0xffff  }
0x239: {  	v6 =	vld [tilespmem:$0x1FAE0];
	_ =	sdelay $0x3  }
0x23a: {  	v5 =	vor.u32 v5, v2  }
0x23b: {  	v6 =	vor.u32 v6, v3;
	_ =	sdelay $0x3  }
0x23c: {  	[tilespmem:v5+s8+$0x0] =	vst.idx.msk $0xffff, v4;
	v5 =	vld [tilespmem:$0x1FAF0]  }
0x23d: {  	v4 =	vld.idx.msk [tilespmem:v6+s17+$0x0], $0xffff  }
0x23e: {  	v6 =	vld [tilespmem:$0x1FB00];
	_ =	sdelay $0x3  }
0x23f: {  	v5 =	vor.u32 v5, v2  }
0x240: {  	v6 =	vor.u32 v6, v3;
	_ =	sdelay $0x3  }
0x241: {  	[tilespmem:v5+s8+$0x0] =	vst.idx.msk $0xffff, v4;
	v5 =	vld [tilespmem:$0x1FB10]  }
0x242: {  	v4 =	vld.idx.msk [tilespmem:v6+s17+$0x0], $0xffff  }
0x243: {  	v6 =	vld [tilespmem:$0x1FB20];
	_ =	sdelay $0x3  }
0x244: {  	v5 =	vor.u32 v5, v2  }
0x245: {  	v6 =	vor.u32 v6, v3;
	_ =	sdelay $0x3  }
0x246: {  	[tilespmem:v5+s8+$0x0] =	vst.idx.msk $0xffff, v4;
	v5 =	vld [tilespmem:$0x1FB30]  }
0x247: {  	v4 =	vld.idx.msk [tilespmem:v6+s17+$0x0], $0xffff  }
0x248: {  	v6 =	vld [tilespmem:$0x1FB40];
	_ =	sdelay $0x3  }
0x249: {  	v5 =	vor.u32 v5, v2  }
0x24a: {  	v6 =	vor.u32 v6, v3;
	_ =	sdelay $0x3  }
0x24b: {  	[tilespmem:v5+s8+$0x0] =	vst.idx.msk $0xffff, v4;
	v5 =	vld [tilespmem:$0x1FB50]  }
0x24c: {  	v4 =	vld.idx.msk [tilespmem:v6+s17+$0x0], $0xffff  }
0x24d: {  	v6 =	vld [tilespmem:$0x1FB60];
	_ =	sdelay $0x3  }
0x24e: {  	v5 =	vor.u32 v5, v2  }
0x24f: {  	v6 =	vor.u32 v6, v3;
	_ =	sdelay $0x3  }
0x250: {  	[tilespmem:v5+s8+$0x0] =	vst.idx.msk $0xffff, v4;
	v5 =	vld [tilespmem:$0x1FB70]  }
0x251: {  	v4 =	vld.idx.msk [tilespmem:v6+s17+$0x0], $0xffff  }
0x252: {  	v6 =	vld [tilespmem:$0x1FB80];
	_ =	sdelay $0x3  }
0x253: {  	v5 =	vor.u32 v5, v2  }
0x254: {  	v6 =	vor.u32 v6, v3;
	_ =	sdelay $0x3  }
0x255: {  	[tilespmem:v5+s8+$0x0] =	vst.idx.msk $0xffff, v4;
	v5 =	vld [tilespmem:$0x1FB90]  }
0x256: {  	v4 =	vld.idx.msk [tilespmem:v6+s17+$0x0], $0xffff  }
0x257: {  	v6 =	vld [tilespmem:$0x1FBA0];
	_ =	sdelay $0x3  }
0x258: {  	v5 =	vor.u32 v5, v2  }
0x259: {  	v6 =	vor.u32 v6, v3;
	_ =	sdelay $0x3  }
0x25a: {  	[tilespmem:v5+s8+$0x0] =	vst.idx.msk $0xffff, v4;
	v5 =	vld [tilespmem:$0x1FBB0]  }
0x25b: {  	v4 =	vld.idx.msk [tilespmem:v6+s17+$0x0], $0xffff  }
0x25c: {  	v6 =	vld [tilespmem:$0x1FBC0];
	_ =	sdelay $0x3  }
0x25d: {  	v5 =	vor.u32 v5, v2  }
0x25e: {  	v6 =	vor.u32 v6, v3;
	_ =	sdelay $0x3  }
0x25f: {  	[tilespmem:v5+s8+$0x0] =	vst.idx.msk $0xffff, v4;
	v5 =	vld [tilespmem:$0x1FBD0]  }
0x260: {  	v4 =	vld.idx.msk [tilespmem:v6+s17+$0x0], $0xffff  }
0x261: {  	v6 =	vld [tilespmem:$0x1FBE0];
	_ =	sdelay $0x3  }
0x262: {  	v5 =	vor.u32 v5, v2  }
0x263: {  	v6 =	vor.u32 v6, v3;
	_ =	sdelay $0x3  }
0x264: {  	[tilespmem:v5+s8+$0x0] =	vst.idx.msk $0xffff, v4;
	v5 =	vld [tilespmem:$0x1FBF0]  }
0x265: {  	v4 =	vld.idx.msk [tilespmem:v6+s17+$0x0], $0xffff  }
0x266: {  	v6 =	vld [tilespmem:$0x1FC00];
	_ =	sdelay $0x3  }
0x267: {  	v5 =	vor.u32 v5, v2  }
0x268: {  	p1 =	sne.s32 s0, $0xF;
	v3 =	vor.u32 v6, v3  }
.Ltmp2:
0x269: {  	_ = 	snop;
	(pc) =	sbr.rel @p1 .LBB2_6-.Ltmp2, $3  }
0x26a: {  	_ =	sdelay $0x1  }
0x26b: {  	v7 =	vld [tilespmem:$0x1FE90];
	[tilespmem:v5+s8+$0x0] =	vst.idx.msk $0xffff, v4  }
0x26c: {  	v5 =	vadd.s32 s0, v8;
	s0 =	sadd.s32 $0x1, s0;
	v4 =	vld.idx.msk [tilespmem:v3+s17+$0x0], $0xffff  }
0x26d: {  	_ =	sdelay $0x1  }
0x26e: {  	v3 =	vand.u32 $0xF, v5;
	v2 =	vor.u32 v17, v2  }
0x26f: {  	v6 =	vor.u32 v7, v3;
	_ =	sdelay $0x3  }
0x270: {  	[tilespmem:v2+s8+$0x0] =	vst.idx.msk $0xffff, v4  }
0x271: {  	v4 =	vld.idx.msk [tilespmem:v6+s17+$0x0], $0xffff  }
0x272: {  	v6 =	vld [tilespmem:$0x1FEA0]  }
0x273: {  	v7 =	vshll.u32 v5, $0x9;
	v5 =	vshll.u32 v5, $0x7  }
0x274: {  	v7 =	vand.u32 $0x1000, v7;
	v5 =	vand.u32 $0x380, v5  }
0x275: {  	v2 =	vor.u32 v5, v7  }
0x276: {  	v5 =	vor.u32 v8, v2  }
0x277: {  	v6 =	vor.u32 v6, v3;
	_ =	sdelay $0x3  }
0x278: {  	[tilespmem:v5+s8+$0x0] =	vst.idx.msk $0xffff, v4  }
0x279: {  	v5 =	vor.u32 v18, v2;
	v4 =	vld.idx.msk [tilespmem:v6+s17+$0x0], $0xffff  }
0x27a: {  	v6 =	vor.u32 v21, v3;
	_ =	sdelay $0x3  }
0x27b: {  	[tilespmem:v5+s8+$0x0] =	vst.idx.msk $0xffff, v4  }
0x27c: {  	v5 =	vor.u32 v22, v2;
	v4 =	vld.idx.msk [tilespmem:v6+s17+$0x0], $0xffff  }
0x27d: {  	v6 =	vor.u32 v23, v3;
	_ =	sdelay $0x3  }
0x27e: {  	[tilespmem:v5+s8+$0x0] =	vst.idx.msk $0xffff, v4  }
0x27f: {  	v5 =	vor.u32 v24, v2;
	v4 =	vld.idx.msk [tilespmem:v6+s17+$0x0], $0xffff  }
0x280: {  	v6 =	vor.u32 v25, v3;
	_ =	sdelay $0x3  }
0x281: {  	[tilespmem:v5+s8+$0x0] =	vst.idx.msk $0xffff, v4  }
0x282: {  	v5 =	vor.u32 v20, v2;
	v4 =	vld.idx.msk [tilespmem:v6+s17+$0x0], $0xffff  }
0x283: {  	v6 =	vor.u32 v19, v3;
	_ =	sdelay $0x3  }
0x284: {  	[tilespmem:v5+s8+$0x0] =	vst.idx.msk $0xffff, v4  }
0x285: {  	v5 =	vor.u32 v13, v2;
	v4 =	vld.idx.msk [tilespmem:v6+s17+$0x0], $0xffff  }
0x286: {  	v6 =	vor.u32 v14, v3;
	_ =	sdelay $0x3  }
0x287: {  	[tilespmem:v5+s8+$0x0] =	vst.idx.msk $0xffff, v4  }
0x288: {  	v5 =	vor.u32 v12, v2;
	v4 =	vld.idx.msk [tilespmem:v6+s17+$0x0], $0xffff  }
0x289: {  	v6 =	vor.u32 v26, v3;
	_ =	sdelay $0x3  }
0x28a: {  	[tilespmem:v5+s8+$0x0] =	vst.idx.msk $0xffff, v4  }
0x28b: {  	v5 =	vor.u32 v10, v2;
	v4 =	vld.idx.msk [tilespmem:v6+s17+$0x0], $0xffff  }
0x28c: {  	v6 =	vor.u32 v16, v3;
	_ =	sdelay $0x3  }
0x28d: {  	[tilespmem:v5+s8+$0x0] =	vst.idx.msk $0xffff, v4  }
0x28e: {  	v5 =	vor.u32 v11, v2;
	v4 =	vld.idx.msk [tilespmem:v6+s17+$0x0], $0xffff  }
0x28f: {  	v6 =	vor.u32 v15, v3;
	_ =	sdelay $0x3  }
0x290: {  	[tilespmem:v5+s8+$0x0] =	vst.idx.msk $0xffff, v4  }
0x291: {  	v4 =	vld.idx.msk [tilespmem:v6+s17+$0x0], $0xffff  }
0x292: {  	v6 =	vld [tilespmem:$0x1FC10];
	_ =	sdelay $0x3  }
0x293: {  	v5 =	vor.u32 v9, v2  }
0x294: {  	v6 =	vor.u32 v6, v3;
	_ =	sdelay $0x3  }
0x295: {  	[tilespmem:v5+s8+$0x0] =	vst.idx.msk $0xffff, v4  }
0x296: {  	v5 =	vor.u32 v0, v2;
	v4 =	vld.idx.msk [tilespmem:v6+s17+$0x0], $0xffff  }
0x297: {  	v6 =	vor.u32 v1, v3;
	_ =	sdelay $0x3  }
0x298: {  	[tilespmem:v5+s8+$0x0] =	vst.idx.msk $0xffff, v4  }
0x299: {  	v5 =	vor.u32 v27, v2;
	v4 =	vld.idx.msk [tilespmem:v6+s17+$0x0], $0xffff  }
0x29a: {  	v6 =	vor.u32 v28, v3;
	_ =	sdelay $0x3  }
0x29b: {  	[tilespmem:v5+s8+$0x0] =	vst.idx.msk $0xffff, v4  }
0x29c: {  	v5 =	vor.u32 v29, v2;
	v4 =	vld.idx.msk [tilespmem:v6+s17+$0x0], $0xffff  }
0x29d: {  	v6 =	vor.u32 v30, v3;
	_ =	sdelay $0x3  }
0x29e: {  	[tilespmem:v5+s8+$0x0] =	vst.idx.msk $0xffff, v4  }
0x29f: {  	v5 =	vor.u32 v31, v2;
	v4 =	vld.idx.msk [tilespmem:v6+s17+$0x0], $0xffff  }
0x2a0: {  	v6 =	vor.u32 v32, v3;
	_ =	sdelay $0x3  }
0x2a1: {  	[tilespmem:v5+s8+$0x0] =	vst.idx.msk $0xffff, v4  }
0x2a2: {  	v5 =	vor.u32 v33, v2;
	v4 =	vld.idx.msk [tilespmem:v6+s17+$0x0], $0xffff  }
0x2a3: {  	v6 =	vor.u32 v34, v3;
	_ =	sdelay $0x3  }
0x2a4: {  	[tilespmem:v5+s8+$0x0] =	vst.idx.msk $0xffff, v4  }
0x2a5: {  	v5 =	vor.u32 v35, v2;
	v4 =	vld.idx.msk [tilespmem:v6+s17+$0x0], $0xffff  }
0x2a6: {  	v6 =	vor.u32 v36, v3;
	_ =	sdelay $0x3  }
0x2a7: {  	[tilespmem:v5+s8+$0x0] =	vst.idx.msk $0xffff, v4  }
0x2a8: {  	v5 =	vor.u32 v37, v2;
	v4 =	vld.idx.msk [tilespmem:v6+s17+$0x0], $0xffff  }
0x2a9: {  	v6 =	vor.u32 v38, v3;
	_ =	sdelay $0x3  }
0x2aa: {  	[tilespmem:v5+s8+$0x0] =	vst.idx.msk $0xffff, v4  }
0x2ab: {  	v5 =	vor.u32 v39, v2;
	v4 =	vld.idx.msk [tilespmem:v6+s17+$0x0], $0xffff  }
0x2ac: {  	v6 =	vor.u32 v40, v3;
	_ =	sdelay $0x3  }
0x2ad: {  	[tilespmem:v5+s8+$0x0] =	vst.idx.msk $0xffff, v4  }
0x2ae: {  	v5 =	vor.u32 v41, v2;
	v4 =	vld.idx.msk [tilespmem:v6+s17+$0x0], $0xffff  }
0x2af: {  	v6 =	vor.u32 v42, v3;
	_ =	sdelay $0x3  }
0x2b0: {  	[tilespmem:v5+s8+$0x0] =	vst.idx.msk $0xffff, v4  }
0x2b1: {  	v5 =	vor.u32 v43, v2;
	v4 =	vld.idx.msk [tilespmem:v6+s17+$0x0], $0xffff  }
0x2b2: {  	v6 =	vor.u32 v44, v3;
	_ =	sdelay $0x3  }
0x2b3: {  	[tilespmem:v5+s8+$0x0] =	vst.idx.msk $0xffff, v4  }
0x2b4: {  	v5 =	vor.u32 v45, v2;
	v4 =	vld.idx.msk [tilespmem:v6+s17+$0x0], $0xffff  }
0x2b5: {  	v6 =	vor.u32 v46, v3;
	_ =	sdelay $0x3  }
0x2b6: {  	[tilespmem:v5+s8+$0x0] =	vst.idx.msk $0xffff, v4  }
0x2b7: {  	v5 =	vor.u32 v47, v2;
	v4 =	vld.idx.msk [tilespmem:v6+s17+$0x0], $0xffff  }
0x2b8: {  	v6 =	vor.u32 v48, v3;
	_ =	sdelay $0x3  }
0x2b9: {  	[tilespmem:v5+s8+$0x0] =	vst.idx.msk $0xffff, v4  }
0x2ba: {  	v5 =	vor.u32 v49, v2;
	v4 =	vld.idx.msk [tilespmem:v6+s17+$0x0], $0xffff  }
0x2bb: {  	v6 =	vor.u32 v50, v3;
	_ =	sdelay $0x3  }
0x2bc: {  	[tilespmem:v5+s8+$0x0] =	vst.idx.msk $0xffff, v4  }
0x2bd: {  	v5 =	vor.u32 v51, v2;
	v4 =	vld.idx.msk [tilespmem:v6+s17+$0x0], $0xffff  }
0x2be: {  	v6 =	vor.u32 v52, v3;
	_ =	sdelay $0x3  }
0x2bf: {  	[tilespmem:v5+s8+$0x0] =	vst.idx.msk $0xffff, v4  }
0x2c0: {  	v5 =	vor.u32 v53, v2;
	v4 =	vld.idx.msk [tilespmem:v6+s17+$0x0], $0xffff  }
0x2c1: {  	v6 =	vor.u32 v54, v3;
	_ =	sdelay $0x3  }
0x2c2: {  	[tilespmem:v5+s8+$0x0] =	vst.idx.msk $0xffff, v4  }
0x2c3: {  	v5 =	vor.u32 v55, v2;
	v4 =	vld.idx.msk [tilespmem:v6+s17+$0x0], $0xffff  }
0x2c4: {  	v6 =	vor.u32 v56, v3;
	_ =	sdelay $0x3  }
0x2c5: {  	[tilespmem:v5+s8+$0x0] =	vst.idx.msk $0xffff, v4  }
0x2c6: {  	v5 =	vor.u32 v57, v2;
	v4 =	vld.idx.msk [tilespmem:v6+s17+$0x0], $0xffff  }
0x2c7: {  	v6 =	vor.u32 v58, v3;
	_ =	sdelay $0x3  }
0x2c8: {  	[tilespmem:v5+s8+$0x0] =	vst.idx.msk $0xffff, v4  }
0x2c9: {  	v5 =	vor.u32 v59, v2;
	v4 =	vld.idx.msk [tilespmem:v6+s17+$0x0], $0xffff  }
0x2ca: {  	v6 =	vor.u32 v60, v3;
	_ =	sdelay $0x3  }
0x2cb: {  	[tilespmem:v5+s8+$0x0] =	vst.idx.msk $0xffff, v4  }
0x2cc: {  	v5 =	vor.u32 v61, v2;
	v4 =	vld.idx.msk [tilespmem:v6+s17+$0x0], $0xffff  }
0x2cd: {  	v6 =	vor.u32 v62, v3  }
0x2ce: {  	v0 =	vld [tilespmem:$0x1FEB0];
	_ =	sdelay $0x2  }
0x2cf: {  	[tilespmem:v5+s8+$0x0] =	vst.idx.msk $0xffff, v4  }
0x2d0: {  	v4 =	vld.idx.msk [tilespmem:v6+s17+$0x0], $0xffff  }
0x2d1: {  	v5 =	vor.u32 v63, v2;
	v6 =	vor.u32 v0, v3;
	v0 =	vld [tilespmem:$0x1FEC0];
	_ =	sdelay $0x4  }
0x2d2: {  	[tilespmem:v5+s8+$0x0] =	vst.idx.msk $0xffff, v4;
	v5 =	vor.u32 v0, v2;
	v0 =	vld [tilespmem:$0x1FED0];
	_ =	sdelay $0x3  }
0x2d3: {  	v4 =	vld.idx.msk [tilespmem:v6+s17+$0x0], $0xffff  }
0x2d4: {  	v6 =	vor.u32 v0, v3;
	v0 =	vld [tilespmem:$0x1FEE0]  }
0x2d5: {  	v10 =	vld [tilespmem:$0x1F820];
	_ =	sdelay $0x2  }
0x2d6: {  	[tilespmem:v5+s8+$0x0] =	vst.idx.msk $0xffff, v4  }
0x2d7: {  	v4 =	vld.idx.msk [tilespmem:v6+s17+$0x0], $0xffff;
	v5 =	vor.u32 v0, v2  }
0x2d8: {  	v12 =	vld [tilespmem:$0x1F830];
	v6 =	vor.u32 v10, v3  }
0x2d9: {  	v14 =	vld [tilespmem:$0x1F840];
	_ =	sdelay $0x2  }
0x2da: {  	[tilespmem:v5+s8+$0x0] =	vst.idx.msk $0xffff, v4  }
0x2db: {  	v5 =	vor.u32 v12, v2;
	v4 =	vld.idx.msk [tilespmem:v6+s17+$0x0], $0xffff  }
0x2dc: {  	v16 =	vld [tilespmem:$0x1F850];
	v6 =	vor.u32 v14, v3  }
0x2dd: {  	v18 =	vld [tilespmem:$0x1F860];
	_ =	sdelay $0x2  }
0x2de: {  	[tilespmem:v5+s8+$0x0] =	vst.idx.msk $0xffff, v4  }
0x2df: {  	v5 =	vor.u32 v16, v2;
	v4 =	vld.idx.msk [tilespmem:v6+s17+$0x0], $0xffff  }
0x2e0: {  	v20 =	vld [tilespmem:$0x1F870];
	v6 =	vor.u32 v18, v3  }
0x2e1: {  	v22 =	vld [tilespmem:$0x1F880];
	_ =	sdelay $0x2  }
0x2e2: {  	[tilespmem:v5+s8+$0x0] =	vst.idx.msk $0xffff, v4  }
0x2e3: {  	v5 =	vor.u32 v20, v2;
	v4 =	vld.idx.msk [tilespmem:v6+s17+$0x0], $0xffff  }
0x2e4: {  	v24 =	vld [tilespmem:$0x1F890];
	v6 =	vor.u32 v22, v3  }
0x2e5: {  	v11 =	vld [tilespmem:$0x1F8A0];
	_ =	sdelay $0x2  }
0x2e6: {  	[tilespmem:v5+s8+$0x0] =	vst.idx.msk $0xffff, v4  }
0x2e7: {  	v5 =	vor.u32 v24, v2;
	v4 =	vld.idx.msk [tilespmem:v6+s17+$0x0], $0xffff  }
0x2e8: {  	v13 =	vld [tilespmem:$0x1F8B0];
	v6 =	vor.u32 v11, v3  }
0x2e9: {  	v15 =	vld [tilespmem:$0x1F8C0];
	_ =	sdelay $0x2  }
0x2ea: {  	[tilespmem:v5+s8+$0x0] =	vst.idx.msk $0xffff, v4  }
0x2eb: {  	v5 =	vor.u32 v13, v2;
	v4 =	vld.idx.msk [tilespmem:v6+s17+$0x0], $0xffff  }
0x2ec: {  	v19 =	vld [tilespmem:$0x1F8D0];
	v6 =	vor.u32 v15, v3  }
0x2ed: {  	v21 =	vld [tilespmem:$0x1F8E0];
	_ =	sdelay $0x2  }
0x2ee: {  	[tilespmem:v5+s8+$0x0] =	vst.idx.msk $0xffff, v4  }
0x2ef: {  	v5 =	vor.u32 v19, v2;
	v4 =	vld.idx.msk [tilespmem:v6+s17+$0x0], $0xffff  }
0x2f0: {  	v23 =	vld [tilespmem:$0x1F8F0];
	v6 =	vor.u32 v21, v3  }
0x2f1: {  	v0 =	vld [tilespmem:$0x1F900];
	_ =	sdelay $0x2  }
0x2f2: {  	[tilespmem:v5+s8+$0x0] =	vst.idx.msk $0xffff, v4  }
0x2f3: {  	v5 =	vor.u32 v23, v2;
	v4 =	vld.idx.msk [tilespmem:v6+s17+$0x0], $0xffff  }
0x2f4: {  	v25 =	vld [tilespmem:$0x1F910];
	v6 =	vor.u32 v0, v3  }
0x2f5: {  	v8 =	vld [tilespmem:$0x1F920];
	_ =	sdelay $0x2  }
0x2f6: {  	[tilespmem:v5+s8+$0x0] =	vst.idx.msk $0xffff, v4  }
0x2f7: {  	v5 =	vor.u32 v25, v2;
	v4 =	vld.idx.msk [tilespmem:v6+s17+$0x0], $0xffff  }
0x2f8: {  	v26 =	vld [tilespmem:$0x1F930];
	v6 =	vor.u32 v8, v3  }
0x2f9: {  	v27 =	vld [tilespmem:$0x1F940];
	_ =	sdelay $0x2  }
0x2fa: {  	[tilespmem:v5+s8+$0x0] =	vst.idx.msk $0xffff, v4  }
0x2fb: {  	v5 =	vor.u32 v26, v2;
	v4 =	vld.idx.msk [tilespmem:v6+s17+$0x0], $0xffff  }
0x2fc: {  	v28 =	vld [tilespmem:$0x1F950];
	v6 =	vor.u32 v27, v3  }
0x2fd: {  	v29 =	vld [tilespmem:$0x1F960];
	_ =	sdelay $0x2  }
0x2fe: {  	[tilespmem:v5+s8+$0x0] =	vst.idx.msk $0xffff, v4  }
0x2ff: {  	v5 =	vor.u32 v28, v2;
	v4 =	vld.idx.msk [tilespmem:v6+s17+$0x0], $0xffff  }
0x300: {  	v30 =	vld [tilespmem:$0x1F970];
	v6 =	vor.u32 v29, v3  }
0x301: {  	v31 =	vld [tilespmem:$0x1F980];
	_ =	sdelay $0x2  }
0x302: {  	[tilespmem:v5+s8+$0x0] =	vst.idx.msk $0xffff, v4  }
0x303: {  	v5 =	vor.u32 v30, v2;
	v4 =	vld.idx.msk [tilespmem:v6+s17+$0x0], $0xffff  }
0x304: {  	v60 =	vld [tilespmem:$0x1F990];
	v6 =	vor.u32 v31, v3  }
0x305: {  	v61 =	vld [tilespmem:$0x1F9A0];
	_ =	sdelay $0x2  }
0x306: {  	[tilespmem:v5+s8+$0x0] =	vst.idx.msk $0xffff, v4  }
0x307: {  	v5 =	vor.u32 v60, v2;
	v4 =	vld.idx.msk [tilespmem:v6+s17+$0x0], $0xffff  }
0x308: {  	v62 =	vld [tilespmem:$0x1F9B0];
	v6 =	vor.u32 v61, v3  }
0x309: {  	v63 =	vld [tilespmem:$0x1F9C0];
	_ =	sdelay $0x2  }
0x30a: {  	[tilespmem:v5+s8+$0x0] =	vst.idx.msk $0xffff, v4  }
0x30b: {  	v5 =	vor.u32 v62, v2;
	v4 =	vld.idx.msk [tilespmem:v6+s17+$0x0], $0xffff  }
0x30c: {  	v32 =	vld [tilespmem:$0x1F9D0];
	v6 =	vor.u32 v63, v3  }
0x30d: {  	v33 =	vld [tilespmem:$0x1F9E0];
	_ =	sdelay $0x2  }
0x30e: {  	[tilespmem:v5+s8+$0x0] =	vst.idx.msk $0xffff, v4  }
0x30f: {  	v5 =	vor.u32 v32, v2;
	v4 =	vld.idx.msk [tilespmem:v6+s17+$0x0], $0xffff  }
0x310: {  	v34 =	vld [tilespmem:$0x1F9F0];
	v6 =	vor.u32 v33, v3  }
0x311: {  	v35 =	vld [tilespmem:$0x1FA00];
	_ =	sdelay $0x2  }
0x312: {  	[tilespmem:v5+s8+$0x0] =	vst.idx.msk $0xffff, v4  }
0x313: {  	v5 =	vor.u32 v34, v2;
	v4 =	vld.idx.msk [tilespmem:v6+s17+$0x0], $0xffff  }
0x314: {  	v36 =	vld [tilespmem:$0x1FA10];
	v6 =	vor.u32 v35, v3  }
0x315: {  	v37 =	vld [tilespmem:$0x1FA20];
	_ =	sdelay $0x2  }
0x316: {  	[tilespmem:v5+s8+$0x0] =	vst.idx.msk $0xffff, v4  }
0x317: {  	v5 =	vor.u32 v36, v2;
	v4 =	vld.idx.msk [tilespmem:v6+s17+$0x0], $0xffff  }
0x318: {  	v38 =	vld [tilespmem:$0x1FA30];
	v6 =	vor.u32 v37, v3  }
0x319: {  	v39 =	vld [tilespmem:$0x1FA40];
	_ =	sdelay $0x2  }
0x31a: {  	[tilespmem:v5+s8+$0x0] =	vst.idx.msk $0xffff, v4  }
0x31b: {  	v5 =	vor.u32 v38, v2;
	v4 =	vld.idx.msk [tilespmem:v6+s17+$0x0], $0xffff  }
0x31c: {  	v40 =	vld [tilespmem:$0x1FA50];
	v6 =	vor.u32 v39, v3  }
0x31d: {  	v41 =	vld [tilespmem:$0x1FA60];
	_ =	sdelay $0x2  }
0x31e: {  	[tilespmem:v5+s8+$0x0] =	vst.idx.msk $0xffff, v4  }
0x31f: {  	v5 =	vor.u32 v40, v2;
	v4 =	vld.idx.msk [tilespmem:v6+s17+$0x0], $0xffff  }
0x320: {  	v42 =	vld [tilespmem:$0x1FA70];
	v6 =	vor.u32 v41, v3  }
0x321: {  	v43 =	vld [tilespmem:$0x1FA80];
	_ =	sdelay $0x2  }
0x322: {  	[tilespmem:v5+s8+$0x0] =	vst.idx.msk $0xffff, v4  }
0x323: {  	v5 =	vor.u32 v42, v2;
	v4 =	vld.idx.msk [tilespmem:v6+s17+$0x0], $0xffff  }
0x324: {  	v44 =	vld [tilespmem:$0x1FA90];
	v6 =	vor.u32 v43, v3  }
0x325: {  	v45 =	vld [tilespmem:$0x1FAA0];
	_ =	sdelay $0x2  }
0x326: {  	[tilespmem:v5+s8+$0x0] =	vst.idx.msk $0xffff, v4  }
0x327: {  	v5 =	vor.u32 v44, v2;
	v4 =	vld.idx.msk [tilespmem:v6+s17+$0x0], $0xffff  }
0x328: {  	v46 =	vld [tilespmem:$0x1FAB0];
	v6 =	vor.u32 v45, v3  }
0x329: {  	v47 =	vld [tilespmem:$0x1FAC0];
	_ =	sdelay $0x2  }
0x32a: {  	[tilespmem:v5+s8+$0x0] =	vst.idx.msk $0xffff, v4  }
0x32b: {  	v5 =	vor.u32 v46, v2;
	v4 =	vld.idx.msk [tilespmem:v6+s17+$0x0], $0xffff  }
0x32c: {  	v48 =	vld [tilespmem:$0x1FAD0];
	v6 =	vor.u32 v47, v3  }
0x32d: {  	v49 =	vld [tilespmem:$0x1FAE0];
	_ =	sdelay $0x2  }
0x32e: {  	[tilespmem:v5+s8+$0x0] =	vst.idx.msk $0xffff, v4  }
0x32f: {  	v5 =	vor.u32 v48, v2;
	v4 =	vld.idx.msk [tilespmem:v6+s17+$0x0], $0xffff  }
0x330: {  	v50 =	vld [tilespmem:$0x1FAF0];
	v6 =	vor.u32 v49, v3  }
0x331: {  	v51 =	vld [tilespmem:$0x1FB00];
	_ =	sdelay $0x2  }
0x332: {  	[tilespmem:v5+s8+$0x0] =	vst.idx.msk $0xffff, v4  }
0x333: {  	v5 =	vor.u32 v50, v2;
	v4 =	vld.idx.msk [tilespmem:v6+s17+$0x0], $0xffff  }
0x334: {  	v52 =	vld [tilespmem:$0x1FB10];
	v6 =	vor.u32 v51, v3  }
0x335: {  	v53 =	vld [tilespmem:$0x1FB20];
	_ =	sdelay $0x2  }
0x336: {  	[tilespmem:v5+s8+$0x0] =	vst.idx.msk $0xffff, v4  }
0x337: {  	v5 =	vor.u32 v52, v2;
	v4 =	vld.idx.msk [tilespmem:v6+s17+$0x0], $0xffff  }
0x338: {  	v54 =	vld [tilespmem:$0x1FB30];
	v6 =	vor.u32 v53, v3  }
0x339: {  	v55 =	vld [tilespmem:$0x1FB40];
	_ =	sdelay $0x2  }
0x33a: {  	[tilespmem:v5+s8+$0x0] =	vst.idx.msk $0xffff, v4  }
0x33b: {  	v5 =	vor.u32 v54, v2;
	v4 =	vld.idx.msk [tilespmem:v6+s17+$0x0], $0xffff  }
0x33c: {  	v56 =	vld [tilespmem:$0x1FB50];
	v6 =	vor.u32 v55, v3  }
0x33d: {  	v57 =	vld [tilespmem:$0x1FB60];
	_ =	sdelay $0x2  }
0x33e: {  	[tilespmem:v5+s8+$0x0] =	vst.idx.msk $0xffff, v4  }
0x33f: {  	v5 =	vor.u32 v56, v2;
	v4 =	vld.idx.msk [tilespmem:v6+s17+$0x0], $0xffff  }
0x340: {  	v58 =	vld [tilespmem:$0x1FB70];
	v6 =	vor.u32 v57, v3  }
0x341: {  	v59 =	vld [tilespmem:$0x1FB80];
	_ =	sdelay $0x2  }
0x342: {  	[tilespmem:v5+s8+$0x0] =	vst.idx.msk $0xffff, v4  }
0x343: {  	v5 =	vor.u32 v58, v2;
	v4 =	vld.idx.msk [tilespmem:v6+s17+$0x0], $0xffff  }
0x344: {  	v6 =	vor.u32 v59, v3;
	_ =	sdelay $0x3  }
0x345: {  	v1 =	vld [tilespmem:$0x1FB90];
	[tilespmem:v5+s8+$0x0] =	vst.idx.msk $0xffff, v4  }
0x346: {  	v4 =	vld.idx.msk [tilespmem:v6+s17+$0x0], $0xffff  }
0x347: {  	v6 =	vld [tilespmem:$0x1FBA0];
	_ =	sdelay $0x3  }
0x348: {  	v5 =	vor.u32 v1, v2  }
0x349: {  	v6 =	vor.u32 v6, v3;
	_ =	sdelay $0x3  }
0x34a: {  	[tilespmem:v5+s8+$0x0] =	vst.idx.msk $0xffff, v4;
	v5 =	vld [tilespmem:$0x1FBB0]  }
0x34b: {  	v4 =	vld.idx.msk [tilespmem:v6+s17+$0x0], $0xffff  }
0x34c: {  	v6 =	vld [tilespmem:$0x1FBC0];
	_ =	sdelay $0x3  }
0x34d: {  	v5 =	vor.u32 v5, v2  }
0x34e: {  	v6 =	vor.u32 v6, v3;
	_ =	sdelay $0x3  }
0x34f: {  	[tilespmem:v5+s8+$0x0] =	vst.idx.msk $0xffff, v4;
	v5 =	vld [tilespmem:$0x1FBD0]  }
0x350: {  	v4 =	vld.idx.msk [tilespmem:v6+s17+$0x0], $0xffff  }
0x351: {  	v6 =	vld [tilespmem:$0x1FBE0];
	_ =	sdelay $0x3  }
0x352: {  	v5 =	vor.u32 v5, v2  }
0x353: {  	v6 =	vor.u32 v6, v3;
	_ =	sdelay $0x3  }
0x354: {  	[tilespmem:v5+s8+$0x0] =	vst.idx.msk $0xffff, v4  }
0x355: {  	v4 =	vld.idx.msk [tilespmem:v6+s17+$0x0], $0xffff  }
0x356: {  	v6 =	vld [tilespmem:$0x1FBF0]  }
0x357: {  	v9 =	vld [tilespmem:$0x1FC00];
	_ =	sdelay $0x3  }
0x358: {  	v5 =	vor.u32 v6, v2  }
0x359: {  	v3 =	vor.u32 v9, v3;
	_ =	sdelay $0x3  }
0x35a: {  	[tilespmem:v5+s8+$0x0] =	vst.idx.msk $0xffff, v4  }
0x35b: {  	v2 =	vor.u32 v17, v2;
	v3 =	vld.idx.msk [tilespmem:v3+s17+$0x0], $0xffff;
	_ =	sdelay $0x1  }
0x35c: {  	s0 =	sadd.s32 s7, s31  }
0x35d: {  	s14 =	sshll.u32 s0, $0x9;
	s0 =	sshll.u32 s0, $0x7  }
0x35e: {  	s14 =	sand.u32 $0xFFF0000, s14;
	s0 =	sand.u32 $0x3C00, s0  }
0x35f: {  	s0 =	sor.u32 s0, s14;
	[tilespmem:v2+s8+$0x0] =	vst.idx.msk $0xffff, v3  }
0x360: {  	s14 =	sadd.s32 s1, s0;
	[bflag:$0x0] =	sbarrier.arrive $0xFFFF  }
0x361: {  	[hbm4b:s14+s3] =	stream.linear.scatter [tilespmem:s8], [sflag:$0x5], $0x1000, $0x38;
	[tilespmem:$0x10400] =	vst v63  }
0x362: {  	s31 =	simm.s32 $0x9400;
	p1 =	sne.s32 s29, $0x63;
	s14 =	sadd.s32 s0, s10  }
0x363: {  	[hbm4b:s14+s3] =	stream.linear.scatter [tilespmem:s31], [sflag:$0x5], $0x1000, $0x38;
	[tilespmem:$0x10400] =	vst v63  }
.Ltmp3:
0x364: {  	_ = 	snop;
	(pc) =	sbr.rel @p1 .LBB2_9-.Ltmp3, $4  }
0x365: {  	v7 =	vmovc v13;
	v30 =	vmov v27;
	v32 =	vmov v10;
	v33 =	vmov v18;
	s31 =	sadd.s32 s0, s11  }
0x366: {  	v18 =	vmovc v16;
	v36 =	vmovc v20;
	v58 =	vmov v22;
	v1 =	vmov v11;
	v4 =	vmov v17;
	[hbm4b:s31+s3] =	stream.linear.scatter [tilespmem:s6], [sflag:$0x5], $0x1000, $0x38;
	[tilespmem:$0x10400] =	vst v63  }
0x367: {  	v5 =	vlaneseq.u32;
	v17 =	vmovc v19;
	v19 =	vmovc v21;
	v21 =	vmov v23;
	v23 =	vmov v25;
	[tilespmem:$0x1F810] =	vst v4;
	s0 =	sadd.s32 s0, s12  }
0x368: {  	v25 =	vmovc v8;
	v8 =	vmovc v15;
	v31 =	vmov v21;
	v37 =	vmov v19;
	v34 =	vmov v17;
	[hbm4b:s0+s3] =	stream.linear.scatter [tilespmem:s18], [sflag:$0x5], $0x1000, $0x38;
	[tilespmem:$0x10400] =	vst v63  }
.Ltmp4:
0x369: {  	(pc) =	sbr.rel .LBB2_10-.Ltmp4, $4  }
0x36a: {  	_ = 	snop  }
0x36b: {  	_ =	swait.ge [sflag:s19], $0x4000  }
0x36c: {  	[sflag:s19] =	ssyncset.done $0x0  }
0x36d: {  	[sflag:s19] =	ssyncadd.s32 $0xFFFFC000  }
.LBB2_9:
0x36e: {  	_ =	swait.ge [sflag:s15], $0x200  }
0x36f: {  	[sflag:s15] =	ssyncset.done $0x0  }
0x370: {  	[sflag:s15] =	ssyncadd.s32 $0xFFFFFE00  }
0x371: {  	[tilespmem:s17], [sflag:$0x3] =	stream.indirect.gather [hbm4b:s5+s16], $0x20, s3, s16, $0xb8;
	[tilespmem:$0x10400] =	vst v63  }
0x372: {  	s0 =	simm.s32 $0x1400  }
0x373: {  	[tilespmem:s0], [sflag:$0x3] =	stream.indirect.gather [hbm4b:s5+s16], $0x20, s16, s16, $0xb8;
	[tilespmem:$0x10400] =	vst v63  }
0x374: {  	s31 =	simm.s32 $0x100;
	s14 =	simm.s32 $0x2400  }
0x375: {  	[tilespmem:s14], [sflag:$0x3] =	stream.indirect.gather [hbm4b:s5+s16], $0x20, s31, s16, $0xb8;
	[tilespmem:$0x10400] =	vst v63  }
0x376: {  	s14 =	simm.s32 $0x180;
	s31 =	simm.s32 $0x3400  }
0x377: {  	[tilespmem:s31], [sflag:$0x3] =	stream.indirect.gather [hbm4b:s5+s16], $0x20, s14, s16, $0xb8;
	[tilespmem:$0x10400] =	vst v63  }
0x378: {  	_ =	swait.ge [sflag:s19], $0x4000  }
.Ltmp5:
0x379: {  	s14 =	sshll.u32 s29, $0xA;
	s31 =	rddreg [dreg:$0x5];
	(pc) =	sbr.rel @p0 .LBB2_11-.Ltmp5, $4  }
0x37a: {  	s0 =	sadd.s32 s14, s31  }
0x37b: {  	[sflag:s19] =	ssyncset.done $0x0;
	s0 =	sshrl.u32 s0, $0x3  }
0x37c: {  	[sflag:s19] =	ssyncadd.s32 $0xFFFFC000;
	s0 =	sadd.s32 s4, s0  }
0x37d: {  	[tilespmem:s23], [sflag:$0x2] =	stream.linear.gather [hbm4b:s0+s3], $0x200, $0x38;
	[tilespmem:$0x10400] =	vst v63  }
.LBB2_10:
0x37e: {  	_ =	swait.ge [sflag:s20], $0x4000  }
0x37f: {  	[sflag:s20] =	ssyncset.done $0x0  }
0x380: {  	[sflag:s20] =	ssyncadd.s32 $0xFFFFC000  }
.LBB2_11:
0x381: {  	v4 =	vld [tilespmem:$0x1FE90]  }
0x382: {  	s0 =	simm.s32 $0x0  }
0x383: {  	v2 =	vadd.s32 s0, v5  }
0x384: {  	v3 =	vand.u32 $0xF, v2;
	v5 =	vshll.u32 v2, $0x9;
	v2 =	vshll.u32 v2, $0x7  }
0x385: {  	v5 =	vand.u32 $0x1000, v5;
	v2 =	vand.u32 $0x380, v2  }
0x386: {  	v6 =	vlaneseq.u32;
	v2 =	vor.u32 v2, v5;
	v19 =	vmovc v4;
	v4 =	vor.u32 v4, v3  }
0x387: {  	v5 =	vor.u32 v6, v2;
	v6 =	vld [tilespmem:$0x1FEA0];
	_ =	sdelay $0x3  }
0x388: {  	v4 =	vld.idx.msk [tilespmem:v4+s25+$0x0], $0xffff  }
0x389: {  	v13 =	vmov v6;
	v6 =	vor.u32 v6, v3;
	_ =	sdelay $0x3  }
0x38a: {  	[tilespmem:v5+s21+$0x0] =	vst.idx.msk $0xffff, v4;
	v5 =	vld [tilespmem:$0x1FF00]  }
0x38b: {  	v4 =	vld.idx.msk [tilespmem:v6+s25+$0x0], $0xffff  }
0x38c: {  	v6 =	vld [tilespmem:$0x1FF10];
	_ =	sdelay $0x3  }
0x38d: {  	v5 =	vor.u32 v5, v2  }
0x38e: {  	v6 =	vor.u32 v6, v3;
	_ =	sdelay $0x3  }
0x38f: {  	[tilespmem:v5+s21+$0x0] =	vst.idx.msk $0xffff, v4;
	v5 =	vld [tilespmem:$0x1FF20]  }
0x390: {  	v4 =	vld.idx.msk [tilespmem:v6+s25+$0x0], $0xffff  }
0x391: {  	v6 =	vld [tilespmem:$0x1FF30];
	_ =	sdelay $0x3  }
0x392: {  	v5 =	vor.u32 v5, v2  }
0x393: {  	v6 =	vor.u32 v6, v3;
	_ =	sdelay $0x3  }
0x394: {  	[tilespmem:v5+s21+$0x0] =	vst.idx.msk $0xffff, v4;
	v5 =	vld [tilespmem:$0x1FF40]  }
0x395: {  	v4 =	vld.idx.msk [tilespmem:v6+s25+$0x0], $0xffff  }
0x396: {  	v6 =	vld [tilespmem:$0x1FF50];
	_ =	sdelay $0x3  }
0x397: {  	v5 =	vor.u32 v5, v2  }
0x398: {  	v6 =	vor.u32 v6, v3;
	_ =	sdelay $0x3  }
0x399: {  	[tilespmem:v5+s21+$0x0] =	vst.idx.msk $0xffff, v4;
	v5 =	vld [tilespmem:$0x1FF60]  }
0x39a: {  	v4 =	vld.idx.msk [tilespmem:v6+s25+$0x0], $0xffff  }
0x39b: {  	v6 =	vld [tilespmem:$0x1FF70];
	_ =	sdelay $0x3  }
0x39c: {  	v5 =	vor.u32 v5, v2  }
0x39d: {  	v6 =	vor.u32 v6, v3;
	_ =	sdelay $0x3  }
0x39e: {  	[tilespmem:v5+s21+$0x0] =	vst.idx.msk $0xffff, v4;
	v5 =	vld [tilespmem:$0x1FF80]  }
0x39f: {  	v4 =	vld.idx.msk [tilespmem:v6+s25+$0x0], $0xffff  }
0x3a0: {  	v6 =	vld [tilespmem:$0x1FF90];
	_ =	sdelay $0x3  }
0x3a1: {  	v5 =	vor.u32 v5, v2  }
0x3a2: {  	v6 =	vor.u32 v6, v3;
	_ =	sdelay $0x3  }
0x3a3: {  	[tilespmem:v5+s21+$0x0] =	vst.idx.msk $0xffff, v4;
	v5 =	vld [tilespmem:$0x1FFA0]  }
0x3a4: {  	v4 =	vld.idx.msk [tilespmem:v6+s25+$0x0], $0xffff  }
0x3a5: {  	v6 =	vld [tilespmem:$0x1FFB0];
	_ =	sdelay $0x3  }
0x3a6: {  	v5 =	vor.u32 v5, v2  }
0x3a7: {  	v6 =	vor.u32 v6, v3;
	_ =	sdelay $0x3  }
0x3a8: {  	[tilespmem:v5+s21+$0x0] =	vst.idx.msk $0xffff, v4;
	v5 =	vld [tilespmem:$0x1FFC0]  }
0x3a9: {  	v4 =	vld.idx.msk [tilespmem:v6+s25+$0x0], $0xffff  }
0x3aa: {  	v6 =	vld [tilespmem:$0x1FFD0];
	_ =	sdelay $0x3  }
0x3ab: {  	v5 =	vor.u32 v5, v2  }
0x3ac: {  	v6 =	vor.u32 v6, v3;
	_ =	sdelay $0x3  }
0x3ad: {  	[tilespmem:v5+s21+$0x0] =	vst.idx.msk $0xffff, v4;
	v5 =	vld [tilespmem:$0x1FFE0]  }
0x3ae: {  	v4 =	vld.idx.msk [tilespmem:v6+s25+$0x0], $0xffff  }
0x3af: {  	v6 =	vld [tilespmem:$0x1FFF0];
	_ =	sdelay $0x3  }
0x3b0: {  	v5 =	vor.u32 v5, v2  }
0x3b1: {  	v6 =	vor.u32 v6, v3;
	_ =	sdelay $0x3  }
0x3b2: {  	[tilespmem:v5+s21+$0x0] =	vst.idx.msk $0xffff, v4;
	v5 =	vld [tilespmem:$0x1FEF0]  }
0x3b3: {  	v4 =	vld.idx.msk [tilespmem:v6+s25+$0x0], $0xffff  }
0x3b4: {  	v6 =	vld [tilespmem:$0x1FC10];
	_ =	sdelay $0x3  }
0x3b5: {  	v5 =	vor.u32 v5, v2  }
0x3b6: {  	v6 =	vor.u32 v6, v3;
	_ =	sdelay $0x3  }
0x3b7: {  	[tilespmem:v5+s21+$0x0] =	vst.idx.msk $0xffff, v4;
	v5 =	vld [tilespmem:$0x1FC20]  }
0x3b8: {  	v4 =	vld.idx.msk [tilespmem:v6+s25+$0x0], $0xffff  }
0x3b9: {  	v6 =	vld [tilespmem:$0x1FC30];
	_ =	sdelay $0x3  }
0x3ba: {  	v60 =	vmov v5;
	v5 =	vor.u32 v5, v2  }
0x3bb: {  	v57 =	vmov v6;
	v6 =	vor.u32 v6, v3;
	_ =	sdelay $0x3  }
0x3bc: {  	[tilespmem:v5+s21+$0x0] =	vst.idx.msk $0xffff, v4;
	v5 =	vld [tilespmem:$0x1FC40]  }
0x3bd: {  	v4 =	vld.idx.msk [tilespmem:v6+s25+$0x0], $0xffff  }
0x3be: {  	v6 =	vld [tilespmem:$0x1FC50];
	_ =	sdelay $0x3  }
0x3bf: {  	v56 =	vmov v5;
	v5 =	vor.u32 v5, v2  }
0x3c0: {  	v55 =	vmov v6;
	v6 =	vor.u32 v6, v3;
	_ =	sdelay $0x3  }
0x3c1: {  	[tilespmem:v5+s21+$0x0] =	vst.idx.msk $0xffff, v4;
	v5 =	vld [tilespmem:$0x1FC60]  }
0x3c2: {  	v4 =	vld.idx.msk [tilespmem:v6+s25+$0x0], $0xffff  }
0x3c3: {  	v6 =	vld [tilespmem:$0x1FC70];
	_ =	sdelay $0x3  }
0x3c4: {  	v54 =	vmov v5;
	v5 =	vor.u32 v5, v2  }
0x3c5: {  	v53 =	vmov v6;
	v6 =	vor.u32 v6, v3;
	_ =	sdelay $0x3  }
0x3c6: {  	[tilespmem:v5+s21+$0x0] =	vst.idx.msk $0xffff, v4;
	v5 =	vld [tilespmem:$0x1FC80]  }
0x3c7: {  	v4 =	vld.idx.msk [tilespmem:v6+s25+$0x0], $0xffff  }
0x3c8: {  	v6 =	vld [tilespmem:$0x1FC90];
	_ =	sdelay $0x3  }
0x3c9: {  	v52 =	vmov v5;
	v5 =	vor.u32 v5, v2  }
0x3ca: {  	v51 =	vmov v6;
	v6 =	vor.u32 v6, v3;
	_ =	sdelay $0x3  }
0x3cb: {  	[tilespmem:v5+s21+$0x0] =	vst.idx.msk $0xffff, v4;
	v5 =	vld [tilespmem:$0x1FCA0]  }
0x3cc: {  	v4 =	vld.idx.msk [tilespmem:v6+s25+$0x0], $0xffff  }
0x3cd: {  	v6 =	vld [tilespmem:$0x1FCB0];
	_ =	sdelay $0x3  }
0x3ce: {  	v50 =	vmov v5;
	v5 =	vor.u32 v5, v2  }
0x3cf: {  	v49 =	vmov v6;
	v6 =	vor.u32 v6, v3;
	_ =	sdelay $0x3  }
0x3d0: {  	[tilespmem:v5+s21+$0x0] =	vst.idx.msk $0xffff, v4;
	v5 =	vld [tilespmem:$0x1FCC0]  }
0x3d1: {  	v4 =	vld.idx.msk [tilespmem:v6+s25+$0x0], $0xffff  }
0x3d2: {  	v6 =	vld [tilespmem:$0x1FCD0];
	_ =	sdelay $0x3  }
0x3d3: {  	v48 =	vmov v5;
	v5 =	vor.u32 v5, v2  }
0x3d4: {  	v47 =	vmov v6;
	v6 =	vor.u32 v6, v3;
	_ =	sdelay $0x3  }
0x3d5: {  	[tilespmem:v5+s21+$0x0] =	vst.idx.msk $0xffff, v4;
	v5 =	vld [tilespmem:$0x1FCE0]  }
0x3d6: {  	v4 =	vld.idx.msk [tilespmem:v6+s25+$0x0], $0xffff  }
0x3d7: {  	v6 =	vld [tilespmem:$0x1FCF0];
	_ =	sdelay $0x3  }
0x3d8: {  	v46 =	vmov v5;
	v5 =	vor.u32 v5, v2  }
0x3d9: {  	v45 =	vmov v6;
	v6 =	vor.u32 v6, v3;
	_ =	sdelay $0x3  }
0x3da: {  	[tilespmem:v5+s21+$0x0] =	vst.idx.msk $0xffff, v4;
	v5 =	vld [tilespmem:$0x1FD00]  }
0x3db: {  	v4 =	vld.idx.msk [tilespmem:v6+s25+$0x0], $0xffff  }
0x3dc: {  	v6 =	vld [tilespmem:$0x1FD10];
	_ =	sdelay $0x3  }
0x3dd: {  	v44 =	vmov v5;
	v5 =	vor.u32 v5, v2  }
0x3de: {  	v11 =	vmov v6;
	v6 =	vor.u32 v6, v3;
	_ =	sdelay $0x3  }
0x3df: {  	[tilespmem:v5+s21+$0x0] =	vst.idx.msk $0xffff, v4;
	v5 =	vld [tilespmem:$0x1FD20]  }
0x3e0: {  	v4 =	vld.idx.msk [tilespmem:v6+s25+$0x0], $0xffff  }
0x3e1: {  	v6 =	vld [tilespmem:$0x1FD30];
	_ =	sdelay $0x3  }
0x3e2: {  	v61 =	vmov v5;
	v5 =	vor.u32 v5, v2  }
0x3e3: {  	v63 =	vmov v6;
	v6 =	vor.u32 v6, v3;
	_ =	sdelay $0x3  }
0x3e4: {  	[tilespmem:v5+s21+$0x0] =	vst.idx.msk $0xffff, v4;
	v5 =	vld [tilespmem:$0x1FD40]  }
0x3e5: {  	v4 =	vld.idx.msk [tilespmem:v6+s25+$0x0], $0xffff  }
0x3e6: {  	v6 =	vld [tilespmem:$0x1FD50];
	_ =	sdelay $0x3  }
0x3e7: {  	v62 =	vmov v5;
	v5 =	vor.u32 v5, v2  }
0x3e8: {  	v41 =	vmov v6;
	v6 =	vor.u32 v6, v3;
	_ =	sdelay $0x3  }
0x3e9: {  	[tilespmem:v5+s21+$0x0] =	vst.idx.msk $0xffff, v4;
	v5 =	vld [tilespmem:$0x1FD60]  }
0x3ea: {  	v4 =	vld.idx.msk [tilespmem:v6+s25+$0x0], $0xffff  }
0x3eb: {  	v6 =	vld [tilespmem:$0x1FD70];
	_ =	sdelay $0x3  }
0x3ec: {  	v43 =	vmov v5;
	v5 =	vor.u32 v5, v2  }
0x3ed: {  	v16 =	vmov v6;
	v6 =	vor.u32 v6, v3;
	_ =	sdelay $0x3  }
0x3ee: {  	[tilespmem:v5+s21+$0x0] =	vst.idx.msk $0xffff, v4;
	v5 =	vld [tilespmem:$0x1FD80]  }
0x3ef: {  	v4 =	vld.idx.msk [tilespmem:v6+s25+$0x0], $0xffff  }
0x3f0: {  	v6 =	vld [tilespmem:$0x1FD90];
	_ =	sdelay $0x3  }
0x3f1: {  	v38 =	vmov v5;
	v5 =	vor.u32 v5, v2  }
0x3f2: {  	v39 =	vmov v6;
	v6 =	vor.u32 v6, v3;
	_ =	sdelay $0x3  }
0x3f3: {  	[tilespmem:v5+s21+$0x0] =	vst.idx.msk $0xffff, v4;
	v5 =	vld [tilespmem:$0x1FDA0]  }
0x3f4: {  	v4 =	vld.idx.msk [tilespmem:v6+s25+$0x0], $0xffff  }
0x3f5: {  	v6 =	vld [tilespmem:$0x1FDB0];
	_ =	sdelay $0x3  }
0x3f6: {  	v40 =	vmov v5;
	v5 =	vor.u32 v5, v2  }
0x3f7: {  	v42 =	vmov v6;
	v6 =	vor.u32 v6, v3;
	_ =	sdelay $0x3  }
0x3f8: {  	[tilespmem:v5+s21+$0x0] =	vst.idx.msk $0xffff, v4;
	v5 =	vld [tilespmem:$0x1FDC0]  }
0x3f9: {  	v4 =	vld.idx.msk [tilespmem:v6+s25+$0x0], $0xffff  }
0x3fa: {  	v6 =	vld [tilespmem:$0x1FDD0];
	_ =	sdelay $0x3  }
0x3fb: {  	v15 =	vmov v5;
	v5 =	vor.u32 v5, v2  }
0x3fc: {  	v9 =	vmov v6;
	v6 =	vor.u32 v6, v3;
	_ =	sdelay $0x3  }
0x3fd: {  	[tilespmem:v5+s21+$0x0] =	vst.idx.msk $0xffff, v4;
	v5 =	vld [tilespmem:$0x1FDE0]  }
0x3fe: {  	v4 =	vld.idx.msk [tilespmem:v6+s25+$0x0], $0xffff  }
0x3ff: {  	v6 =	vld [tilespmem:$0x1FDF0];
	_ =	sdelay $0x3  }
0x400: {  	v35 =	vmov v5;
	v5 =	vor.u32 v5, v2  }
0x401: {  	v17 =	vmov v6;
	v6 =	vor.u32 v6, v3;
	_ =	sdelay $0x3  }
0x402: {  	[tilespmem:v5+s21+$0x0] =	vst.idx.msk $0xffff, v4;
	v5 =	vld [tilespmem:$0x1FE00]  }
0x403: {  	v4 =	vld.idx.msk [tilespmem:v6+s25+$0x0], $0xffff  }
0x404: {  	v6 =	vld [tilespmem:$0x1FE10];
	_ =	sdelay $0x3  }
0x405: {  	v22 =	vmov v5;
	v5 =	vor.u32 v5, v2  }
0x406: {  	v27 =	vmov v6;
	v6 =	vor.u32 v6, v3;
	_ =	sdelay $0x3  }
0x407: {  	[tilespmem:v5+s21+$0x0] =	vst.idx.msk $0xffff, v4;
	v5 =	vld [tilespmem:$0x1FE20]  }
0x408: {  	v4 =	vld.idx.msk [tilespmem:v6+s25+$0x0], $0xffff  }
0x409: {  	v6 =	vld [tilespmem:$0x1FE30];
	_ =	sdelay $0x3  }
0x40a: {  	v10 =	vmov v5;
	v5 =	vor.u32 v5, v2  }
0x40b: {  	v20 =	vmov v6;
	v6 =	vor.u32 v6, v3;
	_ =	sdelay $0x3  }
0x40c: {  	[tilespmem:v5+s21+$0x0] =	vst.idx.msk $0xffff, v4;
	v5 =	vld [tilespmem:$0x1FE40]  }
0x40d: {  	v4 =	vld.idx.msk [tilespmem:v6+s25+$0x0], $0xffff  }
0x40e: {  	v6 =	vld [tilespmem:$0x1FE50];
	_ =	sdelay $0x2  }
0x40f: {  	v21 =	vmov v5;
	v5 =	vor.u32 v5, v2;
	_ =	sdelay $0x1  }
0x410: {  	v59 =	vmov v6;
	v6 =	vor.u32 v6, v3;
	_ =	sdelay $0x2  }
0x411: {  	[tilespmem:v5+s21+$0x0] =	vst.idx.msk $0xffff, v4;
	v5 =	vld [tilespmem:$0x1FE60];
	_ =	sdelay $0x1  }
0x412: {  	v4 =	vld.idx.msk [tilespmem:v6+s25+$0x0], $0xffff  }
0x413: {  	v6 =	vld [tilespmem:$0x1FE70];
	_ =	sdelay $0x1  }
0x414: {  	v5 =	vor.u32 v5, v2;
	_ =	sdelay $0x2  }
0x415: {  	v6 =	vor.u32 v6, v3;
	_ =	sdelay $0x1  }
0x416: {  	[tilespmem:v5+s21+$0x0] =	vst.idx.msk $0xffff, v4;
	v5 =	vld [tilespmem:$0x1FE80];
	_ =	sdelay $0x2  }
0x417: {  	v4 =	vld.idx.msk [tilespmem:v6+s25+$0x0], $0xffff  }
0x418: {  	v6 =	vld [tilespmem:$0x1FEB0]  }
0x419: {  	v5 =	vor.u32 v5, v2;
	_ =	sdelay $0x3  }
0x41a: {  	v6 =	vor.u32 v6, v3  }
0x41b: {  	[tilespmem:v5+s21+$0x0] =	vst.idx.msk $0xffff, v4;
	v5 =	vld [tilespmem:$0x1FEC0];
	_ =	sdelay $0x3  }
0x41c: {  	v4 =	vld.idx.msk [tilespmem:v6+s25+$0x0], $0xffff  }
0x41d: {  	v6 =	vld [tilespmem:$0x1FED0];
	v5 =	vor.u32 v5, v2;
	_ =	sdelay $0x4  }
0x41e: {  	v6 =	vor.u32 v6, v3;
	[tilespmem:v5+s21+$0x0] =	vst.idx.msk $0xffff, v4;
	v5 =	vld [tilespmem:$0x1FEE0];
	_ =	sdelay $0x4  }
0x41f: {  	v4 =	vld.idx.msk [tilespmem:v6+s25+$0x0], $0xffff;
	v5 =	vor.u32 v5, v2  }
0x420: {  	v6 =	vor.u32 v32, v3;
	_ =	sdelay $0x3  }
0x421: {  	[tilespmem:v5+s21+$0x0] =	vst.idx.msk $0xffff, v4  }
0x422: {  	v5 =	vor.u32 v12, v2;
	v4 =	vld.idx.msk [tilespmem:v6+s25+$0x0], $0xffff  }
0x423: {  	v6 =	vor.u32 v14, v3;
	_ =	sdelay $0x3  }
0x424: {  	[tilespmem:v5+s21+$0x0] =	vst.idx.msk $0xffff, v4  }
0x425: {  	v5 =	vor.u32 v18, v2;
	v4 =	vld.idx.msk [tilespmem:v6+s25+$0x0], $0xffff  }
0x426: {  	v6 =	vor.u32 v33, v3;
	_ =	sdelay $0x3  }
0x427: {  	[tilespmem:v5+s21+$0x0] =	vst.idx.msk $0xffff, v4  }
0x428: {  	v5 =	vor.u32 v36, v2;
	v4 =	vld.idx.msk [tilespmem:v6+s25+$0x0], $0xffff  }
0x429: {  	v6 =	vor.u32 v58, v3;
	_ =	sdelay $0x3  }
0x42a: {  	[tilespmem:v5+s21+$0x0] =	vst.idx.msk $0xffff, v4  }
0x42b: {  	v5 =	vor.u32 v24, v2;
	v4 =	vld.idx.msk [tilespmem:v6+s25+$0x0], $0xffff  }
0x42c: {  	v6 =	vor.u32 v1, v3;
	_ =	sdelay $0x3  }
0x42d: {  	[tilespmem:v5+s21+$0x0] =	vst.idx.msk $0xffff, v4  }
0x42e: {  	v5 =	vor.u32 v7, v2;
	v4 =	vld.idx.msk [tilespmem:v6+s25+$0x0], $0xffff  }
0x42f: {  	v6 =	vor.u32 v8, v3;
	_ =	sdelay $0x3  }
0x430: {  	[tilespmem:v5+s21+$0x0] =	vst.idx.msk $0xffff, v4  }
0x431: {  	v5 =	vor.u32 v34, v2;
	v4 =	vld.idx.msk [tilespmem:v6+s25+$0x0], $0xffff  }
0x432: {  	v6 =	vor.u32 v37, v3;
	_ =	sdelay $0x3  }
0x433: {  	[tilespmem:v5+s21+$0x0] =	vst.idx.msk $0xffff, v4  }
0x434: {  	v5 =	vor.u32 v31, v2;
	v4 =	vld.idx.msk [tilespmem:v6+s25+$0x0], $0xffff  }
0x435: {  	v6 =	vor.u32 v0, v3;
	_ =	sdelay $0x3  }
0x436: {  	[tilespmem:v5+s21+$0x0] =	vst.idx.msk $0xffff, v4  }
0x437: {  	v5 =	vor.u32 v23, v2;
	v4 =	vld.idx.msk [tilespmem:v6+s25+$0x0], $0xffff  }
0x438: {  	v6 =	vor.u32 v25, v3;
	_ =	sdelay $0x3  }
0x439: {  	[tilespmem:v5+s21+$0x0] =	vst.idx.msk $0xffff, v4  }
0x43a: {  	v5 =	vor.u32 v26, v2;
	v4 =	vld.idx.msk [tilespmem:v6+s25+$0x0], $0xffff  }
0x43b: {  	v6 =	vor.u32 v30, v3;
	_ =	sdelay $0x3  }
0x43c: {  	[tilespmem:v5+s21+$0x0] =	vst.idx.msk $0xffff, v4  }
0x43d: {  	v5 =	vor.u32 v28, v2;
	v4 =	vld.idx.msk [tilespmem:v6+s25+$0x0], $0xffff  }
0x43e: {  	v30 =	vld [tilespmem:$0x1F970];
	v6 =	vor.u32 v29, v3  }
0x43f: {  	v31 =	vld [tilespmem:$0x1F980];
	_ =	sdelay $0x2  }
0x440: {  	[tilespmem:v5+s21+$0x0] =	vst.idx.msk $0xffff, v4  }
0x441: {  	v5 =	vor.u32 v30, v2;
	v4 =	vld.idx.msk [tilespmem:v6+s25+$0x0], $0xffff  }
0x442: {  	v37 =	vld [tilespmem:$0x1F990];
	v6 =	vor.u32 v31, v3;
	_ =	sdelay $0x2  }
0x443: {  	v58 =	vld [tilespmem:$0x1F9A0]  }
0x444: {  	v0 =	vld [tilespmem:$0x1F9B0];
	[tilespmem:v5+s21+$0x0] =	vst.idx.msk $0xffff, v4  }
0x445: {  	v5 =	vor.u32 v37, v2;
	v4 =	vld.idx.msk [tilespmem:v6+s25+$0x0], $0xffff;
	_ =	sdelay $0x3  }
0x446: {  	v6 =	vor.u32 v58, v3  }
0x447: {  	[tilespmem:v5+s21+$0x0] =	vst.idx.msk $0xffff, v4;
	v5 =	vor.u32 v0, v2;
	v0 =	vld [tilespmem:$0x1F9C0];
	_ =	sdelay $0x3  }
0x448: {  	v4 =	vld.idx.msk [tilespmem:v6+s25+$0x0], $0xffff  }
0x449: {  	v6 =	vor.u32 v0, v3;
	v0 =	vld [tilespmem:$0x1F9D0];
	_ =	sdelay $0x4  }
0x44a: {  	[tilespmem:v5+s21+$0x0] =	vst.idx.msk $0xffff, v4;
	v5 =	vor.u32 v0, v2;
	v0 =	vld [tilespmem:$0x1F9E0];
	_ =	sdelay $0x3  }
0x44b: {  	v4 =	vld.idx.msk [tilespmem:v6+s25+$0x0], $0xffff  }
0x44c: {  	v6 =	vor.u32 v0, v3;
	v0 =	vld [tilespmem:$0x1F9F0];
	_ =	sdelay $0x4  }
0x44d: {  	[tilespmem:v5+s21+$0x0] =	vst.idx.msk $0xffff, v4;
	v5 =	vor.u32 v0, v2;
	v0 =	vld [tilespmem:$0x1FA00];
	_ =	sdelay $0x3  }
0x44e: {  	v4 =	vld.idx.msk [tilespmem:v6+s25+$0x0], $0xffff  }
0x44f: {  	v6 =	vor.u32 v0, v3;
	v0 =	vld [tilespmem:$0x1FA10];
	_ =	sdelay $0x4  }
0x450: {  	[tilespmem:v5+s21+$0x0] =	vst.idx.msk $0xffff, v4;
	v5 =	vor.u32 v0, v2;
	v0 =	vld [tilespmem:$0x1FA20];
	_ =	sdelay $0x3  }
0x451: {  	v4 =	vld.idx.msk [tilespmem:v6+s25+$0x0], $0xffff  }
0x452: {  	v6 =	vor.u32 v0, v3;
	v0 =	vld [tilespmem:$0x1FA30];
	_ =	sdelay $0x4  }
0x453: {  	[tilespmem:v5+s21+$0x0] =	vst.idx.msk $0xffff, v4;
	v5 =	vor.u32 v0, v2;
	v0 =	vld [tilespmem:$0x1FA40];
	_ =	sdelay $0x3  }
0x454: {  	v4 =	vld.idx.msk [tilespmem:v6+s25+$0x0], $0xffff  }
0x455: {  	v6 =	vor.u32 v0, v3;
	v0 =	vld [tilespmem:$0x1FA50];
	_ =	sdelay $0x4  }
0x456: {  	[tilespmem:v5+s21+$0x0] =	vst.idx.msk $0xffff, v4;
	v5 =	vor.u32 v0, v2;
	v0 =	vld [tilespmem:$0x1FA60];
	_ =	sdelay $0x3  }
0x457: {  	v4 =	vld.idx.msk [tilespmem:v6+s25+$0x0], $0xffff  }
0x458: {  	v6 =	vor.u32 v0, v3;
	v0 =	vld [tilespmem:$0x1FA70];
	_ =	sdelay $0x4  }
0x459: {  	[tilespmem:v5+s21+$0x0] =	vst.idx.msk $0xffff, v4;
	v5 =	vor.u32 v0, v2;
	v0 =	vld [tilespmem:$0x1FA80];
	_ =	sdelay $0x3  }
0x45a: {  	v4 =	vld.idx.msk [tilespmem:v6+s25+$0x0], $0xffff  }
0x45b: {  	v6 =	vor.u32 v0, v3;
	v0 =	vld [tilespmem:$0x1FA90];
	_ =	sdelay $0x4  }
0x45c: {  	[tilespmem:v5+s21+$0x0] =	vst.idx.msk $0xffff, v4;
	v5 =	vor.u32 v0, v2;
	v0 =	vld [tilespmem:$0x1FAA0];
	_ =	sdelay $0x3  }
0x45d: {  	v4 =	vld.idx.msk [tilespmem:v6+s25+$0x0], $0xffff  }
0x45e: {  	v6 =	vor.u32 v0, v3;
	v0 =	vld [tilespmem:$0x1FAB0];
	_ =	sdelay $0x4  }
0x45f: {  	[tilespmem:v5+s21+$0x0] =	vst.idx.msk $0xffff, v4;
	v5 =	vor.u32 v0, v2;
	v0 =	vld [tilespmem:$0x1FAC0];
	_ =	sdelay $0x3  }
0x460: {  	v4 =	vld.idx.msk [tilespmem:v6+s25+$0x0], $0xffff  }
0x461: {  	v6 =	vor.u32 v0, v3;
	v0 =	vld [tilespmem:$0x1FAD0];
	_ =	sdelay $0x4  }
0x462: {  	[tilespmem:v5+s21+$0x0] =	vst.idx.msk $0xffff, v4;
	v5 =	vor.u32 v0, v2;
	v0 =	vld [tilespmem:$0x1FAE0];
	_ =	sdelay $0x3  }
0x463: {  	v4 =	vld.idx.msk [tilespmem:v6+s25+$0x0], $0xffff  }
0x464: {  	v6 =	vor.u32 v0, v3;
	v0 =	vld [tilespmem:$0x1FAF0];
	_ =	sdelay $0x4  }
0x465: {  	[tilespmem:v5+s21+$0x0] =	vst.idx.msk $0xffff, v4;
	v5 =	vor.u32 v0, v2;
	v0 =	vld [tilespmem:$0x1FB00];
	_ =	sdelay $0x3  }
0x466: {  	v4 =	vld.idx.msk [tilespmem:v6+s25+$0x0], $0xffff  }
0x467: {  	v6 =	vor.u32 v0, v3;
	v0 =	vld [tilespmem:$0x1FB10];
	_ =	sdelay $0x4  }
0x468: {  	[tilespmem:v5+s21+$0x0] =	vst.idx.msk $0xffff, v4;
	v5 =	vor.u32 v0, v2;
	v0 =	vld [tilespmem:$0x1FB20];
	_ =	sdelay $0x3  }
0x469: {  	v4 =	vld.idx.msk [tilespmem:v6+s25+$0x0], $0xffff  }
0x46a: {  	v6 =	vor.u32 v0, v3;
	v0 =	vld [tilespmem:$0x1FB30];
	_ =	sdelay $0x4  }
0x46b: {  	[tilespmem:v5+s21+$0x0] =	vst.idx.msk $0xffff, v4;
	v5 =	vor.u32 v0, v2;
	v0 =	vld [tilespmem:$0x1FB40];
	_ =	sdelay $0x3  }
0x46c: {  	v4 =	vld.idx.msk [tilespmem:v6+s25+$0x0], $0xffff  }
0x46d: {  	v6 =	vor.u32 v0, v3;
	v0 =	vld [tilespmem:$0x1FB50];
	_ =	sdelay $0x4  }
0x46e: {  	[tilespmem:v5+s21+$0x0] =	vst.idx.msk $0xffff, v4;
	v5 =	vor.u32 v0, v2;
	v0 =	vld [tilespmem:$0x1FB60];
	_ =	sdelay $0x3  }
0x46f: {  	v4 =	vld.idx.msk [tilespmem:v6+s25+$0x0], $0xffff  }
0x470: {  	v6 =	vor.u32 v0, v3;
	v0 =	vld [tilespmem:$0x1FB70];
	_ =	sdelay $0x4  }
0x471: {  	[tilespmem:v5+s21+$0x0] =	vst.idx.msk $0xffff, v4;
	v5 =	vor.u32 v0, v2;
	v0 =	vld [tilespmem:$0x1FB80];
	_ =	sdelay $0x3  }
0x472: {  	v4 =	vld.idx.msk [tilespmem:v6+s25+$0x0], $0xffff  }
0x473: {  	v6 =	vor.u32 v0, v3;
	v0 =	vld [tilespmem:$0x1FB90];
	_ =	sdelay $0x4  }
0x474: {  	[tilespmem:v5+s21+$0x0] =	vst.idx.msk $0xffff, v4;
	v5 =	vor.u32 v0, v2;
	v0 =	vld [tilespmem:$0x1FBA0];
	_ =	sdelay $0x3  }
0x475: {  	v4 =	vld.idx.msk [tilespmem:v6+s25+$0x0], $0xffff  }
0x476: {  	v6 =	vor.u32 v0, v3;
	v0 =	vld [tilespmem:$0x1FBB0];
	_ =	sdelay $0x4  }
0x477: {  	[tilespmem:v5+s21+$0x0] =	vst.idx.msk $0xffff, v4;
	v5 =	vor.u32 v0, v2;
	v0 =	vld [tilespmem:$0x1FBC0];
	_ =	sdelay $0x3  }
0x478: {  	v4 =	vld.idx.msk [tilespmem:v6+s25+$0x0], $0xffff  }
0x479: {  	v6 =	vor.u32 v0, v3;
	v0 =	vld [tilespmem:$0x1FBD0]  }
0x47a: {  	v32 =	vld [tilespmem:$0x1FF50]  }
0x47b: {  	v12 =	vld [tilespmem:$0x1F810]  }
0x47c: {  	v14 =	vld [tilespmem:$0x1FFB0]  }
0x47d: {  	v18 =	vld [tilespmem:$0x1FFC0]  }
0x47e: {  	[tilespmem:v5+s21+$0x0] =	vst.idx.msk $0xffff, v4;
	v5 =	vor.u32 v0, v2;
	v0 =	vld [tilespmem:$0x1FBE0]  }
0x47f: {  	v33 =	vld [tilespmem:$0x1FF70]  }
0x480: {  	v36 =	vld [tilespmem:$0x1FFD0]  }
0x481: {  	v24 =	vld [tilespmem:$0x1FF00]  }
0x482: {  	v4 =	vld.idx.msk [tilespmem:v6+s25+$0x0], $0xffff  }
0x483: {  	v6 =	vor.u32 v0, v3;
	v0 =	vld [tilespmem:$0x1FBF0]  }
0x484: {  	v1 =	vld [tilespmem:$0x1FC10]  }
0x485: {  	v34 =	vld [tilespmem:$0x1FF90]  }
0x486: {  	v23 =	vld [tilespmem:$0x1FF40]  }
0x487: {  	v25 =	vld [tilespmem:$0x1FF80]  }
0x488: {  	[tilespmem:v5+s21+$0x0] =	vst.idx.msk $0xffff, v4;
	v5 =	vor.u32 v0, v2;
	v0 =	vld [tilespmem:$0x1FC00]  }
0x489: {  	v26 =	vld [tilespmem:$0x1FFA0]  }
0x48a: {  	v28 =	vld [tilespmem:$0x1FFE0]  }
0x48b: {  	v29 =	vld [tilespmem:$0x1FEF0]  }
0x48c: {  	v4 =	vld.idx.msk [tilespmem:v6+s25+$0x0], $0xffff  }
0x48d: {  	v30 =	vld [tilespmem:$0x1FF10];
	v3 =	vor.u32 v0, v3  }
0x48e: {  	v31 =	vld [tilespmem:$0x1FF30]  }
0x48f: {  	v37 =	vld [tilespmem:$0x1FFF0]  }
0x490: {  	s31 =	simm.s32 $0x1;
	v58 =	vld [tilespmem:$0x1FF20];
	v0 =	vlaneseq.u32  }
0x491: {  	[tilespmem:v5+s21+$0x0] =	vst.idx.msk $0xffff, v4;
	v5 =	vadd.s32 s31, v0;
	v0 =	vld [tilespmem:$0x1FF60]  }
0x492: {  	s0 =	simm.s32 $0x2;
	v8 =	vlaneseq.u32;
	v4 =	vld.idx.msk [tilespmem:v3+s25+$0x0], $0xffff  }
.LBB2_12:
0x493: {  	v3 =	vand.u32 $0xF, v5;
	v2 =	vor.u32 v12, v2  }
0x494: {  	v6 =	vor.u32 v19, v3;
	_ =	sdelay $0x1  }
0x495: {  	v7 =	vshll.u32 v5, $0x9;
	v5 =	vshll.u32 v5, $0x7  }
0x496: {  	v7 =	vand.u32 $0x1000, v7;
	v5 =	vand.u32 $0x380, v5  }
0x497: {  	[tilespmem:v2+s21+$0x0] =	vst.idx.msk $0xffff, v4;
	v2 =	vor.u32 v5, v7  }
0x498: {  	v4 =	vld.idx.msk [tilespmem:v6+s25+$0x0], $0xffff;
	v5 =	vor.u32 v8, v2  }
0x499: {  	v6 =	vor.u32 v13, v3;
	_ =	sdelay $0x3  }
0x49a: {  	[tilespmem:v5+s21+$0x0] =	vst.idx.msk $0xffff, v4  }
0x49b: {  	v5 =	vor.u32 v24, v2;
	v4 =	vld.idx.msk [tilespmem:v6+s25+$0x0], $0xffff  }
0x49c: {  	v6 =	vor.u32 v30, v3;
	_ =	sdelay $0x3  }
0x49d: {  	[tilespmem:v5+s21+$0x0] =	vst.idx.msk $0xffff, v4  }
0x49e: {  	v5 =	vor.u32 v58, v2;
	v4 =	vld.idx.msk [tilespmem:v6+s25+$0x0], $0xffff  }
0x49f: {  	v6 =	vor.u32 v31, v3;
	_ =	sdelay $0x3  }
0x4a0: {  	[tilespmem:v5+s21+$0x0] =	vst.idx.msk $0xffff, v4  }
0x4a1: {  	v5 =	vor.u32 v23, v2;
	v4 =	vld.idx.msk [tilespmem:v6+s25+$0x0], $0xffff  }
0x4a2: {  	v6 =	vor.u32 v32, v3;
	_ =	sdelay $0x3  }
0x4a3: {  	[tilespmem:v5+s21+$0x0] =	vst.idx.msk $0xffff, v4  }
0x4a4: {  	v5 =	vor.u32 v0, v2;
	v4 =	vld.idx.msk [tilespmem:v6+s25+$0x0], $0xffff  }
0x4a5: {  	v6 =	vor.u32 v33, v3;
	_ =	sdelay $0x3  }
0x4a6: {  	[tilespmem:v5+s21+$0x0] =	vst.idx.msk $0xffff, v4  }
0x4a7: {  	v5 =	vor.u32 v25, v2;
	v4 =	vld.idx.msk [tilespmem:v6+s25+$0x0], $0xffff  }
0x4a8: {  	v6 =	vor.u32 v34, v3;
	_ =	sdelay $0x3  }
0x4a9: {  	[tilespmem:v5+s21+$0x0] =	vst.idx.msk $0xffff, v4  }
0x4aa: {  	v5 =	vor.u32 v26, v2;
	v4 =	vld.idx.msk [tilespmem:v6+s25+$0x0], $0xffff  }
0x4ab: {  	v6 =	vor.u32 v14, v3;
	_ =	sdelay $0x3  }
0x4ac: {  	[tilespmem:v5+s21+$0x0] =	vst.idx.msk $0xffff, v4  }
0x4ad: {  	v5 =	vor.u32 v18, v2;
	v4 =	vld.idx.msk [tilespmem:v6+s25+$0x0], $0xffff  }
0x4ae: {  	v6 =	vor.u32 v36, v3;
	_ =	sdelay $0x3  }
0x4af: {  	[tilespmem:v5+s21+$0x0] =	vst.idx.msk $0xffff, v4  }
0x4b0: {  	v5 =	vor.u32 v28, v2;
	v4 =	vld.idx.msk [tilespmem:v6+s25+$0x0], $0xffff  }
0x4b1: {  	v6 =	vor.u32 v37, v3;
	_ =	sdelay $0x3  }
0x4b2: {  	[tilespmem:v5+s21+$0x0] =	vst.idx.msk $0xffff, v4  }
0x4b3: {  	v5 =	vor.u32 v29, v2;
	v4 =	vld.idx.msk [tilespmem:v6+s25+$0x0], $0xffff  }
0x4b4: {  	v6 =	vor.u32 v1, v3;
	_ =	sdelay $0x3  }
0x4b5: {  	[tilespmem:v5+s21+$0x0] =	vst.idx.msk $0xffff, v4  }
0x4b6: {  	v5 =	vor.u32 v60, v2;
	v4 =	vld.idx.msk [tilespmem:v6+s25+$0x0], $0xffff  }
0x4b7: {  	v6 =	vor.u32 v57, v3;
	_ =	sdelay $0x3  }
0x4b8: {  	[tilespmem:v5+s21+$0x0] =	vst.idx.msk $0xffff, v4  }
0x4b9: {  	v5 =	vor.u32 v56, v2;
	v4 =	vld.idx.msk [tilespmem:v6+s25+$0x0], $0xffff  }
0x4ba: {  	v6 =	vor.u32 v55, v3;
	_ =	sdelay $0x3  }
0x4bb: {  	[tilespmem:v5+s21+$0x0] =	vst.idx.msk $0xffff, v4  }
0x4bc: {  	v5 =	vor.u32 v54, v2;
	v4 =	vld.idx.msk [tilespmem:v6+s25+$0x0], $0xffff  }
0x4bd: {  	v6 =	vor.u32 v53, v3;
	_ =	sdelay $0x3  }
0x4be: {  	[tilespmem:v5+s21+$0x0] =	vst.idx.msk $0xffff, v4  }
0x4bf: {  	v5 =	vor.u32 v52, v2;
	v4 =	vld.idx.msk [tilespmem:v6+s25+$0x0], $0xffff  }
0x4c0: {  	v6 =	vor.u32 v51, v3;
	_ =	sdelay $0x3  }
0x4c1: {  	[tilespmem:v5+s21+$0x0] =	vst.idx.msk $0xffff, v4  }
0x4c2: {  	v5 =	vor.u32 v50, v2;
	v4 =	vld.idx.msk [tilespmem:v6+s25+$0x0], $0xffff  }
0x4c3: {  	v6 =	vor.u32 v49, v3;
	_ =	sdelay $0x3  }
0x4c4: {  	[tilespmem:v5+s21+$0x0] =	vst.idx.msk $0xffff, v4  }
0x4c5: {  	v5 =	vor.u32 v48, v2;
	v4 =	vld.idx.msk [tilespmem:v6+s25+$0x0], $0xffff  }
0x4c6: {  	v6 =	vor.u32 v47, v3;
	_ =	sdelay $0x3  }
0x4c7: {  	[tilespmem:v5+s21+$0x0] =	vst.idx.msk $0xffff, v4  }
0x4c8: {  	v5 =	vor.u32 v46, v2;
	v4 =	vld.idx.msk [tilespmem:v6+s25+$0x0], $0xffff  }
0x4c9: {  	v6 =	vor.u32 v45, v3;
	_ =	sdelay $0x3  }
0x4ca: {  	[tilespmem:v5+s21+$0x0] =	vst.idx.msk $0xffff, v4  }
0x4cb: {  	v5 =	vor.u32 v44, v2;
	v4 =	vld.idx.msk [tilespmem:v6+s25+$0x0], $0xffff  }
0x4cc: {  	v6 =	vor.u32 v11, v3;
	_ =	sdelay $0x3  }
0x4cd: {  	[tilespmem:v5+s21+$0x0] =	vst.idx.msk $0xffff, v4  }
0x4ce: {  	v5 =	vor.u32 v61, v2;
	v4 =	vld.idx.msk [tilespmem:v6+s25+$0x0], $0xffff  }
0x4cf: {  	v6 =	vor.u32 v63, v3;
	_ =	sdelay $0x3  }
0x4d0: {  	[tilespmem:v5+s21+$0x0] =	vst.idx.msk $0xffff, v4  }
0x4d1: {  	v5 =	vor.u32 v62, v2;
	v4 =	vld.idx.msk [tilespmem:v6+s25+$0x0], $0xffff  }
0x4d2: {  	v6 =	vor.u32 v41, v3;
	_ =	sdelay $0x3  }
0x4d3: {  	[tilespmem:v5+s21+$0x0] =	vst.idx.msk $0xffff, v4  }
0x4d4: {  	v5 =	vor.u32 v43, v2;
	v4 =	vld.idx.msk [tilespmem:v6+s25+$0x0], $0xffff  }
0x4d5: {  	v6 =	vor.u32 v16, v3;
	_ =	sdelay $0x3  }
0x4d6: {  	[tilespmem:v5+s21+$0x0] =	vst.idx.msk $0xffff, v4  }
0x4d7: {  	v5 =	vor.u32 v38, v2;
	v4 =	vld.idx.msk [tilespmem:v6+s25+$0x0], $0xffff  }
0x4d8: {  	v6 =	vor.u32 v39, v3;
	_ =	sdelay $0x3  }
0x4d9: {  	[tilespmem:v5+s21+$0x0] =	vst.idx.msk $0xffff, v4  }
0x4da: {  	v5 =	vor.u32 v40, v2;
	v4 =	vld.idx.msk [tilespmem:v6+s25+$0x0], $0xffff  }
0x4db: {  	v6 =	vor.u32 v42, v3;
	_ =	sdelay $0x3  }
0x4dc: {  	[tilespmem:v5+s21+$0x0] =	vst.idx.msk $0xffff, v4  }
0x4dd: {  	v5 =	vor.u32 v15, v2;
	v4 =	vld.idx.msk [tilespmem:v6+s25+$0x0], $0xffff  }
0x4de: {  	v6 =	vor.u32 v9, v3;
	_ =	sdelay $0x3  }
0x4df: {  	[tilespmem:v5+s21+$0x0] =	vst.idx.msk $0xffff, v4  }
0x4e0: {  	v5 =	vor.u32 v35, v2;
	v4 =	vld.idx.msk [tilespmem:v6+s25+$0x0], $0xffff  }
0x4e1: {  	v6 =	vor.u32 v17, v3;
	_ =	sdelay $0x3  }
0x4e2: {  	[tilespmem:v5+s21+$0x0] =	vst.idx.msk $0xffff, v4  }
0x4e3: {  	v5 =	vor.u32 v22, v2;
	v4 =	vld.idx.msk [tilespmem:v6+s25+$0x0], $0xffff  }
0x4e4: {  	v6 =	vor.u32 v27, v3;
	_ =	sdelay $0x3  }
0x4e5: {  	[tilespmem:v5+s21+$0x0] =	vst.idx.msk $0xffff, v4  }
0x4e6: {  	v5 =	vor.u32 v10, v2;
	v4 =	vld.idx.msk [tilespmem:v6+s25+$0x0], $0xffff  }
0x4e7: {  	v6 =	vor.u32 v20, v3;
	_ =	sdelay $0x3  }
0x4e8: {  	[tilespmem:v5+s21+$0x0] =	vst.idx.msk $0xffff, v4  }
0x4e9: {  	v5 =	vor.u32 v21, v2;
	v4 =	vld.idx.msk [tilespmem:v6+s25+$0x0], $0xffff  }
0x4ea: {  	v6 =	vor.u32 v59, v3;
	_ =	sdelay $0x3  }
0x4eb: {  	[tilespmem:v5+s21+$0x0] =	vst.idx.msk $0xffff, v4;
	v5 =	vld [tilespmem:$0x1FE60]  }
0x4ec: {  	v4 =	vld.idx.msk [tilespmem:v6+s25+$0x0], $0xffff  }
0x4ed: {  	v6 =	vld [tilespmem:$0x1FE70];
	_ =	sdelay $0x3  }
0x4ee: {  	v5 =	vor.u32 v5, v2  }
0x4ef: {  	v6 =	vor.u32 v6, v3;
	_ =	sdelay $0x3  }
0x4f0: {  	[tilespmem:v5+s21+$0x0] =	vst.idx.msk $0xffff, v4;
	v5 =	vld [tilespmem:$0x1FE80]  }
0x4f1: {  	v4 =	vld.idx.msk [tilespmem:v6+s25+$0x0], $0xffff  }
0x4f2: {  	v6 =	vld [tilespmem:$0x1FEB0];
	_ =	sdelay $0x3  }
0x4f3: {  	v5 =	vor.u32 v5, v2  }
0x4f4: {  	v6 =	vor.u32 v6, v3;
	_ =	sdelay $0x3  }
0x4f5: {  	[tilespmem:v5+s21+$0x0] =	vst.idx.msk $0xffff, v4;
	v5 =	vld [tilespmem:$0x1FEC0]  }
0x4f6: {  	v4 =	vld.idx.msk [tilespmem:v6+s25+$0x0], $0xffff  }
0x4f7: {  	v6 =	vld [tilespmem:$0x1FED0];
	_ =	sdelay $0x3  }
0x4f8: {  	v5 =	vor.u32 v5, v2  }
0x4f9: {  	v6 =	vor.u32 v6, v3;
	_ =	sdelay $0x3  }
0x4fa: {  	[tilespmem:v5+s21+$0x0] =	vst.idx.msk $0xffff, v4;
	v5 =	vld [tilespmem:$0x1FEE0]  }
0x4fb: {  	v4 =	vld.idx.msk [tilespmem:v6+s25+$0x0], $0xffff  }
0x4fc: {  	v6 =	vld [tilespmem:$0x1F820];
	_ =	sdelay $0x3  }
0x4fd: {  	v5 =	vor.u32 v5, v2  }
0x4fe: {  	v6 =	vor.u32 v6, v3;
	_ =	sdelay $0x3  }
0x4ff: {  	[tilespmem:v5+s21+$0x0] =	vst.idx.msk $0xffff, v4;
	v5 =	vld [tilespmem:$0x1F830]  }
0x500: {  	v4 =	vld.idx.msk [tilespmem:v6+s25+$0x0], $0xffff  }
0x501: {  	v6 =	vld [tilespmem:$0x1F840];
	_ =	sdelay $0x3  }
0x502: {  	v5 =	vor.u32 v5, v2  }
0x503: {  	v6 =	vor.u32 v6, v3;
	_ =	sdelay $0x3  }
0x504: {  	[tilespmem:v5+s21+$0x0] =	vst.idx.msk $0xffff, v4;
	v5 =	vld [tilespmem:$0x1F850]  }
0x505: {  	v4 =	vld.idx.msk [tilespmem:v6+s25+$0x0], $0xffff  }
0x506: {  	v6 =	vld [tilespmem:$0x1F860];
	_ =	sdelay $0x3  }
0x507: {  	v5 =	vor.u32 v5, v2  }
0x508: {  	v6 =	vor.u32 v6, v3;
	_ =	sdelay $0x3  }
0x509: {  	[tilespmem:v5+s21+$0x0] =	vst.idx.msk $0xffff, v4;
	v5 =	vld [tilespmem:$0x1F870]  }
0x50a: {  	v4 =	vld.idx.msk [tilespmem:v6+s25+$0x0], $0xffff  }
0x50b: {  	v6 =	vld [tilespmem:$0x1F880];
	_ =	sdelay $0x3  }
0x50c: {  	v5 =	vor.u32 v5, v2  }
0x50d: {  	v6 =	vor.u32 v6, v3;
	_ =	sdelay $0x3  }
0x50e: {  	[tilespmem:v5+s21+$0x0] =	vst.idx.msk $0xffff, v4;
	v5 =	vld [tilespmem:$0x1F890]  }
0x50f: {  	v4 =	vld.idx.msk [tilespmem:v6+s25+$0x0], $0xffff  }
0x510: {  	v6 =	vld [tilespmem:$0x1F8A0];
	_ =	sdelay $0x3  }
0x511: {  	v5 =	vor.u32 v5, v2  }
0x512: {  	v6 =	vor.u32 v6, v3;
	_ =	sdelay $0x3  }
0x513: {  	[tilespmem:v5+s21+$0x0] =	vst.idx.msk $0xffff, v4;
	v5 =	vld [tilespmem:$0x1F8B0]  }
0x514: {  	v4 =	vld.idx.msk [tilespmem:v6+s25+$0x0], $0xffff  }
0x515: {  	v6 =	vld [tilespmem:$0x1F8C0];
	_ =	sdelay $0x3  }
0x516: {  	v5 =	vor.u32 v5, v2  }
0x517: {  	v6 =	vor.u32 v6, v3;
	_ =	sdelay $0x3  }
0x518: {  	[tilespmem:v5+s21+$0x0] =	vst.idx.msk $0xffff, v4;
	v5 =	vld [tilespmem:$0x1F8D0]  }
0x519: {  	v4 =	vld.idx.msk [tilespmem:v6+s25+$0x0], $0xffff  }
0x51a: {  	v6 =	vld [tilespmem:$0x1F8E0];
	_ =	sdelay $0x3  }
0x51b: {  	v5 =	vor.u32 v5, v2  }
0x51c: {  	v6 =	vor.u32 v6, v3;
	_ =	sdelay $0x3  }
0x51d: {  	[tilespmem:v5+s21+$0x0] =	vst.idx.msk $0xffff, v4;
	v5 =	vld [tilespmem:$0x1F8F0]  }
0x51e: {  	v4 =	vld.idx.msk [tilespmem:v6+s25+$0x0], $0xffff  }
0x51f: {  	v6 =	vld [tilespmem:$0x1F900];
	_ =	sdelay $0x3  }
0x520: {  	v5 =	vor.u32 v5, v2  }
0x521: {  	v6 =	vor.u32 v6, v3;
	_ =	sdelay $0x3  }
0x522: {  	[tilespmem:v5+s21+$0x0] =	vst.idx.msk $0xffff, v4;
	v5 =	vld [tilespmem:$0x1F910]  }
0x523: {  	v4 =	vld.idx.msk [tilespmem:v6+s25+$0x0], $0xffff  }
0x524: {  	v6 =	vld [tilespmem:$0x1F920];
	_ =	sdelay $0x3  }
0x525: {  	v5 =	vor.u32 v5, v2  }
0x526: {  	v6 =	vor.u32 v6, v3;
	_ =	sdelay $0x3  }
0x527: {  	[tilespmem:v5+s21+$0x0] =	vst.idx.msk $0xffff, v4;
	v5 =	vld [tilespmem:$0x1F930]  }
0x528: {  	v4 =	vld.idx.msk [tilespmem:v6+s25+$0x0], $0xffff  }
0x529: {  	v6 =	vld [tilespmem:$0x1F940];
	_ =	sdelay $0x3  }
0x52a: {  	v5 =	vor.u32 v5, v2  }
0x52b: {  	v6 =	vor.u32 v6, v3;
	_ =	sdelay $0x3  }
0x52c: {  	[tilespmem:v5+s21+$0x0] =	vst.idx.msk $0xffff, v4;
	v5 =	vld [tilespmem:$0x1F950]  }
0x52d: {  	v4 =	vld.idx.msk [tilespmem:v6+s25+$0x0], $0xffff  }
0x52e: {  	v6 =	vld [tilespmem:$0x1F960];
	_ =	sdelay $0x3  }
0x52f: {  	v5 =	vor.u32 v5, v2  }
0x530: {  	v6 =	vor.u32 v6, v3;
	_ =	sdelay $0x3  }
0x531: {  	[tilespmem:v5+s21+$0x0] =	vst.idx.msk $0xffff, v4;
	v5 =	vld [tilespmem:$0x1F970]  }
0x532: {  	v4 =	vld.idx.msk [tilespmem:v6+s25+$0x0], $0xffff  }
0x533: {  	v6 =	vld [tilespmem:$0x1F980];
	_ =	sdelay $0x3  }
0x534: {  	v5 =	vor.u32 v5, v2  }
0x535: {  	v6 =	vor.u32 v6, v3;
	_ =	sdelay $0x3  }
0x536: {  	[tilespmem:v5+s21+$0x0] =	vst.idx.msk $0xffff, v4;
	v5 =	vld [tilespmem:$0x1F990]  }
0x537: {  	v4 =	vld.idx.msk [tilespmem:v6+s25+$0x0], $0xffff  }
0x538: {  	v6 =	vld [tilespmem:$0x1F9A0];
	_ =	sdelay $0x3  }
0x539: {  	v5 =	vor.u32 v5, v2  }
0x53a: {  	v6 =	vor.u32 v6, v3;
	_ =	sdelay $0x3  }
0x53b: {  	[tilespmem:v5+s21+$0x0] =	vst.idx.msk $0xffff, v4;
	v5 =	vld [tilespmem:$0x1F9B0]  }
0x53c: {  	v4 =	vld.idx.msk [tilespmem:v6+s25+$0x0], $0xffff  }
0x53d: {  	v6 =	vld [tilespmem:$0x1F9C0];
	_ =	sdelay $0x3  }
0x53e: {  	v5 =	vor.u32 v5, v2  }
0x53f: {  	v6 =	vor.u32 v6, v3;
	_ =	sdelay $0x3  }
0x540: {  	[tilespmem:v5+s21+$0x0] =	vst.idx.msk $0xffff, v4;
	v5 =	vld [tilespmem:$0x1F9D0]  }
0x541: {  	v4 =	vld.idx.msk [tilespmem:v6+s25+$0x0], $0xffff  }
0x542: {  	v6 =	vld [tilespmem:$0x1F9E0];
	_ =	sdelay $0x3  }
0x543: {  	v5 =	vor.u32 v5, v2  }
0x544: {  	v6 =	vor.u32 v6, v3;
	_ =	sdelay $0x3  }
0x545: {  	[tilespmem:v5+s21+$0x0] =	vst.idx.msk $0xffff, v4;
	v5 =	vld [tilespmem:$0x1F9F0]  }
0x546: {  	v4 =	vld.idx.msk [tilespmem:v6+s25+$0x0], $0xffff  }
0x547: {  	v6 =	vld [tilespmem:$0x1FA00];
	_ =	sdelay $0x3  }
0x548: {  	v5 =	vor.u32 v5, v2  }
0x549: {  	v6 =	vor.u32 v6, v3;
	_ =	sdelay $0x3  }
0x54a: {  	[tilespmem:v5+s21+$0x0] =	vst.idx.msk $0xffff, v4;
	v5 =	vld [tilespmem:$0x1FA10]  }
0x54b: {  	v4 =	vld.idx.msk [tilespmem:v6+s25+$0x0], $0xffff  }
0x54c: {  	v6 =	vld [tilespmem:$0x1FA20];
	_ =	sdelay $0x3  }
0x54d: {  	v5 =	vor.u32 v5, v2  }
0x54e: {  	v6 =	vor.u32 v6, v3;
	_ =	sdelay $0x3  }
0x54f: {  	[tilespmem:v5+s21+$0x0] =	vst.idx.msk $0xffff, v4;
	v5 =	vld [tilespmem:$0x1FA30]  }
0x550: {  	v4 =	vld.idx.msk [tilespmem:v6+s25+$0x0], $0xffff  }
0x551: {  	v6 =	vld [tilespmem:$0x1FA40];
	_ =	sdelay $0x3  }
0x552: {  	v5 =	vor.u32 v5, v2  }
0x553: {  	v6 =	vor.u32 v6, v3;
	_ =	sdelay $0x3  }
0x554: {  	[tilespmem:v5+s21+$0x0] =	vst.idx.msk $0xffff, v4;
	v5 =	vld [tilespmem:$0x1FA50]  }
0x555: {  	v4 =	vld.idx.msk [tilespmem:v6+s25+$0x0], $0xffff  }
0x556: {  	v6 =	vld [tilespmem:$0x1FA60];
	_ =	sdelay $0x3  }
0x557: {  	v5 =	vor.u32 v5, v2  }
0x558: {  	v6 =	vor.u32 v6, v3;
	_ =	sdelay $0x3  }
0x559: {  	[tilespmem:v5+s21+$0x0] =	vst.idx.msk $0xffff, v4;
	v5 =	vld [tilespmem:$0x1FA70]  }
0x55a: {  	v4 =	vld.idx.msk [tilespmem:v6+s25+$0x0], $0xffff  }
0x55b: {  	v6 =	vld [tilespmem:$0x1FA80];
	_ =	sdelay $0x3  }
0x55c: {  	v5 =	vor.u32 v5, v2  }
0x55d: {  	v6 =	vor.u32 v6, v3;
	_ =	sdelay $0x3  }
0x55e: {  	[tilespmem:v5+s21+$0x0] =	vst.idx.msk $0xffff, v4;
	v5 =	vld [tilespmem:$0x1FA90]  }
0x55f: {  	v4 =	vld.idx.msk [tilespmem:v6+s25+$0x0], $0xffff  }
0x560: {  	v6 =	vld [tilespmem:$0x1FAA0];
	_ =	sdelay $0x3  }
0x561: {  	v5 =	vor.u32 v5, v2  }
0x562: {  	v6 =	vor.u32 v6, v3;
	_ =	sdelay $0x3  }
0x563: {  	[tilespmem:v5+s21+$0x0] =	vst.idx.msk $0xffff, v4;
	v5 =	vld [tilespmem:$0x1FAB0]  }
0x564: {  	v4 =	vld.idx.msk [tilespmem:v6+s25+$0x0], $0xffff  }
0x565: {  	v6 =	vld [tilespmem:$0x1FAC0];
	_ =	sdelay $0x3  }
0x566: {  	v5 =	vor.u32 v5, v2  }
0x567: {  	v6 =	vor.u32 v6, v3;
	_ =	sdelay $0x3  }
0x568: {  	[tilespmem:v5+s21+$0x0] =	vst.idx.msk $0xffff, v4;
	v5 =	vld [tilespmem:$0x1FAD0]  }
0x569: {  	v4 =	vld.idx.msk [tilespmem:v6+s25+$0x0], $0xffff  }
0x56a: {  	v6 =	vld [tilespmem:$0x1FAE0];
	_ =	sdelay $0x3  }
0x56b: {  	v5 =	vor.u32 v5, v2  }
0x56c: {  	v6 =	vor.u32 v6, v3;
	_ =	sdelay $0x3  }
0x56d: {  	[tilespmem:v5+s21+$0x0] =	vst.idx.msk $0xffff, v4;
	v5 =	vld [tilespmem:$0x1FAF0]  }
0x56e: {  	v4 =	vld.idx.msk [tilespmem:v6+s25+$0x0], $0xffff  }
0x56f: {  	v6 =	vld [tilespmem:$0x1FB00];
	_ =	sdelay $0x3  }
0x570: {  	v5 =	vor.u32 v5, v2  }
0x571: {  	v6 =	vor.u32 v6, v3;
	_ =	sdelay $0x3  }
0x572: {  	[tilespmem:v5+s21+$0x0] =	vst.idx.msk $0xffff, v4;
	v5 =	vld [tilespmem:$0x1FB10]  }
0x573: {  	v4 =	vld.idx.msk [tilespmem:v6+s25+$0x0], $0xffff  }
0x574: {  	v6 =	vld [tilespmem:$0x1FB20];
	_ =	sdelay $0x3  }
0x575: {  	v5 =	vor.u32 v5, v2  }
0x576: {  	v6 =	vor.u32 v6, v3;
	_ =	sdelay $0x3  }
0x577: {  	[tilespmem:v5+s21+$0x0] =	vst.idx.msk $0xffff, v4;
	v5 =	vld [tilespmem:$0x1FB30]  }
0x578: {  	v4 =	vld.idx.msk [tilespmem:v6+s25+$0x0], $0xffff  }
0x579: {  	v6 =	vld [tilespmem:$0x1FB40];
	_ =	sdelay $0x3  }
0x57a: {  	v5 =	vor.u32 v5, v2  }
0x57b: {  	v6 =	vor.u32 v6, v3;
	_ =	sdelay $0x3  }
0x57c: {  	[tilespmem:v5+s21+$0x0] =	vst.idx.msk $0xffff, v4;
	v5 =	vld [tilespmem:$0x1FB50]  }
0x57d: {  	v4 =	vld.idx.msk [tilespmem:v6+s25+$0x0], $0xffff  }
0x57e: {  	v6 =	vld [tilespmem:$0x1FB60];
	_ =	sdelay $0x3  }
0x57f: {  	v5 =	vor.u32 v5, v2  }
0x580: {  	v6 =	vor.u32 v6, v3;
	_ =	sdelay $0x3  }
0x581: {  	[tilespmem:v5+s21+$0x0] =	vst.idx.msk $0xffff, v4;
	v5 =	vld [tilespmem:$0x1FB70]  }
0x582: {  	v4 =	vld.idx.msk [tilespmem:v6+s25+$0x0], $0xffff  }
0x583: {  	v6 =	vld [tilespmem:$0x1FB80];
	_ =	sdelay $0x3  }
0x584: {  	v5 =	vor.u32 v5, v2  }
0x585: {  	v6 =	vor.u32 v6, v3;
	_ =	sdelay $0x3  }
0x586: {  	[tilespmem:v5+s21+$0x0] =	vst.idx.msk $0xffff, v4;
	v5 =	vld [tilespmem:$0x1FB90]  }
0x587: {  	v4 =	vld.idx.msk [tilespmem:v6+s25+$0x0], $0xffff  }
0x588: {  	v6 =	vld [tilespmem:$0x1FBA0];
	_ =	sdelay $0x3  }
0x589: {  	v5 =	vor.u32 v5, v2  }
0x58a: {  	v6 =	vor.u32 v6, v3;
	_ =	sdelay $0x3  }
0x58b: {  	[tilespmem:v5+s21+$0x0] =	vst.idx.msk $0xffff, v4;
	v5 =	vld [tilespmem:$0x1FBB0]  }
0x58c: {  	v4 =	vld.idx.msk [tilespmem:v6+s25+$0x0], $0xffff  }
0x58d: {  	v6 =	vld [tilespmem:$0x1FBC0];
	_ =	sdelay $0x3  }
0x58e: {  	v5 =	vor.u32 v5, v2  }
0x58f: {  	v6 =	vor.u32 v6, v3;
	_ =	sdelay $0x3  }
0x590: {  	[tilespmem:v5+s21+$0x0] =	vst.idx.msk $0xffff, v4;
	v5 =	vld [tilespmem:$0x1FBD0]  }
0x591: {  	v4 =	vld.idx.msk [tilespmem:v6+s25+$0x0], $0xffff  }
0x592: {  	v6 =	vld [tilespmem:$0x1FBE0];
	_ =	sdelay $0x3  }
0x593: {  	v5 =	vor.u32 v5, v2  }
0x594: {  	v6 =	vor.u32 v6, v3;
	_ =	sdelay $0x3  }
0x595: {  	[tilespmem:v5+s21+$0x0] =	vst.idx.msk $0xffff, v4;
	v5 =	vld [tilespmem:$0x1FBF0]  }
0x596: {  	v4 =	vld.idx.msk [tilespmem:v6+s25+$0x0], $0xffff  }
0x597: {  	v6 =	vld [tilespmem:$0x1FC00];
	_ =	sdelay $0x3  }
0x598: {  	v5 =	vor.u32 v5, v2  }
0x599: {  	p0 =	sne.s32 s0, $0xF;
	v3 =	vor.u32 v6, v3  }
.Ltmp6:
0x59a: {  	_ = 	snop;
	(pc) =	sbr.rel @p0 .LBB2_12-.Ltmp6, $3  }
0x59b: {  	_ =	sdelay $0x1  }
0x59c: {  	[tilespmem:v5+s21+$0x0] =	vst.idx.msk $0xffff, v4  }
0x59d: {  	v5 =	vadd.s32 s0, v8;
	s0 =	sadd.s32 $0x1, s0;
	v4 =	vld.idx.msk [tilespmem:v3+s25+$0x0], $0xffff  }
0x59e: {  	v3 =	vor.u32 v12, v2;
	v2 =	vand.u32 $0xF, v5  }
0x59f: {  	v6 =	vor.u32 v19, v2;
	_ =	sdelay $0x1  }
0x5a0: {  	v7 =	vshll.u32 v5, $0x9;
	v5 =	vshll.u32 v5, $0x7  }
0x5a1: {  	v7 =	vand.u32 $0x1000, v7;
	v5 =	vand.u32 $0x380, v5  }
0x5a2: {  	[tilespmem:v3+s21+$0x0] =	vst.idx.msk $0xffff, v4;
	v3 =	vor.u32 v5, v7  }
0x5a3: {  	v4 =	vld.idx.msk [tilespmem:v6+s25+$0x0], $0xffff;
	v5 =	vor.u32 v8, v3  }
0x5a4: {  	v6 =	vor.u32 v13, v2;
	_ =	sdelay $0x3  }
0x5a5: {  	[tilespmem:v5+s21+$0x0] =	vst.idx.msk $0xffff, v4  }
0x5a6: {  	v5 =	vor.u32 v24, v3;
	v4 =	vld.idx.msk [tilespmem:v6+s25+$0x0], $0xffff  }
0x5a7: {  	v6 =	vor.u32 v30, v2;
	_ =	sdelay $0x3  }
0x5a8: {  	[tilespmem:v5+s21+$0x0] =	vst.idx.msk $0xffff, v4  }
0x5a9: {  	v5 =	vor.u32 v58, v3;
	v4 =	vld.idx.msk [tilespmem:v6+s25+$0x0], $0xffff  }
0x5aa: {  	v6 =	vor.u32 v31, v2;
	_ =	sdelay $0x3  }
0x5ab: {  	[tilespmem:v5+s21+$0x0] =	vst.idx.msk $0xffff, v4  }
0x5ac: {  	v5 =	vor.u32 v23, v3;
	v4 =	vld.idx.msk [tilespmem:v6+s25+$0x0], $0xffff  }
0x5ad: {  	v6 =	vor.u32 v32, v2;
	_ =	sdelay $0x3  }
0x5ae: {  	[tilespmem:v5+s21+$0x0] =	vst.idx.msk $0xffff, v4  }
0x5af: {  	v5 =	vor.u32 v0, v3;
	v4 =	vld.idx.msk [tilespmem:v6+s25+$0x0], $0xffff  }
0x5b0: {  	v6 =	vor.u32 v33, v2;
	_ =	sdelay $0x3  }
0x5b1: {  	[tilespmem:v5+s21+$0x0] =	vst.idx.msk $0xffff, v4  }
0x5b2: {  	v5 =	vor.u32 v25, v3;
	v4 =	vld.idx.msk [tilespmem:v6+s25+$0x0], $0xffff  }
0x5b3: {  	v6 =	vor.u32 v34, v2;
	_ =	sdelay $0x3  }
0x5b4: {  	[tilespmem:v5+s21+$0x0] =	vst.idx.msk $0xffff, v4  }
0x5b5: {  	v5 =	vor.u32 v26, v3;
	v4 =	vld.idx.msk [tilespmem:v6+s25+$0x0], $0xffff  }
0x5b6: {  	v6 =	vor.u32 v14, v2;
	_ =	sdelay $0x3  }
0x5b7: {  	[tilespmem:v5+s21+$0x0] =	vst.idx.msk $0xffff, v4  }
0x5b8: {  	v5 =	vor.u32 v18, v3;
	v4 =	vld.idx.msk [tilespmem:v6+s25+$0x0], $0xffff  }
0x5b9: {  	v6 =	vor.u32 v36, v2;
	_ =	sdelay $0x3  }
0x5ba: {  	[tilespmem:v5+s21+$0x0] =	vst.idx.msk $0xffff, v4  }
0x5bb: {  	v5 =	vor.u32 v28, v3;
	v4 =	vld.idx.msk [tilespmem:v6+s25+$0x0], $0xffff  }
0x5bc: {  	v6 =	vor.u32 v37, v2;
	_ =	sdelay $0x3  }
0x5bd: {  	[tilespmem:v5+s21+$0x0] =	vst.idx.msk $0xffff, v4  }
0x5be: {  	v5 =	vor.u32 v29, v3;
	v4 =	vld.idx.msk [tilespmem:v6+s25+$0x0], $0xffff  }
0x5bf: {  	v6 =	vor.u32 v1, v2;
	_ =	sdelay $0x3  }
0x5c0: {  	[tilespmem:v5+s21+$0x0] =	vst.idx.msk $0xffff, v4  }
0x5c1: {  	v5 =	vor.u32 v60, v3;
	v4 =	vld.idx.msk [tilespmem:v6+s25+$0x0], $0xffff  }
0x5c2: {  	v6 =	vor.u32 v57, v2;
	_ =	sdelay $0x3  }
0x5c3: {  	[tilespmem:v5+s21+$0x0] =	vst.idx.msk $0xffff, v4  }
0x5c4: {  	v5 =	vor.u32 v56, v3;
	v4 =	vld.idx.msk [tilespmem:v6+s25+$0x0], $0xffff  }
0x5c5: {  	v6 =	vor.u32 v55, v2;
	_ =	sdelay $0x3  }
0x5c6: {  	[tilespmem:v5+s21+$0x0] =	vst.idx.msk $0xffff, v4  }
0x5c7: {  	v5 =	vor.u32 v54, v3;
	v4 =	vld.idx.msk [tilespmem:v6+s25+$0x0], $0xffff  }
0x5c8: {  	v6 =	vor.u32 v53, v2;
	_ =	sdelay $0x3  }
0x5c9: {  	[tilespmem:v5+s21+$0x0] =	vst.idx.msk $0xffff, v4  }
0x5ca: {  	v5 =	vor.u32 v52, v3;
	v4 =	vld.idx.msk [tilespmem:v6+s25+$0x0], $0xffff  }
0x5cb: {  	v6 =	vor.u32 v51, v2;
	_ =	sdelay $0x3  }
0x5cc: {  	[tilespmem:v5+s21+$0x0] =	vst.idx.msk $0xffff, v4  }
0x5cd: {  	v5 =	vor.u32 v50, v3;
	v4 =	vld.idx.msk [tilespmem:v6+s25+$0x0], $0xffff  }
0x5ce: {  	v6 =	vor.u32 v49, v2;
	_ =	sdelay $0x3  }
0x5cf: {  	[tilespmem:v5+s21+$0x0] =	vst.idx.msk $0xffff, v4  }
0x5d0: {  	v5 =	vor.u32 v48, v3;
	v4 =	vld.idx.msk [tilespmem:v6+s25+$0x0], $0xffff  }
0x5d1: {  	v6 =	vor.u32 v47, v2;
	_ =	sdelay $0x3  }
0x5d2: {  	[tilespmem:v5+s21+$0x0] =	vst.idx.msk $0xffff, v4  }
0x5d3: {  	v5 =	vor.u32 v46, v3;
	v4 =	vld.idx.msk [tilespmem:v6+s25+$0x0], $0xffff  }
0x5d4: {  	v6 =	vor.u32 v45, v2;
	_ =	sdelay $0x3  }
0x5d5: {  	[tilespmem:v5+s21+$0x0] =	vst.idx.msk $0xffff, v4  }
0x5d6: {  	v5 =	vor.u32 v44, v3;
	v4 =	vld.idx.msk [tilespmem:v6+s25+$0x0], $0xffff  }
0x5d7: {  	v6 =	vor.u32 v11, v2;
	_ =	sdelay $0x3  }
0x5d8: {  	[tilespmem:v5+s21+$0x0] =	vst.idx.msk $0xffff, v4  }
0x5d9: {  	v5 =	vor.u32 v61, v3;
	v4 =	vld.idx.msk [tilespmem:v6+s25+$0x0], $0xffff  }
0x5da: {  	v6 =	vor.u32 v63, v2;
	_ =	sdelay $0x3  }
0x5db: {  	[tilespmem:v5+s21+$0x0] =	vst.idx.msk $0xffff, v4  }
0x5dc: {  	v5 =	vor.u32 v62, v3;
	v4 =	vld.idx.msk [tilespmem:v6+s25+$0x0], $0xffff  }
0x5dd: {  	v6 =	vor.u32 v41, v2;
	_ =	sdelay $0x3  }
0x5de: {  	[tilespmem:v5+s21+$0x0] =	vst.idx.msk $0xffff, v4  }
0x5df: {  	v5 =	vor.u32 v43, v3;
	v4 =	vld.idx.msk [tilespmem:v6+s25+$0x0], $0xffff  }
0x5e0: {  	v6 =	vor.u32 v16, v2;
	_ =	sdelay $0x3  }
0x5e1: {  	[tilespmem:v5+s21+$0x0] =	vst.idx.msk $0xffff, v4  }
0x5e2: {  	v5 =	vor.u32 v38, v3;
	v4 =	vld.idx.msk [tilespmem:v6+s25+$0x0], $0xffff  }
0x5e3: {  	v6 =	vor.u32 v39, v2;
	_ =	sdelay $0x3  }
0x5e4: {  	[tilespmem:v5+s21+$0x0] =	vst.idx.msk $0xffff, v4  }
0x5e5: {  	v5 =	vor.u32 v40, v3;
	v4 =	vld.idx.msk [tilespmem:v6+s25+$0x0], $0xffff  }
0x5e6: {  	v6 =	vor.u32 v42, v2;
	_ =	sdelay $0x3  }
0x5e7: {  	[tilespmem:v5+s21+$0x0] =	vst.idx.msk $0xffff, v4  }
0x5e8: {  	v5 =	vor.u32 v15, v3;
	v4 =	vld.idx.msk [tilespmem:v6+s25+$0x0], $0xffff  }
0x5e9: {  	v6 =	vor.u32 v9, v2;
	_ =	sdelay $0x3  }
0x5ea: {  	[tilespmem:v5+s21+$0x0] =	vst.idx.msk $0xffff, v4  }
0x5eb: {  	v5 =	vor.u32 v35, v3;
	v4 =	vld.idx.msk [tilespmem:v6+s25+$0x0], $0xffff  }
0x5ec: {  	v6 =	vor.u32 v17, v2;
	_ =	sdelay $0x3  }
0x5ed: {  	[tilespmem:v5+s21+$0x0] =	vst.idx.msk $0xffff, v4  }
0x5ee: {  	v5 =	vor.u32 v22, v3;
	v4 =	vld.idx.msk [tilespmem:v6+s25+$0x0], $0xffff  }
0x5ef: {  	v6 =	vor.u32 v27, v2;
	_ =	sdelay $0x3  }
0x5f0: {  	[tilespmem:v5+s21+$0x0] =	vst.idx.msk $0xffff, v4  }
0x5f1: {  	v5 =	vor.u32 v10, v3;
	v4 =	vld.idx.msk [tilespmem:v6+s25+$0x0], $0xffff  }
0x5f2: {  	v6 =	vor.u32 v20, v2;
	_ =	sdelay $0x3  }
0x5f3: {  	[tilespmem:v5+s21+$0x0] =	vst.idx.msk $0xffff, v4  }
0x5f4: {  	v5 =	vor.u32 v21, v3;
	v4 =	vld.idx.msk [tilespmem:v6+s25+$0x0], $0xffff  }
0x5f5: {  	v38 =	vld [tilespmem:$0x1FE60];
	v6 =	vor.u32 v59, v2  }
0x5f6: {  	v39 =	vld [tilespmem:$0x1FE70];
	_ =	sdelay $0x2  }
0x5f7: {  	[tilespmem:v5+s21+$0x0] =	vst.idx.msk $0xffff, v4  }
0x5f8: {  	v5 =	vor.u32 v38, v3;
	v4 =	vld.idx.msk [tilespmem:v6+s25+$0x0], $0xffff  }
0x5f9: {  	v40 =	vld [tilespmem:$0x1FE80];
	v6 =	vor.u32 v39, v2  }
0x5fa: {  	v7 =	vld [tilespmem:$0x1FEB0];
	_ =	sdelay $0x2  }
0x5fb: {  	[tilespmem:v5+s21+$0x0] =	vst.idx.msk $0xffff, v4  }
0x5fc: {  	v5 =	vor.u32 v40, v3;
	v4 =	vld.idx.msk [tilespmem:v6+s25+$0x0], $0xffff  }
0x5fd: {  	v8 =	vld [tilespmem:$0x1FEC0];
	v6 =	vor.u32 v7, v2  }
0x5fe: {  	v19 =	vld [tilespmem:$0x1FED0];
	_ =	sdelay $0x2  }
0x5ff: {  	[tilespmem:v5+s21+$0x0] =	vst.idx.msk $0xffff, v4  }
0x600: {  	v5 =	vor.u32 v8, v3;
	v4 =	vld.idx.msk [tilespmem:v6+s25+$0x0], $0xffff  }
0x601: {  	v20 =	vld [tilespmem:$0x1FEE0];
	v6 =	vor.u32 v19, v2  }
0x602: {  	v41 =	vld [tilespmem:$0x1F820];
	_ =	sdelay $0x2  }
0x603: {  	[tilespmem:v5+s21+$0x0] =	vst.idx.msk $0xffff, v4  }
0x604: {  	v5 =	vor.u32 v20, v3;
	v4 =	vld.idx.msk [tilespmem:v6+s25+$0x0], $0xffff  }
0x605: {  	v42 =	vld [tilespmem:$0x1F830];
	v6 =	vor.u32 v41, v2  }
0x606: {  	v43 =	vld [tilespmem:$0x1F840];
	_ =	sdelay $0x2  }
0x607: {  	[tilespmem:v5+s21+$0x0] =	vst.idx.msk $0xffff, v4  }
0x608: {  	v5 =	vor.u32 v42, v3;
	v4 =	vld.idx.msk [tilespmem:v6+s25+$0x0], $0xffff  }
0x609: {  	v44 =	vld [tilespmem:$0x1F850];
	v6 =	vor.u32 v43, v2  }
0x60a: {  	v45 =	vld [tilespmem:$0x1F860];
	_ =	sdelay $0x2  }
0x60b: {  	[tilespmem:v5+s21+$0x0] =	vst.idx.msk $0xffff, v4  }
0x60c: {  	v5 =	vor.u32 v44, v3;
	v4 =	vld.idx.msk [tilespmem:v6+s25+$0x0], $0xffff  }
0x60d: {  	v46 =	vld [tilespmem:$0x1F870];
	v6 =	vor.u32 v45, v2  }
0x60e: {  	v47 =	vld [tilespmem:$0x1F880];
	_ =	sdelay $0x2  }
0x60f: {  	[tilespmem:v5+s21+$0x0] =	vst.idx.msk $0xffff, v4  }
0x610: {  	v5 =	vor.u32 v46, v3;
	v4 =	vld.idx.msk [tilespmem:v6+s25+$0x0], $0xffff  }
0x611: {  	v48 =	vld [tilespmem:$0x1F890];
	v6 =	vor.u32 v47, v2  }
0x612: {  	v49 =	vld [tilespmem:$0x1F8A0];
	_ =	sdelay $0x2  }
0x613: {  	[tilespmem:v5+s21+$0x0] =	vst.idx.msk $0xffff, v4  }
0x614: {  	v5 =	vor.u32 v48, v3;
	v4 =	vld.idx.msk [tilespmem:v6+s25+$0x0], $0xffff  }
0x615: {  	v50 =	vld [tilespmem:$0x1F8B0];
	v6 =	vor.u32 v49, v2  }
0x616: {  	v51 =	vld [tilespmem:$0x1F8C0];
	_ =	sdelay $0x2  }
0x617: {  	[tilespmem:v5+s21+$0x0] =	vst.idx.msk $0xffff, v4  }
0x618: {  	v5 =	vor.u32 v50, v3;
	v4 =	vld.idx.msk [tilespmem:v6+s25+$0x0], $0xffff  }
0x619: {  	v52 =	vld [tilespmem:$0x1F8D0];
	v6 =	vor.u32 v51, v2  }
0x61a: {  	v53 =	vld [tilespmem:$0x1F8E0];
	_ =	sdelay $0x2  }
0x61b: {  	[tilespmem:v5+s21+$0x0] =	vst.idx.msk $0xffff, v4  }
0x61c: {  	v4 =	vld.idx.msk [tilespmem:v6+s25+$0x0], $0xffff;
	v6 =	vor.u32 v52, v3  }
0x61d: {  	v54 =	vld [tilespmem:$0x1F8F0];
	v5 =	vor.u32 v53, v2  }
0x61e: {  	v55 =	vld [tilespmem:$0x1F900];
	_ =	sdelay $0x2  }
0x61f: {  	[tilespmem:v6+s21+$0x0] =	vst.idx.msk $0xffff, v4  }
0x620: {  	v4 =	vor.u32 v54, v3;
	v6 =	vld.idx.msk [tilespmem:v5+s25+$0x0], $0xffff  }
0x621: {  	v56 =	vld [tilespmem:$0x1F910];
	v5 =	vor.u32 v55, v2  }
0x622: {  	v57 =	vld [tilespmem:$0x1F920];
	_ =	sdelay $0x2  }
0x623: {  	[tilespmem:v4+s21+$0x0] =	vst.idx.msk $0xffff, v6  }
0x624: {  	v4 =	vor.u32 v56, v3;
	v6 =	vld.idx.msk [tilespmem:v5+s25+$0x0], $0xffff  }
0x625: {  	v59 =	vld [tilespmem:$0x1F930];
	v5 =	vor.u32 v57, v2  }
0x626: {  	v60 =	vld [tilespmem:$0x1F940];
	_ =	sdelay $0x2  }
0x627: {  	[tilespmem:v4+s21+$0x0] =	vst.idx.msk $0xffff, v6  }
0x628: {  	v4 =	vor.u32 v59, v3;
	v6 =	vld.idx.msk [tilespmem:v5+s25+$0x0], $0xffff  }
0x629: {  	v61 =	vld [tilespmem:$0x1F950];
	v5 =	vor.u32 v60, v2  }
0x62a: {  	v62 =	vld [tilespmem:$0x1F960];
	_ =	sdelay $0x2  }
0x62b: {  	[tilespmem:v4+s21+$0x0] =	vst.idx.msk $0xffff, v6  }
0x62c: {  	v4 =	vor.u32 v61, v3;
	v6 =	vld.idx.msk [tilespmem:v5+s25+$0x0], $0xffff  }
0x62d: {  	v63 =	vld [tilespmem:$0x1F970];
	v5 =	vor.u32 v62, v2  }
0x62e: {  	v35 =	vld [tilespmem:$0x1F980];
	_ =	sdelay $0x2  }
0x62f: {  	[tilespmem:v4+s21+$0x0] =	vst.idx.msk $0xffff, v6  }
0x630: {  	v4 =	vor.u32 v63, v3;
	v6 =	vld.idx.msk [tilespmem:v5+s25+$0x0], $0xffff  }
0x631: {  	v38 =	vld [tilespmem:$0x1F990];
	v5 =	vor.u32 v35, v2  }
0x632: {  	v39 =	vld [tilespmem:$0x1F9A0];
	_ =	sdelay $0x2  }
0x633: {  	[tilespmem:v4+s21+$0x0] =	vst.idx.msk $0xffff, v6  }
0x634: {  	v4 =	vor.u32 v38, v3;
	v5 =	vld.idx.msk [tilespmem:v5+s25+$0x0], $0xffff  }
0x635: {  	v40 =	vor.u32 v39, v2;
	v41 =	vld [tilespmem:$0x1F9B0]  }
0x636: {  	v43 =	vld [tilespmem:$0x1F9C0];
	_ =	sdelay $0x2  }
0x637: {  	[tilespmem:v4+s21+$0x0] =	vst.idx.msk $0xffff, v5  }
0x638: {  	v42 =	vor.u32 v41, v3;
	v5 =	vld.idx.msk [tilespmem:v40+s25+$0x0], $0xffff  }
0x639: {  	v4 =	vor.u32 v43, v2;
	_ =	sdelay $0x3  }
0x63a: {  	v44 =	vld [tilespmem:$0x1F9D0];
	[tilespmem:v42+s21+$0x0] =	vst.idx.msk $0xffff, v5  }
0x63b: {  	v13 =	vmov v0;
	v0 =	vld.idx.msk [tilespmem:v4+s25+$0x0], $0xffff  }
0x63c: {  	v4 =	vld [tilespmem:$0x1F9E0];
	_ =	sdelay $0x3  }
0x63d: {  	v1 =	vor.u32 v44, v3  }
0x63e: {  	v4 =	vor.u32 v4, v2;
	_ =	sdelay $0x3  }
0x63f: {  	v45 =	vld [tilespmem:$0x1F9F0];
	[tilespmem:v1+s21+$0x0] =	vst.idx.msk $0xffff, v0  }
0x640: {  	v0 =	vld.idx.msk [tilespmem:v4+s25+$0x0], $0xffff  }
0x641: {  	v4 =	vld [tilespmem:$0x1FA00];
	_ =	sdelay $0x3  }
0x642: {  	v1 =	vor.u32 v45, v3  }
0x643: {  	v4 =	vor.u32 v4, v2;
	_ =	sdelay $0x3  }
0x644: {  	v46 =	vld [tilespmem:$0x1FA10];
	[tilespmem:v1+s21+$0x0] =	vst.idx.msk $0xffff, v0  }
0x645: {  	v0 =	vld.idx.msk [tilespmem:v4+s25+$0x0], $0xffff  }
0x646: {  	v4 =	vld [tilespmem:$0x1FA20];
	_ =	sdelay $0x3  }
0x647: {  	v1 =	vor.u32 v46, v3  }
0x648: {  	v4 =	vor.u32 v4, v2;
	_ =	sdelay $0x3  }
0x649: {  	v47 =	vld [tilespmem:$0x1FA30];
	[tilespmem:v1+s21+$0x0] =	vst.idx.msk $0xffff, v0  }
0x64a: {  	v0 =	vld.idx.msk [tilespmem:v4+s25+$0x0], $0xffff  }
0x64b: {  	v4 =	vld [tilespmem:$0x1FA40];
	_ =	sdelay $0x3  }
0x64c: {  	v1 =	vor.u32 v47, v3  }
0x64d: {  	v4 =	vor.u32 v4, v2;
	_ =	sdelay $0x3  }
0x64e: {  	v48 =	vld [tilespmem:$0x1FA50];
	[tilespmem:v1+s21+$0x0] =	vst.idx.msk $0xffff, v0  }
0x64f: {  	v0 =	vld.idx.msk [tilespmem:v4+s25+$0x0], $0xffff  }
0x650: {  	v4 =	vld [tilespmem:$0x1FA60];
	_ =	sdelay $0x3  }
0x651: {  	v1 =	vor.u32 v48, v3  }
0x652: {  	v4 =	vor.u32 v4, v2;
	_ =	sdelay $0x3  }
0x653: {  	v49 =	vld [tilespmem:$0x1FA70];
	[tilespmem:v1+s21+$0x0] =	vst.idx.msk $0xffff, v0  }
0x654: {  	v0 =	vld.idx.msk [tilespmem:v4+s25+$0x0], $0xffff  }
0x655: {  	v4 =	vld [tilespmem:$0x1FA80];
	_ =	sdelay $0x3  }
0x656: {  	v1 =	vor.u32 v49, v3  }
0x657: {  	v4 =	vor.u32 v4, v2;
	_ =	sdelay $0x3  }
0x658: {  	v50 =	vld [tilespmem:$0x1FA90];
	[tilespmem:v1+s21+$0x0] =	vst.idx.msk $0xffff, v0  }
0x659: {  	v0 =	vld.idx.msk [tilespmem:v4+s25+$0x0], $0xffff  }
0x65a: {  	v4 =	vld [tilespmem:$0x1FAA0];
	_ =	sdelay $0x3  }
0x65b: {  	v1 =	vor.u32 v50, v3  }
0x65c: {  	v4 =	vor.u32 v4, v2;
	_ =	sdelay $0x3  }
0x65d: {  	v51 =	vld [tilespmem:$0x1FAB0];
	[tilespmem:v1+s21+$0x0] =	vst.idx.msk $0xffff, v0  }
0x65e: {  	v0 =	vld.idx.msk [tilespmem:v4+s25+$0x0], $0xffff  }
0x65f: {  	v4 =	vld [tilespmem:$0x1FAC0];
	_ =	sdelay $0x3  }
0x660: {  	v1 =	vor.u32 v51, v3  }
0x661: {  	v4 =	vor.u32 v4, v2;
	_ =	sdelay $0x3  }
0x662: {  	v52 =	vld [tilespmem:$0x1FAD0];
	[tilespmem:v1+s21+$0x0] =	vst.idx.msk $0xffff, v0  }
0x663: {  	v0 =	vld.idx.msk [tilespmem:v4+s25+$0x0], $0xffff  }
0x664: {  	v4 =	vld [tilespmem:$0x1FAE0];
	_ =	sdelay $0x3  }
0x665: {  	v1 =	vor.u32 v52, v3  }
0x666: {  	v4 =	vor.u32 v4, v2;
	_ =	sdelay $0x3  }
0x667: {  	v53 =	vld [tilespmem:$0x1FAF0];
	[tilespmem:v1+s21+$0x0] =	vst.idx.msk $0xffff, v0  }
0x668: {  	v0 =	vld.idx.msk [tilespmem:v4+s25+$0x0], $0xffff  }
0x669: {  	v4 =	vld [tilespmem:$0x1FB00];
	_ =	sdelay $0x3  }
0x66a: {  	v1 =	vor.u32 v53, v3  }
0x66b: {  	v4 =	vor.u32 v4, v2;
	_ =	sdelay $0x3  }
0x66c: {  	v54 =	vld [tilespmem:$0x1FB10];
	[tilespmem:v1+s21+$0x0] =	vst.idx.msk $0xffff, v0  }
0x66d: {  	v0 =	vld.idx.msk [tilespmem:v4+s25+$0x0], $0xffff  }
0x66e: {  	v4 =	vld [tilespmem:$0x1FB20];
	_ =	sdelay $0x3  }
0x66f: {  	v1 =	vor.u32 v54, v3  }
0x670: {  	v4 =	vor.u32 v4, v2;
	_ =	sdelay $0x3  }
0x671: {  	v55 =	vld [tilespmem:$0x1FB30];
	[tilespmem:v1+s21+$0x0] =	vst.idx.msk $0xffff, v0  }
0x672: {  	v0 =	vld.idx.msk [tilespmem:v4+s25+$0x0], $0xffff  }
0x673: {  	v4 =	vld [tilespmem:$0x1FB40];
	_ =	sdelay $0x3  }
0x674: {  	v1 =	vor.u32 v55, v3  }
0x675: {  	v4 =	vor.u32 v4, v2;
	_ =	sdelay $0x3  }
0x676: {  	v56 =	vld [tilespmem:$0x1FB50];
	[tilespmem:v1+s21+$0x0] =	vst.idx.msk $0xffff, v0  }
0x677: {  	v0 =	vld.idx.msk [tilespmem:v4+s25+$0x0], $0xffff  }
0x678: {  	v4 =	vld [tilespmem:$0x1FB60];
	_ =	sdelay $0x3  }
0x679: {  	v1 =	vor.u32 v56, v3  }
0x67a: {  	v4 =	vor.u32 v4, v2;
	_ =	sdelay $0x3  }
0x67b: {  	v57 =	vld [tilespmem:$0x1FB70];
	[tilespmem:v1+s21+$0x0] =	vst.idx.msk $0xffff, v0  }
0x67c: {  	v0 =	vld.idx.msk [tilespmem:v4+s25+$0x0], $0xffff  }
0x67d: {  	v4 =	vld [tilespmem:$0x1FB80];
	_ =	sdelay $0x3  }
0x67e: {  	v1 =	vor.u32 v57, v3  }
0x67f: {  	v4 =	vor.u32 v4, v2;
	_ =	sdelay $0x3  }
0x680: {  	v59 =	vld [tilespmem:$0x1FB90];
	[tilespmem:v1+s21+$0x0] =	vst.idx.msk $0xffff, v0  }
0x681: {  	v0 =	vld.idx.msk [tilespmem:v4+s25+$0x0], $0xffff  }
0x682: {  	v4 =	vld [tilespmem:$0x1FBA0];
	_ =	sdelay $0x3  }
0x683: {  	v1 =	vor.u32 v59, v3  }
0x684: {  	v4 =	vor.u32 v4, v2;
	_ =	sdelay $0x3  }
0x685: {  	v60 =	vld [tilespmem:$0x1FBB0];
	[tilespmem:v1+s21+$0x0] =	vst.idx.msk $0xffff, v0  }
0x686: {  	v0 =	vld.idx.msk [tilespmem:v4+s25+$0x0], $0xffff  }
0x687: {  	v4 =	vld [tilespmem:$0x1FBC0];
	_ =	sdelay $0x3  }
0x688: {  	v1 =	vor.u32 v60, v3  }
0x689: {  	v4 =	vor.u32 v4, v2;
	_ =	sdelay $0x3  }
0x68a: {  	v61 =	vld [tilespmem:$0x1FBD0];
	[tilespmem:v1+s21+$0x0] =	vst.idx.msk $0xffff, v0  }
0x68b: {  	v0 =	vld.idx.msk [tilespmem:v4+s25+$0x0], $0xffff  }
0x68c: {  	v4 =	vld [tilespmem:$0x1FBE0];
	_ =	sdelay $0x3  }
0x68d: {  	v1 =	vor.u32 v61, v3  }
0x68e: {  	v4 =	vor.u32 v4, v2;
	_ =	sdelay $0x3  }
0x68f: {  	v62 =	vld [tilespmem:$0x1FBF0];
	[tilespmem:v1+s21+$0x0] =	vst.idx.msk $0xffff, v0  }
0x690: {  	v0 =	vld.idx.msk [tilespmem:v4+s25+$0x0], $0xffff  }
0x691: {  	v4 =	vld [tilespmem:$0x1FC00];
	_ =	sdelay $0x3  }
0x692: {  	v1 =	vor.u32 v62, v3  }
0x693: {  	v2 =	vor.u32 v4, v2;
	_ =	sdelay $0x3  }
0x694: {  	[tilespmem:v1+s21+$0x0] =	vst.idx.msk $0xffff, v0  }
0x695: {  	v63 =	vor.u32 v12, v3;
	v1 =	vld.idx.msk [tilespmem:v2+s25+$0x0], $0xffff;
	_ =	sdelay $0x1  }
0x696: {  	s0 =	sadd.s32 s7, s30  }
0x697: {  	s14 =	sshll.u32 s0, $0x9;
	s0 =	sshll.u32 s0, $0x7  }
0x698: {  	s14 =	sand.u32 $0xFFF0000, s14;
	s0 =	sand.u32 $0x3E00, s0  }
0x699: {  	s0 =	sor.u32 s0, s14;
	[tilespmem:v63+s21+$0x0] =	vst.idx.msk $0xffff, v1  }
0x69a: {  	s29 =	sadd.s32 $0x1, s29;
	s14 =	sadd.s32 s1, s0;
	[bflag:$0x0] =	sbarrier.arrive $0xFFFF  }
0x69b: {  	[hbm4b:s14+s3] =	stream.linear.scatter [tilespmem:s21], [sflag:$0x6], $0x1000, $0x38;
	[tilespmem:$0x10400] =	vst v63  }
0x69c: {  	p0 =	sne.s32 s29, $0x64;
	s30 =	sadd.s32 s0, s10  }
0x69d: {  	[hbm4b:s30+s3] =	stream.linear.scatter [tilespmem:s22], [sflag:$0x6], $0x1000, $0x38;
	[tilespmem:$0x10400] =	vst v63  }
.Ltmp7:
0x69e: {  	_ = 	snop;
	(pc) =	sbr.rel @p0 .LBB2_2-.Ltmp7, $4  }
0x69f: {  	s31 =	sadd.s32 s0, s11  }
0x6a0: {  	v24 =	vmov v28;
	v16 =	vmov v23;
	v4 =	vld [tilespmem:$0x1FEA0];
	[hbm4b:s31+s3] =	stream.linear.scatter [tilespmem:s13], [sflag:$0x6], $0x1000, $0x38  }
0x6a1: {  	s0 =	sadd.s32 s0, s12;
	v23 =	vmovc v36;
	v15 =	vmovc v31;
	v9 =	vmov v33;
	v17 =	vmov v25;
	v25 =	vmov v37;
	v10 =	vld [tilespmem:$0x1FF00]  }
0x6a2: {  	v22 =	vmovc v26;
	v21 =	vmovc v34;
	v12 =	vmov v58;
	v6 =	vlaneseq.u32;
	v5 =	vmov v32;
	v11 =	vld [tilespmem:$0x1FF10];
	[hbm4b:s0+s3] =	stream.linear.scatter [tilespmem:s26], [sflag:$0x6], $0x1000, $0x38  }
0x6a3: {  	_ =	swait.ge [sflag:s28], $0x4000  }
0x6a4: {  	[sflag:s28] =	ssyncset.done $0x0  }
0x6a5: {  	[sflag:s28] =	ssyncadd.s32 $0xFFFFC000  }
0x6a6: {  	_ =	swait.ge [sflag:s20], $0x4000  }
0x6a7: {  	s14 =	rddreg [dreg:$0x7]  }
0x6a8: {  	s0 =	rddreg [dreg:$0x6];
	s14 =	sadd.s32 $0x1, s14  }
0x6a9: {  	p0 =	sne.s32 s14, s0  }
.Ltmp8:
0x6aa: {  	_ = 	snop;
	(pc) =	sbr.rel @p0 .LBB2_1-.Ltmp8, $3  }
0x6ab: {  	_ =	sdelay $0x1  }
0x6ac: {  	[sflag:s20] =	ssyncset.done $0x0  }
0x6ad: {  	[sflag:s20] =	ssyncadd.s32 $0xFFFFC000  }
0x6ae: {  	_ =	sfence.sel $0x180000  }
0x6af: {  	[bflag:$0x0] =	sbarrier.arrive $0xFFFF  }
0x6b0: {  	_ =	strace $0x90000047  }
0x6b1: {  	s0 =	stileid.u32;
	[bflag:$0x2] =	sbarrier.arrive $0xFFFF  }
0x6b2: {  	p0 =	sne.s32 s0, $0x0;
	s0 =	rddreg [dreg:$0x2]  }
0x6b3: {  	s0 =	sadd.s32 @!p0 $0x100000, s0  }
0x6b4: {  	[sflag:s0] =	ssyncadd.tile.s32 @!p0 $0x1;
	_ =	shalt  }
.Lfunc_end2:
_tile_overlayer_lowered:
.L_overlay_start_2:
0x6b5: {  	(tag) =	ssettag $0x2  }
0x6b6: {  	s0 =	rddreg [dreg:$0x0];
	s2 =	stileid.u32  }
0x6b7: {  	s1 =	rddreg [dreg:$0x1];
	p0 =	sne.s32 s2, $0x0  }
0x6b8: {  	s3 =	rddreg [dreg:$0x2];
	[bflag:$0x3] =	sbarrier.arrive $0xFFFF;
	s2 =	simm.s32 @!p0 $0x1C07  }
0x6b9: {  	[timem:s3], [sflag:s2] =	dma.local @!p0 [hbm:s0], s1  }
0x6ba: {  	s0 =	simm.s32 @!p0 $0x7  }
0x6bb: {  	_ =	swait.ge @!p0 [sflag:s0], s1  }
0x6bc: {  	s1 =	ssub.s32 @!p0 $0x0, s1;
	[sflag:s0] =	ssyncset.done @!p0 $0x0  }
0x6bd: {  	[sflag:s0] =	ssyncadd.s32 @!p0 s1  }
0x6be: {  	[bflag:$0x3] =	sbarrier.arrive $0xFFFF  }
0x6bf: {  	_ =	shalt  }

</sc_bundles>
